<compile_context>
chip_gen: v7x
topology: tpu7x:2x2x1
jax: 0.10.2.dev20260603
libtpu: 0.0.44.dev20260713+nightly
codegen_flags: <defaults>
</compile_context>

<pallas_src>
import functools

import jax
import jax.numpy as jnp
from jax import lax
from jax.experimental import pallas as pl
from jax.experimental.pallas import tpu as pltpu
from jax.experimental.pallas import tpu_sc as plsc

_IGNORE = 255
_C = 19
_B = 8
_H = 512
_W = 512
_N = _B * _H * _W
_K = max(int(0.7 * _N), 100000)


_RB = 256
_NRB = _H // _RB
_ROWS = _B * _H


def _ce_body(x_ref, t_ref, out_ref):
    t = t_ref[0]
    x0 = x_ref[0, 0]
    s = jnp.exp(x0)
    sel = jnp.where(t == 0, x0, 0.0)
    for c in range(1, _C):
        xc = x_ref[0, c]
        s = s + jnp.exp(xc)
        sel = jnp.where(t == c, xc, sel)
    loss = jnp.log(s) - sel
    loss = jnp.where(t == _IGNORE, 0.0, loss)
    out_ref[...] = jnp.maximum(loss, 0.0)


def _pixel_losses(x, t):
    return pl.pallas_call(
        _ce_body,
        grid=(_B, _NRB),
        in_specs=[
            pl.BlockSpec((1, _C, _RB, _W), lambda b, i: (b, 0, i, 0)),
            pl.BlockSpec((1, _RB, _W), lambda b, i: (b, i, 0)),
        ],
        out_specs=pl.BlockSpec((_RB, _W), lambda b, i: (b * _NRB + i, 0)),
        out_shape=jax.ShapeDtypeStruct((_ROWS, _W), jnp.float32),
    )(x, t)



_NT = 16
_TROWS = _ROWS // _NT
_CROWS = 32
_NCH = _TROWS // _CROWS
_VPR = _W // 16
_NB1 = 2048
_NB2 = 1024
_SL1 = _NB1 // _NT
_SL2 = _NB2 // _NT


def _zero_hist_i(ref, nbins):
    z = jnp.zeros((16,), jnp.int32)

    def zb(i, carry):
        for t in range(8):
            ref[pl.ds((i * 8 + t) * 16, 16)] = z
        return carry
    lax.fori_loop(0, nbins // 128, zb, 0)


def _zero_hist_f(ref, nbins):
    z = jnp.zeros((16,), jnp.float32)

    def zb(i, carry):
        for t in range(8):
            ref[pl.ds((i * 8 + t) * 16, 16)] = z
        return carry
    lax.fori_loop(0, nbins // 128, zb, 0)


def _data_pass(loss_hbm, wid, buf0, buf1, sem0, sem1, row_fn):
    base = wid * _TROWS
    bufs = (buf0, buf1)
    sems = (sem0, sem1)
    handles = [None, None]
    handles[0] = pltpu.async_copy(
        loss_hbm.at[pl.ds(base, _CROWS), :], buf0, sem0)
    for c in range(_NCH):
        cur = c % 2
        if c + 1 < _NCH:
            handles[1 - cur] = pltpu.async_copy(
                loss_hbm.at[pl.ds(base + (c + 1) * _CROWS, _CROWS), :],
                bufs[1 - cur], sems[1 - cur])
        handles[cur].wait()
        buf = bufs[cur]

        def body(j, carry, buf=buf):
            row_fn(buf, j)
            return carry
        lax.fori_loop(0, _CROWS, body, 0)


def _merge_i(wid, hist, rbuf, stage, sh, mg, mc, slc):
    nbins = slc * _NT
    pltpu.sync_copy(hist.at[pl.ds(0, nbins)], sh.at[wid, pl.ds(0, nbins)])
    plsc.subcore_barrier()
    nv = slc // 16
    z = jnp.zeros((16,), jnp.int32)
    for i in range(nv):
        stage[pl.ds(i * 16, 16)] = z

    def row(r, carry):
        pltpu.sync_copy(sh.at[r, pl.ds(wid * slc, slc)], rbuf.at[pl.ds(0, slc)])
        for i in range(nv):
            stage[pl.ds(i * 16, 16)] = (
                stage[pl.ds(i * 16, 16)] + rbuf[pl.ds(i * 16, 16)])
        return carry
    lax.fori_loop(0, _NT, row, 0)
    pltpu.sync_copy(stage.at[pl.ds(0, slc)], mg.at[pl.ds(wid * slc, slc)])
    plsc.subcore_barrier()
    pltpu.sync_copy(mg.at[pl.ds(0, nbins)], mc.at[pl.ds(0, nbins)])


def _merge_f(wid, hist, rbuf, stage, sh, mg, mc, slc):
    nbins = slc * _NT
    pltpu.sync_copy(hist.at[pl.ds(0, nbins)], sh.at[wid, pl.ds(0, nbins)])
    plsc.subcore_barrier()
    nv = slc // 16
    z = jnp.zeros((16,), jnp.float32)
    for i in range(nv):
        stage[pl.ds(i * 16, 16)] = z

    def row(r, carry):
        pltpu.sync_copy(sh.at[r, pl.ds(wid * slc, slc)], rbuf.at[pl.ds(0, slc)])
        for i in range(nv):
            stage[pl.ds(i * 16, 16)] = (
                stage[pl.ds(i * 16, 16)] + rbuf[pl.ds(i * 16, 16)])
        return carry
    lax.fori_loop(0, _NT, row, 0)
    pltpu.sync_copy(stage.at[pl.ds(0, slc)], mg.at[pl.ds(wid * slc, slc)])
    plsc.subcore_barrier()
    pltpu.sync_copy(mg.at[pl.ds(0, nbins)], mc.at[pl.ds(0, nbins)])


def _suffix_scan_i(mc, nbins, k_rem):
    nv = nbins // 16
    lane = lax.broadcasted_iota(jnp.int32, (16,), 0)

    def sbody(i, car):
        (r_c, found, b_star, a_excl, n_bin) = car
        idx = nv - 1 - i
        v = mc[pl.ds(idx * 16, 16)]
        sfx = lax.rev(jnp.cumsum(lax.rev(v, (0,))), (0,)) + r_c
        cond = sfx >= k_rem
        npos = jnp.sum(cond.astype(jnp.int32))
        this_found = npos > 0
        j0 = npos - 1
        sel = lane == j0
        v_j0 = jnp.sum(jnp.where(sel, v, 0))
        t_j0 = jnp.sum(jnp.where(sel, sfx, 0))
        upd = jnp.logical_and(this_found, jnp.logical_not(found))
        b_star = jnp.where(upd, idx * 16 + j0, b_star)
        a_excl = jnp.where(upd, t_j0 - v_j0, a_excl)
        n_bin = jnp.where(upd, v_j0, n_bin)
        found = jnp.logical_or(found, this_found)
        r_c = r_c + jnp.sum(v)
        return (r_c, found, b_star, a_excl, n_bin)

    init = (jnp.int32(0), jnp.bool_(False), jnp.int32(0), jnp.int32(0),
            jnp.int32(0))
    out = lax.fori_loop(0, nv, sbody, init)
    return out[2], out[3], out[4]


def _suffix_sum_f(ms, nbins, b_star):
    nv = nbins // 16
    lane = lax.broadcasted_iota(jnp.int32, (16,), 0)

    def sbody(i, car):
        (tot, s_at) = car
        base_bin = i * 16
        vs = ms[pl.ds(i * 16, 16)]
        bin_ids = lane + base_bin
        tot = tot + jnp.sum(jnp.where(bin_ids > b_star, vs, 0.0))
        s_at = s_at + jnp.sum(jnp.where(bin_ids == b_star, vs, 0.0))
        return (tot, s_at)

    out = lax.fori_loop(0, nv, sbody, (jnp.float32(0.0), jnp.float32(0.0)))
    return out[0], out[1]


def _sel_body(loss_hbm, out_hbm, buf0, buf1, hist_c, hist_s,
              rbuf_c, rbuf_f, stage_c, stage_f, mc, ms, res,
              sem0, sem1, sh_c, sh_f, mg_c, mg_f):
    wid = lax.axis_index("s")
    ones = jnp.ones((16,), jnp.int32)

    _zero_hist_i(hist_c, _NB1)
    _zero_hist_f(hist_s, _NB1)

    def l1_row(buf, j):
        def vbody(v):
            f = buf[j, pl.ds(v * 16, 16)]
            u = jnp.maximum(lax.bitcast_convert_type(f, jnp.int32), 0)
            b1v = lax.shift_right_logical(u, 20)
            plsc.addupdate_scatter(hist_c, [b1v], ones)
            plsc.addupdate_scatter(hist_s, [b1v], f)
        plsc.parallel_loop(0, _VPR, unroll=8)(vbody)

    _data_pass(loss_hbm, wid, buf0, buf1, sem0, sem1, l1_row)
    _merge_i(wid, hist_c, rbuf_c, stage_c, sh_c, mg_c, mc, _SL1)
    _merge_f(wid, hist_s, rbuf_f, stage_f, sh_f, mg_f, ms, _SL1)
    b1, a1, _ = _suffix_scan_i(mc, _NB1, jnp.int32(_K))
    s1, _ = _suffix_sum_f(ms, _NB1, b1)

    plsc.subcore_barrier()
    _zero_hist_i(hist_c, _NB2)
    _zero_hist_f(hist_s, _NB2)

    def l2_row(buf, j):
        def vbody(v):
            f = buf[j, pl.ds(v * 16, 16)]
            u = jnp.maximum(lax.bitcast_convert_type(f, jnp.int32), 0)
            match = lax.shift_right_logical(u, 20) == b1
            b2v = jnp.bitwise_and(lax.shift_right_logical(u, 10), _NB2 - 1)
            plsc.addupdate_scatter(hist_c, [b2v], ones, mask=match)
            plsc.addupdate_scatter(hist_s, [b2v], f, mask=match)
        plsc.parallel_loop(0, _VPR, unroll=8)(vbody)

    _data_pass(loss_hbm, wid, buf0, buf1, sem0, sem1, l2_row)
    _merge_i(wid, hist_c, rbuf_c, stage_c, sh_c, mg_c, mc, _SL2)
    _merge_f(wid, hist_s, rbuf_f, stage_f, sh_f, mg_f, ms, _SL2)

    k2 = jnp.int32(_K) - a1
    b2, a2, n_bin = _suffix_scan_i(mc, _NB2, k2)
    s2, s_bin = _suffix_sum_f(ms, _NB2, b2)

    k_sel = jnp.full((16,), (k2 - a2).astype(jnp.float32))
    v_sbin = jnp.full((16,), s_bin)
    v_nbin = jnp.maximum(jnp.full((16,), n_bin.astype(jnp.float32)), 1.0)
    v_s12 = jnp.full((16,), s1 + s2)
    mean_vec = (v_s12 + k_sel * (v_sbin / v_nbin)) * jnp.float32(1.0 / _K)

    @pl.when(wid == 0)
    def _():
        res[...] = mean_vec
        pltpu.sync_copy(res, out_hbm)


def _topk_mean(losses2d):
    mesh = plsc.VectorSubcoreMesh(
        core_axis_name="c", subcore_axis_name="s", num_cores=1,
        num_subcores=_NT)
    f = pl.kernel(
        _sel_body,
        out_type=jax.ShapeDtypeStruct((16,), jnp.float32),
        mesh=mesh,
        compiler_params=pltpu.CompilerParams(needs_layout_passes=False),
        scratch_types=[
            pltpu.VMEM((_CROWS, _W), jnp.float32),
            pltpu.VMEM((_CROWS, _W), jnp.float32),
            pltpu.VMEM((_NB1,), jnp.int32),
            pltpu.VMEM((_NB1,), jnp.float32),
            pltpu.VMEM((_SL1,), jnp.int32),
            pltpu.VMEM((_SL1,), jnp.float32),
            pltpu.VMEM((_SL1,), jnp.int32),
            pltpu.VMEM((_SL1,), jnp.float32),
            pltpu.VMEM((_NB1,), jnp.int32),
            pltpu.VMEM((_NB1,), jnp.float32),
            pltpu.VMEM((16,), jnp.float32),
            pltpu.SemaphoreType.DMA,
            pltpu.SemaphoreType.DMA,
            pltpu.VMEM_SHARED((_NT, _NB1), jnp.int32),
            pltpu.VMEM_SHARED((_NT, _NB1), jnp.float32),
            pltpu.VMEM_SHARED((_NB1,), jnp.int32),
            pltpu.VMEM_SHARED((_NB1,), jnp.float32),
        ],
    )
    return f(losses2d)


def kernel(input, target):
    if target.ndim == 4:
        target = target[:, 0]
    target = target.astype(jnp.int32)
    losses = _pixel_losses(input, target)
    out = _topk_mean(losses)
    return out[0]

# --- scband reference (transcript-rebuilt; emitter-appended) ---
"""Pipeline reference for scband-ohemcross-entropy2-d-40261023433177 (READ-ONLY COPY).

The authoritative reference and input builder live on the scoring server;
editing this copy changes nothing except your own understanding.
"""

import jax, jax.numpy as jnp
import numpy as np

TOPK = 0.7
IGNORE_INDEX = 255
N_MIN = 100000


def setup_inputs(seed: int = 0) -> dict:
    key = jax.random.key(seed)
    k1, k2 = jax.random.split(key)
    x = jax.random.normal(k1, (8, 19, 512, 512), dtype=jnp.float32)
    target = jax.random.randint(k2, (8, 512, 512), 0, 19, dtype=jnp.int64)
    return {"input": x, "target": target}


def reference(input, target):
    # target may come in as [B,1,H,W]; squeeze channel dim like the torch module
    if target.ndim == 4:
        target = target[:, 0]
    # per-pixel cross entropy with ignore_index -> 0 loss
    logp = jax.nn.log_softmax(input, axis=1)
    tgt_safe = jnp.where(target == IGNORE_INDEX, 0, target)
    ll = jnp.take_along_axis(logp, tgt_safe[:, None, :, :], axis=1)[:, 0]
    pixel_losses = -ll
    pixel_losses = jnp.where(target == IGNORE_INDEX, 0.0, pixel_losses)
    flat = pixel_losses.reshape(-1)
    topk_num = max(int(TOPK * flat.size), N_MIN)
    top_vals, _ = jax.lax.top_k(flat, topk_num)
    return jnp.mean(top_vals)

if __name__ == "__main__":
    import jax
    _d = setup_inputs()
    print(jax.jit(kernel)(*tuple(_d.values())))

</pallas_src>

<mosaic_0001>
#map = affine_map<(d0, d1) -> (0, 0)>
#map1 = affine_map<(d0, d1) -> (0)>
module attributes {stable_mosaic.version = 14 : i64} {
  func.func @_sel_body(%arg0: i32, %arg1: i32, %arg2: memref<4096x512xf32, #tpu.memory_space<hbm>>, %arg3: memref<16xf32, #tpu.memory_space<hbm>>, %arg4: memref<32x512xf32, #tpu.memory_space<vmem>>, %arg5: memref<32x512xf32, #tpu.memory_space<vmem>>, %arg6: memref<2048xi32, #tpu.memory_space<vmem>>, %arg7: memref<2048xf32, #tpu.memory_space<vmem>>, %arg8: memref<128xi32, #tpu.memory_space<vmem>>, %arg9: memref<128xf32, #tpu.memory_space<vmem>>, %arg10: memref<128xi32, #tpu.memory_space<vmem>>, %arg11: memref<128xf32, #tpu.memory_space<vmem>>, %arg12: memref<2048xi32, #tpu.memory_space<vmem>>, %arg13: memref<2048xf32, #tpu.memory_space<vmem>>, %arg14: memref<16xf32, #tpu.memory_space<vmem>>, %arg15: memref<!tpu.dma_semaphore, #tpu.memory_space<semaphore_mem>>, %arg16: memref<!tpu.dma_semaphore, #tpu.memory_space<semaphore_mem>>, %arg17: memref<16x2048xi32, #tpu.memory_space<vmem_shared>>, %arg18: memref<16x2048xf32, #tpu.memory_space<vmem_shared>>, %arg19: memref<2048xi32, #tpu.memory_space<vmem_shared>>, %arg20: memref<2048xf32, #tpu.memory_space<vmem_shared>>) attributes {dimension_semantics = [#tpu.dimension_semantics<core_parallel>, #tpu.dimension_semantics<subcore_parallel>], iteration_bounds = array<i64: 1, 16>, scalar_prefetch = 0 : i64, scratch_operands = 17 : i64, tpu.core_type = #tpu.core_type<sc_vector_subcore>, window_params = [{transform_indices = #map}, {transform_indices = #map1}]} {
    %broadcast_in_dim3A = arith.constant 1 : i32
    %broadcast_in_dim3A_0 = vector.broadcast %broadcast_in_dim3A : i32 to vector<16xi32>
    %broadcast_in_dim3A_1 = arith.constant 0 : i32
    %broadcast_in_dim3A_2 = vector.broadcast %broadcast_in_dim3A_1 : i32 to vector<16xi32>
    %scan3A = arith.constant 0 : i32
    %scan3A_3 = arith.constant 0 : i32
    %scan3A_4 = arith.constant 16 : i32
    %scan3A_5 = arith.addi %scan3A_3, %scan3A_4 : i32
    %scan3A_6 = arith.constant 1 : i32
    scf.for %scan3A_439 = %scan3A_3 to %scan3A_5 step %scan3A_6  : i32 {
      %mul3A_440 = arith.constant 8 : i32
      %mul3A_441 = arith.muli %scan3A_439, %mul3A_440 : i32
      %add3A_442 = arith.constant 0 : i32
      %add3A_443 = arith.addi %mul3A_441, %add3A_442 : i32
      %mul3A_444 = arith.constant 16 : i32
      %mul3A_445 = arith.muli %add3A_443, %mul3A_444 : i32
      %swap3A_446 = arith.index_cast %mul3A_445 : i32 to index
      %swap3A_447 = tpu.vector_load %arg6[%swap3A_446] {strides = array<i32>} : memref<2048xi32, #tpu.memory_space<vmem>>, vector<16xi32>,
      tpu.vector_store %arg6[%swap3A_446], %broadcast_in_dim3A_2 {strides = array<i32>} : memref<2048xi32, #tpu.memory_space<vmem>>, vector<16xi32>,
      %mul3A_448 = arith.constant 8 : i32
      %mul3A_449 = arith.muli %scan3A_439, %mul3A_448 : i32
      %add3A_450 = arith.constant 1 : i32
      %add3A_451 = arith.addi %mul3A_449, %add3A_450 : i32
      %mul3A_452 = arith.constant 16 : i32
      %mul3A_453 = arith.muli %add3A_451, %mul3A_452 : i32
      %swap3A_454 = arith.index_cast %mul3A_453 : i32 to index
      %swap3A_455 = tpu.vector_load %arg6[%swap3A_454] {strides = array<i32>} : memref<2048xi32, #tpu.memory_space<vmem>>, vector<16xi32>,
      tpu.vector_store %arg6[%swap3A_454], %broadcast_in_dim3A_2 {strides = array<i32>} : memref<2048xi32, #tpu.memory_space<vmem>>, vector<16xi32>,
      %mul3A_456 = arith.constant 8 : i32
      %mul3A_457 = arith.muli %scan3A_439, %mul3A_456 : i32
      %add3A_458 = arith.constant 2 : i32
      %add3A_459 = arith.addi %mul3A_457, %add3A_458 : i32
      %mul3A_460 = arith.constant 16 : i32
      %mul3A_461 = arith.muli %add3A_459, %mul3A_460 : i32
      %swap3A_462 = arith.index_cast %mul3A_461 : i32 to index
      %swap3A_463 = tpu.vector_load %arg6[%swap3A_462] {strides = array<i32>} : memref<2048xi32, #tpu.memory_space<vmem>>, vector<16xi32>,
      tpu.vector_store %arg6[%swap3A_462], %broadcast_in_dim3A_2 {strides = array<i32>} : memref<2048xi32, #tpu.memory_space<vmem>>, vector<16xi32>,
      %mul3A_464 = arith.constant 8 : i32
      %mul3A_465 = arith.muli %scan3A_439, %mul3A_464 : i32
      %add3A_466 = arith.constant 3 : i32
      %add3A_467 = arith.addi %mul3A_465, %add3A_466 : i32
      %mul3A_468 = arith.constant 16 : i32
      %mul3A_469 = arith.muli %add3A_467, %mul3A_468 : i32
      %swap3A_470 = arith.index_cast %mul3A_469 : i32 to index
      %swap3A_471 = tpu.vector_load %arg6[%swap3A_470] {strides = array<i32>} : memref<2048xi32, #tpu.memory_space<vmem>>, vector<16xi32>,
      tpu.vector_store %arg6[%swap3A_470], %broadcast_in_dim3A_2 {strides = array<i32>} : memref<2048xi32, #tpu.memory_space<vmem>>, vector<16xi32>,
      %mul3A_472 = arith.constant 8 : i32
      %mul3A_473 = arith.muli %scan3A_439, %mul3A_472 : i32
      %add3A_474 = arith.constant 4 : i32
      %add3A_475 = arith.addi %mul3A_473, %add3A_474 : i32
      %mul3A_476 = arith.constant 16 : i32
      %mul3A_477 = arith.muli %add3A_475, %mul3A_476 : i32
      %swap3A_478 = arith.index_cast %mul3A_477 : i32 to index
      %swap3A_479 = tpu.vector_load %arg6[%swap3A_478] {strides = array<i32>} : memref<2048xi32, #tpu.memory_space<vmem>>, vector<16xi32>,
      tpu.vector_store %arg6[%swap3A_478], %broadcast_in_dim3A_2 {strides = array<i32>} : memref<2048xi32, #tpu.memory_space<vmem>>, vector<16xi32>,
      %mul3A_480 = arith.constant 8 : i32
      %mul3A_481 = arith.muli %scan3A_439, %mul3A_480 : i32
      %add3A_482 = arith.constant 5 : i32
      %add3A_483 = arith.addi %mul3A_481, %add3A_482 : i32
      %mul3A_484 = arith.constant 16 : i32
      %mul3A_485 = arith.muli %add3A_483, %mul3A_484 : i32
      %swap3A_486 = arith.index_cast %mul3A_485 : i32 to index
      %swap3A_487 = tpu.vector_load %arg6[%swap3A_486] {strides = array<i32>} : memref<2048xi32, #tpu.memory_space<vmem>>, vector<16xi32>,
      tpu.vector_store %arg6[%swap3A_486], %broadcast_in_dim3A_2 {strides = array<i32>} : memref<2048xi32, #tpu.memory_space<vmem>>, vector<16xi32>,
      %mul3A_488 = arith.constant 8 : i32
      %mul3A_489 = arith.muli %scan3A_439, %mul3A_488 : i32
      %add3A_490 = arith.constant 6 : i32
      %add3A_491 = arith.addi %mul3A_489, %add3A_490 : i32
      %mul3A_492 = arith.constant 16 : i32
      %mul3A_493 = arith.muli %add3A_491, %mul3A_492 : i32
      %swap3A_494 = arith.index_cast %mul3A_493 : i32 to index
      %swap3A_495 = tpu.vector_load %arg6[%swap3A_494] {strides = array<i32>} : memref<2048xi32, #tpu.memory_space<vmem>>, vector<16xi32>,
      tpu.vector_store %arg6[%swap3A_494], %broadcast_in_dim3A_2 {strides = array<i32>} : memref<2048xi32, #tpu.memory_space<vmem>>, vector<16xi32>,
      %mul3A_496 = arith.constant 8 : i32
      %mul3A_497 = arith.muli %scan3A_439, %mul3A_496 : i32
      %add3A_498 = arith.constant 7 : i32
      %add3A_499 = arith.addi %mul3A_497, %add3A_498 : i32
      %mul3A_500 = arith.constant 16 : i32
      %mul3A_501 = arith.muli %add3A_499, %mul3A_500 : i32
      %swap3A_502 = arith.index_cast %mul3A_501 : i32 to index
      %swap3A_503 = tpu.vector_load %arg6[%swap3A_502] {strides = array<i32>} : memref<2048xi32, #tpu.memory_space<vmem>>, vector<16xi32>,
      tpu.vector_store %arg6[%swap3A_502], %broadcast_in_dim3A_2 {strides = array<i32>} : memref<2048xi32, #tpu.memory_space<vmem>>, vector<16xi32>,
    }
    %scan3A_7 = arith.constant 16 : i32
    %broadcast_in_dim3A_8 = arith.constant 0.000000e+00 : f32
    %broadcast_in_dim3A_9 = vector.broadcast %broadcast_in_dim3A_8 : f32 to vector<16xf32>
    %scan3A_10 = arith.constant 0 : i32
    %scan3A_11 = arith.constant 0 : i32
    %scan3A_12 = arith.constant 16 : i32
    %scan3A_13 = arith.addi %scan3A_11, %scan3A_12 : i32
    %scan3A_14 = arith.constant 1 : i32
    scf.for %scan3A_439 = %scan3A_11 to %scan3A_13 step %scan3A_14  : i32 {
      %mul3A_440 = arith.constant 8 : i32
      %mul3A_441 = arith.muli %scan3A_439, %mul3A_440 : i32
      %add3A_442 = arith.constant 0 : i32
      %add3A_443 = arith.addi %mul3A_441, %add3A_442 : i32
      %mul3A_444 = arith.constant 16 : i32
      %mul3A_445 = arith.muli %add3A_443, %mul3A_444 : i32
      %swap3A_446 = arith.index_cast %mul3A_445 : i32 to index
      %swap3A_447 = tpu.vector_load %arg7[%swap3A_446] {strides = array<i32>} : memref<2048xf32, #tpu.memory_space<vmem>>, vector<16xf32>,
      tpu.vector_store %arg7[%swap3A_446], %broadcast_in_dim3A_9 {strides = array<i32>} : memref<2048xf32, #tpu.memory_space<vmem>>, vector<16xf32>,
      %mul3A_448 = arith.constant 8 : i32
      %mul3A_449 = arith.muli %scan3A_439, %mul3A_448 : i32
      %add3A_450 = arith.constant 1 : i32
      %add3A_451 = arith.addi %mul3A_449, %add3A_450 : i32
      %mul3A_452 = arith.constant 16 : i32
      %mul3A_453 = arith.muli %add3A_451, %mul3A_452 : i32
      %swap3A_454 = arith.index_cast %mul3A_453 : i32 to index
      %swap3A_455 = tpu.vector_load %arg7[%swap3A_454] {strides = array<i32>} : memref<2048xf32, #tpu.memory_space<vmem>>, vector<16xf32>,
      tpu.vector_store %arg7[%swap3A_454], %broadcast_in_dim3A_9 {strides = array<i32>} : memref<2048xf32, #tpu.memory_space<vmem>>, vector<16xf32>,
      %mul3A_456 = arith.constant 8 : i32
      %mul3A_457 = arith.muli %scan3A_439, %mul3A_456 : i32
      %add3A_458 = arith.constant 2 : i32
      %add3A_459 = arith.addi %mul3A_457, %add3A_458 : i32
      %mul3A_460 = arith.constant 16 : i32
      %mul3A_461 = arith.muli %add3A_459, %mul3A_460 : i32
      %swap3A_462 = arith.index_cast %mul3A_461 : i32 to index
      %swap3A_463 = tpu.vector_load %arg7[%swap3A_462] {strides = array<i32>} : memref<2048xf32, #tpu.memory_space<vmem>>, vector<16xf32>,
      tpu.vector_store %arg7[%swap3A_462], %broadcast_in_dim3A_9 {strides = array<i32>} : memref<2048xf32, #tpu.memory_space<vmem>>, vector<16xf32>,
      %mul3A_464 = arith.constant 8 : i32
      %mul3A_465 = arith.muli %scan3A_439, %mul3A_464 : i32
      %add3A_466 = arith.constant 3 : i32
      %add3A_467 = arith.addi %mul3A_465, %add3A_466 : i32
      %mul3A_468 = arith.constant 16 : i32
      %mul3A_469 = arith.muli %add3A_467, %mul3A_468 : i32
      %swap3A_470 = arith.index_cast %mul3A_469 : i32 to index
      %swap3A_471 = tpu.vector_load %arg7[%swap3A_470] {strides = array<i32>} : memref<2048xf32, #tpu.memory_space<vmem>>, vector<16xf32>,
      tpu.vector_store %arg7[%swap3A_470], %broadcast_in_dim3A_9 {strides = array<i32>} : memref<2048xf32, #tpu.memory_space<vmem>>, vector<16xf32>,
      %mul3A_472 = arith.constant 8 : i32
      %mul3A_473 = arith.muli %scan3A_439, %mul3A_472 : i32
      %add3A_474 = arith.constant 4 : i32
      %add3A_475 = arith.addi %mul3A_473, %add3A_474 : i32
      %mul3A_476 = arith.constant 16 : i32
      %mul3A_477 = arith.muli %add3A_475, %mul3A_476 : i32
      %swap3A_478 = arith.index_cast %mul3A_477 : i32 to index
      %swap3A_479 = tpu.vector_load %arg7[%swap3A_478] {strides = array<i32>} : memref<2048xf32, #tpu.memory_space<vmem>>, vector<16xf32>,
      tpu.vector_store %arg7[%swap3A_478], %broadcast_in_dim3A_9 {strides = array<i32>} : memref<2048xf32, #tpu.memory_space<vmem>>, vector<16xf32>,
      %mul3A_480 = arith.constant 8 : i32
      %mul3A_481 = arith.muli %scan3A_439, %mul3A_480 : i32
      %add3A_482 = arith.constant 5 : i32
      %add3A_483 = arith.addi %mul3A_481, %add3A_482 : i32
      %mul3A_484 = arith.constant 16 : i32
      %mul3A_485 = arith.muli %add3A_483, %mul3A_484 : i32
      %swap3A_486 = arith.index_cast %mul3A_485 : i32 to index
      %swap3A_487 = tpu.vector_load %arg7[%swap3A_486] {strides = array<i32>} : memref<2048xf32, #tpu.memory_space<vmem>>, vector<16xf32>,
      tpu.vector_store %arg7[%swap3A_486], %broadcast_in_dim3A_9 {strides = array<i32>} : memref<2048xf32, #tpu.memory_space<vmem>>, vector<16xf32>,
      %mul3A_488 = arith.constant 8 : i32
      %mul3A_489 = arith.muli %scan3A_439, %mul3A_488 : i32
      %add3A_490 = arith.constant 6 : i32
      %add3A_491 = arith.addi %mul3A_489, %add3A_490 : i32
      %mul3A_492 = arith.constant 16 : i32
      %mul3A_493 = arith.muli %add3A_491, %mul3A_492 : i32
      %swap3A_494 = arith.index_cast %mul3A_493 : i32 to index
      %swap3A_495 = tpu.vector_load %arg7[%swap3A_494] {strides = array<i32>} : memref<2048xf32, #tpu.memory_space<vmem>>, vector<16xf32>,
      tpu.vector_store %arg7[%swap3A_494], %broadcast_in_dim3A_9 {strides = array<i32>} : memref<2048xf32, #tpu.memory_space<vmem>>, vector<16xf32>,
      %mul3A_496 = arith.constant 8 : i32
      %mul3A_497 = arith.muli %scan3A_439, %mul3A_496 : i32
      %add3A_498 = arith.constant 7 : i32
      %add3A_499 = arith.addi %mul3A_497, %add3A_498 : i32
      %mul3A_500 = arith.constant 16 : i32
      %mul3A_501 = arith.muli %add3A_499, %mul3A_500 : i32
      %swap3A_502 = arith.index_cast %mul3A_501 : i32 to index
      %swap3A_503 = tpu.vector_load %arg7[%swap3A_502] {strides = array<i32>} : memref<2048xf32, #tpu.memory_space<vmem>>, vector<16xf32>,
      tpu.vector_store %arg7[%swap3A_502], %broadcast_in_dim3A_9 {strides = array<i32>} : memref<2048xf32, #tpu.memory_space<vmem>>, vector<16xf32>,
    }
    %scan3A_15 = arith.constant 16 : i32
    %mul3A = arith.constant 256 : i32
    %mul3A_16 = arith.muli %arg1, %mul3A : i32
    %dma_start3A = arith.constant 0 : i32
    %dma_start3A_17 = tpu.memref_slice %arg2[%mul3A_16, %dma_start3A] : memref<4096x512xf32, #tpu.memory_space<hbm>> -> memref<32x512xf32, #tpu.memory_space<hbm>>
    %dma_start3A_18 = arith.constant 0 : i32
    %dma_start3A_19 = tpu.memref_slice %arg2[%mul3A_16, %dma_start3A_18] : memref<4096x512xf32, #tpu.memory_space<hbm>> -> memref<32x512xf32, #tpu.memory_space<hbm>>
    tpu.enqueue_dma source(%dma_start3A_19 : memref<32x512xf32, #tpu.memory_space<hbm>>) target(%arg4 : memref<32x512xf32, #tpu.memory_space<vmem>>) target_semaphore(%arg15 : memref<!tpu.dma_semaphore, #tpu.memory_space<semaphore_mem>>)
    %add3A = arith.constant 32 : i32
    %add3A_20 = arith.addi %mul3A_16, %add3A : i32
    %dma_start3A_21 = arith.constant 0 : i32
    %dma_start3A_22 = tpu.memref_slice %arg2[%add3A_20, %dma_start3A_21] : memref<4096x512xf32, #tpu.memory_space<hbm>> -> memref<32x512xf32, #tpu.memory_space<hbm>>
    %dma_start3A_23 = arith.constant 0 : i32
    %dma_start3A_24 = tpu.memref_slice %arg2[%add3A_20, %dma_start3A_23] : memref<4096x512xf32, #tpu.memory_space<hbm>> -> memref<32x512xf32, #tpu.memory_space<hbm>>
    tpu.enqueue_dma source(%dma_start3A_24 : memref<32x512xf32, #tpu.memory_space<hbm>>) target(%arg5 : memref<32x512xf32, #tpu.memory_space<vmem>>) target_semaphore(%arg16 : memref<!tpu.dma_semaphore, #tpu.memory_space<semaphore_mem>>)
    %dma_wait3A = arith.constant 0 : i32
    %dma_wait3A_25 = tpu.memref_slice %arg2[%mul3A_16, %dma_wait3A] : memref<4096x512xf32, #tpu.memory_space<hbm>> -> memref<32x512xf32, #tpu.memory_space<hbm>>
    %dma_wait3A_26 = arith.constant 0 : i32
    %dma_wait3A_27 = tpu.memref_slice %arg2[%mul3A_16, %dma_wait3A_26] : memref<4096x512xf32, #tpu.memory_space<hbm>> -> memref<32x512xf32, #tpu.memory_space<hbm>>
    tpu.wait_dma2 semaphore(%arg15 : memref<!tpu.dma_semaphore, #tpu.memory_space<semaphore_mem>>) src(%dma_wait3A_27 : memref<32x512xf32, #tpu.memory_space<hbm>>) dst(%arg4 : memref<32x512xf32, #tpu.memory_space<vmem>>)
    %scan3A_28 = arith.constant 0 : i32
    %scan3A_29 = arith.constant 0 : i32
    %scan3A_30 = arith.constant 32 : i32
    %scan3A_31 = arith.addi %scan3A_29, %scan3A_30 : i32
    %scan3A_32 = arith.constant 1 : i32
    scf.for %scan3A_439 = %scan3A_29 to %scan3A_31 step %scan3A_32  : i32 {
      %parallel_loop3A = arith.constant 0 : i32
      %parallel_loop3A_440 = arith.constant 32 : i32
      %parallel_loop3A_441 = arith.constant 1 : i32
      scf.for %parallel_loop3A_442 = %parallel_loop3A to %parallel_loop3A_440 step %parallel_loop3A_441  : i32 {
        %parallel_loop3A_443 = arith.constant 16 : i32
        %parallel_loop3A_444 = arith.muli %parallel_loop3A_442, %parallel_loop3A_443 : i32
        %parallel_loop3A_445 = arith.index_cast %scan3A_439 : i32 to index
        %parallel_loop3A_446 = arith.index_cast %parallel_loop3A_444 : i32 to index
        %parallel_loop3A_447 = tpu.vector_load %arg4[%parallel_loop3A_445, %parallel_loop3A_446] {strides = array<i32>} : memref<32x512xf32, #tpu.memory_space<vmem>>, vector<16xf32>,
        %parallel_loop3A_448 = tpu.bitcast %parallel_loop3A_447 : vector<16xf32> -> vector<16xi32>
        %parallel_loop3A_449 = arith.constant 0 : i32
        %parallel_loop3A_450 = vector.broadcast %parallel_loop3A_449 : i32 to vector<16xi32>
        %parallel_loop3A_451 = arith.maxsi %parallel_loop3A_448, %parallel_loop3A_450 : vector<16xi32>
        %parallel_loop3A_452 = arith.constant 20 : i32
        %parallel_loop3A_453 = vector.broadcast %parallel_loop3A_452 : i32 to vector<16xi32>
        %parallel_loop3A_454 = arith.shrui %parallel_loop3A_451, %parallel_loop3A_453 : vector<16xi32>
        tpu.vector_store_idx %arg6[%parallel_loop3A_454], %broadcast_in_dim3A_0 {add = true} : memref<2048xi32, #tpu.memory_space<vmem>>[vector<16xi32>], vector<16xi32>,
        tpu.vector_store_idx %arg7[%parallel_loop3A_454], %parallel_loop3A_447 {add = true} : memref<2048xf32, #tpu.memory_space<vmem>>[vector<16xi32>], vector<16xf32>,
      } {sc.loop_unroll_factor = 8 : i64, sc.parallel_access}
    }
    %scan3A_33 = arith.constant 32 : i32
    %add3A_34 = arith.constant 64 : i32
    %add3A_35 = arith.addi %mul3A_16, %add3A_34 : i32
    %dma_start3A_36 = arith.constant 0 : i32
    %dma_start3A_37 = tpu.memref_slice %arg2[%add3A_35, %dma_start3A_36] : memref<4096x512xf32, #tpu.memory_space<hbm>> -> memref<32x512xf32, #tpu.memory_space<hbm>>
    %dma_start3A_38 = arith.constant 0 : i32
    %dma_start3A_39 = tpu.memref_slice %arg2[%add3A_35, %dma_start3A_38] : memref<4096x512xf32, #tpu.memory_space<hbm>> -> memref<32x512xf32, #tpu.memory_space<hbm>>
    tpu.enqueue_dma source(%dma_start3A_39 : memref<32x512xf32, #tpu.memory_space<hbm>>) target(%arg4 : memref<32x512xf32, #tpu.memory_space<vmem>>) target_semaphore(%arg15 : memref<!tpu.dma_semaphore, #tpu.memory_space<semaphore_mem>>)
    %dma_wait3A_40 = arith.constant 0 : i32
    %dma_wait3A_41 = tpu.memref_slice %arg2[%add3A_20, %dma_wait3A_40] : memref<4096x512xf32, #tpu.memory_space<hbm>> -> memref<32x512xf32, #tpu.memory_space<hbm>>
    %dma_wait3A_42 = arith.constant 0 : i32
    %dma_wait3A_43 = tpu.memref_slice %arg2[%add3A_20, %dma_wait3A_42] : memref<4096x512xf32, #tpu.memory_space<hbm>> -> memref<32x512xf32, #tpu.memory_space<hbm>>
    tpu.wait_dma2 semaphore(%arg16 : memref<!tpu.dma_semaphore, #tpu.memory_space<semaphore_mem>>) src(%dma_wait3A_43 : memref<32x512xf32, #tpu.memory_space<hbm>>) dst(%arg5 : memref<32x512xf32, #tpu.memory_space<vmem>>)
    %scan3A_44 = arith.constant 0 : i32
    %scan3A_45 = arith.constant 0 : i32
    %scan3A_46 = arith.constant 32 : i32
    %scan3A_47 = arith.addi %scan3A_45, %scan3A_46 : i32
    %scan3A_48 = arith.constant 1 : i32
    scf.for %scan3A_439 = %scan3A_45 to %scan3A_47 step %scan3A_48  : i32 {
      %parallel_loop3A = arith.constant 0 : i32
      %parallel_loop3A_440 = arith.constant 32 : i32
      %parallel_loop3A_441 = arith.constant 1 : i32
      scf.for %parallel_loop3A_442 = %parallel_loop3A to %parallel_loop3A_440 step %parallel_loop3A_441  : i32 {
        %parallel_loop3A_443 = arith.constant 16 : i32
        %parallel_loop3A_444 = arith.muli %parallel_loop3A_442, %parallel_loop3A_443 : i32
        %parallel_loop3A_445 = arith.index_cast %scan3A_439 : i32 to index
        %parallel_loop3A_446 = arith.index_cast %parallel_loop3A_444 : i32 to index
        %parallel_loop3A_447 = tpu.vector_load %arg5[%parallel_loop3A_445, %parallel_loop3A_446] {strides = array<i32>} : memref<32x512xf32, #tpu.memory_space<vmem>>, vector<16xf32>,
        %parallel_loop3A_448 = tpu.bitcast %parallel_loop3A_447 : vector<16xf32> -> vector<16xi32>
        %parallel_loop3A_449 = arith.constant 0 : i32
        %parallel_loop3A_450 = vector.broadcast %parallel_loop3A_449 : i32 to vector<16xi32>
        %parallel_loop3A_451 = arith.maxsi %parallel_loop3A_448, %parallel_loop3A_450 : vector<16xi32>
        %parallel_loop3A_452 = arith.constant 20 : i32
        %parallel_loop3A_453 = vector.broadcast %parallel_loop3A_452 : i32 to vector<16xi32>
        %parallel_loop3A_454 = arith.shrui %parallel_loop3A_451, %parallel_loop3A_453 : vector<16xi32>
        tpu.vector_store_idx %arg6[%parallel_loop3A_454], %broadcast_in_dim3A_0 {add = true} : memref<2048xi32, #tpu.memory_space<vmem>>[vector<16xi32>], vector<16xi32>,
        tpu.vector_store_idx %arg7[%parallel_loop3A_454], %parallel_loop3A_447 {add = true} : memref<2048xf32, #tpu.memory_space<vmem>>[vector<16xi32>], vector<16xf32>,
      } {sc.loop_unroll_factor = 8 : i64, sc.parallel_access}
    }
    %scan3A_49 = arith.constant 32 : i32
    %add3A_50 = arith.constant 96 : i32
    %add3A_51 = arith.addi %mul3A_16, %add3A_50 : i32
    %dma_start3A_52 = arith.constant 0 : i32
    %dma_start3A_53 = tpu.memref_slice %arg2[%add3A_51, %dma_start3A_52] : memref<4096x512xf32, #tpu.memory_space<hbm>> -> memref<32x512xf32, #tpu.memory_space<hbm>>
    %dma_start3A_54 = arith.constant 0 : i32
    %dma_start3A_55 = tpu.memref_slice %arg2[%add3A_51, %dma_start3A_54] : memref<4096x512xf32, #tpu.memory_space<hbm>> -> memref<32x512xf32, #tpu.memory_space<hbm>>
    tpu.enqueue_dma source(%dma_start3A_55 : memref<32x512xf32, #tpu.memory_space<hbm>>) target(%arg5 : memref<32x512xf32, #tpu.memory_space<vmem>>) target_semaphore(%arg16 : memref<!tpu.dma_semaphore, #tpu.memory_space<semaphore_mem>>)
    %dma_wait3A_56 = arith.constant 0 : i32
    %dma_wait3A_57 = tpu.memref_slice %arg2[%add3A_35, %dma_wait3A_56] : memref<4096x512xf32, #tpu.memory_space<hbm>> -> memref<32x512xf32, #tpu.memory_space<hbm>>
    %dma_wait3A_58 = arith.constant 0 : i32
    %dma_wait3A_59 = tpu.memref_slice %arg2[%add3A_35, %dma_wait3A_58] : memref<4096x512xf32, #tpu.memory_space<hbm>> -> memref<32x512xf32, #tpu.memory_space<hbm>>
    tpu.wait_dma2 semaphore(%arg15 : memref<!tpu.dma_semaphore, #tpu.memory_space<semaphore_mem>>) src(%dma_wait3A_59 : memref<32x512xf32, #tpu.memory_space<hbm>>) dst(%arg4 : memref<32x512xf32, #tpu.memory_space<vmem>>)
    %scan3A_60 = arith.constant 0 : i32
    %scan3A_61 = arith.constant 0 : i32
    %scan3A_62 = arith.constant 32 : i32
    %scan3A_63 = arith.addi %scan3A_61, %scan3A_62 : i32
    %scan3A_64 = arith.constant 1 : i32
    scf.for %scan3A_439 = %scan3A_61 to %scan3A_63 step %scan3A_64  : i32 {
      %parallel_loop3A = arith.constant 0 : i32
      %parallel_loop3A_440 = arith.constant 32 : i32
      %parallel_loop3A_441 = arith.constant 1 : i32
      scf.for %parallel_loop3A_442 = %parallel_loop3A to %parallel_loop3A_440 step %parallel_loop3A_441  : i32 {
        %parallel_loop3A_443 = arith.constant 16 : i32
        %parallel_loop3A_444 = arith.muli %parallel_loop3A_442, %parallel_loop3A_443 : i32
        %parallel_loop3A_445 = arith.index_cast %scan3A_439 : i32 to index
        %parallel_loop3A_446 = arith.index_cast %parallel_loop3A_444 : i32 to index
        %parallel_loop3A_447 = tpu.vector_load %arg4[%parallel_loop3A_445, %parallel_loop3A_446] {strides = array<i32>} : memref<32x512xf32, #tpu.memory_space<vmem>>, vector<16xf32>,
        %parallel_loop3A_448 = tpu.bitcast %parallel_loop3A_447 : vector<16xf32> -> vector<16xi32>
        %parallel_loop3A_449 = arith.constant 0 : i32
        %parallel_loop3A_450 = vector.broadcast %parallel_loop3A_449 : i32 to vector<16xi32>
        %parallel_loop3A_451 = arith.maxsi %parallel_loop3A_448, %parallel_loop3A_450 : vector<16xi32>
        %parallel_loop3A_452 = arith.constant 20 : i32
        %parallel_loop3A_453 = vector.broadcast %parallel_loop3A_452 : i32 to vector<16xi32>
        %parallel_loop3A_454 = arith.shrui %parallel_loop3A_451, %parallel_loop3A_453 : vector<16xi32>
        tpu.vector_store_idx %arg6[%parallel_loop3A_454], %broadcast_in_dim3A_0 {add = true} : memref<2048xi32, #tpu.memory_space<vmem>>[vector<16xi32>], vector<16xi32>,
        tpu.vector_store_idx %arg7[%parallel_loop3A_454], %parallel_loop3A_447 {add = true} : memref<2048xf32, #tpu.memory_space<vmem>>[vector<16xi32>], vector<16xf32>,
      } {sc.loop_unroll_factor = 8 : i64, sc.parallel_access}
    }
    %scan3A_65 = arith.constant 32 : i32
    %add3A_66 = arith.constant 128 : i32
    %add3A_67 = arith.addi %mul3A_16, %add3A_66 : i32
    %dma_start3A_68 = arith.constant 0 : i32
    %dma_start3A_69 = tpu.memref_slice %arg2[%add3A_67, %dma_start3A_68] : memref<4096x512xf32, #tpu.memory_space<hbm>> -> memref<32x512xf32, #tpu.memory_space<hbm>>
    %dma_start3A_70 = arith.constant 0 : i32
    %dma_start3A_71 = tpu.memref_slice %arg2[%add3A_67, %dma_start3A_70] : memref<4096x512xf32, #tpu.memory_space<hbm>> -> memref<32x512xf32, #tpu.memory_space<hbm>>
    tpu.enqueue_dma source(%dma_start3A_71 : memref<32x512xf32, #tpu.memory_space<hbm>>) target(%arg4 : memref<32x512xf32, #tpu.memory_space<vmem>>) target_semaphore(%arg15 : memref<!tpu.dma_semaphore, #tpu.memory_space<semaphore_mem>>)
    %dma_wait3A_72 = arith.constant 0 : i32
    %dma_wait3A_73 = tpu.memref_slice %arg2[%add3A_51, %dma_wait3A_72] : memref<4096x512xf32, #tpu.memory_space<hbm>> -> memref<32x512xf32, #tpu.memory_space<hbm>>
    %dma_wait3A_74 = arith.constant 0 : i32
    %dma_wait3A_75 = tpu.memref_slice %arg2[%add3A_51, %dma_wait3A_74] : memref<4096x512xf32, #tpu.memory_space<hbm>> -> memref<32x512xf32, #tpu.memory_space<hbm>>
    tpu.wait_dma2 semaphore(%arg16 : memref<!tpu.dma_semaphore, #tpu.memory_space<semaphore_mem>>) src(%dma_wait3A_75 : memref<32x512xf32, #tpu.memory_space<hbm>>) dst(%arg5 : memref<32x512xf32, #tpu.memory_space<vmem>>)
    %scan3A_76 = arith.constant 0 : i32
    %scan3A_77 = arith.constant 0 : i32
    %scan3A_78 = arith.constant 32 : i32
    %scan3A_79 = arith.addi %scan3A_77, %scan3A_78 : i32
    %scan3A_80 = arith.constant 1 : i32
    scf.for %scan3A_439 = %scan3A_77 to %scan3A_79 step %scan3A_80  : i32 {
      %parallel_loop3A = arith.constant 0 : i32
      %parallel_loop3A_440 = arith.constant 32 : i32
      %parallel_loop3A_441 = arith.constant 1 : i32
      scf.for %parallel_loop3A_442 = %parallel_loop3A to %parallel_loop3A_440 step %parallel_loop3A_441  : i32 {
        %parallel_loop3A_443 = arith.constant 16 : i32
        %parallel_loop3A_444 = arith.muli %parallel_loop3A_442, %parallel_loop3A_443 : i32
        %parallel_loop3A_445 = arith.index_cast %scan3A_439 : i32 to index
        %parallel_loop3A_446 = arith.index_cast %parallel_loop3A_444 : i32 to index
        %parallel_loop3A_447 = tpu.vector_load %arg5[%parallel_loop3A_445, %parallel_loop3A_446] {strides = array<i32>} : memref<32x512xf32, #tpu.memory_space<vmem>>, vector<16xf32>,
        %parallel_loop3A_448 = tpu.bitcast %parallel_loop3A_447 : vector<16xf32> -> vector<16xi32>
        %parallel_loop3A_449 = arith.constant 0 : i32
        %parallel_loop3A_450 = vector.broadcast %parallel_loop3A_449 : i32 to vector<16xi32>
        %parallel_loop3A_451 = arith.maxsi %parallel_loop3A_448, %parallel_loop3A_450 : vector<16xi32>
        %parallel_loop3A_452 = arith.constant 20 : i32
        %parallel_loop3A_453 = vector.broadcast %parallel_loop3A_452 : i32 to vector<16xi32>
        %parallel_loop3A_454 = arith.shrui %parallel_loop3A_451, %parallel_loop3A_453 : vector<16xi32>
        tpu.vector_store_idx %arg6[%parallel_loop3A_454], %broadcast_in_dim3A_0 {add = true} : memref<2048xi32, #tpu.memory_space<vmem>>[vector<16xi32>], vector<16xi32>,
        tpu.vector_store_idx %arg7[%parallel_loop3A_454], %parallel_loop3A_447 {add = true} : memref<2048xf32, #tpu.memory_space<vmem>>[vector<16xi32>], vector<16xf32>,
      } {sc.loop_unroll_factor = 8 : i64, sc.parallel_access}
    }
    %scan3A_81 = arith.constant 32 : i32
    %add3A_82 = arith.constant 160 : i32
    %add3A_83 = arith.addi %mul3A_16, %add3A_82 : i32
    %dma_start3A_84 = arith.constant 0 : i32
    %dma_start3A_85 = tpu.memref_slice %arg2[%add3A_83, %dma_start3A_84] : memref<4096x512xf32, #tpu.memory_space<hbm>> -> memref<32x512xf32, #tpu.memory_space<hbm>>
    %dma_start3A_86 = arith.constant 0 : i32
    %dma_start3A_87 = tpu.memref_slice %arg2[%add3A_83, %dma_start3A_86] : memref<4096x512xf32, #tpu.memory_space<hbm>> -> memref<32x512xf32, #tpu.memory_space<hbm>>
    tpu.enqueue_dma source(%dma_start3A_87 : memref<32x512xf32, #tpu.memory_space<hbm>>) target(%arg5 : memref<32x512xf32, #tpu.memory_space<vmem>>) target_semaphore(%arg16 : memref<!tpu.dma_semaphore, #tpu.memory_space<semaphore_mem>>)
    %dma_wait3A_88 = arith.constant 0 : i32
    %dma_wait3A_89 = tpu.memref_slice %arg2[%add3A_67, %dma_wait3A_88] : memref<4096x512xf32, #tpu.memory_space<hbm>> -> memref<32x512xf32, #tpu.memory_space<hbm>>
    %dma_wait3A_90 = arith.constant 0 : i32
    %dma_wait3A_91 = tpu.memref_slice %arg2[%add3A_67, %dma_wait3A_90] : memref<4096x512xf32, #tpu.memory_space<hbm>> -> memref<32x512xf32, #tpu.memory_space<hbm>>
    tpu.wait_dma2 semaphore(%arg15 : memref<!tpu.dma_semaphore, #tpu.memory_space<semaphore_mem>>) src(%dma_wait3A_91 : memref<32x512xf32, #tpu.memory_space<hbm>>) dst(%arg4 : memref<32x512xf32, #tpu.memory_space<vmem>>)
    %scan3A_92 = arith.constant 0 : i32
    %scan3A_93 = arith.constant 0 : i32
    %scan3A_94 = arith.constant 32 : i32
    %scan3A_95 = arith.addi %scan3A_93, %scan3A_94 : i32
    %scan3A_96 = arith.constant 1 : i32
    scf.for %scan3A_439 = %scan3A_93 to %scan3A_95 step %scan3A_96  : i32 {
      %parallel_loop3A = arith.constant 0 : i32
      %parallel_loop3A_440 = arith.constant 32 : i32
      %parallel_loop3A_441 = arith.constant 1 : i32
      scf.for %parallel_loop3A_442 = %parallel_loop3A to %parallel_loop3A_440 step %parallel_loop3A_441  : i32 {
        %parallel_loop3A_443 = arith.constant 16 : i32
        %parallel_loop3A_444 = arith.muli %parallel_loop3A_442, %parallel_loop3A_443 : i32
        %parallel_loop3A_445 = arith.index_cast %scan3A_439 : i32 to index
        %parallel_loop3A_446 = arith.index_cast %parallel_loop3A_444 : i32 to index
        %parallel_loop3A_447 = tpu.vector_load %arg4[%parallel_loop3A_445, %parallel_loop3A_446] {strides = array<i32>} : memref<32x512xf32, #tpu.memory_space<vmem>>, vector<16xf32>,
        %parallel_loop3A_448 = tpu.bitcast %parallel_loop3A_447 : vector<16xf32> -> vector<16xi32>
        %parallel_loop3A_449 = arith.constant 0 : i32
        %parallel_loop3A_450 = vector.broadcast %parallel_loop3A_449 : i32 to vector<16xi32>
        %parallel_loop3A_451 = arith.maxsi %parallel_loop3A_448, %parallel_loop3A_450 : vector<16xi32>
        %parallel_loop3A_452 = arith.constant 20 : i32
        %parallel_loop3A_453 = vector.broadcast %parallel_loop3A_452 : i32 to vector<16xi32>
        %parallel_loop3A_454 = arith.shrui %parallel_loop3A_451, %parallel_loop3A_453 : vector<16xi32>
        tpu.vector_store_idx %arg6[%parallel_loop3A_454], %broadcast_in_dim3A_0 {add = true} : memref<2048xi32, #tpu.memory_space<vmem>>[vector<16xi32>], vector<16xi32>,
        tpu.vector_store_idx %arg7[%parallel_loop3A_454], %parallel_loop3A_447 {add = true} : memref<2048xf32, #tpu.memory_space<vmem>>[vector<16xi32>], vector<16xf32>,
      } {sc.loop_unroll_factor = 8 : i64, sc.parallel_access}
    }
    %scan3A_97 = arith.constant 32 : i32
    %add3A_98 = arith.constant 192 : i32
    %add3A_99 = arith.addi %mul3A_16, %add3A_98 : i32
    %dma_start3A_100 = arith.constant 0 : i32
    %dma_start3A_101 = tpu.memref_slice %arg2[%add3A_99, %dma_start3A_100] : memref<4096x512xf32, #tpu.memory_space<hbm>> -> memref<32x512xf32, #tpu.memory_space<hbm>>
    %dma_start3A_102 = arith.constant 0 : i32
    %dma_start3A_103 = tpu.memref_slice %arg2[%add3A_99, %dma_start3A_102] : memref<4096x512xf32, #tpu.memory_space<hbm>> -> memref<32x512xf32, #tpu.memory_space<hbm>>
    tpu.enqueue_dma source(%dma_start3A_103 : memref<32x512xf32, #tpu.memory_space<hbm>>) target(%arg4 : memref<32x512xf32, #tpu.memory_space<vmem>>) target_semaphore(%arg15 : memref<!tpu.dma_semaphore, #tpu.memory_space<semaphore_mem>>)
    %dma_wait3A_104 = arith.constant 0 : i32
    %dma_wait3A_105 = tpu.memref_slice %arg2[%add3A_83, %dma_wait3A_104] : memref<4096x512xf32, #tpu.memory_space<hbm>> -> memref<32x512xf32, #tpu.memory_space<hbm>>
    %dma_wait3A_106 = arith.constant 0 : i32
    %dma_wait3A_107 = tpu.memref_slice %arg2[%add3A_83, %dma_wait3A_106] : memref<4096x512xf32, #tpu.memory_space<hbm>> -> memref<32x512xf32, #tpu.memory_space<hbm>>
    tpu.wait_dma2 semaphore(%arg16 : memref<!tpu.dma_semaphore, #tpu.memory_space<semaphore_mem>>) src(%dma_wait3A_107 : memref<32x512xf32, #tpu.memory_space<hbm>>) dst(%arg5 : memref<32x512xf32, #tpu.memory_space<vmem>>)
    %scan3A_108 = arith.constant 0 : i32
    %scan3A_109 = arith.constant 0 : i32
    %scan3A_110 = arith.constant 32 : i32
    %scan3A_111 = arith.addi %scan3A_109, %scan3A_110 : i32
    %scan3A_112 = arith.constant 1 : i32
    scf.for %scan3A_439 = %scan3A_109 to %scan3A_111 step %scan3A_112  : i32 {
      %parallel_loop3A = arith.constant 0 : i32
      %parallel_loop3A_440 = arith.constant 32 : i32
      %parallel_loop3A_441 = arith.constant 1 : i32
      scf.for %parallel_loop3A_442 = %parallel_loop3A to %parallel_loop3A_440 step %parallel_loop3A_441  : i32 {
        %parallel_loop3A_443 = arith.constant 16 : i32
        %parallel_loop3A_444 = arith.muli %parallel_loop3A_442, %parallel_loop3A_443 : i32
        %parallel_loop3A_445 = arith.index_cast %scan3A_439 : i32 to index
        %parallel_loop3A_446 = arith.index_cast %parallel_loop3A_444 : i32 to index
        %parallel_loop3A_447 = tpu.vector_load %arg5[%parallel_loop3A_445, %parallel_loop3A_446] {strides = array<i32>} : memref<32x512xf32, #tpu.memory_space<vmem>>, vector<16xf32>,
        %parallel_loop3A_448 = tpu.bitcast %parallel_loop3A_447 : vector<16xf32> -> vector<16xi32>
        %parallel_loop3A_449 = arith.constant 0 : i32
        %parallel_loop3A_450 = vector.broadcast %parallel_loop3A_449 : i32 to vector<16xi32>
        %parallel_loop3A_451 = arith.maxsi %parallel_loop3A_448, %parallel_loop3A_450 : vector<16xi32>
        %parallel_loop3A_452 = arith.constant 20 : i32
        %parallel_loop3A_453 = vector.broadcast %parallel_loop3A_452 : i32 to vector<16xi32>
        %parallel_loop3A_454 = arith.shrui %parallel_loop3A_451, %parallel_loop3A_453 : vector<16xi32>
        tpu.vector_store_idx %arg6[%parallel_loop3A_454], %broadcast_in_dim3A_0 {add = true} : memref<2048xi32, #tpu.memory_space<vmem>>[vector<16xi32>], vector<16xi32>,
        tpu.vector_store_idx %arg7[%parallel_loop3A_454], %parallel_loop3A_447 {add = true} : memref<2048xf32, #tpu.memory_space<vmem>>[vector<16xi32>], vector<16xf32>,
      } {sc.loop_unroll_factor = 8 : i64, sc.parallel_access}
    }
    %scan3A_113 = arith.constant 32 : i32
    %add3A_114 = arith.constant 224 : i32
    %add3A_115 = arith.addi %mul3A_16, %add3A_114 : i32
    %dma_start3A_116 = arith.constant 0 : i32
    %dma_start3A_117 = tpu.memref_slice %arg2[%add3A_115, %dma_start3A_116] : memref<4096x512xf32, #tpu.memory_space<hbm>> -> memref<32x512xf32, #tpu.memory_space<hbm>>
    %dma_start3A_118 = arith.constant 0 : i32
    %dma_start3A_119 = tpu.memref_slice %arg2[%add3A_115, %dma_start3A_118] : memref<4096x512xf32, #tpu.memory_space<hbm>> -> memref<32x512xf32, #tpu.memory_space<hbm>>
    tpu.enqueue_dma source(%dma_start3A_119 : memref<32x512xf32, #tpu.memory_space<hbm>>) target(%arg5 : memref<32x512xf32, #tpu.memory_space<vmem>>) target_semaphore(%arg16 : memref<!tpu.dma_semaphore, #tpu.memory_space<semaphore_mem>>)
    %dma_wait3A_120 = arith.constant 0 : i32
    %dma_wait3A_121 = tpu.memref_slice %arg2[%add3A_99, %dma_wait3A_120] : memref<4096x512xf32, #tpu.memory_space<hbm>> -> memref<32x512xf32, #tpu.memory_space<hbm>>
    %dma_wait3A_122 = arith.constant 0 : i32
    %dma_wait3A_123 = tpu.memref_slice %arg2[%add3A_99, %dma_wait3A_122] : memref<4096x512xf32, #tpu.memory_space<hbm>> -> memref<32x512xf32, #tpu.memory_space<hbm>>
    tpu.wait_dma2 semaphore(%arg15 : memref<!tpu.dma_semaphore, #tpu.memory_space<semaphore_mem>>) src(%dma_wait3A_123 : memref<32x512xf32, #tpu.memory_space<hbm>>) dst(%arg4 : memref<32x512xf32, #tpu.memory_space<vmem>>)
    %scan3A_124 = arith.constant 0 : i32
    %scan3A_125 = arith.constant 0 : i32
    %scan3A_126 = arith.constant 32 : i32
    %scan3A_127 = arith.addi %scan3A_125, %scan3A_126 : i32
    %scan3A_128 = arith.constant 1 : i32
    scf.for %scan3A_439 = %scan3A_125 to %scan3A_127 step %scan3A_128  : i32 {
      %parallel_loop3A = arith.constant 0 : i32
      %parallel_loop3A_440 = arith.constant 32 : i32
      %parallel_loop3A_441 = arith.constant 1 : i32
      scf.for %parallel_loop3A_442 = %parallel_loop3A to %parallel_loop3A_440 step %parallel_loop3A_441  : i32 {
        %parallel_loop3A_443 = arith.constant 16 : i32
        %parallel_loop3A_444 = arith.muli %parallel_loop3A_442, %parallel_loop3A_443 : i32
        %parallel_loop3A_445 = arith.index_cast %scan3A_439 : i32 to index
        %parallel_loop3A_446 = arith.index_cast %parallel_loop3A_444 : i32 to index
        %parallel_loop3A_447 = tpu.vector_load %arg4[%parallel_loop3A_445, %parallel_loop3A_446] {strides = array<i32>} : memref<32x512xf32, #tpu.memory_space<vmem>>, vector<16xf32>,
        %parallel_loop3A_448 = tpu.bitcast %parallel_loop3A_447 : vector<16xf32> -> vector<16xi32>
        %parallel_loop3A_449 = arith.constant 0 : i32
        %parallel_loop3A_450 = vector.broadcast %parallel_loop3A_449 : i32 to vector<16xi32>
        %parallel_loop3A_451 = arith.maxsi %parallel_loop3A_448, %parallel_loop3A_450 : vector<16xi32>
        %parallel_loop3A_452 = arith.constant 20 : i32
        %parallel_loop3A_453 = vector.broadcast %parallel_loop3A_452 : i32 to vector<16xi32>
        %parallel_loop3A_454 = arith.shrui %parallel_loop3A_451, %parallel_loop3A_453 : vector<16xi32>
        tpu.vector_store_idx %arg6[%parallel_loop3A_454], %broadcast_in_dim3A_0 {add = true} : memref<2048xi32, #tpu.memory_space<vmem>>[vector<16xi32>], vector<16xi32>,
        tpu.vector_store_idx %arg7[%parallel_loop3A_454], %parallel_loop3A_447 {add = true} : memref<2048xf32, #tpu.memory_space<vmem>>[vector<16xi32>], vector<16xf32>,
      } {sc.loop_unroll_factor = 8 : i64, sc.parallel_access}
    }
    %scan3A_129 = arith.constant 32 : i32
    %dma_wait3A_130 = arith.constant 0 : i32
    %dma_wait3A_131 = tpu.memref_slice %arg2[%add3A_115, %dma_wait3A_130] : memref<4096x512xf32, #tpu.memory_space<hbm>> -> memref<32x512xf32, #tpu.memory_space<hbm>>
    %dma_wait3A_132 = arith.constant 0 : i32
    %dma_wait3A_133 = tpu.memref_slice %arg2[%add3A_115, %dma_wait3A_132] : memref<4096x512xf32, #tpu.memory_space<hbm>> -> memref<32x512xf32, #tpu.memory_space<hbm>>
    tpu.wait_dma2 semaphore(%arg16 : memref<!tpu.dma_semaphore, #tpu.memory_space<semaphore_mem>>) src(%dma_wait3A_133 : memref<32x512xf32, #tpu.memory_space<hbm>>) dst(%arg5 : memref<32x512xf32, #tpu.memory_space<vmem>>)
    %scan3A_134 = arith.constant 0 : i32
    %scan3A_135 = arith.constant 0 : i32
    %scan3A_136 = arith.constant 32 : i32
    %scan3A_137 = arith.addi %scan3A_135, %scan3A_136 : i32
    %scan3A_138 = arith.constant 1 : i32
    scf.for %scan3A_439 = %scan3A_135 to %scan3A_137 step %scan3A_138  : i32 {
      %parallel_loop3A = arith.constant 0 : i32
      %parallel_loop3A_440 = arith.constant 32 : i32
      %parallel_loop3A_441 = arith.constant 1 : i32
      scf.for %parallel_loop3A_442 = %parallel_loop3A to %parallel_loop3A_440 step %parallel_loop3A_441  : i32 {
        %parallel_loop3A_443 = arith.constant 16 : i32
        %parallel_loop3A_444 = arith.muli %parallel_loop3A_442, %parallel_loop3A_443 : i32
        %parallel_loop3A_445 = arith.index_cast %scan3A_439 : i32 to index
        %parallel_loop3A_446 = arith.index_cast %parallel_loop3A_444 : i32 to index
        %parallel_loop3A_447 = tpu.vector_load %arg5[%parallel_loop3A_445, %parallel_loop3A_446] {strides = array<i32>} : memref<32x512xf32, #tpu.memory_space<vmem>>, vector<16xf32>,
        %parallel_loop3A_448 = tpu.bitcast %parallel_loop3A_447 : vector<16xf32> -> vector<16xi32>
        %parallel_loop3A_449 = arith.constant 0 : i32
        %parallel_loop3A_450 = vector.broadcast %parallel_loop3A_449 : i32 to vector<16xi32>
        %parallel_loop3A_451 = arith.maxsi %parallel_loop3A_448, %parallel_loop3A_450 : vector<16xi32>
        %parallel_loop3A_452 = arith.constant 20 : i32
        %parallel_loop3A_453 = vector.broadcast %parallel_loop3A_452 : i32 to vector<16xi32>
        %parallel_loop3A_454 = arith.shrui %parallel_loop3A_451, %parallel_loop3A_453 : vector<16xi32>
        tpu.vector_store_idx %arg6[%parallel_loop3A_454], %broadcast_in_dim3A_0 {add = true} : memref<2048xi32, #tpu.memory_space<vmem>>[vector<16xi32>], vector<16xi32>,
        tpu.vector_store_idx %arg7[%parallel_loop3A_454], %parallel_loop3A_447 {add = true} : memref<2048xf32, #tpu.memory_space<vmem>>[vector<16xi32>], vector<16xf32>,
      } {sc.loop_unroll_factor = 8 : i64, sc.parallel_access}
    }
    %scan3A_139 = arith.constant 32 : i32
    "tpu.region"() ({
      %run_scoped3A = tpu.sem_alloc : memref<!tpu.dma_semaphore, #tpu.memory_space<semaphore_mem>>
      %dma_start3A_439 = arith.constant 0 : i32
      %dma_start3A_440 = tpu.memref_slice %arg6[%dma_start3A_439] : memref<2048xi32, #tpu.memory_space<vmem>> -> memref<2048xi32, #tpu.memory_space<vmem>>
      %dma_start3A_441 = arith.constant 0 : i32
      %dma_start3A_442 = tpu.memref_slice %arg17[%arg1, %dma_start3A_441] : memref<16x2048xi32, #tpu.memory_space<vmem_shared>> -> memref<1x2048xi32, #tpu.memory_space<vmem_shared>>
      %dma_start3A_443 = tpu.memref_squeeze %dma_start3A_442 : memref<1x2048xi32, #tpu.memory_space<vmem_shared>> -> memref<2048xi32, #tpu.memory_space<vmem_shared>>
      %dma_start3A_444 = arith.constant 0 : i32
      %dma_start3A_445 = tpu.memref_slice %arg17[%arg1, %dma_start3A_444] : memref<16x2048xi32, #tpu.memory_space<vmem_shared>> -> memref<1x2048xi32, #tpu.memory_space<vmem_shared>>
      %dma_start3A_446 = tpu.memref_squeeze %dma_start3A_445 : memref<1x2048xi32, #tpu.memory_space<vmem_shared>> -> memref<2048xi32, #tpu.memory_space<vmem_shared>>
      %dma_start3A_447 = arith.constant 0 : i32
      %dma_start3A_448 = tpu.memref_slice %arg6[%dma_start3A_447] : memref<2048xi32, #tpu.memory_space<vmem>> -> memref<2048xi32, #tpu.memory_space<vmem>>
      tpu.enqueue_dma source(%dma_start3A_448 : memref<2048xi32, #tpu.memory_space<vmem>>) target(%dma_start3A_446 : memref<2048xi32, #tpu.memory_space<vmem_shared>>) target_semaphore(%run_scoped3A : memref<!tpu.dma_semaphore, #tpu.memory_space<semaphore_mem>>)
      %dma_wait3A_449 = arith.constant 0 : i32
      %dma_wait3A_450 = tpu.memref_slice %arg6[%dma_wait3A_449] : memref<2048xi32, #tpu.memory_space<vmem>> -> memref<2048xi32, #tpu.memory_space<vmem>>
      %dma_wait3A_451 = arith.constant 0 : i32
      %dma_wait3A_452 = tpu.memref_slice %arg17[%arg1, %dma_wait3A_451] : memref<16x2048xi32, #tpu.memory_space<vmem_shared>> -> memref<1x2048xi32, #tpu.memory_space<vmem_shared>>
      %dma_wait3A_453 = tpu.memref_squeeze %dma_wait3A_452 : memref<1x2048xi32, #tpu.memory_space<vmem_shared>> -> memref<2048xi32, #tpu.memory_space<vmem_shared>>
      %dma_wait3A_454 = arith.constant 0 : i32
      %dma_wait3A_455 = tpu.memref_slice %arg17[%arg1, %dma_wait3A_454] : memref<16x2048xi32, #tpu.memory_space<vmem_shared>> -> memref<1x2048xi32, #tpu.memory_space<vmem_shared>>
      %dma_wait3A_456 = tpu.memref_squeeze %dma_wait3A_455 : memref<1x2048xi32, #tpu.memory_space<vmem_shared>> -> memref<2048xi32, #tpu.memory_space<vmem_shared>>
      %dma_wait3A_457 = arith.constant 0 : i32
      %dma_wait3A_458 = tpu.memref_slice %arg6[%dma_wait3A_457] : memref<2048xi32, #tpu.memory_space<vmem>> -> memref<2048xi32, #tpu.memory_space<vmem>>
      tpu.wait_dma2 semaphore(%run_scoped3A : memref<!tpu.dma_semaphore, #tpu.memory_space<semaphore_mem>>) src(%dma_wait3A_458 : memref<2048xi32, #tpu.memory_space<vmem>>) dst(%dma_wait3A_456 : memref<2048xi32, #tpu.memory_space<vmem_shared>>)
      tpu.yield
    }) : () -> ()
    %barrier3A = arith.constant 0 : index
    tpu.barrier barrier_id(%barrier3A)
    %broadcast_in_dim3A_140 = arith.constant 0 : i32
    %broadcast_in_dim3A_141 = vector.broadcast %broadcast_in_dim3A_140 : i32 to vector<16xi32>
    %swap3A = arith.constant 0 : index
    %swap3A_142 = tpu.vector_load %arg10[%swap3A] {strides = array<i32>} : memref<128xi32, #tpu.memory_space<vmem>>, vector<16xi32>,
    tpu.vector_store %arg10[%swap3A], %broadcast_in_dim3A_141 {strides = array<i32>} : memref<128xi32, #tpu.memory_space<vmem>>, vector<16xi32>,
    %swap3A_143 = arith.constant 16 : index
    %swap3A_144 = tpu.vector_load %arg10[%swap3A_143] {strides = array<i32>} : memref<128xi32, #tpu.memory_space<vmem>>, vector<16xi32>,
    tpu.vector_store %arg10[%swap3A_143], %broadcast_in_dim3A_141 {strides = array<i32>} : memref<128xi32, #tpu.memory_space<vmem>>, vector<16xi32>,
    %swap3A_145 = arith.constant 32 : index
    %swap3A_146 = tpu.vector_load %arg10[%swap3A_145] {strides = array<i32>} : memref<128xi32, #tpu.memory_space<vmem>>, vector<16xi32>,
    tpu.vector_store %arg10[%swap3A_145], %broadcast_in_dim3A_141 {strides = array<i32>} : memref<128xi32, #tpu.memory_space<vmem>>, vector<16xi32>,
    %swap3A_147 = arith.constant 48 : index
    %swap3A_148 = tpu.vector_load %arg10[%swap3A_147] {strides = array<i32>} : memref<128xi32, #tpu.memory_space<vmem>>, vector<16xi32>,
    tpu.vector_store %arg10[%swap3A_147], %broadcast_in_dim3A_141 {strides = array<i32>} : memref<128xi32, #tpu.memory_space<vmem>>, vector<16xi32>,
    %swap3A_149 = arith.constant 64 : index
    %swap3A_150 = tpu.vector_load %arg10[%swap3A_149] {strides = array<i32>} : memref<128xi32, #tpu.memory_space<vmem>>, vector<16xi32>,
    tpu.vector_store %arg10[%swap3A_149], %broadcast_in_dim3A_141 {strides = array<i32>} : memref<128xi32, #tpu.memory_space<vmem>>, vector<16xi32>,
    %swap3A_151 = arith.constant 80 : index
    %swap3A_152 = tpu.vector_load %arg10[%swap3A_151] {strides = array<i32>} : memref<128xi32, #tpu.memory_space<vmem>>, vector<16xi32>,
    tpu.vector_store %arg10[%swap3A_151], %broadcast_in_dim3A_141 {strides = array<i32>} : memref<128xi32, #tpu.memory_space<vmem>>, vector<16xi32>,
    %swap3A_153 = arith.constant 96 : index
    %swap3A_154 = tpu.vector_load %arg10[%swap3A_153] {strides = array<i32>} : memref<128xi32, #tpu.memory_space<vmem>>, vector<16xi32>,
    tpu.vector_store %arg10[%swap3A_153], %broadcast_in_dim3A_141 {strides = array<i32>} : memref<128xi32, #tpu.memory_space<vmem>>, vector<16xi32>,
    %swap3A_155 = arith.constant 112 : index
    %swap3A_156 = tpu.vector_load %arg10[%swap3A_155] {strides = array<i32>} : memref<128xi32, #tpu.memory_space<vmem>>, vector<16xi32>,
    tpu.vector_store %arg10[%swap3A_155], %broadcast_in_dim3A_141 {strides = array<i32>} : memref<128xi32, #tpu.memory_space<vmem>>, vector<16xi32>,
    %scan3A_157 = arith.constant 0 : i32
    %scan3A_158 = arith.constant 0 : i32
    %scan3A_159 = arith.constant 16 : i32
    %scan3A_160 = arith.addi %scan3A_158, %scan3A_159 : i32
    %scan3A_161 = arith.constant 1 : i32
    scf.for %scan3A_439 = %scan3A_158 to %scan3A_160 step %scan3A_161  : i32 {
      %mul3A_440 = arith.constant 128 : i32
      %mul3A_441 = arith.muli %arg1, %mul3A_440 : i32
      "tpu.region"() ({
        %run_scoped3A = tpu.sem_alloc : memref<!tpu.dma_semaphore, #tpu.memory_space<semaphore_mem>>
        %dma_start3A_497 = arith.constant 0 : i32
        %dma_start3A_498 = tpu.memref_slice %arg8[%dma_start3A_497] : memref<128xi32, #tpu.memory_space<vmem>> -> memref<128xi32, #tpu.memory_space<vmem>>
        %dma_start3A_499 = tpu.memref_slice %arg17[%scan3A_439, %mul3A_441] : memref<16x2048xi32, #tpu.memory_space<vmem_shared>> -> memref<1x128xi32, #tpu.memory_space<vmem_shared>>
        %dma_start3A_500 = tpu.memref_squeeze %dma_start3A_499 : memref<1x128xi32, #tpu.memory_space<vmem_shared>> -> memref<128xi32, #tpu.memory_space<vmem_shared>>
        %dma_start3A_501 = arith.constant 0 : i32
        %dma_start3A_502 = tpu.memref_slice %arg8[%dma_start3A_501] : memref<128xi32, #tpu.memory_space<vmem>> -> memref<128xi32, #tpu.memory_space<vmem>>
        %dma_start3A_503 = tpu.memref_slice %arg17[%scan3A_439, %mul3A_441] : memref<16x2048xi32, #tpu.memory_space<vmem_shared>> -> memref<1x128xi32, #tpu.memory_space<vmem_shared>>
        %dma_start3A_504 = tpu.memref_squeeze %dma_start3A_503 : memref<1x128xi32, #tpu.memory_space<vmem_shared>> -> memref<128xi32, #tpu.memory_space<vmem_shared>>
        tpu.enqueue_dma source(%dma_start3A_504 : memref<128xi32, #tpu.memory_space<vmem_shared>>) target(%dma_start3A_502 : memref<128xi32, #tpu.memory_space<vmem>>) target_semaphore(%run_scoped3A : memref<!tpu.dma_semaphore, #tpu.memory_space<semaphore_mem>>)
        %dma_wait3A_505 = arith.constant 0 : i32
        %dma_wait3A_506 = tpu.memref_slice %arg8[%dma_wait3A_505] : memref<128xi32, #tpu.memory_space<vmem>> -> memref<128xi32, #tpu.memory_space<vmem>>
        %dma_wait3A_507 = tpu.memref_slice %arg17[%scan3A_439, %mul3A_441] : memref<16x2048xi32, #tpu.memory_space<vmem_shared>> -> memref<1x128xi32, #tpu.memory_space<vmem_shared>>
        %dma_wait3A_508 = tpu.memref_squeeze %dma_wait3A_507 : memref<1x128xi32, #tpu.memory_space<vmem_shared>> -> memref<128xi32, #tpu.memory_space<vmem_shared>>
        %dma_wait3A_509 = arith.constant 0 : i32
        %dma_wait3A_510 = tpu.memref_slice %arg8[%dma_wait3A_509] : memref<128xi32, #tpu.memory_space<vmem>> -> memref<128xi32, #tpu.memory_space<vmem>>
        %dma_wait3A_511 = tpu.memref_slice %arg17[%scan3A_439, %mul3A_441] : memref<16x2048xi32, #tpu.memory_space<vmem_shared>> -> memref<1x128xi32, #tpu.memory_space<vmem_shared>>
        %dma_wait3A_512 = tpu.memref_squeeze %dma_wait3A_511 : memref<1x128xi32, #tpu.memory_space<vmem_shared>> -> memref<128xi32, #tpu.memory_space<vmem_shared>>
        tpu.wait_dma2 semaphore(%run_scoped3A : memref<!tpu.dma_semaphore, #tpu.memory_space<semaphore_mem>>) src(%dma_wait3A_512 : memref<128xi32, #tpu.memory_space<vmem_shared>>) dst(%dma_wait3A_510 : memref<128xi32, #tpu.memory_space<vmem>>)
        tpu.yield
      }) : () -> ()
      %get3A = arith.constant 0 : index
      %get3A_442 = tpu.vector_load %arg10[%get3A] {strides = array<i32>} : memref<128xi32, #tpu.memory_space<vmem>>, vector<16xi32>,
      %get3A_443 = arith.constant 0 : index
      %get3A_444 = tpu.vector_load %arg8[%get3A_443] {strides = array<i32>} : memref<128xi32, #tpu.memory_space<vmem>>, vector<16xi32>,
      %add3A_445 = arith.addi %get3A_442, %get3A_444 : vector<16xi32>
      %swap3A_446 = arith.constant 0 : index
      %swap3A_447 = tpu.vector_load %arg10[%swap3A_446] {strides = array<i32>} : memref<128xi32, #tpu.memory_space<vmem>>, vector<16xi32>,
      tpu.vector_store %arg10[%swap3A_446], %add3A_445 {strides = array<i32>} : memref<128xi32, #tpu.memory_space<vmem>>, vector<16xi32>,
      %get3A_448 = arith.constant 16 : index
      %get3A_449 = tpu.vector_load %arg10[%get3A_448] {strides = array<i32>} : memref<128xi32, #tpu.memory_space<vmem>>, vector<16xi32>,
      %get3A_450 = arith.constant 16 : index
      %get3A_451 = tpu.vector_load %arg8[%get3A_450] {strides = array<i32>} : memref<128xi32, #tpu.memory_space<vmem>>, vector<16xi32>,
      %add3A_452 = arith.addi %get3A_449, %get3A_451 : vector<16xi32>
      %swap3A_453 = arith.constant 16 : index
      %swap3A_454 = tpu.vector_load %arg10[%swap3A_453] {strides = array<i32>} : memref<128xi32, #tpu.memory_space<vmem>>, vector<16xi32>,
      tpu.vector_store %arg10[%swap3A_453], %add3A_452 {strides = array<i32>} : memref<128xi32, #tpu.memory_space<vmem>>, vector<16xi32>,
      %get3A_455 = arith.constant 32 : index
      %get3A_456 = tpu.vector_load %arg10[%get3A_455] {strides = array<i32>} : memref<128xi32, #tpu.memory_space<vmem>>, vector<16xi32>,
      %get3A_457 = arith.constant 32 : index
      %get3A_458 = tpu.vector_load %arg8[%get3A_457] {strides = array<i32>} : memref<128xi32, #tpu.memory_space<vmem>>, vector<16xi32>,
      %add3A_459 = arith.addi %get3A_456, %get3A_458 : vector<16xi32>
      %swap3A_460 = arith.constant 32 : index
      %swap3A_461 = tpu.vector_load %arg10[%swap3A_460] {strides = array<i32>} : memref<128xi32, #tpu.memory_space<vmem>>, vector<16xi32>,
      tpu.vector_store %arg10[%swap3A_460], %add3A_459 {strides = array<i32>} : memref<128xi32, #tpu.memory_space<vmem>>, vector<16xi32>,
      %get3A_462 = arith.constant 48 : index
      %get3A_463 = tpu.vector_load %arg10[%get3A_462] {strides = array<i32>} : memref<128xi32, #tpu.memory_space<vmem>>, vector<16xi32>,
      %get3A_464 = arith.constant 48 : index
      %get3A_465 = tpu.vector_load %arg8[%get3A_464] {strides = array<i32>} : memref<128xi32, #tpu.memory_space<vmem>>, vector<16xi32>,
      %add3A_466 = arith.addi %get3A_463, %get3A_465 : vector<16xi32>
      %swap3A_467 = arith.constant 48 : index
      %swap3A_468 = tpu.vector_load %arg10[%swap3A_467] {strides = array<i32>} : memref<128xi32, #tpu.memory_space<vmem>>, vector<16xi32>,
      tpu.vector_store %arg10[%swap3A_467], %add3A_466 {strides = array<i32>} : memref<128xi32, #tpu.memory_space<vmem>>, vector<16xi32>,
      %get3A_469 = arith.constant 64 : index
      %get3A_470 = tpu.vector_load %arg10[%get3A_469] {strides = array<i32>} : memref<128xi32, #tpu.memory_space<vmem>>, vector<16xi32>,
      %get3A_471 = arith.constant 64 : index
      %get3A_472 = tpu.vector_load %arg8[%get3A_471] {strides = array<i32>} : memref<128xi32, #tpu.memory_space<vmem>>, vector<16xi32>,
      %add3A_473 = arith.addi %get3A_470, %get3A_472 : vector<16xi32>
      %swap3A_474 = arith.constant 64 : index
      %swap3A_475 = tpu.vector_load %arg10[%swap3A_474] {strides = array<i32>} : memref<128xi32, #tpu.memory_space<vmem>>, vector<16xi32>,
      tpu.vector_store %arg10[%swap3A_474], %add3A_473 {strides = array<i32>} : memref<128xi32, #tpu.memory_space<vmem>>, vector<16xi32>,
      %get3A_476 = arith.constant 80 : index
      %get3A_477 = tpu.vector_load %arg10[%get3A_476] {strides = array<i32>} : memref<128xi32, #tpu.memory_space<vmem>>, vector<16xi32>,
      %get3A_478 = arith.constant 80 : index
      %get3A_479 = tpu.vector_load %arg8[%get3A_478] {strides = array<i32>} : memref<128xi32, #tpu.memory_space<vmem>>, vector<16xi32>,
      %add3A_480 = arith.addi %get3A_477, %get3A_479 : vector<16xi32>
      %swap3A_481 = arith.constant 80 : index
      %swap3A_482 = tpu.vector_load %arg10[%swap3A_481] {strides = array<i32>} : memref<128xi32, #tpu.memory_space<vmem>>, vector<16xi32>,
      tpu.vector_store %arg10[%swap3A_481], %add3A_480 {strides = array<i32>} : memref<128xi32, #tpu.memory_space<vmem>>, vector<16xi32>,
      %get3A_483 = arith.constant 96 : index
      %get3A_484 = tpu.vector_load %arg10[%get3A_483] {strides = array<i32>} : memref<128xi32, #tpu.memory_space<vmem>>, vector<16xi32>,
      %get3A_485 = arith.constant 96 : index
      %get3A_486 = tpu.vector_load %arg8[%get3A_485] {strides = array<i32>} : memref<128xi32, #tpu.memory_space<vmem>>, vector<16xi32>,
      %add3A_487 = arith.addi %get3A_484, %get3A_486 : vector<16xi32>
      %swap3A_488 = arith.constant 96 : index
      %swap3A_489 = tpu.vector_load %arg10[%swap3A_488] {strides = array<i32>} : memref<128xi32, #tpu.memory_space<vmem>>, vector<16xi32>,
      tpu.vector_store %arg10[%swap3A_488], %add3A_487 {strides = array<i32>} : memref<128xi32, #tpu.memory_space<vmem>>, vector<16xi32>,
      %get3A_490 = arith.constant 112 : index
      %get3A_491 = tpu.vector_load %arg10[%get3A_490] {strides = array<i32>} : memref<128xi32, #tpu.memory_space<vmem>>, vector<16xi32>,
      %get3A_492 = arith.constant 112 : index
      %get3A_493 = tpu.vector_load %arg8[%get3A_492] {strides = array<i32>} : memref<128xi32, #tpu.memory_space<vmem>>, vector<16xi32>,
      %add3A_494 = arith.addi %get3A_491, %get3A_493 : vector<16xi32>
      %swap3A_495 = arith.constant 112 : index
      %swap3A_496 = tpu.vector_load %arg10[%swap3A_495] {strides = array<i32>} : memref<128xi32, #tpu.memory_space<vmem>>, vector<16xi32>,
      tpu.vector_store %arg10[%swap3A_495], %add3A_494 {strides = array<i32>} : memref<128xi32, #tpu.memory_space<vmem>>, vector<16xi32>,
    }
    %scan3A_162 = arith.constant 16 : i32
    %mul3A_163 = arith.constant 128 : i32
    %mul3A_164 = arith.muli %arg1, %mul3A_163 : i32
    "tpu.region"() ({
      %run_scoped3A = tpu.sem_alloc : memref<!tpu.dma_semaphore, #tpu.memory_space<semaphore_mem>>
      %dma_start3A_439 = arith.constant 0 : i32
      %dma_start3A_440 = tpu.memref_slice %arg10[%dma_start3A_439] : memref<128xi32, #tpu.memory_space<vmem>> -> memref<128xi32, #tpu.memory_space<vmem>>
      %dma_start3A_441 = tpu.memref_slice %arg19[%mul3A_164] : memref<2048xi32, #tpu.memory_space<vmem_shared>> -> memref<128xi32, #tpu.memory_space<vmem_shared>>
      %dma_start3A_442 = tpu.memref_slice %arg19[%mul3A_164] : memref<2048xi32, #tpu.memory_space<vmem_shared>> -> memref<128xi32, #tpu.memory_space<vmem_shared>>
      %dma_start3A_443 = arith.constant 0 : i32
      %dma_start3A_444 = tpu.memref_slice %arg10[%dma_start3A_443] : memref<128xi32, #tpu.memory_space<vmem>> -> memref<128xi32, #tpu.memory_space<vmem>>
      tpu.enqueue_dma source(%dma_start3A_444 : memref<128xi32, #tpu.memory_space<vmem>>) target(%dma_start3A_442 : memref<128xi32, #tpu.memory_space<vmem_shared>>) target_semaphore(%run_scoped3A : memref<!tpu.dma_semaphore, #tpu.memory_space<semaphore_mem>>)
      %dma_wait3A_445 = arith.constant 0 : i32
      %dma_wait3A_446 = tpu.memref_slice %arg10[%dma_wait3A_445] : memref<128xi32, #tpu.memory_space<vmem>> -> memref<128xi32, #tpu.memory_space<vmem>>
      %dma_wait3A_447 = tpu.memref_slice %arg19[%mul3A_164] : memref<2048xi32, #tpu.memory_space<vmem_shared>> -> memref<128xi32, #tpu.memory_space<vmem_shared>>
      %dma_wait3A_448 = tpu.memref_slice %arg19[%mul3A_164] : memref<2048xi32, #tpu.memory_space<vmem_shared>> -> memref<128xi32, #tpu.memory_space<vmem_shared>>
      %dma_wait3A_449 = arith.constant 0 : i32
      %dma_wait3A_450 = tpu.memref_slice %arg10[%dma_wait3A_449] : memref<128xi32, #tpu.memory_space<vmem>> -> memref<128xi32, #tpu.memory_space<vmem>>
      tpu.wait_dma2 semaphore(%run_scoped3A : memref<!tpu.dma_semaphore, #tpu.memory_space<semaphore_mem>>) src(%dma_wait3A_450 : memref<128xi32, #tpu.memory_space<vmem>>) dst(%dma_wait3A_448 : memref<128xi32, #tpu.memory_space<vmem_shared>>)
      tpu.yield
    }) : () -> ()
    %barrier3A_165 = arith.constant 0 : index
    tpu.barrier barrier_id(%barrier3A_165)
    "tpu.region"() ({
      %run_scoped3A = tpu.sem_alloc : memref<!tpu.dma_semaphore, #tpu.memory_space<semaphore_mem>>
      %dma_start3A_439 = arith.constant 0 : i32
      %dma_start3A_440 = tpu.memref_slice %arg12[%dma_start3A_439] : memref<2048xi32, #tpu.memory_space<vmem>> -> memref<2048xi32, #tpu.memory_space<vmem>>
      %dma_start3A_441 = arith.constant 0 : i32
      %dma_start3A_442 = tpu.memref_slice %arg19[%dma_start3A_441] : memref<2048xi32, #tpu.memory_space<vmem_shared>> -> memref<2048xi32, #tpu.memory_space<vmem_shared>>
      %dma_start3A_443 = arith.constant 0 : i32
      %dma_start3A_444 = tpu.memref_slice %arg12[%dma_start3A_443] : memref<2048xi32, #tpu.memory_space<vmem>> -> memref<2048xi32, #tpu.memory_space<vmem>>
      %dma_start3A_445 = arith.constant 0 : i32
      %dma_start3A_446 = tpu.memref_slice %arg19[%dma_start3A_445] : memref<2048xi32, #tpu.memory_space<vmem_shared>> -> memref<2048xi32, #tpu.memory_space<vmem_shared>>
      tpu.enqueue_dma source(%dma_start3A_446 : memref<2048xi32, #tpu.memory_space<vmem_shared>>) target(%dma_start3A_444 : memref<2048xi32, #tpu.memory_space<vmem>>) target_semaphore(%run_scoped3A : memref<!tpu.dma_semaphore, #tpu.memory_space<semaphore_mem>>)
      %dma_wait3A_447 = arith.constant 0 : i32
      %dma_wait3A_448 = tpu.memref_slice %arg12[%dma_wait3A_447] : memref<2048xi32, #tpu.memory_space<vmem>> -> memref<2048xi32, #tpu.memory_space<vmem>>
      %dma_wait3A_449 = arith.constant 0 : i32
      %dma_wait3A_450 = tpu.memref_slice %arg19[%dma_wait3A_449] : memref<2048xi32, #tpu.memory_space<vmem_shared>> -> memref<2048xi32, #tpu.memory_space<vmem_shared>>
      %dma_wait3A_451 = arith.constant 0 : i32
      %dma_wait3A_452 = tpu.memref_slice %arg12[%dma_wait3A_451] : memref<2048xi32, #tpu.memory_space<vmem>> -> memref<2048xi32, #tpu.memory_space<vmem>>
      %dma_wait3A_453 = arith.constant 0 : i32
      %dma_wait3A_454 = tpu.memref_slice %arg19[%dma_wait3A_453] : memref<2048xi32, #tpu.memory_space<vmem_shared>> -> memref<2048xi32, #tpu.memory_space<vmem_shared>>
      tpu.wait_dma2 semaphore(%run_scoped3A : memref<!tpu.dma_semaphore, #tpu.memory_space<semaphore_mem>>) src(%dma_wait3A_454 : memref<2048xi32, #tpu.memory_space<vmem_shared>>) dst(%dma_wait3A_452 : memref<2048xi32, #tpu.memory_space<vmem>>)
      tpu.yield
    }) : () -> ()
    "tpu.region"() ({
      %run_scoped3A = tpu.sem_alloc : memref<!tpu.dma_semaphore, #tpu.memory_space<semaphore_mem>>
      %dma_start3A_439 = arith.constant 0 : i32
      %dma_start3A_440 = tpu.memref_slice %arg7[%dma_start3A_439] : memref<2048xf32, #tpu.memory_space<vmem>> -> memref<2048xf32, #tpu.memory_space<vmem>>
      %dma_start3A_441 = arith.constant 0 : i32
      %dma_start3A_442 = tpu.memref_slice %arg18[%arg1, %dma_start3A_441] : memref<16x2048xf32, #tpu.memory_space<vmem_shared>> -> memref<1x2048xf32, #tpu.memory_space<vmem_shared>>
      %dma_start3A_443 = tpu.memref_squeeze %dma_start3A_442 : memref<1x2048xf32, #tpu.memory_space<vmem_shared>> -> memref<2048xf32, #tpu.memory_space<vmem_shared>>
      %dma_start3A_444 = arith.constant 0 : i32
      %dma_start3A_445 = tpu.memref_slice %arg18[%arg1, %dma_start3A_444] : memref<16x2048xf32, #tpu.memory_space<vmem_shared>> -> memref<1x2048xf32, #tpu.memory_space<vmem_shared>>
      %dma_start3A_446 = tpu.memref_squeeze %dma_start3A_445 : memref<1x2048xf32, #tpu.memory_space<vmem_shared>> -> memref<2048xf32, #tpu.memory_space<vmem_shared>>
      %dma_start3A_447 = arith.constant 0 : i32
      %dma_start3A_448 = tpu.memref_slice %arg7[%dma_start3A_447] : memref<2048xf32, #tpu.memory_space<vmem>> -> memref<2048xf32, #tpu.memory_space<vmem>>
      tpu.enqueue_dma source(%dma_start3A_448 : memref<2048xf32, #tpu.memory_space<vmem>>) target(%dma_start3A_446 : memref<2048xf32, #tpu.memory_space<vmem_shared>>) target_semaphore(%run_scoped3A : memref<!tpu.dma_semaphore, #tpu.memory_space<semaphore_mem>>)
      %dma_wait3A_449 = arith.constant 0 : i32
      %dma_wait3A_450 = tpu.memref_slice %arg7[%dma_wait3A_449] : memref<2048xf32, #tpu.memory_space<vmem>> -> memref<2048xf32, #tpu.memory_space<vmem>>
      %dma_wait3A_451 = arith.constant 0 : i32
      %dma_wait3A_452 = tpu.memref_slice %arg18[%arg1, %dma_wait3A_451] : memref<16x2048xf32, #tpu.memory_space<vmem_shared>> -> memref<1x2048xf32, #tpu.memory_space<vmem_shared>>
      %dma_wait3A_453 = tpu.memref_squeeze %dma_wait3A_452 : memref<1x2048xf32, #tpu.memory_space<vmem_shared>> -> memref<2048xf32, #tpu.memory_space<vmem_shared>>
      %dma_wait3A_454 = arith.constant 0 : i32
      %dma_wait3A_455 = tpu.memref_slice %arg18[%arg1, %dma_wait3A_454] : memref<16x2048xf32, #tpu.memory_space<vmem_shared>> -> memref<1x2048xf32, #tpu.memory_space<vmem_shared>>
      %dma_wait3A_456 = tpu.memref_squeeze %dma_wait3A_455 : memref<1x2048xf32, #tpu.memory_space<vmem_shared>> -> memref<2048xf32, #tpu.memory_space<vmem_shared>>
      %dma_wait3A_457 = arith.constant 0 : i32
      %dma_wait3A_458 = tpu.memref_slice %arg7[%dma_wait3A_457] : memref<2048xf32, #tpu.memory_space<vmem>> -> memref<2048xf32, #tpu.memory_space<vmem>>
      tpu.wait_dma2 semaphore(%run_scoped3A : memref<!tpu.dma_semaphore, #tpu.memory_space<semaphore_mem>>) src(%dma_wait3A_458 : memref<2048xf32, #tpu.memory_space<vmem>>) dst(%dma_wait3A_456 : memref<2048xf32, #tpu.memory_space<vmem_shared>>)
      tpu.yield
    }) : () -> ()
    %barrier3A_166 = arith.constant 0 : index
    tpu.barrier barrier_id(%barrier3A_166)
    %broadcast_in_dim3A_167 = arith.constant 0.000000e+00 : f32
    %broadcast_in_dim3A_168 = vector.broadcast %broadcast_in_dim3A_167 : f32 to vector<16xf32>
    %swap3A_169 = arith.constant 0 : index
    %swap3A_170 = tpu.vector_load %arg11[%swap3A_169] {strides = array<i32>} : memref<128xf32, #tpu.memory_space<vmem>>, vector<16xf32>,
    tpu.vector_store %arg11[%swap3A_169], %broadcast_in_dim3A_168 {strides = array<i32>} : memref<128xf32, #tpu.memory_space<vmem>>, vector<16xf32>,
    %swap3A_171 = arith.constant 16 : index
    %swap3A_172 = tpu.vector_load %arg11[%swap3A_171] {strides = array<i32>} : memref<128xf32, #tpu.memory_space<vmem>>, vector<16xf32>,
    tpu.vector_store %arg11[%swap3A_171], %broadcast_in_dim3A_168 {strides = array<i32>} : memref<128xf32, #tpu.memory_space<vmem>>, vector<16xf32>,
    %swap3A_173 = arith.constant 32 : index
    %swap3A_174 = tpu.vector_load %arg11[%swap3A_173] {strides = array<i32>} : memref<128xf32, #tpu.memory_space<vmem>>, vector<16xf32>,
    tpu.vector_store %arg11[%swap3A_173], %broadcast_in_dim3A_168 {strides = array<i32>} : memref<128xf32, #tpu.memory_space<vmem>>, vector<16xf32>,
    %swap3A_175 = arith.constant 48 : index
    %swap3A_176 = tpu.vector_load %arg11[%swap3A_175] {strides = array<i32>} : memref<128xf32, #tpu.memory_space<vmem>>, vector<16xf32>,
    tpu.vector_store %arg11[%swap3A_175], %broadcast_in_dim3A_168 {strides = array<i32>} : memref<128xf32, #tpu.memory_space<vmem>>, vector<16xf32>,
    %swap3A_177 = arith.constant 64 : index
    %swap3A_178 = tpu.vector_load %arg11[%swap3A_177] {strides = array<i32>} : memref<128xf32, #tpu.memory_space<vmem>>, vector<16xf32>,
    tpu.vector_store %arg11[%swap3A_177], %broadcast_in_dim3A_168 {strides = array<i32>} : memref<128xf32, #tpu.memory_space<vmem>>, vector<16xf32>,
    %swap3A_179 = arith.constant 80 : index
    %swap3A_180 = tpu.vector_load %arg11[%swap3A_179] {strides = array<i32>} : memref<128xf32, #tpu.memory_space<vmem>>, vector<16xf32>,
    tpu.vector_store %arg11[%swap3A_179], %broadcast_in_dim3A_168 {strides = array<i32>} : memref<128xf32, #tpu.memory_space<vmem>>, vector<16xf32>,
    %swap3A_181 = arith.constant 96 : index
    %swap3A_182 = tpu.vector_load %arg11[%swap3A_181] {strides = array<i32>} : memref<128xf32, #tpu.memory_space<vmem>>, vector<16xf32>,
    tpu.vector_store %arg11[%swap3A_181], %broadcast_in_dim3A_168 {strides = array<i32>} : memref<128xf32, #tpu.memory_space<vmem>>, vector<16xf32>,
    %swap3A_183 = arith.constant 112 : index
    %swap3A_184 = tpu.vector_load %arg11[%swap3A_183] {strides = array<i32>} : memref<128xf32, #tpu.memory_space<vmem>>, vector<16xf32>,
    tpu.vector_store %arg11[%swap3A_183], %broadcast_in_dim3A_168 {strides = array<i32>} : memref<128xf32, #tpu.memory_space<vmem>>, vector<16xf32>,
    %scan3A_185 = arith.constant 0 : i32
    %scan3A_186 = arith.constant 0 : i32
    %scan3A_187 = arith.constant 16 : i32
    %scan3A_188 = arith.addi %scan3A_186, %scan3A_187 : i32
    %scan3A_189 = arith.constant 1 : i32
    scf.for %scan3A_439 = %scan3A_186 to %scan3A_188 step %scan3A_189  : i32 {
      %mul3A_440 = arith.constant 128 : i32
      %mul3A_441 = arith.muli %arg1, %mul3A_440 : i32
      "tpu.region"() ({
        %run_scoped3A = tpu.sem_alloc : memref<!tpu.dma_semaphore, #tpu.memory_space<semaphore_mem>>
        %dma_start3A_497 = arith.constant 0 : i32
        %dma_start3A_498 = tpu.memref_slice %arg9[%dma_start3A_497] : memref<128xf32, #tpu.memory_space<vmem>> -> memref<128xf32, #tpu.memory_space<vmem>>
        %dma_start3A_499 = tpu.memref_slice %arg18[%scan3A_439, %mul3A_441] : memref<16x2048xf32, #tpu.memory_space<vmem_shared>> -> memref<1x128xf32, #tpu.memory_space<vmem_shared>>
        %dma_start3A_500 = tpu.memref_squeeze %dma_start3A_499 : memref<1x128xf32, #tpu.memory_space<vmem_shared>> -> memref<128xf32, #tpu.memory_space<vmem_shared>>
        %dma_start3A_501 = arith.constant 0 : i32
        %dma_start3A_502 = tpu.memref_slice %arg9[%dma_start3A_501] : memref<128xf32, #tpu.memory_space<vmem>> -> memref<128xf32, #tpu.memory_space<vmem>>
        %dma_start3A_503 = tpu.memref_slice %arg18[%scan3A_439, %mul3A_441] : memref<16x2048xf32, #tpu.memory_space<vmem_shared>> -> memref<1x128xf32, #tpu.memory_space<vmem_shared>>
        %dma_start3A_504 = tpu.memref_squeeze %dma_start3A_503 : memref<1x128xf32, #tpu.memory_space<vmem_shared>> -> memref<128xf32, #tpu.memory_space<vmem_shared>>
        tpu.enqueue_dma source(%dma_start3A_504 : memref<128xf32, #tpu.memory_space<vmem_shared>>) target(%dma_start3A_502 : memref<128xf32, #tpu.memory_space<vmem>>) target_semaphore(%run_scoped3A : memref<!tpu.dma_semaphore, #tpu.memory_space<semaphore_mem>>)
        %dma_wait3A_505 = arith.constant 0 : i32
        %dma_wait3A_506 = tpu.memref_slice %arg9[%dma_wait3A_505] : memref<128xf32, #tpu.memory_space<vmem>> -> memref<128xf32, #tpu.memory_space<vmem>>
        %dma_wait3A_507 = tpu.memref_slice %arg18[%scan3A_439, %mul3A_441] : memref<16x2048xf32, #tpu.memory_space<vmem_shared>> -> memref<1x128xf32, #tpu.memory_space<vmem_shared>>
        %dma_wait3A_508 = tpu.memref_squeeze %dma_wait3A_507 : memref<1x128xf32, #tpu.memory_space<vmem_shared>> -> memref<128xf32, #tpu.memory_space<vmem_shared>>
        %dma_wait3A_509 = arith.constant 0 : i32
        %dma_wait3A_510 = tpu.memref_slice %arg9[%dma_wait3A_509] : memref<128xf32, #tpu.memory_space<vmem>> -> memref<128xf32, #tpu.memory_space<vmem>>
        %dma_wait3A_511 = tpu.memref_slice %arg18[%scan3A_439, %mul3A_441] : memref<16x2048xf32, #tpu.memory_space<vmem_shared>> -> memref<1x128xf32, #tpu.memory_space<vmem_shared>>
        %dma_wait3A_512 = tpu.memref_squeeze %dma_wait3A_511 : memref<1x128xf32, #tpu.memory_space<vmem_shared>> -> memref<128xf32, #tpu.memory_space<vmem_shared>>
        tpu.wait_dma2 semaphore(%run_scoped3A : memref<!tpu.dma_semaphore, #tpu.memory_space<semaphore_mem>>) src(%dma_wait3A_512 : memref<128xf32, #tpu.memory_space<vmem_shared>>) dst(%dma_wait3A_510 : memref<128xf32, #tpu.memory_space<vmem>>)
        tpu.yield
      }) : () -> ()
      %get3A = arith.constant 0 : index
      %get3A_442 = tpu.vector_load %arg11[%get3A] {strides = array<i32>} : memref<128xf32, #tpu.memory_space<vmem>>, vector<16xf32>,
      %get3A_443 = arith.constant 0 : index
      %get3A_444 = tpu.vector_load %arg9[%get3A_443] {strides = array<i32>} : memref<128xf32, #tpu.memory_space<vmem>>, vector<16xf32>,
      %add3A_445 = arith.addf %get3A_442, %get3A_444 : vector<16xf32>
      %swap3A_446 = arith.constant 0 : index
      %swap3A_447 = tpu.vector_load %arg11[%swap3A_446] {strides = array<i32>} : memref<128xf32, #tpu.memory_space<vmem>>, vector<16xf32>,
      tpu.vector_store %arg11[%swap3A_446], %add3A_445 {strides = array<i32>} : memref<128xf32, #tpu.memory_space<vmem>>, vector<16xf32>,
      %get3A_448 = arith.constant 16 : index
      %get3A_449 = tpu.vector_load %arg11[%get3A_448] {strides = array<i32>} : memref<128xf32, #tpu.memory_space<vmem>>, vector<16xf32>,
      %get3A_450 = arith.constant 16 : index
      %get3A_451 = tpu.vector_load %arg9[%get3A_450] {strides = array<i32>} : memref<128xf32, #tpu.memory_space<vmem>>, vector<16xf32>,
      %add3A_452 = arith.addf %get3A_449, %get3A_451 : vector<16xf32>
      %swap3A_453 = arith.constant 16 : index
      %swap3A_454 = tpu.vector_load %arg11[%swap3A_453] {strides = array<i32>} : memref<128xf32, #tpu.memory_space<vmem>>, vector<16xf32>,
      tpu.vector_store %arg11[%swap3A_453], %add3A_452 {strides = array<i32>} : memref<128xf32, #tpu.memory_space<vmem>>, vector<16xf32>,
      %get3A_455 = arith.constant 32 : index
      %get3A_456 = tpu.vector_load %arg11[%get3A_455] {strides = array<i32>} : memref<128xf32, #tpu.memory_space<vmem>>, vector<16xf32>,
      %get3A_457 = arith.constant 32 : index
      %get3A_458 = tpu.vector_load %arg9[%get3A_457] {strides = array<i32>} : memref<128xf32, #tpu.memory_space<vmem>>, vector<16xf32>,
      %add3A_459 = arith.addf %get3A_456, %get3A_458 : vector<16xf32>
      %swap3A_460 = arith.constant 32 : index
      %swap3A_461 = tpu.vector_load %arg11[%swap3A_460] {strides = array<i32>} : memref<128xf32, #tpu.memory_space<vmem>>, vector<16xf32>,
      tpu.vector_store %arg11[%swap3A_460], %add3A_459 {strides = array<i32>} : memref<128xf32, #tpu.memory_space<vmem>>, vector<16xf32>,
      %get3A_462 = arith.constant 48 : index
      %get3A_463 = tpu.vector_load %arg11[%get3A_462] {strides = array<i32>} : memref<128xf32, #tpu.memory_space<vmem>>, vector<16xf32>,
      %get3A_464 = arith.constant 48 : index
      %get3A_465 = tpu.vector_load %arg9[%get3A_464] {strides = array<i32>} : memref<128xf32, #tpu.memory_space<vmem>>, vector<16xf32>,
      %add3A_466 = arith.addf %get3A_463, %get3A_465 : vector<16xf32>
      %swap3A_467 = arith.constant 48 : index
      %swap3A_468 = tpu.vector_load %arg11[%swap3A_467] {strides = array<i32>} : memref<128xf32, #tpu.memory_space<vmem>>, vector<16xf32>,
      tpu.vector_store %arg11[%swap3A_467], %add3A_466 {strides = array<i32>} : memref<128xf32, #tpu.memory_space<vmem>>, vector<16xf32>,
      %get3A_469 = arith.constant 64 : index
      %get3A_470 = tpu.vector_load %arg11[%get3A_469] {strides = array<i32>} : memref<128xf32, #tpu.memory_space<vmem>>, vector<16xf32>,
      %get3A_471 = arith.constant 64 : index
      %get3A_472 = tpu.vector_load %arg9[%get3A_471] {strides = array<i32>} : memref<128xf32, #tpu.memory_space<vmem>>, vector<16xf32>,
      %add3A_473 = arith.addf %get3A_470, %get3A_472 : vector<16xf32>
      %swap3A_474 = arith.constant 64 : index
      %swap3A_475 = tpu.vector_load %arg11[%swap3A_474] {strides = array<i32>} : memref<128xf32, #tpu.memory_space<vmem>>, vector<16xf32>,
      tpu.vector_store %arg11[%swap3A_474], %add3A_473 {strides = array<i32>} : memref<128xf32, #tpu.memory_space<vmem>>, vector<16xf32>,
      %get3A_476 = arith.constant 80 : index
      %get3A_477 = tpu.vector_load %arg11[%get3A_476] {strides = array<i32>} : memref<128xf32, #tpu.memory_space<vmem>>, vector<16xf32>,
      %get3A_478 = arith.constant 80 : index
      %get3A_479 = tpu.vector_load %arg9[%get3A_478] {strides = array<i32>} : memref<128xf32, #tpu.memory_space<vmem>>, vector<16xf32>,
      %add3A_480 = arith.addf %get3A_477, %get3A_479 : vector<16xf32>
      %swap3A_481 = arith.constant 80 : index
      %swap3A_482 = tpu.vector_load %arg11[%swap3A_481] {strides = array<i32>} : memref<128xf32, #tpu.memory_space<vmem>>, vector<16xf32>,
      tpu.vector_store %arg11[%swap3A_481], %add3A_480 {strides = array<i32>} : memref<128xf32, #tpu.memory_space<vmem>>, vector<16xf32>,
      %get3A_483 = arith.constant 96 : index
      %get3A_484 = tpu.vector_load %arg11[%get3A_483] {strides = array<i32>} : memref<128xf32, #tpu.memory_space<vmem>>, vector<16xf32>,
      %get3A_485 = arith.constant 96 : index
      %get3A_486 = tpu.vector_load %arg9[%get3A_485] {strides = array<i32>} : memref<128xf32, #tpu.memory_space<vmem>>, vector<16xf32>,
      %add3A_487 = arith.addf %get3A_484, %get3A_486 : vector<16xf32>
      %swap3A_488 = arith.constant 96 : index
      %swap3A_489 = tpu.vector_load %arg11[%swap3A_488] {strides = array<i32>} : memref<128xf32, #tpu.memory_space<vmem>>, vector<16xf32>,
      tpu.vector_store %arg11[%swap3A_488], %add3A_487 {strides = array<i32>} : memref<128xf32, #tpu.memory_space<vmem>>, vector<16xf32>,
      %get3A_490 = arith.constant 112 : index
      %get3A_491 = tpu.vector_load %arg11[%get3A_490] {strides = array<i32>} : memref<128xf32, #tpu.memory_space<vmem>>, vector<16xf32>,
      %get3A_492 = arith.constant 112 : index
      %get3A_493 = tpu.vector_load %arg9[%get3A_492] {strides = array<i32>} : memref<128xf32, #tpu.memory_space<vmem>>, vector<16xf32>,
      %add3A_494 = arith.addf %get3A_491, %get3A_493 : vector<16xf32>
      %swap3A_495 = arith.constant 112 : index
      %swap3A_496 = tpu.vector_load %arg11[%swap3A_495] {strides = array<i32>} : memref<128xf32, #tpu.memory_space<vmem>>, vector<16xf32>,
      tpu.vector_store %arg11[%swap3A_495], %add3A_494 {strides = array<i32>} : memref<128xf32, #tpu.memory_space<vmem>>, vector<16xf32>,
    }
    %scan3A_190 = arith.constant 16 : i32
    %mul3A_191 = arith.constant 128 : i32
    %mul3A_192 = arith.muli %arg1, %mul3A_191 : i32
    "tpu.region"() ({
      %run_scoped3A = tpu.sem_alloc : memref<!tpu.dma_semaphore, #tpu.memory_space<semaphore_mem>>
      %dma_start3A_439 = arith.constant 0 : i32
      %dma_start3A_440 = tpu.memref_slice %arg11[%dma_start3A_439] : memref<128xf32, #tpu.memory_space<vmem>> -> memref<128xf32, #tpu.memory_space<vmem>>
      %dma_start3A_441 = tpu.memref_slice %arg20[%mul3A_192] : memref<2048xf32, #tpu.memory_space<vmem_shared>> -> memref<128xf32, #tpu.memory_space<vmem_shared>>
      %dma_start3A_442 = tpu.memref_slice %arg20[%mul3A_192] : memref<2048xf32, #tpu.memory_space<vmem_shared>> -> memref<128xf32, #tpu.memory_space<vmem_shared>>
      %dma_start3A_443 = arith.constant 0 : i32
      %dma_start3A_444 = tpu.memref_slice %arg11[%dma_start3A_443] : memref<128xf32, #tpu.memory_space<vmem>> -> memref<128xf32, #tpu.memory_space<vmem>>
      tpu.enqueue_dma source(%dma_start3A_444 : memref<128xf32, #tpu.memory_space<vmem>>) target(%dma_start3A_442 : memref<128xf32, #tpu.memory_space<vmem_shared>>) target_semaphore(%run_scoped3A : memref<!tpu.dma_semaphore, #tpu.memory_space<semaphore_mem>>)
      %dma_wait3A_445 = arith.constant 0 : i32
      %dma_wait3A_446 = tpu.memref_slice %arg11[%dma_wait3A_445] : memref<128xf32, #tpu.memory_space<vmem>> -> memref<128xf32, #tpu.memory_space<vmem>>
      %dma_wait3A_447 = tpu.memref_slice %arg20[%mul3A_192] : memref<2048xf32, #tpu.memory_space<vmem_shared>> -> memref<128xf32, #tpu.memory_space<vmem_shared>>
      %dma_wait3A_448 = tpu.memref_slice %arg20[%mul3A_192] : memref<2048xf32, #tpu.memory_space<vmem_shared>> -> memref<128xf32, #tpu.memory_space<vmem_shared>>
      %dma_wait3A_449 = arith.constant 0 : i32
      %dma_wait3A_450 = tpu.memref_slice %arg11[%dma_wait3A_449] : memref<128xf32, #tpu.memory_space<vmem>> -> memref<128xf32, #tpu.memory_space<vmem>>
      tpu.wait_dma2 semaphore(%run_scoped3A : memref<!tpu.dma_semaphore, #tpu.memory_space<semaphore_mem>>) src(%dma_wait3A_450 : memref<128xf32, #tpu.memory_space<vmem>>) dst(%dma_wait3A_448 : memref<128xf32, #tpu.memory_space<vmem_shared>>)
      tpu.yield
    }) : () -> ()
    %barrier3A_193 = arith.constant 0 : index
    tpu.barrier barrier_id(%barrier3A_193)
    "tpu.region"() ({
      %run_scoped3A = tpu.sem_alloc : memref<!tpu.dma_semaphore, #tpu.memory_space<semaphore_mem>>
      %dma_start3A_439 = arith.constant 0 : i32
      %dma_start3A_440 = tpu.memref_slice %arg13[%dma_start3A_439] : memref<2048xf32, #tpu.memory_space<vmem>> -> memref<2048xf32, #tpu.memory_space<vmem>>
      %dma_start3A_441 = arith.constant 0 : i32
      %dma_start3A_442 = tpu.memref_slice %arg20[%dma_start3A_441] : memref<2048xf32, #tpu.memory_space<vmem_shared>> -> memref<2048xf32, #tpu.memory_space<vmem_shared>>
      %dma_start3A_443 = arith.constant 0 : i32
      %dma_start3A_444 = tpu.memref_slice %arg13[%dma_start3A_443] : memref<2048xf32, #tpu.memory_space<vmem>> -> memref<2048xf32, #tpu.memory_space<vmem>>
      %dma_start3A_445 = arith.constant 0 : i32
      %dma_start3A_446 = tpu.memref_slice %arg20[%dma_start3A_445] : memref<2048xf32, #tpu.memory_space<vmem_shared>> -> memref<2048xf32, #tpu.memory_space<vmem_shared>>
      tpu.enqueue_dma source(%dma_start3A_446 : memref<2048xf32, #tpu.memory_space<vmem_shared>>) target(%dma_start3A_444 : memref<2048xf32, #tpu.memory_space<vmem>>) target_semaphore(%run_scoped3A : memref<!tpu.dma_semaphore, #tpu.memory_space<semaphore_mem>>)
      %dma_wait3A_447 = arith.constant 0 : i32
      %dma_wait3A_448 = tpu.memref_slice %arg13[%dma_wait3A_447] : memref<2048xf32, #tpu.memory_space<vmem>> -> memref<2048xf32, #tpu.memory_space<vmem>>
      %dma_wait3A_449 = arith.constant 0 : i32
      %dma_wait3A_450 = tpu.memref_slice %arg20[%dma_wait3A_449] : memref<2048xf32, #tpu.memory_space<vmem_shared>> -> memref<2048xf32, #tpu.memory_space<vmem_shared>>
      %dma_wait3A_451 = arith.constant 0 : i32
      %dma_wait3A_452 = tpu.memref_slice %arg13[%dma_wait3A_451] : memref<2048xf32, #tpu.memory_space<vmem>> -> memref<2048xf32, #tpu.memory_space<vmem>>
      %dma_wait3A_453 = arith.constant 0 : i32
      %dma_wait3A_454 = tpu.memref_slice %arg20[%dma_wait3A_453] : memref<2048xf32, #tpu.memory_space<vmem_shared>> -> memref<2048xf32, #tpu.memory_space<vmem_shared>>
      tpu.wait_dma2 semaphore(%run_scoped3A : memref<!tpu.dma_semaphore, #tpu.memory_space<semaphore_mem>>) src(%dma_wait3A_454 : memref<2048xf32, #tpu.memory_space<vmem_shared>>) dst(%dma_wait3A_452 : memref<2048xf32, #tpu.memory_space<vmem>>)
      tpu.yield
    }) : () -> ()
    %iota3A = tpu.iota {dimensions = array<i32: 0>} : vector<16xi32>
    %scan3A_194 = arith.constant 1468006 : i32
    %scan3A_195 = arith.constant 0 : i32
    %scan3A_196 = arith.constant false
    %scan3A_197 = arith.constant 0 : i32
    %scan3A_198 = arith.constant 0 : i32
    %scan3A_199 = arith.constant 0 : i32
    %scan3A_200 = arith.constant 0 : i32
    %scan3A_201 = arith.constant 128 : i32
    %scan3A_202 = arith.addi %scan3A_200, %scan3A_201 : i32
    %scan3A_203 = arith.constant 1 : i32
    %scan3A_204:5 = scf.for %scan3A_439 = %scan3A_200 to %scan3A_202 step %scan3A_203 iter_args(%scan3A_440 = %scan3A_195, %scan3A_441 = %scan3A_196, %scan3A_442 = %scan3A_197, %scan3A_443 = %scan3A_198, %scan3A_444 = %scan3A_199) -> (i32, i1, i32, i32, i32)  : i32 {
      %sub3A_445 = arith.constant 127 : i32
      %sub3A_446 = arith.subi %sub3A_445, %scan3A_439 : i32
      %mul3A_447 = arith.constant 16 : i32
      %mul3A_448 = arith.muli %sub3A_446, %mul3A_447 : i32
      %get3A = arith.index_cast %mul3A_448 : i32 to index
      %get3A_449 = tpu.vector_load %arg12[%get3A] {strides = array<i32>} : memref<2048xi32, #tpu.memory_space<vmem>>, vector<16xi32>,
      %rev3A = arith.constant 15 : i32
      %rev3A_450 = vector.broadcast %rev3A : i32 to vector<16xi32>
      %rev3A_451 = tpu.iota {dimensions = array<i32: 0>} : vector<16xi32>
      %rev3A_452 = arith.subi %rev3A_450, %rev3A_451 : vector<16xi32>
      %rev3A_453 = tpu.dynamic_gather %get3A_449[%rev3A_452] in [0] : vector<16xi32>, vector<16xi32> -> vector<16xi32>
      %cumsum3A = arith.constant true
      %cumsum3A_454 = vector.broadcast %cumsum3A : i1 to vector<16xi1>
      %cumsum3A_455 = tpu.scan <sum>, %rev3A_453 masked %cumsum3A_454 : vector<16xi32>, vector<16xi1> -> vector<16xi32>
      %rev3A_456 = arith.constant 15 : i32
      %rev3A_457 = vector.broadcast %rev3A_456 : i32 to vector<16xi32>
      %rev3A_458 = tpu.iota {dimensions = array<i32: 0>} : vector<16xi32>
      %rev3A_459 = arith.subi %rev3A_457, %rev3A_458 : vector<16xi32>
      %rev3A_460 = tpu.dynamic_gather %cumsum3A_455[%rev3A_459] in [0] : vector<16xi32>, vector<16xi32> -> vector<16xi32>
      %add3A_461 = vector.broadcast %scan3A_440 : i32 to vector<16xi32>
      %add3A_462 = arith.addi %rev3A_460, %add3A_461 : vector<16xi32>
      %ge3A = vector.broadcast %scan3A_194 : i32 to vector<16xi32>
      %ge3A_463 = arith.cmpi sge, %add3A_462, %ge3A : vector<16xi32>
      %convert_element_type3A_464 = arith.extui %ge3A_463 : vector<16xi1> to vector<16xi32>
      %reduce_sum3A = arith.constant true
      %reduce_sum3A_465 = vector.broadcast %reduce_sum3A : i1 to vector<16xi1>
      %reduce_sum3A_466 = tpu.scan <sum>, %convert_element_type3A_464 masked %reduce_sum3A_465 : vector<16xi32>, vector<16xi1> -> vector<16xi32>
      %reduce_sum3A_467 = vector.extract %reduce_sum3A_466[15] : i32 from vector<16xi32>
      %gt3A = arith.constant 0 : i32
      %gt3A_468 = arith.cmpi sgt, %reduce_sum3A_467, %gt3A : i32
      %sub3A_469 = arith.constant 1 : i32
      %sub3A_470 = arith.subi %reduce_sum3A_467, %sub3A_469 : i32
      %eq3A_471 = vector.broadcast %sub3A_470 : i32 to vector<16xi32>
      %eq3A_472 = arith.cmpi eq, %iota3A, %eq3A_471 : vector<16xi32>
      %jit3A = arith.constant 0 : i32
      %broadcast_in_dim3A_473 = vector.broadcast %jit3A : i32 to vector<16xi32>
      %select_n3A = arith.select %eq3A_472, %get3A_449, %broadcast_in_dim3A_473 : vector<16xi1>, vector<16xi32>
      %reduce_sum3A_474 = arith.constant true
      %reduce_sum3A_475 = vector.broadcast %reduce_sum3A_474 : i1 to vector<16xi1>
      %reduce_sum3A_476 = tpu.scan <sum>, %select_n3A masked %reduce_sum3A_475 : vector<16xi32>, vector<16xi1> -> vector<16xi32>
      %reduce_sum3A_477 = vector.extract %reduce_sum3A_476[15] : i32 from vector<16xi32>
      %jit3A_478 = arith.constant 0 : i32
      %broadcast_in_dim3A_479 = vector.broadcast %jit3A_478 : i32 to vector<16xi32>
      %select_n3A_480 = arith.select %eq3A_472, %add3A_462, %broadcast_in_dim3A_479 : vector<16xi1>, vector<16xi32>
      %reduce_sum3A_481 = arith.constant true
      %reduce_sum3A_482 = vector.broadcast %reduce_sum3A_481 : i1 to vector<16xi1>
      %reduce_sum3A_483 = tpu.scan <sum>, %select_n3A_480 masked %reduce_sum3A_482 : vector<16xi32>, vector<16xi1> -> vector<16xi32>
      %reduce_sum3A_484 = vector.extract %reduce_sum3A_483[15] : i32 from vector<16xi32>
      %not3A = arith.constant true
      %not3A_485 = arith.xori %scan3A_441, %not3A : i1
      %and3A = arith.andi %gt3A_468, %not3A_485 : i1
      %mul3A_486 = arith.constant 16 : i32
      %mul3A_487 = arith.muli %sub3A_446, %mul3A_486 : i32
      %add3A_488 = arith.addi %mul3A_487, %sub3A_470 : i32
      %select_n3A_489 = arith.select %and3A, %add3A_488, %scan3A_442 : i32
      %sub3A_490 = arith.subi %reduce_sum3A_484, %reduce_sum3A_477 : i32
      %select_n3A_491 = arith.select %and3A, %sub3A_490, %scan3A_443 : i32
      %select_n3A_492 = arith.select %and3A, %reduce_sum3A_477, %scan3A_444 : i32
      %or3A = arith.ori %scan3A_441, %gt3A_468 : i1
      %reduce_sum3A_493 = arith.constant true
      %reduce_sum3A_494 = vector.broadcast %reduce_sum3A_493 : i1 to vector<16xi1>
      %reduce_sum3A_495 = tpu.scan <sum>, %get3A_449 masked %reduce_sum3A_494 : vector<16xi32>, vector<16xi1> -> vector<16xi32>
      %reduce_sum3A_496 = vector.extract %reduce_sum3A_495[15] : i32 from vector<16xi32>
      %add3A_497 = arith.addi %scan3A_440, %reduce_sum3A_496 : i32
      scf.yield %add3A_497, %or3A, %select_n3A_489, %select_n3A_491, %select_n3A_492 : i32, i1, i32, i32, i32
    }
    %scan3A_205 = arith.constant 128 : i32
    %iota3A_206 = tpu.iota {dimensions = array<i32: 0>} : vector<16xi32>
    %scan3A_207 = arith.constant 0.000000e+00 : f32
    %scan3A_208 = arith.constant 0.000000e+00 : f32
    %scan3A_209 = arith.constant 0 : i32
    %scan3A_210 = arith.constant 128 : i32
    %scan3A_211 = arith.addi %scan3A_209, %scan3A_210 : i32
    %scan3A_212 = arith.constant 1 : i32
    %scan3A_213:2 = scf.for %scan3A_439 = %scan3A_209 to %scan3A_211 step %scan3A_212 iter_args(%scan3A_440 = %scan3A_207, %scan3A_441 = %scan3A_208) -> (f32, f32)  : i32 {
      %mul3A_442 = arith.constant 16 : i32
      %mul3A_443 = arith.muli %scan3A_439, %mul3A_442 : i32
      %mul3A_444 = arith.constant 16 : i32
      %mul3A_445 = arith.muli %scan3A_439, %mul3A_444 : i32
      %get3A = arith.index_cast %mul3A_445 : i32 to index
      %get3A_446 = tpu.vector_load %arg13[%get3A] {strides = array<i32>} : memref<2048xf32, #tpu.memory_space<vmem>>, vector<16xf32>,
      %add3A_447 = vector.broadcast %mul3A_443 : i32 to vector<16xi32>
      %add3A_448 = arith.addi %iota3A_206, %add3A_447 : vector<16xi32>
      %gt3A = vector.broadcast %scan3A_204#2 : i32 to vector<16xi32>
      %gt3A_449 = arith.cmpi sgt, %add3A_448, %gt3A : vector<16xi32>
      %jit3A = arith.constant 0.000000e+00 : f32
      %broadcast_in_dim3A_450 = vector.broadcast %jit3A : f32 to vector<16xf32>
      %select_n3A = arith.select %gt3A_449, %get3A_446, %broadcast_in_dim3A_450 : vector<16xi1>, vector<16xf32>
      %reduce_sum3A = arith.constant true
      %reduce_sum3A_451 = vector.broadcast %reduce_sum3A : i1 to vector<16xi1>
      %reduce_sum3A_452 = tpu.scan <sum>, %select_n3A masked %reduce_sum3A_451 : vector<16xf32>, vector<16xi1> -> vector<16xf32>
      %reduce_sum3A_453 = vector.extract %reduce_sum3A_452[15] : f32 from vector<16xf32>
      %add3A_454 = arith.addf %scan3A_440, %reduce_sum3A_453 : f32
      %eq3A_455 = vector.broadcast %scan3A_204#2 : i32 to vector<16xi32>
      %eq3A_456 = arith.cmpi eq, %add3A_448, %eq3A_455 : vector<16xi32>
      %jit3A_457 = arith.constant 0.000000e+00 : f32
      %broadcast_in_dim3A_458 = vector.broadcast %jit3A_457 : f32 to vector<16xf32>
      %select_n3A_459 = arith.select %eq3A_456, %get3A_446, %broadcast_in_dim3A_458 : vector<16xi1>, vector<16xf32>
      %reduce_sum3A_460 = arith.constant true
      %reduce_sum3A_461 = vector.broadcast %reduce_sum3A_460 : i1 to vector<16xi1>
      %reduce_sum3A_462 = tpu.scan <sum>, %select_n3A_459 masked %reduce_sum3A_461 : vector<16xf32>, vector<16xi1> -> vector<16xf32>
      %reduce_sum3A_463 = vector.extract %reduce_sum3A_462[15] : f32 from vector<16xf32>
      %add3A_464 = arith.addf %scan3A_441, %reduce_sum3A_463 : f32
      scf.yield %add3A_454, %add3A_464 : f32, f32
    }
    %scan3A_214 = arith.constant 128 : i32
    %barrier3A_215 = arith.constant 0 : index
    tpu.barrier barrier_id(%barrier3A_215)
    %broadcast_in_dim3A_216 = arith.constant 0 : i32
    %broadcast_in_dim3A_217 = vector.broadcast %broadcast_in_dim3A_216 : i32 to vector<16xi32>
    %scan3A_218 = arith.constant 0 : i32
    %scan3A_219 = arith.constant 0 : i32
    %scan3A_220 = arith.constant 8 : i32
    %scan3A_221 = arith.addi %scan3A_219, %scan3A_220 : i32
    %scan3A_222 = arith.constant 1 : i32
    scf.for %scan3A_439 = %scan3A_219 to %scan3A_221 step %scan3A_222  : i32 {
      %mul3A_440 = arith.constant 8 : i32
      %mul3A_441 = arith.muli %scan3A_439, %mul3A_440 : i32
      %add3A_442 = arith.constant 0 : i32
      %add3A_443 = arith.addi %mul3A_441, %add3A_442 : i32
      %mul3A_444 = arith.constant 16 : i32
      %mul3A_445 = arith.muli %add3A_443, %mul3A_444 : i32
      %swap3A_446 = arith.index_cast %mul3A_445 : i32 to index
      %swap3A_447 = tpu.vector_load %arg6[%swap3A_446] {strides = array<i32>} : memref<2048xi32, #tpu.memory_space<vmem>>, vector<16xi32>,
      tpu.vector_store %arg6[%swap3A_446], %broadcast_in_dim3A_217 {strides = array<i32>} : memref<2048xi32, #tpu.memory_space<vmem>>, vector<16xi32>,
      %mul3A_448 = arith.constant 8 : i32
      %mul3A_449 = arith.muli %scan3A_439, %mul3A_448 : i32
      %add3A_450 = arith.constant 1 : i32
      %add3A_451 = arith.addi %mul3A_449, %add3A_450 : i32
      %mul3A_452 = arith.constant 16 : i32
      %mul3A_453 = arith.muli %add3A_451, %mul3A_452 : i32
      %swap3A_454 = arith.index_cast %mul3A_453 : i32 to index
      %swap3A_455 = tpu.vector_load %arg6[%swap3A_454] {strides = array<i32>} : memref<2048xi32, #tpu.memory_space<vmem>>, vector<16xi32>,
      tpu.vector_store %arg6[%swap3A_454], %broadcast_in_dim3A_217 {strides = array<i32>} : memref<2048xi32, #tpu.memory_space<vmem>>, vector<16xi32>,
      %mul3A_456 = arith.constant 8 : i32
      %mul3A_457 = arith.muli %scan3A_439, %mul3A_456 : i32
      %add3A_458 = arith.constant 2 : i32
      %add3A_459 = arith.addi %mul3A_457, %add3A_458 : i32
      %mul3A_460 = arith.constant 16 : i32
      %mul3A_461 = arith.muli %add3A_459, %mul3A_460 : i32
      %swap3A_462 = arith.index_cast %mul3A_461 : i32 to index
      %swap3A_463 = tpu.vector_load %arg6[%swap3A_462] {strides = array<i32>} : memref<2048xi32, #tpu.memory_space<vmem>>, vector<16xi32>,
      tpu.vector_store %arg6[%swap3A_462], %broadcast_in_dim3A_217 {strides = array<i32>} : memref<2048xi32, #tpu.memory_space<vmem>>, vector<16xi32>,
      %mul3A_464 = arith.constant 8 : i32
      %mul3A_465 = arith.muli %scan3A_439, %mul3A_464 : i32
      %add3A_466 = arith.constant 3 : i32
      %add3A_467 = arith.addi %mul3A_465, %add3A_466 : i32
      %mul3A_468 = arith.constant 16 : i32
      %mul3A_469 = arith.muli %add3A_467, %mul3A_468 : i32
      %swap3A_470 = arith.index_cast %mul3A_469 : i32 to index
      %swap3A_471 = tpu.vector_load %arg6[%swap3A_470] {strides = array<i32>} : memref<2048xi32, #tpu.memory_space<vmem>>, vector<16xi32>,
      tpu.vector_store %arg6[%swap3A_470], %broadcast_in_dim3A_217 {strides = array<i32>} : memref<2048xi32, #tpu.memory_space<vmem>>, vector<16xi32>,
      %mul3A_472 = arith.constant 8 : i32
      %mul3A_473 = arith.muli %scan3A_439, %mul3A_472 : i32
      %add3A_474 = arith.constant 4 : i32
      %add3A_475 = arith.addi %mul3A_473, %add3A_474 : i32
      %mul3A_476 = arith.constant 16 : i32
      %mul3A_477 = arith.muli %add3A_475, %mul3A_476 : i32
      %swap3A_478 = arith.index_cast %mul3A_477 : i32 to index
      %swap3A_479 = tpu.vector_load %arg6[%swap3A_478] {strides = array<i32>} : memref<2048xi32, #tpu.memory_space<vmem>>, vector<16xi32>,
      tpu.vector_store %arg6[%swap3A_478], %broadcast_in_dim3A_217 {strides = array<i32>} : memref<2048xi32, #tpu.memory_space<vmem>>, vector<16xi32>,
      %mul3A_480 = arith.constant 8 : i32
      %mul3A_481 = arith.muli %scan3A_439, %mul3A_480 : i32
      %add3A_482 = arith.constant 5 : i32
      %add3A_483 = arith.addi %mul3A_481, %add3A_482 : i32
      %mul3A_484 = arith.constant 16 : i32
      %mul3A_485 = arith.muli %add3A_483, %mul3A_484 : i32
      %swap3A_486 = arith.index_cast %mul3A_485 : i32 to index
      %swap3A_487 = tpu.vector_load %arg6[%swap3A_486] {strides = array<i32>} : memref<2048xi32, #tpu.memory_space<vmem>>, vector<16xi32>,
      tpu.vector_store %arg6[%swap3A_486], %broadcast_in_dim3A_217 {strides = array<i32>} : memref<2048xi32, #tpu.memory_space<vmem>>, vector<16xi32>,
      %mul3A_488 = arith.constant 8 : i32
      %mul3A_489 = arith.muli %scan3A_439, %mul3A_488 : i32
      %add3A_490 = arith.constant 6 : i32
      %add3A_491 = arith.addi %mul3A_489, %add3A_490 : i32
      %mul3A_492 = arith.constant 16 : i32
      %mul3A_493 = arith.muli %add3A_491, %mul3A_492 : i32
      %swap3A_494 = arith.index_cast %mul3A_493 : i32 to index
      %swap3A_495 = tpu.vector_load %arg6[%swap3A_494] {strides = array<i32>} : memref<2048xi32, #tpu.memory_space<vmem>>, vector<16xi32>,
      tpu.vector_store %arg6[%swap3A_494], %broadcast_in_dim3A_217 {strides = array<i32>} : memref<2048xi32, #tpu.memory_space<vmem>>, vector<16xi32>,
      %mul3A_496 = arith.constant 8 : i32
      %mul3A_497 = arith.muli %scan3A_439, %mul3A_496 : i32
      %add3A_498 = arith.constant 7 : i32
      %add3A_499 = arith.addi %mul3A_497, %add3A_498 : i32
      %mul3A_500 = arith.constant 16 : i32
      %mul3A_501 = arith.muli %add3A_499, %mul3A_500 : i32
      %swap3A_502 = arith.index_cast %mul3A_501 : i32 to index
      %swap3A_503 = tpu.vector_load %arg6[%swap3A_502] {strides = array<i32>} : memref<2048xi32, #tpu.memory_space<vmem>>, vector<16xi32>,
      tpu.vector_store %arg6[%swap3A_502], %broadcast_in_dim3A_217 {strides = array<i32>} : memref<2048xi32, #tpu.memory_space<vmem>>, vector<16xi32>,
    }
    %scan3A_223 = arith.constant 8 : i32
    %broadcast_in_dim3A_224 = arith.constant 0.000000e+00 : f32
    %broadcast_in_dim3A_225 = vector.broadcast %broadcast_in_dim3A_224 : f32 to vector<16xf32>
    %scan3A_226 = arith.constant 0 : i32
    %scan3A_227 = arith.constant 0 : i32
    %scan3A_228 = arith.constant 8 : i32
    %scan3A_229 = arith.addi %scan3A_227, %scan3A_228 : i32
    %scan3A_230 = arith.constant 1 : i32
    scf.for %scan3A_439 = %scan3A_227 to %scan3A_229 step %scan3A_230  : i32 {
      %mul3A_440 = arith.constant 8 : i32
      %mul3A_441 = arith.muli %scan3A_439, %mul3A_440 : i32
      %add3A_442 = arith.constant 0 : i32
      %add3A_443 = arith.addi %mul3A_441, %add3A_442 : i32
      %mul3A_444 = arith.constant 16 : i32
      %mul3A_445 = arith.muli %add3A_443, %mul3A_444 : i32
      %swap3A_446 = arith.index_cast %mul3A_445 : i32 to index
      %swap3A_447 = tpu.vector_load %arg7[%swap3A_446] {strides = array<i32>} : memref<2048xf32, #tpu.memory_space<vmem>>, vector<16xf32>,
      tpu.vector_store %arg7[%swap3A_446], %broadcast_in_dim3A_225 {strides = array<i32>} : memref<2048xf32, #tpu.memory_space<vmem>>, vector<16xf32>,
      %mul3A_448 = arith.constant 8 : i32
      %mul3A_449 = arith.muli %scan3A_439, %mul3A_448 : i32
      %add3A_450 = arith.constant 1 : i32
      %add3A_451 = arith.addi %mul3A_449, %add3A_450 : i32
      %mul3A_452 = arith.constant 16 : i32
      %mul3A_453 = arith.muli %add3A_451, %mul3A_452 : i32
      %swap3A_454 = arith.index_cast %mul3A_453 : i32 to index
      %swap3A_455 = tpu.vector_load %arg7[%swap3A_454] {strides = array<i32>} : memref<2048xf32, #tpu.memory_space<vmem>>, vector<16xf32>,
      tpu.vector_store %arg7[%swap3A_454], %broadcast_in_dim3A_225 {strides = array<i32>} : memref<2048xf32, #tpu.memory_space<vmem>>, vector<16xf32>,
      %mul3A_456 = arith.constant 8 : i32
      %mul3A_457 = arith.muli %scan3A_439, %mul3A_456 : i32
      %add3A_458 = arith.constant 2 : i32
      %add3A_459 = arith.addi %mul3A_457, %add3A_458 : i32
      %mul3A_460 = arith.constant 16 : i32
      %mul3A_461 = arith.muli %add3A_459, %mul3A_460 : i32
      %swap3A_462 = arith.index_cast %mul3A_461 : i32 to index
      %swap3A_463 = tpu.vector_load %arg7[%swap3A_462] {strides = array<i32>} : memref<2048xf32, #tpu.memory_space<vmem>>, vector<16xf32>,
      tpu.vector_store %arg7[%swap3A_462], %broadcast_in_dim3A_225 {strides = array<i32>} : memref<2048xf32, #tpu.memory_space<vmem>>, vector<16xf32>,
      %mul3A_464 = arith.constant 8 : i32
      %mul3A_465 = arith.muli %scan3A_439, %mul3A_464 : i32
      %add3A_466 = arith.constant 3 : i32
      %add3A_467 = arith.addi %mul3A_465, %add3A_466 : i32
      %mul3A_468 = arith.constant 16 : i32
      %mul3A_469 = arith.muli %add3A_467, %mul3A_468 : i32
      %swap3A_470 = arith.index_cast %mul3A_469 : i32 to index
      %swap3A_471 = tpu.vector_load %arg7[%swap3A_470] {strides = array<i32>} : memref<2048xf32, #tpu.memory_space<vmem>>, vector<16xf32>,
      tpu.vector_store %arg7[%swap3A_470], %broadcast_in_dim3A_225 {strides = array<i32>} : memref<2048xf32, #tpu.memory_space<vmem>>, vector<16xf32>,
      %mul3A_472 = arith.constant 8 : i32
      %mul3A_473 = arith.muli %scan3A_439, %mul3A_472 : i32
      %add3A_474 = arith.constant 4 : i32
      %add3A_475 = arith.addi %mul3A_473, %add3A_474 : i32
      %mul3A_476 = arith.constant 16 : i32
      %mul3A_477 = arith.muli %add3A_475, %mul3A_476 : i32
      %swap3A_478 = arith.index_cast %mul3A_477 : i32 to index
      %swap3A_479 = tpu.vector_load %arg7[%swap3A_478] {strides = array<i32>} : memref<2048xf32, #tpu.memory_space<vmem>>, vector<16xf32>,
      tpu.vector_store %arg7[%swap3A_478], %broadcast_in_dim3A_225 {strides = array<i32>} : memref<2048xf32, #tpu.memory_space<vmem>>, vector<16xf32>,
      %mul3A_480 = arith.constant 8 : i32
      %mul3A_481 = arith.muli %scan3A_439, %mul3A_480 : i32
      %add3A_482 = arith.constant 5 : i32
      %add3A_483 = arith.addi %mul3A_481, %add3A_482 : i32
      %mul3A_484 = arith.constant 16 : i32
      %mul3A_485 = arith.muli %add3A_483, %mul3A_484 : i32
      %swap3A_486 = arith.index_cast %mul3A_485 : i32 to index
      %swap3A_487 = tpu.vector_load %arg7[%swap3A_486] {strides = array<i32>} : memref<2048xf32, #tpu.memory_space<vmem>>, vector<16xf32>,
      tpu.vector_store %arg7[%swap3A_486], %broadcast_in_dim3A_225 {strides = array<i32>} : memref<2048xf32, #tpu.memory_space<vmem>>, vector<16xf32>,
      %mul3A_488 = arith.constant 8 : i32
      %mul3A_489 = arith.muli %scan3A_439, %mul3A_488 : i32
      %add3A_490 = arith.constant 6 : i32
      %add3A_491 = arith.addi %mul3A_489, %add3A_490 : i32
      %mul3A_492 = arith.constant 16 : i32
      %mul3A_493 = arith.muli %add3A_491, %mul3A_492 : i32
      %swap3A_494 = arith.index_cast %mul3A_493 : i32 to index
      %swap3A_495 = tpu.vector_load %arg7[%swap3A_494] {strides = array<i32>} : memref<2048xf32, #tpu.memory_space<vmem>>, vector<16xf32>,
      tpu.vector_store %arg7[%swap3A_494], %broadcast_in_dim3A_225 {strides = array<i32>} : memref<2048xf32, #tpu.memory_space<vmem>>, vector<16xf32>,
      %mul3A_496 = arith.constant 8 : i32
      %mul3A_497 = arith.muli %scan3A_439, %mul3A_496 : i32
      %add3A_498 = arith.constant 7 : i32
      %add3A_499 = arith.addi %mul3A_497, %add3A_498 : i32
      %mul3A_500 = arith.constant 16 : i32
      %mul3A_501 = arith.muli %add3A_499, %mul3A_500 : i32
      %swap3A_502 = arith.index_cast %mul3A_501 : i32 to index
      %swap3A_503 = tpu.vector_load %arg7[%swap3A_502] {strides = array<i32>} : memref<2048xf32, #tpu.memory_space<vmem>>, vector<16xf32>,
      tpu.vector_store %arg7[%swap3A_502], %broadcast_in_dim3A_225 {strides = array<i32>} : memref<2048xf32, #tpu.memory_space<vmem>>, vector<16xf32>,
    }
    %scan3A_231 = arith.constant 8 : i32
    %mul3A_232 = arith.constant 256 : i32
    %mul3A_233 = arith.muli %arg1, %mul3A_232 : i32
    %dma_start3A_234 = arith.constant 0 : i32
    %dma_start3A_235 = tpu.memref_slice %arg2[%mul3A_233, %dma_start3A_234] : memref<4096x512xf32, #tpu.memory_space<hbm>> -> memref<32x512xf32, #tpu.memory_space<hbm>>
    %dma_start3A_236 = arith.constant 0 : i32
    %dma_start3A_237 = tpu.memref_slice %arg2[%mul3A_233, %dma_start3A_236] : memref<4096x512xf32, #tpu.memory_space<hbm>> -> memref<32x512xf32, #tpu.memory_space<hbm>>
    tpu.enqueue_dma source(%dma_start3A_237 : memref<32x512xf32, #tpu.memory_space<hbm>>) target(%arg4 : memref<32x512xf32, #tpu.memory_space<vmem>>) target_semaphore(%arg15 : memref<!tpu.dma_semaphore, #tpu.memory_space<semaphore_mem>>)
    %add3A_238 = arith.constant 32 : i32
    %add3A_239 = arith.addi %mul3A_233, %add3A_238 : i32
    %dma_start3A_240 = arith.constant 0 : i32
    %dma_start3A_241 = tpu.memref_slice %arg2[%add3A_239, %dma_start3A_240] : memref<4096x512xf32, #tpu.memory_space<hbm>> -> memref<32x512xf32, #tpu.memory_space<hbm>>
    %dma_start3A_242 = arith.constant 0 : i32
    %dma_start3A_243 = tpu.memref_slice %arg2[%add3A_239, %dma_start3A_242] : memref<4096x512xf32, #tpu.memory_space<hbm>> -> memref<32x512xf32, #tpu.memory_space<hbm>>
    tpu.enqueue_dma source(%dma_start3A_243 : memref<32x512xf32, #tpu.memory_space<hbm>>) target(%arg5 : memref<32x512xf32, #tpu.memory_space<vmem>>) target_semaphore(%arg16 : memref<!tpu.dma_semaphore, #tpu.memory_space<semaphore_mem>>)
    %dma_wait3A_244 = arith.constant 0 : i32
    %dma_wait3A_245 = tpu.memref_slice %arg2[%mul3A_233, %dma_wait3A_244] : memref<4096x512xf32, #tpu.memory_space<hbm>> -> memref<32x512xf32, #tpu.memory_space<hbm>>
    %dma_wait3A_246 = arith.constant 0 : i32
    %dma_wait3A_247 = tpu.memref_slice %arg2[%mul3A_233, %dma_wait3A_246] : memref<4096x512xf32, #tpu.memory_space<hbm>> -> memref<32x512xf32, #tpu.memory_space<hbm>>
    tpu.wait_dma2 semaphore(%arg15 : memref<!tpu.dma_semaphore, #tpu.memory_space<semaphore_mem>>) src(%dma_wait3A_247 : memref<32x512xf32, #tpu.memory_space<hbm>>) dst(%arg4 : memref<32x512xf32, #tpu.memory_space<vmem>>)
    %scan3A_248 = arith.constant 0 : i32
    %scan3A_249 = arith.constant 0 : i32
    %scan3A_250 = arith.constant 32 : i32
    %scan3A_251 = arith.addi %scan3A_249, %scan3A_250 : i32
    %scan3A_252 = arith.constant 1 : i32
    scf.for %scan3A_439 = %scan3A_249 to %scan3A_251 step %scan3A_252  : i32 {
      %parallel_loop3A = arith.constant 0 : i32
      %parallel_loop3A_440 = arith.constant 32 : i32
      %parallel_loop3A_441 = arith.constant 1 : i32
      scf.for %parallel_loop3A_442 = %parallel_loop3A to %parallel_loop3A_440 step %parallel_loop3A_441  : i32 {
        %parallel_loop3A_443 = arith.constant 16 : i32
        %parallel_loop3A_444 = arith.muli %parallel_loop3A_442, %parallel_loop3A_443 : i32
        %parallel_loop3A_445 = arith.index_cast %scan3A_439 : i32 to index
        %parallel_loop3A_446 = arith.index_cast %parallel_loop3A_444 : i32 to index
        %parallel_loop3A_447 = tpu.vector_load %arg4[%parallel_loop3A_445, %parallel_loop3A_446] {strides = array<i32>} : memref<32x512xf32, #tpu.memory_space<vmem>>, vector<16xf32>,
        %parallel_loop3A_448 = tpu.bitcast %parallel_loop3A_447 : vector<16xf32> -> vector<16xi32>
        %parallel_loop3A_449 = arith.constant 0 : i32
        %parallel_loop3A_450 = vector.broadcast %parallel_loop3A_449 : i32 to vector<16xi32>
        %parallel_loop3A_451 = arith.maxsi %parallel_loop3A_448, %parallel_loop3A_450 : vector<16xi32>
        %parallel_loop3A_452 = arith.constant 20 : i32
        %parallel_loop3A_453 = vector.broadcast %parallel_loop3A_452 : i32 to vector<16xi32>
        %parallel_loop3A_454 = arith.shrui %parallel_loop3A_451, %parallel_loop3A_453 : vector<16xi32>
        %parallel_loop3A_455 = vector.broadcast %scan3A_204#2 : i32 to vector<16xi32>
        %parallel_loop3A_456 = arith.cmpi eq, %parallel_loop3A_454, %parallel_loop3A_455 : vector<16xi32>
        %parallel_loop3A_457 = arith.constant 10 : i32
        %parallel_loop3A_458 = vector.broadcast %parallel_loop3A_457 : i32 to vector<16xi32>
        %parallel_loop3A_459 = arith.shrui %parallel_loop3A_451, %parallel_loop3A_458 : vector<16xi32>
        %parallel_loop3A_460 = arith.constant 1023 : i32
        %parallel_loop3A_461 = vector.broadcast %parallel_loop3A_460 : i32 to vector<16xi32>
        %parallel_loop3A_462 = arith.andi %parallel_loop3A_459, %parallel_loop3A_461 : vector<16xi32>
        tpu.vector_store_idx %arg6[%parallel_loop3A_462], %broadcast_in_dim3A_0 masked %parallel_loop3A_456 {add = true} : memref<2048xi32, #tpu.memory_space<vmem>>[vector<16xi32>], vector<16xi32>, vector<16xi1>
        tpu.vector_store_idx %arg7[%parallel_loop3A_462], %parallel_loop3A_447 masked %parallel_loop3A_456 {add = true} : memref<2048xf32, #tpu.memory_space<vmem>>[vector<16xi32>], vector<16xf32>, vector<16xi1>
      } {sc.loop_unroll_factor = 8 : i64, sc.parallel_access}
    }
    %scan3A_253 = arith.constant 32 : i32
    %add3A_254 = arith.constant 64 : i32
    %add3A_255 = arith.addi %mul3A_233, %add3A_254 : i32
    %dma_start3A_256 = arith.constant 0 : i32
    %dma_start3A_257 = tpu.memref_slice %arg2[%add3A_255, %dma_start3A_256] : memref<4096x512xf32, #tpu.memory_space<hbm>> -> memref<32x512xf32, #tpu.memory_space<hbm>>
    %dma_start3A_258 = arith.constant 0 : i32
    %dma_start3A_259 = tpu.memref_slice %arg2[%add3A_255, %dma_start3A_258] : memref<4096x512xf32, #tpu.memory_space<hbm>> -> memref<32x512xf32, #tpu.memory_space<hbm>>
    tpu.enqueue_dma source(%dma_start3A_259 : memref<32x512xf32, #tpu.memory_space<hbm>>) target(%arg4 : memref<32x512xf32, #tpu.memory_space<vmem>>) target_semaphore(%arg15 : memref<!tpu.dma_semaphore, #tpu.memory_space<semaphore_mem>>)
    %dma_wait3A_260 = arith.constant 0 : i32
    %dma_wait3A_261 = tpu.memref_slice %arg2[%add3A_239, %dma_wait3A_260] : memref<4096x512xf32, #tpu.memory_space<hbm>> -> memref<32x512xf32, #tpu.memory_space<hbm>>
    %dma_wait3A_262 = arith.constant 0 : i32
    %dma_wait3A_263 = tpu.memref_slice %arg2[%add3A_239, %dma_wait3A_262] : memref<4096x512xf32, #tpu.memory_space<hbm>> -> memref<32x512xf32, #tpu.memory_space<hbm>>
    tpu.wait_dma2 semaphore(%arg16 : memref<!tpu.dma_semaphore, #tpu.memory_space<semaphore_mem>>) src(%dma_wait3A_263 : memref<32x512xf32, #tpu.memory_space<hbm>>) dst(%arg5 : memref<32x512xf32, #tpu.memory_space<vmem>>)
    %scan3A_264 = arith.constant 0 : i32
    %scan3A_265 = arith.constant 0 : i32
    %scan3A_266 = arith.constant 32 : i32
    %scan3A_267 = arith.addi %scan3A_265, %scan3A_266 : i32
    %scan3A_268 = arith.constant 1 : i32
    scf.for %scan3A_439 = %scan3A_265 to %scan3A_267 step %scan3A_268  : i32 {
      %parallel_loop3A = arith.constant 0 : i32
      %parallel_loop3A_440 = arith.constant 32 : i32
      %parallel_loop3A_441 = arith.constant 1 : i32
      scf.for %parallel_loop3A_442 = %parallel_loop3A to %parallel_loop3A_440 step %parallel_loop3A_441  : i32 {
        %parallel_loop3A_443 = arith.constant 16 : i32
        %parallel_loop3A_444 = arith.muli %parallel_loop3A_442, %parallel_loop3A_443 : i32
        %parallel_loop3A_445 = arith.index_cast %scan3A_439 : i32 to index
        %parallel_loop3A_446 = arith.index_cast %parallel_loop3A_444 : i32 to index
        %parallel_loop3A_447 = tpu.vector_load %arg5[%parallel_loop3A_445, %parallel_loop3A_446] {strides = array<i32>} : memref<32x512xf32, #tpu.memory_space<vmem>>, vector<16xf32>,
        %parallel_loop3A_448 = tpu.bitcast %parallel_loop3A_447 : vector<16xf32> -> vector<16xi32>
        %parallel_loop3A_449 = arith.constant 0 : i32
        %parallel_loop3A_450 = vector.broadcast %parallel_loop3A_449 : i32 to vector<16xi32>
        %parallel_loop3A_451 = arith.maxsi %parallel_loop3A_448, %parallel_loop3A_450 : vector<16xi32>
        %parallel_loop3A_452 = arith.constant 20 : i32
        %parallel_loop3A_453 = vector.broadcast %parallel_loop3A_452 : i32 to vector<16xi32>
        %parallel_loop3A_454 = arith.shrui %parallel_loop3A_451, %parallel_loop3A_453 : vector<16xi32>
        %parallel_loop3A_455 = vector.broadcast %scan3A_204#2 : i32 to vector<16xi32>
        %parallel_loop3A_456 = arith.cmpi eq, %parallel_loop3A_454, %parallel_loop3A_455 : vector<16xi32>
        %parallel_loop3A_457 = arith.constant 10 : i32
        %parallel_loop3A_458 = vector.broadcast %parallel_loop3A_457 : i32 to vector<16xi32>
        %parallel_loop3A_459 = arith.shrui %parallel_loop3A_451, %parallel_loop3A_458 : vector<16xi32>
        %parallel_loop3A_460 = arith.constant 1023 : i32
        %parallel_loop3A_461 = vector.broadcast %parallel_loop3A_460 : i32 to vector<16xi32>
        %parallel_loop3A_462 = arith.andi %parallel_loop3A_459, %parallel_loop3A_461 : vector<16xi32>
        tpu.vector_store_idx %arg6[%parallel_loop3A_462], %broadcast_in_dim3A_0 masked %parallel_loop3A_456 {add = true} : memref<2048xi32, #tpu.memory_space<vmem>>[vector<16xi32>], vector<16xi32>, vector<16xi1>
        tpu.vector_store_idx %arg7[%parallel_loop3A_462], %parallel_loop3A_447 masked %parallel_loop3A_456 {add = true} : memref<2048xf32, #tpu.memory_space<vmem>>[vector<16xi32>], vector<16xf32>, vector<16xi1>
      } {sc.loop_unroll_factor = 8 : i64, sc.parallel_access}
    }
    %scan3A_269 = arith.constant 32 : i32
    %add3A_270 = arith.constant 96 : i32
    %add3A_271 = arith.addi %mul3A_233, %add3A_270 : i32
    %dma_start3A_272 = arith.constant 0 : i32
    %dma_start3A_273 = tpu.memref_slice %arg2[%add3A_271, %dma_start3A_272] : memref<4096x512xf32, #tpu.memory_space<hbm>> -> memref<32x512xf32, #tpu.memory_space<hbm>>
    %dma_start3A_274 = arith.constant 0 : i32
    %dma_start3A_275 = tpu.memref_slice %arg2[%add3A_271, %dma_start3A_274] : memref<4096x512xf32, #tpu.memory_space<hbm>> -> memref<32x512xf32, #tpu.memory_space<hbm>>
    tpu.enqueue_dma source(%dma_start3A_275 : memref<32x512xf32, #tpu.memory_space<hbm>>) target(%arg5 : memref<32x512xf32, #tpu.memory_space<vmem>>) target_semaphore(%arg16 : memref<!tpu.dma_semaphore, #tpu.memory_space<semaphore_mem>>)
    %dma_wait3A_276 = arith.constant 0 : i32
    %dma_wait3A_277 = tpu.memref_slice %arg2[%add3A_255, %dma_wait3A_276] : memref<4096x512xf32, #tpu.memory_space<hbm>> -> memref<32x512xf32, #tpu.memory_space<hbm>>
    %dma_wait3A_278 = arith.constant 0 : i32
    %dma_wait3A_279 = tpu.memref_slice %arg2[%add3A_255, %dma_wait3A_278] : memref<4096x512xf32, #tpu.memory_space<hbm>> -> memref<32x512xf32, #tpu.memory_space<hbm>>
    tpu.wait_dma2 semaphore(%arg15 : memref<!tpu.dma_semaphore, #tpu.memory_space<semaphore_mem>>) src(%dma_wait3A_279 : memref<32x512xf32, #tpu.memory_space<hbm>>) dst(%arg4 : memref<32x512xf32, #tpu.memory_space<vmem>>)
    %scan3A_280 = arith.constant 0 : i32
    %scan3A_281 = arith.constant 0 : i32
    %scan3A_282 = arith.constant 32 : i32
    %scan3A_283 = arith.addi %scan3A_281, %scan3A_282 : i32
    %scan3A_284 = arith.constant 1 : i32
    scf.for %scan3A_439 = %scan3A_281 to %scan3A_283 step %scan3A_284  : i32 {
      %parallel_loop3A = arith.constant 0 : i32
      %parallel_loop3A_440 = arith.constant 32 : i32
      %parallel_loop3A_441 = arith.constant 1 : i32
      scf.for %parallel_loop3A_442 = %parallel_loop3A to %parallel_loop3A_440 step %parallel_loop3A_441  : i32 {
        %parallel_loop3A_443 = arith.constant 16 : i32
        %parallel_loop3A_444 = arith.muli %parallel_loop3A_442, %parallel_loop3A_443 : i32
        %parallel_loop3A_445 = arith.index_cast %scan3A_439 : i32 to index
        %parallel_loop3A_446 = arith.index_cast %parallel_loop3A_444 : i32 to index
        %parallel_loop3A_447 = tpu.vector_load %arg4[%parallel_loop3A_445, %parallel_loop3A_446] {strides = array<i32>} : memref<32x512xf32, #tpu.memory_space<vmem>>, vector<16xf32>,
        %parallel_loop3A_448 = tpu.bitcast %parallel_loop3A_447 : vector<16xf32> -> vector<16xi32>
        %parallel_loop3A_449 = arith.constant 0 : i32
        %parallel_loop3A_450 = vector.broadcast %parallel_loop3A_449 : i32 to vector<16xi32>
        %parallel_loop3A_451 = arith.maxsi %parallel_loop3A_448, %parallel_loop3A_450 : vector<16xi32>
        %parallel_loop3A_452 = arith.constant 20 : i32
        %parallel_loop3A_453 = vector.broadcast %parallel_loop3A_452 : i32 to vector<16xi32>
        %parallel_loop3A_454 = arith.shrui %parallel_loop3A_451, %parallel_loop3A_453 : vector<16xi32>
        %parallel_loop3A_455 = vector.broadcast %scan3A_204#2 : i32 to vector<16xi32>
        %parallel_loop3A_456 = arith.cmpi eq, %parallel_loop3A_454, %parallel_loop3A_455 : vector<16xi32>
        %parallel_loop3A_457 = arith.constant 10 : i32
        %parallel_loop3A_458 = vector.broadcast %parallel_loop3A_457 : i32 to vector<16xi32>
        %parallel_loop3A_459 = arith.shrui %parallel_loop3A_451, %parallel_loop3A_458 : vector<16xi32>
        %parallel_loop3A_460 = arith.constant 1023 : i32
        %parallel_loop3A_461 = vector.broadcast %parallel_loop3A_460 : i32 to vector<16xi32>
        %parallel_loop3A_462 = arith.andi %parallel_loop3A_459, %parallel_loop3A_461 : vector<16xi32>
        tpu.vector_store_idx %arg6[%parallel_loop3A_462], %broadcast_in_dim3A_0 masked %parallel_loop3A_456 {add = true} : memref<2048xi32, #tpu.memory_space<vmem>>[vector<16xi32>], vector<16xi32>, vector<16xi1>
        tpu.vector_store_idx %arg7[%parallel_loop3A_462], %parallel_loop3A_447 masked %parallel_loop3A_456 {add = true} : memref<2048xf32, #tpu.memory_space<vmem>>[vector<16xi32>], vector<16xf32>, vector<16xi1>
      } {sc.loop_unroll_factor = 8 : i64, sc.parallel_access}
    }
    %scan3A_285 = arith.constant 32 : i32
    %add3A_286 = arith.constant 128 : i32
    %add3A_287 = arith.addi %mul3A_233, %add3A_286 : i32
    %dma_start3A_288 = arith.constant 0 : i32
    %dma_start3A_289 = tpu.memref_slice %arg2[%add3A_287, %dma_start3A_288] : memref<4096x512xf32, #tpu.memory_space<hbm>> -> memref<32x512xf32, #tpu.memory_space<hbm>>
    %dma_start3A_290 = arith.constant 0 : i32
    %dma_start3A_291 = tpu.memref_slice %arg2[%add3A_287, %dma_start3A_290] : memref<4096x512xf32, #tpu.memory_space<hbm>> -> memref<32x512xf32, #tpu.memory_space<hbm>>
    tpu.enqueue_dma source(%dma_start3A_291 : memref<32x512xf32, #tpu.memory_space<hbm>>) target(%arg4 : memref<32x512xf32, #tpu.memory_space<vmem>>) target_semaphore(%arg15 : memref<!tpu.dma_semaphore, #tpu.memory_space<semaphore_mem>>)
    %dma_wait3A_292 = arith.constant 0 : i32
    %dma_wait3A_293 = tpu.memref_slice %arg2[%add3A_271, %dma_wait3A_292] : memref<4096x512xf32, #tpu.memory_space<hbm>> -> memref<32x512xf32, #tpu.memory_space<hbm>>
    %dma_wait3A_294 = arith.constant 0 : i32
    %dma_wait3A_295 = tpu.memref_slice %arg2[%add3A_271, %dma_wait3A_294] : memref<4096x512xf32, #tpu.memory_space<hbm>> -> memref<32x512xf32, #tpu.memory_space<hbm>>
    tpu.wait_dma2 semaphore(%arg16 : memref<!tpu.dma_semaphore, #tpu.memory_space<semaphore_mem>>) src(%dma_wait3A_295 : memref<32x512xf32, #tpu.memory_space<hbm>>) dst(%arg5 : memref<32x512xf32, #tpu.memory_space<vmem>>)
    %scan3A_296 = arith.constant 0 : i32
    %scan3A_297 = arith.constant 0 : i32
    %scan3A_298 = arith.constant 32 : i32
    %scan3A_299 = arith.addi %scan3A_297, %scan3A_298 : i32
    %scan3A_300 = arith.constant 1 : i32
    scf.for %scan3A_439 = %scan3A_297 to %scan3A_299 step %scan3A_300  : i32 {
      %parallel_loop3A = arith.constant 0 : i32
      %parallel_loop3A_440 = arith.constant 32 : i32
      %parallel_loop3A_441 = arith.constant 1 : i32
      scf.for %parallel_loop3A_442 = %parallel_loop3A to %parallel_loop3A_440 step %parallel_loop3A_441  : i32 {
        %parallel_loop3A_443 = arith.constant 16 : i32
        %parallel_loop3A_444 = arith.muli %parallel_loop3A_442, %parallel_loop3A_443 : i32
        %parallel_loop3A_445 = arith.index_cast %scan3A_439 : i32 to index
        %parallel_loop3A_446 = arith.index_cast %parallel_loop3A_444 : i32 to index
        %parallel_loop3A_447 = tpu.vector_load %arg5[%parallel_loop3A_445, %parallel_loop3A_446] {strides = array<i32>} : memref<32x512xf32, #tpu.memory_space<vmem>>, vector<16xf32>,
        %parallel_loop3A_448 = tpu.bitcast %parallel_loop3A_447 : vector<16xf32> -> vector<16xi32>
        %parallel_loop3A_449 = arith.constant 0 : i32
        %parallel_loop3A_450 = vector.broadcast %parallel_loop3A_449 : i32 to vector<16xi32>
        %parallel_loop3A_451 = arith.maxsi %parallel_loop3A_448, %parallel_loop3A_450 : vector<16xi32>
        %parallel_loop3A_452 = arith.constant 20 : i32
        %parallel_loop3A_453 = vector.broadcast %parallel_loop3A_452 : i32 to vector<16xi32>
        %parallel_loop3A_454 = arith.shrui %parallel_loop3A_451, %parallel_loop3A_453 : vector<16xi32>
        %parallel_loop3A_455 = vector.broadcast %scan3A_204#2 : i32 to vector<16xi32>
        %parallel_loop3A_456 = arith.cmpi eq, %parallel_loop3A_454, %parallel_loop3A_455 : vector<16xi32>
        %parallel_loop3A_457 = arith.constant 10 : i32
        %parallel_loop3A_458 = vector.broadcast %parallel_loop3A_457 : i32 to vector<16xi32>
        %parallel_loop3A_459 = arith.shrui %parallel_loop3A_451, %parallel_loop3A_458 : vector<16xi32>
        %parallel_loop3A_460 = arith.constant 1023 : i32
        %parallel_loop3A_461 = vector.broadcast %parallel_loop3A_460 : i32 to vector<16xi32>
        %parallel_loop3A_462 = arith.andi %parallel_loop3A_459, %parallel_loop3A_461 : vector<16xi32>
        tpu.vector_store_idx %arg6[%parallel_loop3A_462], %broadcast_in_dim3A_0 masked %parallel_loop3A_456 {add = true} : memref<2048xi32, #tpu.memory_space<vmem>>[vector<16xi32>], vector<16xi32>, vector<16xi1>
        tpu.vector_store_idx %arg7[%parallel_loop3A_462], %parallel_loop3A_447 masked %parallel_loop3A_456 {add = true} : memref<2048xf32, #tpu.memory_space<vmem>>[vector<16xi32>], vector<16xf32>, vector<16xi1>
      } {sc.loop_unroll_factor = 8 : i64, sc.parallel_access}
    }
    %scan3A_301 = arith.constant 32 : i32
    %add3A_302 = arith.constant 160 : i32
    %add3A_303 = arith.addi %mul3A_233, %add3A_302 : i32
    %dma_start3A_304 = arith.constant 0 : i32
    %dma_start3A_305 = tpu.memref_slice %arg2[%add3A_303, %dma_start3A_304] : memref<4096x512xf32, #tpu.memory_space<hbm>> -> memref<32x512xf32, #tpu.memory_space<hbm>>
    %dma_start3A_306 = arith.constant 0 : i32
    %dma_start3A_307 = tpu.memref_slice %arg2[%add3A_303, %dma_start3A_306] : memref<4096x512xf32, #tpu.memory_space<hbm>> -> memref<32x512xf32, #tpu.memory_space<hbm>>
    tpu.enqueue_dma source(%dma_start3A_307 : memref<32x512xf32, #tpu.memory_space<hbm>>) target(%arg5 : memref<32x512xf32, #tpu.memory_space<vmem>>) target_semaphore(%arg16 : memref<!tpu.dma_semaphore, #tpu.memory_space<semaphore_mem>>)
    %dma_wait3A_308 = arith.constant 0 : i32
    %dma_wait3A_309 = tpu.memref_slice %arg2[%add3A_287, %dma_wait3A_308] : memref<4096x512xf32, #tpu.memory_space<hbm>> -> memref<32x512xf32, #tpu.memory_space<hbm>>
    %dma_wait3A_310 = arith.constant 0 : i32
    %dma_wait3A_311 = tpu.memref_slice %arg2[%add3A_287, %dma_wait3A_310] : memref<4096x512xf32, #tpu.memory_space<hbm>> -> memref<32x512xf32, #tpu.memory_space<hbm>>
    tpu.wait_dma2 semaphore(%arg15 : memref<!tpu.dma_semaphore, #tpu.memory_space<semaphore_mem>>) src(%dma_wait3A_311 : memref<32x512xf32, #tpu.memory_space<hbm>>) dst(%arg4 : memref<32x512xf32, #tpu.memory_space<vmem>>)
    %scan3A_312 = arith.constant 0 : i32
    %scan3A_313 = arith.constant 0 : i32
    %scan3A_314 = arith.constant 32 : i32
    %scan3A_315 = arith.addi %scan3A_313, %scan3A_314 : i32
    %scan3A_316 = arith.constant 1 : i32
    scf.for %scan3A_439 = %scan3A_313 to %scan3A_315 step %scan3A_316  : i32 {
      %parallel_loop3A = arith.constant 0 : i32
      %parallel_loop3A_440 = arith.constant 32 : i32
      %parallel_loop3A_441 = arith.constant 1 : i32
      scf.for %parallel_loop3A_442 = %parallel_loop3A to %parallel_loop3A_440 step %parallel_loop3A_441  : i32 {
        %parallel_loop3A_443 = arith.constant 16 : i32
        %parallel_loop3A_444 = arith.muli %parallel_loop3A_442, %parallel_loop3A_443 : i32
        %parallel_loop3A_445 = arith.index_cast %scan3A_439 : i32 to index
        %parallel_loop3A_446 = arith.index_cast %parallel_loop3A_444 : i32 to index
        %parallel_loop3A_447 = tpu.vector_load %arg4[%parallel_loop3A_445, %parallel_loop3A_446] {strides = array<i32>} : memref<32x512xf32, #tpu.memory_space<vmem>>, vector<16xf32>,
        %parallel_loop3A_448 = tpu.bitcast %parallel_loop3A_447 : vector<16xf32> -> vector<16xi32>
        %parallel_loop3A_449 = arith.constant 0 : i32
        %parallel_loop3A_450 = vector.broadcast %parallel_loop3A_449 : i32 to vector<16xi32>
        %parallel_loop3A_451 = arith.maxsi %parallel_loop3A_448, %parallel_loop3A_450 : vector<16xi32>
        %parallel_loop3A_452 = arith.constant 20 : i32
        %parallel_loop3A_453 = vector.broadcast %parallel_loop3A_452 : i32 to vector<16xi32>
        %parallel_loop3A_454 = arith.shrui %parallel_loop3A_451, %parallel_loop3A_453 : vector<16xi32>
        %parallel_loop3A_455 = vector.broadcast %scan3A_204#2 : i32 to vector<16xi32>
        %parallel_loop3A_456 = arith.cmpi eq, %parallel_loop3A_454, %parallel_loop3A_455 : vector<16xi32>
        %parallel_loop3A_457 = arith.constant 10 : i32
        %parallel_loop3A_458 = vector.broadcast %parallel_loop3A_457 : i32 to vector<16xi32>
        %parallel_loop3A_459 = arith.shrui %parallel_loop3A_451, %parallel_loop3A_458 : vector<16xi32>
        %parallel_loop3A_460 = arith.constant 1023 : i32
        %parallel_loop3A_461 = vector.broadcast %parallel_loop3A_460 : i32 to vector<16xi32>
        %parallel_loop3A_462 = arith.andi %parallel_loop3A_459, %parallel_loop3A_461 : vector<16xi32>
        tpu.vector_store_idx %arg6[%parallel_loop3A_462], %broadcast_in_dim3A_0 masked %parallel_loop3A_456 {add = true} : memref<2048xi32, #tpu.memory_space<vmem>>[vector<16xi32>], vector<16xi32>, vector<16xi1>
        tpu.vector_store_idx %arg7[%parallel_loop3A_462], %parallel_loop3A_447 masked %parallel_loop3A_456 {add = true} : memref<2048xf32, #tpu.memory_space<vmem>>[vector<16xi32>], vector<16xf32>, vector<16xi1>
      } {sc.loop_unroll_factor = 8 : i64, sc.parallel_access}
    }
    %scan3A_317 = arith.constant 32 : i32
    %add3A_318 = arith.constant 192 : i32
    %add3A_319 = arith.addi %mul3A_233, %add3A_318 : i32
    %dma_start3A_320 = arith.constant 0 : i32
    %dma_start3A_321 = tpu.memref_slice %arg2[%add3A_319, %dma_start3A_320] : memref<4096x512xf32, #tpu.memory_space<hbm>> -> memref<32x512xf32, #tpu.memory_space<hbm>>
    %dma_start3A_322 = arith.constant 0 : i32
    %dma_start3A_323 = tpu.memref_slice %arg2[%add3A_319, %dma_start3A_322] : memref<4096x512xf32, #tpu.memory_space<hbm>> -> memref<32x512xf32, #tpu.memory_space<hbm>>
    tpu.enqueue_dma source(%dma_start3A_323 : memref<32x512xf32, #tpu.memory_space<hbm>>) target(%arg4 : memref<32x512xf32, #tpu.memory_space<vmem>>) target_semaphore(%arg15 : memref<!tpu.dma_semaphore, #tpu.memory_space<semaphore_mem>>)
    %dma_wait3A_324 = arith.constant 0 : i32
    %dma_wait3A_325 = tpu.memref_slice %arg2[%add3A_303, %dma_wait3A_324] : memref<4096x512xf32, #tpu.memory_space<hbm>> -> memref<32x512xf32, #tpu.memory_space<hbm>>
    %dma_wait3A_326 = arith.constant 0 : i32
    %dma_wait3A_327 = tpu.memref_slice %arg2[%add3A_303, %dma_wait3A_326] : memref<4096x512xf32, #tpu.memory_space<hbm>> -> memref<32x512xf32, #tpu.memory_space<hbm>>
    tpu.wait_dma2 semaphore(%arg16 : memref<!tpu.dma_semaphore, #tpu.memory_space<semaphore_mem>>) src(%dma_wait3A_327 : memref<32x512xf32, #tpu.memory_space<hbm>>) dst(%arg5 : memref<32x512xf32, #tpu.memory_space<vmem>>)
    %scan3A_328 = arith.constant 0 : i32
    %scan3A_329 = arith.constant 0 : i32
    %scan3A_330 = arith.constant 32 : i32
    %scan3A_331 = arith.addi %scan3A_329, %scan3A_330 : i32
    %scan3A_332 = arith.constant 1 : i32
    scf.for %scan3A_439 = %scan3A_329 to %scan3A_331 step %scan3A_332  : i32 {
      %parallel_loop3A = arith.constant 0 : i32
      %parallel_loop3A_440 = arith.constant 32 : i32
      %parallel_loop3A_441 = arith.constant 1 : i32
      scf.for %parallel_loop3A_442 = %parallel_loop3A to %parallel_loop3A_440 step %parallel_loop3A_441  : i32 {
        %parallel_loop3A_443 = arith.constant 16 : i32
        %parallel_loop3A_444 = arith.muli %parallel_loop3A_442, %parallel_loop3A_443 : i32
        %parallel_loop3A_445 = arith.index_cast %scan3A_439 : i32 to index
        %parallel_loop3A_446 = arith.index_cast %parallel_loop3A_444 : i32 to index
        %parallel_loop3A_447 = tpu.vector_load %arg5[%parallel_loop3A_445, %parallel_loop3A_446] {strides = array<i32>} : memref<32x512xf32, #tpu.memory_space<vmem>>, vector<16xf32>,
        %parallel_loop3A_448 = tpu.bitcast %parallel_loop3A_447 : vector<16xf32> -> vector<16xi32>
        %parallel_loop3A_449 = arith.constant 0 : i32
        %parallel_loop3A_450 = vector.broadcast %parallel_loop3A_449 : i32 to vector<16xi32>
        %parallel_loop3A_451 = arith.maxsi %parallel_loop3A_448, %parallel_loop3A_450 : vector<16xi32>
        %parallel_loop3A_452 = arith.constant 20 : i32
        %parallel_loop3A_453 = vector.broadcast %parallel_loop3A_452 : i32 to vector<16xi32>
        %parallel_loop3A_454 = arith.shrui %parallel_loop3A_451, %parallel_loop3A_453 : vector<16xi32>
        %parallel_loop3A_455 = vector.broadcast %scan3A_204#2 : i32 to vector<16xi32>
        %parallel_loop3A_456 = arith.cmpi eq, %parallel_loop3A_454, %parallel_loop3A_455 : vector<16xi32>
        %parallel_loop3A_457 = arith.constant 10 : i32
        %parallel_loop3A_458 = vector.broadcast %parallel_loop3A_457 : i32 to vector<16xi32>
        %parallel_loop3A_459 = arith.shrui %parallel_loop3A_451, %parallel_loop3A_458 : vector<16xi32>
        %parallel_loop3A_460 = arith.constant 1023 : i32
        %parallel_loop3A_461 = vector.broadcast %parallel_loop3A_460 : i32 to vector<16xi32>
        %parallel_loop3A_462 = arith.andi %parallel_loop3A_459, %parallel_loop3A_461 : vector<16xi32>
        tpu.vector_store_idx %arg6[%parallel_loop3A_462], %broadcast_in_dim3A_0 masked %parallel_loop3A_456 {add = true} : memref<2048xi32, #tpu.memory_space<vmem>>[vector<16xi32>], vector<16xi32>, vector<16xi1>
        tpu.vector_store_idx %arg7[%parallel_loop3A_462], %parallel_loop3A_447 masked %parallel_loop3A_456 {add = true} : memref<2048xf32, #tpu.memory_space<vmem>>[vector<16xi32>], vector<16xf32>, vector<16xi1>
      } {sc.loop_unroll_factor = 8 : i64, sc.parallel_access}
    }
    %scan3A_333 = arith.constant 32 : i32
    %add3A_334 = arith.constant 224 : i32
    %add3A_335 = arith.addi %mul3A_233, %add3A_334 : i32
    %dma_start3A_336 = arith.constant 0 : i32
    %dma_start3A_337 = tpu.memref_slice %arg2[%add3A_335, %dma_start3A_336] : memref<4096x512xf32, #tpu.memory_space<hbm>> -> memref<32x512xf32, #tpu.memory_space<hbm>>
    %dma_start3A_338 = arith.constant 0 : i32
    %dma_start3A_339 = tpu.memref_slice %arg2[%add3A_335, %dma_start3A_338] : memref<4096x512xf32, #tpu.memory_space<hbm>> -> memref<32x512xf32, #tpu.memory_space<hbm>>
    tpu.enqueue_dma source(%dma_start3A_339 : memref<32x512xf32, #tpu.memory_space<hbm>>) target(%arg5 : memref<32x512xf32, #tpu.memory_space<vmem>>) target_semaphore(%arg16 : memref<!tpu.dma_semaphore, #tpu.memory_space<semaphore_mem>>)
    %dma_wait3A_340 = arith.constant 0 : i32
    %dma_wait3A_341 = tpu.memref_slice %arg2[%add3A_319, %dma_wait3A_340] : memref<4096x512xf32, #tpu.memory_space<hbm>> -> memref<32x512xf32, #tpu.memory_space<hbm>>
    %dma_wait3A_342 = arith.constant 0 : i32
    %dma_wait3A_343 = tpu.memref_slice %arg2[%add3A_319, %dma_wait3A_342] : memref<4096x512xf32, #tpu.memory_space<hbm>> -> memref<32x512xf32, #tpu.memory_space<hbm>>
    tpu.wait_dma2 semaphore(%arg15 : memref<!tpu.dma_semaphore, #tpu.memory_space<semaphore_mem>>) src(%dma_wait3A_343 : memref<32x512xf32, #tpu.memory_space<hbm>>) dst(%arg4 : memref<32x512xf32, #tpu.memory_space<vmem>>)
    %scan3A_344 = arith.constant 0 : i32
    %scan3A_345 = arith.constant 0 : i32
    %scan3A_346 = arith.constant 32 : i32
    %scan3A_347 = arith.addi %scan3A_345, %scan3A_346 : i32
    %scan3A_348 = arith.constant 1 : i32
    scf.for %scan3A_439 = %scan3A_345 to %scan3A_347 step %scan3A_348  : i32 {
      %parallel_loop3A = arith.constant 0 : i32
      %parallel_loop3A_440 = arith.constant 32 : i32
      %parallel_loop3A_441 = arith.constant 1 : i32
      scf.for %parallel_loop3A_442 = %parallel_loop3A to %parallel_loop3A_440 step %parallel_loop3A_441  : i32 {
        %parallel_loop3A_443 = arith.constant 16 : i32
        %parallel_loop3A_444 = arith.muli %parallel_loop3A_442, %parallel_loop3A_443 : i32
        %parallel_loop3A_445 = arith.index_cast %scan3A_439 : i32 to index
        %parallel_loop3A_446 = arith.index_cast %parallel_loop3A_444 : i32 to index
        %parallel_loop3A_447 = tpu.vector_load %arg4[%parallel_loop3A_445, %parallel_loop3A_446] {strides = array<i32>} : memref<32x512xf32, #tpu.memory_space<vmem>>, vector<16xf32>,
        %parallel_loop3A_448 = tpu.bitcast %parallel_loop3A_447 : vector<16xf32> -> vector<16xi32>
        %parallel_loop3A_449 = arith.constant 0 : i32
        %parallel_loop3A_450 = vector.broadcast %parallel_loop3A_449 : i32 to vector<16xi32>
        %parallel_loop3A_451 = arith.maxsi %parallel_loop3A_448, %parallel_loop3A_450 : vector<16xi32>
        %parallel_loop3A_452 = arith.constant 20 : i32
        %parallel_loop3A_453 = vector.broadcast %parallel_loop3A_452 : i32 to vector<16xi32>
        %parallel_loop3A_454 = arith.shrui %parallel_loop3A_451, %parallel_loop3A_453 : vector<16xi32>
        %parallel_loop3A_455 = vector.broadcast %scan3A_204#2 : i32 to vector<16xi32>
        %parallel_loop3A_456 = arith.cmpi eq, %parallel_loop3A_454, %parallel_loop3A_455 : vector<16xi32>
        %parallel_loop3A_457 = arith.constant 10 : i32
        %parallel_loop3A_458 = vector.broadcast %parallel_loop3A_457 : i32 to vector<16xi32>
        %parallel_loop3A_459 = arith.shrui %parallel_loop3A_451, %parallel_loop3A_458 : vector<16xi32>
        %parallel_loop3A_460 = arith.constant 1023 : i32
        %parallel_loop3A_461 = vector.broadcast %parallel_loop3A_460 : i32 to vector<16xi32>
        %parallel_loop3A_462 = arith.andi %parallel_loop3A_459, %parallel_loop3A_461 : vector<16xi32>
        tpu.vector_store_idx %arg6[%parallel_loop3A_462], %broadcast_in_dim3A_0 masked %parallel_loop3A_456 {add = true} : memref<2048xi32, #tpu.memory_space<vmem>>[vector<16xi32>], vector<16xi32>, vector<16xi1>
        tpu.vector_store_idx %arg7[%parallel_loop3A_462], %parallel_loop3A_447 masked %parallel_loop3A_456 {add = true} : memref<2048xf32, #tpu.memory_space<vmem>>[vector<16xi32>], vector<16xf32>, vector<16xi1>
      } {sc.loop_unroll_factor = 8 : i64, sc.parallel_access}
    }
    %scan3A_349 = arith.constant 32 : i32
    %dma_wait3A_350 = arith.constant 0 : i32
    %dma_wait3A_351 = tpu.memref_slice %arg2[%add3A_335, %dma_wait3A_350] : memref<4096x512xf32, #tpu.memory_space<hbm>> -> memref<32x512xf32, #tpu.memory_space<hbm>>
    %dma_wait3A_352 = arith.constant 0 : i32
    %dma_wait3A_353 = tpu.memref_slice %arg2[%add3A_335, %dma_wait3A_352] : memref<4096x512xf32, #tpu.memory_space<hbm>> -> memref<32x512xf32, #tpu.memory_space<hbm>>
    tpu.wait_dma2 semaphore(%arg16 : memref<!tpu.dma_semaphore, #tpu.memory_space<semaphore_mem>>) src(%dma_wait3A_353 : memref<32x512xf32, #tpu.memory_space<hbm>>) dst(%arg5 : memref<32x512xf32, #tpu.memory_space<vmem>>)
    %scan3A_354 = arith.constant 0 : i32
    %scan3A_355 = arith.constant 0 : i32
    %scan3A_356 = arith.constant 32 : i32
    %scan3A_357 = arith.addi %scan3A_355, %scan3A_356 : i32
    %scan3A_358 = arith.constant 1 : i32
    scf.for %scan3A_439 = %scan3A_355 to %scan3A_357 step %scan3A_358  : i32 {
      %parallel_loop3A = arith.constant 0 : i32
      %parallel_loop3A_440 = arith.constant 32 : i32
      %parallel_loop3A_441 = arith.constant 1 : i32
      scf.for %parallel_loop3A_442 = %parallel_loop3A to %parallel_loop3A_440 step %parallel_loop3A_441  : i32 {
        %parallel_loop3A_443 = arith.constant 16 : i32
        %parallel_loop3A_444 = arith.muli %parallel_loop3A_442, %parallel_loop3A_443 : i32
        %parallel_loop3A_445 = arith.index_cast %scan3A_439 : i32 to index
        %parallel_loop3A_446 = arith.index_cast %parallel_loop3A_444 : i32 to index
        %parallel_loop3A_447 = tpu.vector_load %arg5[%parallel_loop3A_445, %parallel_loop3A_446] {strides = array<i32>} : memref<32x512xf32, #tpu.memory_space<vmem>>, vector<16xf32>,
        %parallel_loop3A_448 = tpu.bitcast %parallel_loop3A_447 : vector<16xf32> -> vector<16xi32>
        %parallel_loop3A_449 = arith.constant 0 : i32
        %parallel_loop3A_450 = vector.broadcast %parallel_loop3A_449 : i32 to vector<16xi32>
        %parallel_loop3A_451 = arith.maxsi %parallel_loop3A_448, %parallel_loop3A_450 : vector<16xi32>
        %parallel_loop3A_452 = arith.constant 20 : i32
        %parallel_loop3A_453 = vector.broadcast %parallel_loop3A_452 : i32 to vector<16xi32>
        %parallel_loop3A_454 = arith.shrui %parallel_loop3A_451, %parallel_loop3A_453 : vector<16xi32>
        %parallel_loop3A_455 = vector.broadcast %scan3A_204#2 : i32 to vector<16xi32>
        %parallel_loop3A_456 = arith.cmpi eq, %parallel_loop3A_454, %parallel_loop3A_455 : vector<16xi32>
        %parallel_loop3A_457 = arith.constant 10 : i32
        %parallel_loop3A_458 = vector.broadcast %parallel_loop3A_457 : i32 to vector<16xi32>
        %parallel_loop3A_459 = arith.shrui %parallel_loop3A_451, %parallel_loop3A_458 : vector<16xi32>
        %parallel_loop3A_460 = arith.constant 1023 : i32
        %parallel_loop3A_461 = vector.broadcast %parallel_loop3A_460 : i32 to vector<16xi32>
        %parallel_loop3A_462 = arith.andi %parallel_loop3A_459, %parallel_loop3A_461 : vector<16xi32>
        tpu.vector_store_idx %arg6[%parallel_loop3A_462], %broadcast_in_dim3A_0 masked %parallel_loop3A_456 {add = true} : memref<2048xi32, #tpu.memory_space<vmem>>[vector<16xi32>], vector<16xi32>, vector<16xi1>
        tpu.vector_store_idx %arg7[%parallel_loop3A_462], %parallel_loop3A_447 masked %parallel_loop3A_456 {add = true} : memref<2048xf32, #tpu.memory_space<vmem>>[vector<16xi32>], vector<16xf32>, vector<16xi1>
      } {sc.loop_unroll_factor = 8 : i64, sc.parallel_access}
    }
    %scan3A_359 = arith.constant 32 : i32
    "tpu.region"() ({
      %run_scoped3A = tpu.sem_alloc : memref<!tpu.dma_semaphore, #tpu.memory_space<semaphore_mem>>
      %dma_start3A_439 = arith.constant 0 : i32
      %dma_start3A_440 = tpu.memref_slice %arg6[%dma_start3A_439] : memref<2048xi32, #tpu.memory_space<vmem>> -> memref<1024xi32, #tpu.memory_space<vmem>>
      %dma_start3A_441 = arith.constant 0 : i32
      %dma_start3A_442 = tpu.memref_slice %arg17[%arg1, %dma_start3A_441] : memref<16x2048xi32, #tpu.memory_space<vmem_shared>> -> memref<1x1024xi32, #tpu.memory_space<vmem_shared>>
      %dma_start3A_443 = tpu.memref_squeeze %dma_start3A_442 : memref<1x1024xi32, #tpu.memory_space<vmem_shared>> -> memref<1024xi32, #tpu.memory_space<vmem_shared>>
      %dma_start3A_444 = arith.constant 0 : i32
      %dma_start3A_445 = tpu.memref_slice %arg17[%arg1, %dma_start3A_444] : memref<16x2048xi32, #tpu.memory_space<vmem_shared>> -> memref<1x1024xi32, #tpu.memory_space<vmem_shared>>
      %dma_start3A_446 = tpu.memref_squeeze %dma_start3A_445 : memref<1x1024xi32, #tpu.memory_space<vmem_shared>> -> memref<1024xi32, #tpu.memory_space<vmem_shared>>
      %dma_start3A_447 = arith.constant 0 : i32
      %dma_start3A_448 = tpu.memref_slice %arg6[%dma_start3A_447] : memref<2048xi32, #tpu.memory_space<vmem>> -> memref<1024xi32, #tpu.memory_space<vmem>>
      tpu.enqueue_dma source(%dma_start3A_448 : memref<1024xi32, #tpu.memory_space<vmem>>) target(%dma_start3A_446 : memref<1024xi32, #tpu.memory_space<vmem_shared>>) target_semaphore(%run_scoped3A : memref<!tpu.dma_semaphore, #tpu.memory_space<semaphore_mem>>)
      %dma_wait3A_449 = arith.constant 0 : i32
      %dma_wait3A_450 = tpu.memref_slice %arg6[%dma_wait3A_449] : memref<2048xi32, #tpu.memory_space<vmem>> -> memref<1024xi32, #tpu.memory_space<vmem>>
      %dma_wait3A_451 = arith.constant 0 : i32
      %dma_wait3A_452 = tpu.memref_slice %arg17[%arg1, %dma_wait3A_451] : memref<16x2048xi32, #tpu.memory_space<vmem_shared>> -> memref<1x1024xi32, #tpu.memory_space<vmem_shared>>
      %dma_wait3A_453 = tpu.memref_squeeze %dma_wait3A_452 : memref<1x1024xi32, #tpu.memory_space<vmem_shared>> -> memref<1024xi32, #tpu.memory_space<vmem_shared>>
      %dma_wait3A_454 = arith.constant 0 : i32
      %dma_wait3A_455 = tpu.memref_slice %arg17[%arg1, %dma_wait3A_454] : memref<16x2048xi32, #tpu.memory_space<vmem_shared>> -> memref<1x1024xi32, #tpu.memory_space<vmem_shared>>
      %dma_wait3A_456 = tpu.memref_squeeze %dma_wait3A_455 : memref<1x1024xi32, #tpu.memory_space<vmem_shared>> -> memref<1024xi32, #tpu.memory_space<vmem_shared>>
      %dma_wait3A_457 = arith.constant 0 : i32
      %dma_wait3A_458 = tpu.memref_slice %arg6[%dma_wait3A_457] : memref<2048xi32, #tpu.memory_space<vmem>> -> memref<1024xi32, #tpu.memory_space<vmem>>
      tpu.wait_dma2 semaphore(%run_scoped3A : memref<!tpu.dma_semaphore, #tpu.memory_space<semaphore_mem>>) src(%dma_wait3A_458 : memref<1024xi32, #tpu.memory_space<vmem>>) dst(%dma_wait3A_456 : memref<1024xi32, #tpu.memory_space<vmem_shared>>)
      tpu.yield
    }) : () -> ()
    %barrier3A_360 = arith.constant 0 : index
    tpu.barrier barrier_id(%barrier3A_360)
    %broadcast_in_dim3A_361 = arith.constant 0 : i32
    %broadcast_in_dim3A_362 = vector.broadcast %broadcast_in_dim3A_361 : i32 to vector<16xi32>
    %swap3A_363 = arith.constant 0 : index
    %swap3A_364 = tpu.vector_load %arg10[%swap3A_363] {strides = array<i32>} : memref<128xi32, #tpu.memory_space<vmem>>, vector<16xi32>,
    tpu.vector_store %arg10[%swap3A_363], %broadcast_in_dim3A_362 {strides = array<i32>} : memref<128xi32, #tpu.memory_space<vmem>>, vector<16xi32>,
    %swap3A_365 = arith.constant 16 : index
    %swap3A_366 = tpu.vector_load %arg10[%swap3A_365] {strides = array<i32>} : memref<128xi32, #tpu.memory_space<vmem>>, vector<16xi32>,
    tpu.vector_store %arg10[%swap3A_365], %broadcast_in_dim3A_362 {strides = array<i32>} : memref<128xi32, #tpu.memory_space<vmem>>, vector<16xi32>,
    %swap3A_367 = arith.constant 32 : index
    %swap3A_368 = tpu.vector_load %arg10[%swap3A_367] {strides = array<i32>} : memref<128xi32, #tpu.memory_space<vmem>>, vector<16xi32>,
    tpu.vector_store %arg10[%swap3A_367], %broadcast_in_dim3A_362 {strides = array<i32>} : memref<128xi32, #tpu.memory_space<vmem>>, vector<16xi32>,
    %swap3A_369 = arith.constant 48 : index
    %swap3A_370 = tpu.vector_load %arg10[%swap3A_369] {strides = array<i32>} : memref<128xi32, #tpu.memory_space<vmem>>, vector<16xi32>,
    tpu.vector_store %arg10[%swap3A_369], %broadcast_in_dim3A_362 {strides = array<i32>} : memref<128xi32, #tpu.memory_space<vmem>>, vector<16xi32>,
    %scan3A_371 = arith.constant 0 : i32
    %scan3A_372 = arith.constant 0 : i32
    %scan3A_373 = arith.constant 16 : i32
    %scan3A_374 = arith.addi %scan3A_372, %scan3A_373 : i32
    %scan3A_375 = arith.constant 1 : i32
    scf.for %scan3A_439 = %scan3A_372 to %scan3A_374 step %scan3A_375  : i32 {
      %mul3A_440 = arith.constant 64 : i32
      %mul3A_441 = arith.muli %arg1, %mul3A_440 : i32
      "tpu.region"() ({
        %run_scoped3A = tpu.sem_alloc : memref<!tpu.dma_semaphore, #tpu.memory_space<semaphore_mem>>
        %dma_start3A_469 = arith.constant 0 : i32
        %dma_start3A_470 = tpu.memref_slice %arg8[%dma_start3A_469] : memref<128xi32, #tpu.memory_space<vmem>> -> memref<64xi32, #tpu.memory_space<vmem>>
        %dma_start3A_471 = tpu.memref_slice %arg17[%scan3A_439, %mul3A_441] : memref<16x2048xi32, #tpu.memory_space<vmem_shared>> -> memref<1x64xi32, #tpu.memory_space<vmem_shared>>
        %dma_start3A_472 = tpu.memref_squeeze %dma_start3A_471 : memref<1x64xi32, #tpu.memory_space<vmem_shared>> -> memref<64xi32, #tpu.memory_space<vmem_shared>>
        %dma_start3A_473 = arith.constant 0 : i32
        %dma_start3A_474 = tpu.memref_slice %arg8[%dma_start3A_473] : memref<128xi32, #tpu.memory_space<vmem>> -> memref<64xi32, #tpu.memory_space<vmem>>
        %dma_start3A_475 = tpu.memref_slice %arg17[%scan3A_439, %mul3A_441] : memref<16x2048xi32, #tpu.memory_space<vmem_shared>> -> memref<1x64xi32, #tpu.memory_space<vmem_shared>>
        %dma_start3A_476 = tpu.memref_squeeze %dma_start3A_475 : memref<1x64xi32, #tpu.memory_space<vmem_shared>> -> memref<64xi32, #tpu.memory_space<vmem_shared>>
        tpu.enqueue_dma source(%dma_start3A_476 : memref<64xi32, #tpu.memory_space<vmem_shared>>) target(%dma_start3A_474 : memref<64xi32, #tpu.memory_space<vmem>>) target_semaphore(%run_scoped3A : memref<!tpu.dma_semaphore, #tpu.memory_space<semaphore_mem>>)
        %dma_wait3A_477 = arith.constant 0 : i32
        %dma_wait3A_478 = tpu.memref_slice %arg8[%dma_wait3A_477] : memref<128xi32, #tpu.memory_space<vmem>> -> memref<64xi32, #tpu.memory_space<vmem>>
        %dma_wait3A_479 = tpu.memref_slice %arg17[%scan3A_439, %mul3A_441] : memref<16x2048xi32, #tpu.memory_space<vmem_shared>> -> memref<1x64xi32, #tpu.memory_space<vmem_shared>>
        %dma_wait3A_480 = tpu.memref_squeeze %dma_wait3A_479 : memref<1x64xi32, #tpu.memory_space<vmem_shared>> -> memref<64xi32, #tpu.memory_space<vmem_shared>>
        %dma_wait3A_481 = arith.constant 0 : i32
        %dma_wait3A_482 = tpu.memref_slice %arg8[%dma_wait3A_481] : memref<128xi32, #tpu.memory_space<vmem>> -> memref<64xi32, #tpu.memory_space<vmem>>
        %dma_wait3A_483 = tpu.memref_slice %arg17[%scan3A_439, %mul3A_441] : memref<16x2048xi32, #tpu.memory_space<vmem_shared>> -> memref<1x64xi32, #tpu.memory_space<vmem_shared>>
        %dma_wait3A_484 = tpu.memref_squeeze %dma_wait3A_483 : memref<1x64xi32, #tpu.memory_space<vmem_shared>> -> memref<64xi32, #tpu.memory_space<vmem_shared>>
        tpu.wait_dma2 semaphore(%run_scoped3A : memref<!tpu.dma_semaphore, #tpu.memory_space<semaphore_mem>>) src(%dma_wait3A_484 : memref<64xi32, #tpu.memory_space<vmem_shared>>) dst(%dma_wait3A_482 : memref<64xi32, #tpu.memory_space<vmem>>)
        tpu.yield
      }) : () -> ()
      %get3A = arith.constant 0 : index
      %get3A_442 = tpu.vector_load %arg10[%get3A] {strides = array<i32>} : memref<128xi32, #tpu.memory_space<vmem>>, vector<16xi32>,
      %get3A_443 = arith.constant 0 : index
      %get3A_444 = tpu.vector_load %arg8[%get3A_443] {strides = array<i32>} : memref<128xi32, #tpu.memory_space<vmem>>, vector<16xi32>,
      %add3A_445 = arith.addi %get3A_442, %get3A_444 : vector<16xi32>
      %swap3A_446 = arith.constant 0 : index
      %swap3A_447 = tpu.vector_load %arg10[%swap3A_446] {strides = array<i32>} : memref<128xi32, #tpu.memory_space<vmem>>, vector<16xi32>,
      tpu.vector_store %arg10[%swap3A_446], %add3A_445 {strides = array<i32>} : memref<128xi32, #tpu.memory_space<vmem>>, vector<16xi32>,
      %get3A_448 = arith.constant 16 : index
      %get3A_449 = tpu.vector_load %arg10[%get3A_448] {strides = array<i32>} : memref<128xi32, #tpu.memory_space<vmem>>, vector<16xi32>,
      %get3A_450 = arith.constant 16 : index
      %get3A_451 = tpu.vector_load %arg8[%get3A_450] {strides = array<i32>} : memref<128xi32, #tpu.memory_space<vmem>>, vector<16xi32>,
      %add3A_452 = arith.addi %get3A_449, %get3A_451 : vector<16xi32>
      %swap3A_453 = arith.constant 16 : index
      %swap3A_454 = tpu.vector_load %arg10[%swap3A_453] {strides = array<i32>} : memref<128xi32, #tpu.memory_space<vmem>>, vector<16xi32>,
      tpu.vector_store %arg10[%swap3A_453], %add3A_452 {strides = array<i32>} : memref<128xi32, #tpu.memory_space<vmem>>, vector<16xi32>,
      %get3A_455 = arith.constant 32 : index
      %get3A_456 = tpu.vector_load %arg10[%get3A_455] {strides = array<i32>} : memref<128xi32, #tpu.memory_space<vmem>>, vector<16xi32>,
      %get3A_457 = arith.constant 32 : index
      %get3A_458 = tpu.vector_load %arg8[%get3A_457] {strides = array<i32>} : memref<128xi32, #tpu.memory_space<vmem>>, vector<16xi32>,
      %add3A_459 = arith.addi %get3A_456, %get3A_458 : vector<16xi32>
      %swap3A_460 = arith.constant 32 : index
      %swap3A_461 = tpu.vector_load %arg10[%swap3A_460] {strides = array<i32>} : memref<128xi32, #tpu.memory_space<vmem>>, vector<16xi32>,
      tpu.vector_store %arg10[%swap3A_460], %add3A_459 {strides = array<i32>} : memref<128xi32, #tpu.memory_space<vmem>>, vector<16xi32>,
      %get3A_462 = arith.constant 48 : index
      %get3A_463 = tpu.vector_load %arg10[%get3A_462] {strides = array<i32>} : memref<128xi32, #tpu.memory_space<vmem>>, vector<16xi32>,
      %get3A_464 = arith.constant 48 : index
      %get3A_465 = tpu.vector_load %arg8[%get3A_464] {strides = array<i32>} : memref<128xi32, #tpu.memory_space<vmem>>, vector<16xi32>,
      %add3A_466 = arith.addi %get3A_463, %get3A_465 : vector<16xi32>
      %swap3A_467 = arith.constant 48 : index
      %swap3A_468 = tpu.vector_load %arg10[%swap3A_467] {strides = array<i32>} : memref<128xi32, #tpu.memory_space<vmem>>, vector<16xi32>,
      tpu.vector_store %arg10[%swap3A_467], %add3A_466 {strides = array<i32>} : memref<128xi32, #tpu.memory_space<vmem>>, vector<16xi32>,
    }
    %scan3A_376 = arith.constant 16 : i32
    %mul3A_377 = arith.constant 64 : i32
    %mul3A_378 = arith.muli %arg1, %mul3A_377 : i32
    "tpu.region"() ({
      %run_scoped3A = tpu.sem_alloc : memref<!tpu.dma_semaphore, #tpu.memory_space<semaphore_mem>>
      %dma_start3A_439 = arith.constant 0 : i32
      %dma_start3A_440 = tpu.memref_slice %arg10[%dma_start3A_439] : memref<128xi32, #tpu.memory_space<vmem>> -> memref<64xi32, #tpu.memory_space<vmem>>
      %dma_start3A_441 = tpu.memref_slice %arg19[%mul3A_378] : memref<2048xi32, #tpu.memory_space<vmem_shared>> -> memref<64xi32, #tpu.memory_space<vmem_shared>>
      %dma_start3A_442 = tpu.memref_slice %arg19[%mul3A_378] : memref<2048xi32, #tpu.memory_space<vmem_shared>> -> memref<64xi32, #tpu.memory_space<vmem_shared>>
      %dma_start3A_443 = arith.constant 0 : i32
      %dma_start3A_444 = tpu.memref_slice %arg10[%dma_start3A_443] : memref<128xi32, #tpu.memory_space<vmem>> -> memref<64xi32, #tpu.memory_space<vmem>>
      tpu.enqueue_dma source(%dma_start3A_444 : memref<64xi32, #tpu.memory_space<vmem>>) target(%dma_start3A_442 : memref<64xi32, #tpu.memory_space<vmem_shared>>) target_semaphore(%run_scoped3A : memref<!tpu.dma_semaphore, #tpu.memory_space<semaphore_mem>>)
      %dma_wait3A_445 = arith.constant 0 : i32
      %dma_wait3A_446 = tpu.memref_slice %arg10[%dma_wait3A_445] : memref<128xi32, #tpu.memory_space<vmem>> -> memref<64xi32, #tpu.memory_space<vmem>>
      %dma_wait3A_447 = tpu.memref_slice %arg19[%mul3A_378] : memref<2048xi32, #tpu.memory_space<vmem_shared>> -> memref<64xi32, #tpu.memory_space<vmem_shared>>
      %dma_wait3A_448 = tpu.memref_slice %arg19[%mul3A_378] : memref<2048xi32, #tpu.memory_space<vmem_shared>> -> memref<64xi32, #tpu.memory_space<vmem_shared>>
      %dma_wait3A_449 = arith.constant 0 : i32
      %dma_wait3A_450 = tpu.memref_slice %arg10[%dma_wait3A_449] : memref<128xi32, #tpu.memory_space<vmem>> -> memref<64xi32, #tpu.memory_space<vmem>>
      tpu.wait_dma2 semaphore(%run_scoped3A : memref<!tpu.dma_semaphore, #tpu.memory_space<semaphore_mem>>) src(%dma_wait3A_450 : memref<64xi32, #tpu.memory_space<vmem>>) dst(%dma_wait3A_448 : memref<64xi32, #tpu.memory_space<vmem_shared>>)
      tpu.yield
    }) : () -> ()
    %barrier3A_379 = arith.constant 0 : index
    tpu.barrier barrier_id(%barrier3A_379)
    "tpu.region"() ({
      %run_scoped3A = tpu.sem_alloc : memref<!tpu.dma_semaphore, #tpu.memory_space<semaphore_mem>>
      %dma_start3A_439 = arith.constant 0 : i32
      %dma_start3A_440 = tpu.memref_slice %arg12[%dma_start3A_439] : memref<2048xi32, #tpu.memory_space<vmem>> -> memref<1024xi32, #tpu.memory_space<vmem>>
      %dma_start3A_441 = arith.constant 0 : i32
      %dma_start3A_442 = tpu.memref_slice %arg19[%dma_start3A_441] : memref<2048xi32, #tpu.memory_space<vmem_shared>> -> memref<1024xi32, #tpu.memory_space<vmem_shared>>
      %dma_start3A_443 = arith.constant 0 : i32
      %dma_start3A_444 = tpu.memref_slice %arg12[%dma_start3A_443] : memref<2048xi32, #tpu.memory_space<vmem>> -> memref<1024xi32, #tpu.memory_space<vmem>>
      %dma_start3A_445 = arith.constant 0 : i32
      %dma_start3A_446 = tpu.memref_slice %arg19[%dma_start3A_445] : memref<2048xi32, #tpu.memory_space<vmem_shared>> -> memref<1024xi32, #tpu.memory_space<vmem_shared>>
      tpu.enqueue_dma source(%dma_start3A_446 : memref<1024xi32, #tpu.memory_space<vmem_shared>>) target(%dma_start3A_444 : memref<1024xi32, #tpu.memory_space<vmem>>) target_semaphore(%run_scoped3A : memref<!tpu.dma_semaphore, #tpu.memory_space<semaphore_mem>>)
      %dma_wait3A_447 = arith.constant 0 : i32
      %dma_wait3A_448 = tpu.memref_slice %arg12[%dma_wait3A_447] : memref<2048xi32, #tpu.memory_space<vmem>> -> memref<1024xi32, #tpu.memory_space<vmem>>
      %dma_wait3A_449 = arith.constant 0 : i32
      %dma_wait3A_450 = tpu.memref_slice %arg19[%dma_wait3A_449] : memref<2048xi32, #tpu.memory_space<vmem_shared>> -> memref<1024xi32, #tpu.memory_space<vmem_shared>>
      %dma_wait3A_451 = arith.constant 0 : i32
      %dma_wait3A_452 = tpu.memref_slice %arg12[%dma_wait3A_451] : memref<2048xi32, #tpu.memory_space<vmem>> -> memref<1024xi32, #tpu.memory_space<vmem>>
      %dma_wait3A_453 = arith.constant 0 : i32
      %dma_wait3A_454 = tpu.memref_slice %arg19[%dma_wait3A_453] : memref<2048xi32, #tpu.memory_space<vmem_shared>> -> memref<1024xi32, #tpu.memory_space<vmem_shared>>
      tpu.wait_dma2 semaphore(%run_scoped3A : memref<!tpu.dma_semaphore, #tpu.memory_space<semaphore_mem>>) src(%dma_wait3A_454 : memref<1024xi32, #tpu.memory_space<vmem_shared>>) dst(%dma_wait3A_452 : memref<1024xi32, #tpu.memory_space<vmem>>)
      tpu.yield
    }) : () -> ()
    "tpu.region"() ({
      %run_scoped3A = tpu.sem_alloc : memref<!tpu.dma_semaphore, #tpu.memory_space<semaphore_mem>>
      %dma_start3A_439 = arith.constant 0 : i32
      %dma_start3A_440 = tpu.memref_slice %arg7[%dma_start3A_439] : memref<2048xf32, #tpu.memory_space<vmem>> -> memref<1024xf32, #tpu.memory_space<vmem>>
      %dma_start3A_441 = arith.constant 0 : i32
      %dma_start3A_442 = tpu.memref_slice %arg18[%arg1, %dma_start3A_441] : memref<16x2048xf32, #tpu.memory_space<vmem_shared>> -> memref<1x1024xf32, #tpu.memory_space<vmem_shared>>
      %dma_start3A_443 = tpu.memref_squeeze %dma_start3A_442 : memref<1x1024xf32, #tpu.memory_space<vmem_shared>> -> memref<1024xf32, #tpu.memory_space<vmem_shared>>
      %dma_start3A_444 = arith.constant 0 : i32
      %dma_start3A_445 = tpu.memref_slice %arg18[%arg1, %dma_start3A_444] : memref<16x2048xf32, #tpu.memory_space<vmem_shared>> -> memref<1x1024xf32, #tpu.memory_space<vmem_shared>>
      %dma_start3A_446 = tpu.memref_squeeze %dma_start3A_445 : memref<1x1024xf32, #tpu.memory_space<vmem_shared>> -> memref<1024xf32, #tpu.memory_space<vmem_shared>>
      %dma_start3A_447 = arith.constant 0 : i32
      %dma_start3A_448 = tpu.memref_slice %arg7[%dma_start3A_447] : memref<2048xf32, #tpu.memory_space<vmem>> -> memref<1024xf32, #tpu.memory_space<vmem>>
      tpu.enqueue_dma source(%dma_start3A_448 : memref<1024xf32, #tpu.memory_space<vmem>>) target(%dma_start3A_446 : memref<1024xf32, #tpu.memory_space<vmem_shared>>) target_semaphore(%run_scoped3A : memref<!tpu.dma_semaphore, #tpu.memory_space<semaphore_mem>>)
      %dma_wait3A_449 = arith.constant 0 : i32
      %dma_wait3A_450 = tpu.memref_slice %arg7[%dma_wait3A_449] : memref<2048xf32, #tpu.memory_space<vmem>> -> memref<1024xf32, #tpu.memory_space<vmem>>
      %dma_wait3A_451 = arith.constant 0 : i32
      %dma_wait3A_452 = tpu.memref_slice %arg18[%arg1, %dma_wait3A_451] : memref<16x2048xf32, #tpu.memory_space<vmem_shared>> -> memref<1x1024xf32, #tpu.memory_space<vmem_shared>>
      %dma_wait3A_453 = tpu.memref_squeeze %dma_wait3A_452 : memref<1x1024xf32, #tpu.memory_space<vmem_shared>> -> memref<1024xf32, #tpu.memory_space<vmem_shared>>
      %dma_wait3A_454 = arith.constant 0 : i32
      %dma_wait3A_455 = tpu.memref_slice %arg18[%arg1, %dma_wait3A_454] : memref<16x2048xf32, #tpu.memory_space<vmem_shared>> -> memref<1x1024xf32, #tpu.memory_space<vmem_shared>>
      %dma_wait3A_456 = tpu.memref_squeeze %dma_wait3A_455 : memref<1x1024xf32, #tpu.memory_space<vmem_shared>> -> memref<1024xf32, #tpu.memory_space<vmem_shared>>
      %dma_wait3A_457 = arith.constant 0 : i32
      %dma_wait3A_458 = tpu.memref_slice %arg7[%dma_wait3A_457] : memref<2048xf32, #tpu.memory_space<vmem>> -> memref<1024xf32, #tpu.memory_space<vmem>>
      tpu.wait_dma2 semaphore(%run_scoped3A : memref<!tpu.dma_semaphore, #tpu.memory_space<semaphore_mem>>) src(%dma_wait3A_458 : memref<1024xf32, #tpu.memory_space<vmem>>) dst(%dma_wait3A_456 : memref<1024xf32, #tpu.memory_space<vmem_shared>>)
      tpu.yield
    }) : () -> ()
    %barrier3A_380 = arith.constant 0 : index
    tpu.barrier barrier_id(%barrier3A_380)
    %broadcast_in_dim3A_381 = arith.constant 0.000000e+00 : f32
    %broadcast_in_dim3A_382 = vector.broadcast %broadcast_in_dim3A_381 : f32 to vector<16xf32>
    %swap3A_383 = arith.constant 0 : index
    %swap3A_384 = tpu.vector_load %arg11[%swap3A_383] {strides = array<i32>} : memref<128xf32, #tpu.memory_space<vmem>>, vector<16xf32>,
    tpu.vector_store %arg11[%swap3A_383], %broadcast_in_dim3A_382 {strides = array<i32>} : memref<128xf32, #tpu.memory_space<vmem>>, vector<16xf32>,
    %swap3A_385 = arith.constant 16 : index
    %swap3A_386 = tpu.vector_load %arg11[%swap3A_385] {strides = array<i32>} : memref<128xf32, #tpu.memory_space<vmem>>, vector<16xf32>,
    tpu.vector_store %arg11[%swap3A_385], %broadcast_in_dim3A_382 {strides = array<i32>} : memref<128xf32, #tpu.memory_space<vmem>>, vector<16xf32>,
    %swap3A_387 = arith.constant 32 : index
    %swap3A_388 = tpu.vector_load %arg11[%swap3A_387] {strides = array<i32>} : memref<128xf32, #tpu.memory_space<vmem>>, vector<16xf32>,
    tpu.vector_store %arg11[%swap3A_387], %broadcast_in_dim3A_382 {strides = array<i32>} : memref<128xf32, #tpu.memory_space<vmem>>, vector<16xf32>,
    %swap3A_389 = arith.constant 48 : index
    %swap3A_390 = tpu.vector_load %arg11[%swap3A_389] {strides = array<i32>} : memref<128xf32, #tpu.memory_space<vmem>>, vector<16xf32>,
    tpu.vector_store %arg11[%swap3A_389], %broadcast_in_dim3A_382 {strides = array<i32>} : memref<128xf32, #tpu.memory_space<vmem>>, vector<16xf32>,
    %scan3A_391 = arith.constant 0 : i32
    %scan3A_392 = arith.constant 0 : i32
    %scan3A_393 = arith.constant 16 : i32
    %scan3A_394 = arith.addi %scan3A_392, %scan3A_393 : i32
    %scan3A_395 = arith.constant 1 : i32
    scf.for %scan3A_439 = %scan3A_392 to %scan3A_394 step %scan3A_395  : i32 {
      %mul3A_440 = arith.constant 64 : i32
      %mul3A_441 = arith.muli %arg1, %mul3A_440 : i32
      "tpu.region"() ({
        %run_scoped3A = tpu.sem_alloc : memref<!tpu.dma_semaphore, #tpu.memory_space<semaphore_mem>>
        %dma_start3A_469 = arith.constant 0 : i32
        %dma_start3A_470 = tpu.memref_slice %arg9[%dma_start3A_469] : memref<128xf32, #tpu.memory_space<vmem>> -> memref<64xf32, #tpu.memory_space<vmem>>
        %dma_start3A_471 = tpu.memref_slice %arg18[%scan3A_439, %mul3A_441] : memref<16x2048xf32, #tpu.memory_space<vmem_shared>> -> memref<1x64xf32, #tpu.memory_space<vmem_shared>>
        %dma_start3A_472 = tpu.memref_squeeze %dma_start3A_471 : memref<1x64xf32, #tpu.memory_space<vmem_shared>> -> memref<64xf32, #tpu.memory_space<vmem_shared>>
        %dma_start3A_473 = arith.constant 0 : i32
        %dma_start3A_474 = tpu.memref_slice %arg9[%dma_start3A_473] : memref<128xf32, #tpu.memory_space<vmem>> -> memref<64xf32, #tpu.memory_space<vmem>>
        %dma_start3A_475 = tpu.memref_slice %arg18[%scan3A_439, %mul3A_441] : memref<16x2048xf32, #tpu.memory_space<vmem_shared>> -> memref<1x64xf32, #tpu.memory_space<vmem_shared>>
        %dma_start3A_476 = tpu.memref_squeeze %dma_start3A_475 : memref<1x64xf32, #tpu.memory_space<vmem_shared>> -> memref<64xf32, #tpu.memory_space<vmem_shared>>
        tpu.enqueue_dma source(%dma_start3A_476 : memref<64xf32, #tpu.memory_space<vmem_shared>>) target(%dma_start3A_474 : memref<64xf32, #tpu.memory_space<vmem>>) target_semaphore(%run_scoped3A : memref<!tpu.dma_semaphore, #tpu.memory_space<semaphore_mem>>)
        %dma_wait3A_477 = arith.constant 0 : i32
        %dma_wait3A_478 = tpu.memref_slice %arg9[%dma_wait3A_477] : memref<128xf32, #tpu.memory_space<vmem>> -> memref<64xf32, #tpu.memory_space<vmem>>
        %dma_wait3A_479 = tpu.memref_slice %arg18[%scan3A_439, %mul3A_441] : memref<16x2048xf32, #tpu.memory_space<vmem_shared>> -> memref<1x64xf32, #tpu.memory_space<vmem_shared>>
        %dma_wait3A_480 = tpu.memref_squeeze %dma_wait3A_479 : memref<1x64xf32, #tpu.memory_space<vmem_shared>> -> memref<64xf32, #tpu.memory_space<vmem_shared>>
        %dma_wait3A_481 = arith.constant 0 : i32
        %dma_wait3A_482 = tpu.memref_slice %arg9[%dma_wait3A_481] : memref<128xf32, #tpu.memory_space<vmem>> -> memref<64xf32, #tpu.memory_space<vmem>>
        %dma_wait3A_483 = tpu.memref_slice %arg18[%scan3A_439, %mul3A_441] : memref<16x2048xf32, #tpu.memory_space<vmem_shared>> -> memref<1x64xf32, #tpu.memory_space<vmem_shared>>
        %dma_wait3A_484 = tpu.memref_squeeze %dma_wait3A_483 : memref<1x64xf32, #tpu.memory_space<vmem_shared>> -> memref<64xf32, #tpu.memory_space<vmem_shared>>
        tpu.wait_dma2 semaphore(%run_scoped3A : memref<!tpu.dma_semaphore, #tpu.memory_space<semaphore_mem>>) src(%dma_wait3A_484 : memref<64xf32, #tpu.memory_space<vmem_shared>>) dst(%dma_wait3A_482 : memref<64xf32, #tpu.memory_space<vmem>>)
        tpu.yield
      }) : () -> ()
      %get3A = arith.constant 0 : index
      %get3A_442 = tpu.vector_load %arg11[%get3A] {strides = array<i32>} : memref<128xf32, #tpu.memory_space<vmem>>, vector<16xf32>,
      %get3A_443 = arith.constant 0 : index
      %get3A_444 = tpu.vector_load %arg9[%get3A_443] {strides = array<i32>} : memref<128xf32, #tpu.memory_space<vmem>>, vector<16xf32>,
      %add3A_445 = arith.addf %get3A_442, %get3A_444 : vector<16xf32>
      %swap3A_446 = arith.constant 0 : index
      %swap3A_447 = tpu.vector_load %arg11[%swap3A_446] {strides = array<i32>} : memref<128xf32, #tpu.memory_space<vmem>>, vector<16xf32>,
      tpu.vector_store %arg11[%swap3A_446], %add3A_445 {strides = array<i32>} : memref<128xf32, #tpu.memory_space<vmem>>, vector<16xf32>,
      %get3A_448 = arith.constant 16 : index
      %get3A_449 = tpu.vector_load %arg11[%get3A_448] {strides = array<i32>} : memref<128xf32, #tpu.memory_space<vmem>>, vector<16xf32>,
      %get3A_450 = arith.constant 16 : index
      %get3A_451 = tpu.vector_load %arg9[%get3A_450] {strides = array<i32>} : memref<128xf32, #tpu.memory_space<vmem>>, vector<16xf32>,
      %add3A_452 = arith.addf %get3A_449, %get3A_451 : vector<16xf32>
      %swap3A_453 = arith.constant 16 : index
      %swap3A_454 = tpu.vector_load %arg11[%swap3A_453] {strides = array<i32>} : memref<128xf32, #tpu.memory_space<vmem>>, vector<16xf32>,
      tpu.vector_store %arg11[%swap3A_453], %add3A_452 {strides = array<i32>} : memref<128xf32, #tpu.memory_space<vmem>>, vector<16xf32>,
      %get3A_455 = arith.constant 32 : index
      %get3A_456 = tpu.vector_load %arg11[%get3A_455] {strides = array<i32>} : memref<128xf32, #tpu.memory_space<vmem>>, vector<16xf32>,
      %get3A_457 = arith.constant 32 : index
      %get3A_458 = tpu.vector_load %arg9[%get3A_457] {strides = array<i32>} : memref<128xf32, #tpu.memory_space<vmem>>, vector<16xf32>,
      %add3A_459 = arith.addf %get3A_456, %get3A_458 : vector<16xf32>
      %swap3A_460 = arith.constant 32 : index
      %swap3A_461 = tpu.vector_load %arg11[%swap3A_460] {strides = array<i32>} : memref<128xf32, #tpu.memory_space<vmem>>, vector<16xf32>,
      tpu.vector_store %arg11[%swap3A_460], %add3A_459 {strides = array<i32>} : memref<128xf32, #tpu.memory_space<vmem>>, vector<16xf32>,
      %get3A_462 = arith.constant 48 : index
      %get3A_463 = tpu.vector_load %arg11[%get3A_462] {strides = array<i32>} : memref<128xf32, #tpu.memory_space<vmem>>, vector<16xf32>,
      %get3A_464 = arith.constant 48 : index
      %get3A_465 = tpu.vector_load %arg9[%get3A_464] {strides = array<i32>} : memref<128xf32, #tpu.memory_space<vmem>>, vector<16xf32>,
      %add3A_466 = arith.addf %get3A_463, %get3A_465 : vector<16xf32>
      %swap3A_467 = arith.constant 48 : index
      %swap3A_468 = tpu.vector_load %arg11[%swap3A_467] {strides = array<i32>} : memref<128xf32, #tpu.memory_space<vmem>>, vector<16xf32>,
      tpu.vector_store %arg11[%swap3A_467], %add3A_466 {strides = array<i32>} : memref<128xf32, #tpu.memory_space<vmem>>, vector<16xf32>,
    }
    %scan3A_396 = arith.constant 16 : i32
    %mul3A_397 = arith.constant 64 : i32
    %mul3A_398 = arith.muli %arg1, %mul3A_397 : i32
    "tpu.region"() ({
      %run_scoped3A = tpu.sem_alloc : memref<!tpu.dma_semaphore, #tpu.memory_space<semaphore_mem>>
      %dma_start3A_439 = arith.constant 0 : i32
      %dma_start3A_440 = tpu.memref_slice %arg11[%dma_start3A_439] : memref<128xf32, #tpu.memory_space<vmem>> -> memref<64xf32, #tpu.memory_space<vmem>>
      %dma_start3A_441 = tpu.memref_slice %arg20[%mul3A_398] : memref<2048xf32, #tpu.memory_space<vmem_shared>> -> memref<64xf32, #tpu.memory_space<vmem_shared>>
      %dma_start3A_442 = tpu.memref_slice %arg20[%mul3A_398] : memref<2048xf32, #tpu.memory_space<vmem_shared>> -> memref<64xf32, #tpu.memory_space<vmem_shared>>
      %dma_start3A_443 = arith.constant 0 : i32
      %dma_start3A_444 = tpu.memref_slice %arg11[%dma_start3A_443] : memref<128xf32, #tpu.memory_space<vmem>> -> memref<64xf32, #tpu.memory_space<vmem>>
      tpu.enqueue_dma source(%dma_start3A_444 : memref<64xf32, #tpu.memory_space<vmem>>) target(%dma_start3A_442 : memref<64xf32, #tpu.memory_space<vmem_shared>>) target_semaphore(%run_scoped3A : memref<!tpu.dma_semaphore, #tpu.memory_space<semaphore_mem>>)
      %dma_wait3A_445 = arith.constant 0 : i32
      %dma_wait3A_446 = tpu.memref_slice %arg11[%dma_wait3A_445] : memref<128xf32, #tpu.memory_space<vmem>> -> memref<64xf32, #tpu.memory_space<vmem>>
      %dma_wait3A_447 = tpu.memref_slice %arg20[%mul3A_398] : memref<2048xf32, #tpu.memory_space<vmem_shared>> -> memref<64xf32, #tpu.memory_space<vmem_shared>>
      %dma_wait3A_448 = tpu.memref_slice %arg20[%mul3A_398] : memref<2048xf32, #tpu.memory_space<vmem_shared>> -> memref<64xf32, #tpu.memory_space<vmem_shared>>
      %dma_wait3A_449 = arith.constant 0 : i32
      %dma_wait3A_450 = tpu.memref_slice %arg11[%dma_wait3A_449] : memref<128xf32, #tpu.memory_space<vmem>> -> memref<64xf32, #tpu.memory_space<vmem>>
      tpu.wait_dma2 semaphore(%run_scoped3A : memref<!tpu.dma_semaphore, #tpu.memory_space<semaphore_mem>>) src(%dma_wait3A_450 : memref<64xf32, #tpu.memory_space<vmem>>) dst(%dma_wait3A_448 : memref<64xf32, #tpu.memory_space<vmem_shared>>)
      tpu.yield
    }) : () -> ()
    %barrier3A_399 = arith.constant 0 : index
    tpu.barrier barrier_id(%barrier3A_399)
    "tpu.region"() ({
      %run_scoped3A = tpu.sem_alloc : memref<!tpu.dma_semaphore, #tpu.memory_space<semaphore_mem>>
      %dma_start3A_439 = arith.constant 0 : i32
      %dma_start3A_440 = tpu.memref_slice %arg13[%dma_start3A_439] : memref<2048xf32, #tpu.memory_space<vmem>> -> memref<1024xf32, #tpu.memory_space<vmem>>
      %dma_start3A_441 = arith.constant 0 : i32
      %dma_start3A_442 = tpu.memref_slice %arg20[%dma_start3A_441] : memref<2048xf32, #tpu.memory_space<vmem_shared>> -> memref<1024xf32, #tpu.memory_space<vmem_shared>>
      %dma_start3A_443 = arith.constant 0 : i32
      %dma_start3A_444 = tpu.memref_slice %arg13[%dma_start3A_443] : memref<2048xf32, #tpu.memory_space<vmem>> -> memref<1024xf32, #tpu.memory_space<vmem>>
      %dma_start3A_445 = arith.constant 0 : i32
      %dma_start3A_446 = tpu.memref_slice %arg20[%dma_start3A_445] : memref<2048xf32, #tpu.memory_space<vmem_shared>> -> memref<1024xf32, #tpu.memory_space<vmem_shared>>
      tpu.enqueue_dma source(%dma_start3A_446 : memref<1024xf32, #tpu.memory_space<vmem_shared>>) target(%dma_start3A_444 : memref<1024xf32, #tpu.memory_space<vmem>>) target_semaphore(%run_scoped3A : memref<!tpu.dma_semaphore, #tpu.memory_space<semaphore_mem>>)
      %dma_wait3A_447 = arith.constant 0 : i32
      %dma_wait3A_448 = tpu.memref_slice %arg13[%dma_wait3A_447] : memref<2048xf32, #tpu.memory_space<vmem>> -> memref<1024xf32, #tpu.memory_space<vmem>>
      %dma_wait3A_449 = arith.constant 0 : i32
      %dma_wait3A_450 = tpu.memref_slice %arg20[%dma_wait3A_449] : memref<2048xf32, #tpu.memory_space<vmem_shared>> -> memref<1024xf32, #tpu.memory_space<vmem_shared>>
      %dma_wait3A_451 = arith.constant 0 : i32
      %dma_wait3A_452 = tpu.memref_slice %arg13[%dma_wait3A_451] : memref<2048xf32, #tpu.memory_space<vmem>> -> memref<1024xf32, #tpu.memory_space<vmem>>
      %dma_wait3A_453 = arith.constant 0 : i32
      %dma_wait3A_454 = tpu.memref_slice %arg20[%dma_wait3A_453] : memref<2048xf32, #tpu.memory_space<vmem_shared>> -> memref<1024xf32, #tpu.memory_space<vmem_shared>>
      tpu.wait_dma2 semaphore(%run_scoped3A : memref<!tpu.dma_semaphore, #tpu.memory_space<semaphore_mem>>) src(%dma_wait3A_454 : memref<1024xf32, #tpu.memory_space<vmem_shared>>) dst(%dma_wait3A_452 : memref<1024xf32, #tpu.memory_space<vmem>>)
      tpu.yield
    }) : () -> ()
    %sub3A = arith.constant 1468006 : i32
    %sub3A_400 = arith.subi %sub3A, %scan3A_204#3 : i32
    %iota3A_401 = tpu.iota {dimensions = array<i32: 0>} : vector<16xi32>
    %scan3A_402 = arith.constant 0 : i32
    %scan3A_403 = arith.constant false
    %scan3A_404 = arith.constant 0 : i32
    %scan3A_405 = arith.constant 0 : i32
    %scan3A_406 = arith.constant 0 : i32
    %scan3A_407 = arith.constant 0 : i32
    %scan3A_408 = arith.constant 64 : i32
    %scan3A_409 = arith.addi %scan3A_407, %scan3A_408 : i32
    %scan3A_410 = arith.constant 1 : i32
    %scan3A_411:5 = scf.for %scan3A_439 = %scan3A_407 to %scan3A_409 step %scan3A_410 iter_args(%scan3A_440 = %scan3A_402, %scan3A_441 = %scan3A_403, %scan3A_442 = %scan3A_404, %scan3A_443 = %scan3A_405, %scan3A_444 = %scan3A_406) -> (i32, i1, i32, i32, i32)  : i32 {
      %sub3A_445 = arith.constant 63 : i32
      %sub3A_446 = arith.subi %sub3A_445, %scan3A_439 : i32
      %mul3A_447 = arith.constant 16 : i32
      %mul3A_448 = arith.muli %sub3A_446, %mul3A_447 : i32
      %get3A = arith.index_cast %mul3A_448 : i32 to index
      %get3A_449 = tpu.vector_load %arg12[%get3A] {strides = array<i32>} : memref<2048xi32, #tpu.memory_space<vmem>>, vector<16xi32>,
      %rev3A = arith.constant 15 : i32
      %rev3A_450 = vector.broadcast %rev3A : i32 to vector<16xi32>
      %rev3A_451 = tpu.iota {dimensions = array<i32: 0>} : vector<16xi32>
      %rev3A_452 = arith.subi %rev3A_450, %rev3A_451 : vector<16xi32>
      %rev3A_453 = tpu.dynamic_gather %get3A_449[%rev3A_452] in [0] : vector<16xi32>, vector<16xi32> -> vector<16xi32>
      %cumsum3A = arith.constant true
      %cumsum3A_454 = vector.broadcast %cumsum3A : i1 to vector<16xi1>
      %cumsum3A_455 = tpu.scan <sum>, %rev3A_453 masked %cumsum3A_454 : vector<16xi32>, vector<16xi1> -> vector<16xi32>
      %rev3A_456 = arith.constant 15 : i32
      %rev3A_457 = vector.broadcast %rev3A_456 : i32 to vector<16xi32>
      %rev3A_458 = tpu.iota {dimensions = array<i32: 0>} : vector<16xi32>
      %rev3A_459 = arith.subi %rev3A_457, %rev3A_458 : vector<16xi32>
      %rev3A_460 = tpu.dynamic_gather %cumsum3A_455[%rev3A_459] in [0] : vector<16xi32>, vector<16xi32> -> vector<16xi32>
      %add3A_461 = vector.broadcast %scan3A_440 : i32 to vector<16xi32>
      %add3A_462 = arith.addi %rev3A_460, %add3A_461 : vector<16xi32>
      %ge3A = vector.broadcast %sub3A_400 : i32 to vector<16xi32>
      %ge3A_463 = arith.cmpi sge, %add3A_462, %ge3A : vector<16xi32>
      %convert_element_type3A_464 = arith.extui %ge3A_463 : vector<16xi1> to vector<16xi32>
      %reduce_sum3A = arith.constant true
      %reduce_sum3A_465 = vector.broadcast %reduce_sum3A : i1 to vector<16xi1>
      %reduce_sum3A_466 = tpu.scan <sum>, %convert_element_type3A_464 masked %reduce_sum3A_465 : vector<16xi32>, vector<16xi1> -> vector<16xi32>
      %reduce_sum3A_467 = vector.extract %reduce_sum3A_466[15] : i32 from vector<16xi32>
      %gt3A = arith.constant 0 : i32
      %gt3A_468 = arith.cmpi sgt, %reduce_sum3A_467, %gt3A : i32
      %sub3A_469 = arith.constant 1 : i32
      %sub3A_470 = arith.subi %reduce_sum3A_467, %sub3A_469 : i32
      %eq3A_471 = vector.broadcast %sub3A_470 : i32 to vector<16xi32>
      %eq3A_472 = arith.cmpi eq, %iota3A_401, %eq3A_471 : vector<16xi32>
      %jit3A = arith.constant 0 : i32
      %broadcast_in_dim3A_473 = vector.broadcast %jit3A : i32 to vector<16xi32>
      %select_n3A = arith.select %eq3A_472, %get3A_449, %broadcast_in_dim3A_473 : vector<16xi1>, vector<16xi32>
      %reduce_sum3A_474 = arith.constant true
      %reduce_sum3A_475 = vector.broadcast %reduce_sum3A_474 : i1 to vector<16xi1>
      %reduce_sum3A_476 = tpu.scan <sum>, %select_n3A masked %reduce_sum3A_475 : vector<16xi32>, vector<16xi1> -> vector<16xi32>
      %reduce_sum3A_477 = vector.extract %reduce_sum3A_476[15] : i32 from vector<16xi32>
      %jit3A_478 = arith.constant 0 : i32
      %broadcast_in_dim3A_479 = vector.broadcast %jit3A_478 : i32 to vector<16xi32>
      %select_n3A_480 = arith.select %eq3A_472, %add3A_462, %broadcast_in_dim3A_479 : vector<16xi1>, vector<16xi32>
      %reduce_sum3A_481 = arith.constant true
      %reduce_sum3A_482 = vector.broadcast %reduce_sum3A_481 : i1 to vector<16xi1>
      %reduce_sum3A_483 = tpu.scan <sum>, %select_n3A_480 masked %reduce_sum3A_482 : vector<16xi32>, vector<16xi1> -> vector<16xi32>
      %reduce_sum3A_484 = vector.extract %reduce_sum3A_483[15] : i32 from vector<16xi32>
      %not3A = arith.constant true
      %not3A_485 = arith.xori %scan3A_441, %not3A : i1
      %and3A = arith.andi %gt3A_468, %not3A_485 : i1
      %mul3A_486 = arith.constant 16 : i32
      %mul3A_487 = arith.muli %sub3A_446, %mul3A_486 : i32
      %add3A_488 = arith.addi %mul3A_487, %sub3A_470 : i32
      %select_n3A_489 = arith.select %and3A, %add3A_488, %scan3A_442 : i32
      %sub3A_490 = arith.subi %reduce_sum3A_484, %reduce_sum3A_477 : i32
      %select_n3A_491 = arith.select %and3A, %sub3A_490, %scan3A_443 : i32
      %select_n3A_492 = arith.select %and3A, %reduce_sum3A_477, %scan3A_444 : i32
      %or3A = arith.ori %scan3A_441, %gt3A_468 : i1
      %reduce_sum3A_493 = arith.constant true
      %reduce_sum3A_494 = vector.broadcast %reduce_sum3A_493 : i1 to vector<16xi1>
      %reduce_sum3A_495 = tpu.scan <sum>, %get3A_449 masked %reduce_sum3A_494 : vector<16xi32>, vector<16xi1> -> vector<16xi32>
      %reduce_sum3A_496 = vector.extract %reduce_sum3A_495[15] : i32 from vector<16xi32>
      %add3A_497 = arith.addi %scan3A_440, %reduce_sum3A_496 : i32
      scf.yield %add3A_497, %or3A, %select_n3A_489, %select_n3A_491, %select_n3A_492 : i32, i1, i32, i32, i32
    }
    %scan3A_412 = arith.constant 64 : i32
    %iota3A_413 = tpu.iota {dimensions = array<i32: 0>} : vector<16xi32>
    %scan3A_414 = arith.constant 0.000000e+00 : f32
    %scan3A_415 = arith.constant 0.000000e+00 : f32
    %scan3A_416 = arith.constant 0 : i32
    %scan3A_417 = arith.constant 64 : i32
    %scan3A_418 = arith.addi %scan3A_416, %scan3A_417 : i32
    %scan3A_419 = arith.constant 1 : i32
    %scan3A_420:2 = scf.for %scan3A_439 = %scan3A_416 to %scan3A_418 step %scan3A_419 iter_args(%scan3A_440 = %scan3A_414, %scan3A_441 = %scan3A_415) -> (f32, f32)  : i32 {
      %mul3A_442 = arith.constant 16 : i32
      %mul3A_443 = arith.muli %scan3A_439, %mul3A_442 : i32
      %mul3A_444 = arith.constant 16 : i32
      %mul3A_445 = arith.muli %scan3A_439, %mul3A_444 : i32
      %get3A = arith.index_cast %mul3A_445 : i32 to index
      %get3A_446 = tpu.vector_load %arg13[%get3A] {strides = array<i32>} : memref<2048xf32, #tpu.memory_space<vmem>>, vector<16xf32>,
      %add3A_447 = vector.broadcast %mul3A_443 : i32 to vector<16xi32>
      %add3A_448 = arith.addi %iota3A_413, %add3A_447 : vector<16xi32>
      %gt3A = vector.broadcast %scan3A_411#2 : i32 to vector<16xi32>
      %gt3A_449 = arith.cmpi sgt, %add3A_448, %gt3A : vector<16xi32>
      %jit3A = arith.constant 0.000000e+00 : f32
      %broadcast_in_dim3A_450 = vector.broadcast %jit3A : f32 to vector<16xf32>
      %select_n3A = arith.select %gt3A_449, %get3A_446, %broadcast_in_dim3A_450 : vector<16xi1>, vector<16xf32>
      %reduce_sum3A = arith.constant true
      %reduce_sum3A_451 = vector.broadcast %reduce_sum3A : i1 to vector<16xi1>
      %reduce_sum3A_452 = tpu.scan <sum>, %select_n3A masked %reduce_sum3A_451 : vector<16xf32>, vector<16xi1> -> vector<16xf32>
      %reduce_sum3A_453 = vector.extract %reduce_sum3A_452[15] : f32 from vector<16xf32>
      %add3A_454 = arith.addf %scan3A_440, %reduce_sum3A_453 : f32
      %eq3A_455 = vector.broadcast %scan3A_411#2 : i32 to vector<16xi32>
      %eq3A_456 = arith.cmpi eq, %add3A_448, %eq3A_455 : vector<16xi32>
      %jit3A_457 = arith.constant 0.000000e+00 : f32
      %broadcast_in_dim3A_458 = vector.broadcast %jit3A_457 : f32 to vector<16xf32>
      %select_n3A_459 = arith.select %eq3A_456, %get3A_446, %broadcast_in_dim3A_458 : vector<16xi1>, vector<16xf32>
      %reduce_sum3A_460 = arith.constant true
      %reduce_sum3A_461 = vector.broadcast %reduce_sum3A_460 : i1 to vector<16xi1>
      %reduce_sum3A_462 = tpu.scan <sum>, %select_n3A_459 masked %reduce_sum3A_461 : vector<16xf32>, vector<16xi1> -> vector<16xf32>
      %reduce_sum3A_463 = vector.extract %reduce_sum3A_462[15] : f32 from vector<16xf32>
      %add3A_464 = arith.addf %scan3A_441, %reduce_sum3A_463 : f32
      scf.yield %add3A_454, %add3A_464 : f32, f32
    }
    %scan3A_421 = arith.constant 64 : i32
    %sub3A_422 = arith.subi %sub3A_400, %scan3A_411#3 : i32
    %convert_element_type3A = arith.sitofp %sub3A_422 : i32 to f32
    %broadcast_in_dim3A_423 = vector.broadcast %convert_element_type3A : f32 to vector<16xf32>
    %broadcast_in_dim3A_424 = vector.broadcast %scan3A_420#1 : f32 to vector<16xf32>
    %convert_element_type3A_425 = arith.sitofp %scan3A_411#4 : i32 to f32
    %broadcast_in_dim3A_426 = vector.broadcast %convert_element_type3A_425 : f32 to vector<16xf32>
    %max3A = arith.constant 1.000000e+00 : f32
    %max3A_427 = vector.broadcast %max3A : f32 to vector<16xf32>
    %max3A_428 = arith.maximumf %broadcast_in_dim3A_426, %max3A_427 : vector<16xf32>
    %add3A_429 = arith.addf %scan3A_213#0, %scan3A_420#0 : f32
    %broadcast_in_dim3A_430 = vector.broadcast %add3A_429 : f32 to vector<16xf32>
    %div3A = arith.divf %broadcast_in_dim3A_424, %max3A_428 : vector<16xf32>
    %mul3A_431 = arith.mulf %broadcast_in_dim3A_423, %div3A : vector<16xf32>
    %add3A_432 = arith.addf %broadcast_in_dim3A_430, %mul3A_431 : vector<16xf32>
    %mul3A_433 = arith.constant 6.81196127E-7 : f32
    %mul3A_434 = vector.broadcast %mul3A_433 : f32 to vector<16xf32>
    %mul3A_435 = arith.mulf %add3A_432, %mul3A_434 : vector<16xf32>
    %eq3A = arith.constant 0 : i32
    %eq3A_436 = arith.cmpi eq, %arg1, %eq3A : i32
    %convert_element_type3A_437 = arith.extui %eq3A_436 : i1 to i32
    %cond3A = arith.constant 0 : i32
    %cond3A_438 = arith.cmpi ne, %convert_element_type3A_437, %cond3A : i32
    scf.if %cond3A_438 {
      %swap3A_439 = arith.constant 0 : index
      %swap3A_440 = tpu.vector_load %arg14[%swap3A_439] {strides = array<i32>} : memref<16xf32, #tpu.memory_space<vmem>>, vector<16xf32>,
      tpu.vector_store %arg14[%swap3A_439], %mul3A_435 {strides = array<i32>} : memref<16xf32, #tpu.memory_space<vmem>>, vector<16xf32>,
      "tpu.region"() ({
        %run_scoped3A = tpu.sem_alloc : memref<!tpu.dma_semaphore, #tpu.memory_space<semaphore_mem>>
        tpu.enqueue_dma source(%arg14 : memref<16xf32, #tpu.memory_space<vmem>>) target(%arg3 : memref<16xf32, #tpu.memory_space<hbm>>) target_semaphore(%run_scoped3A : memref<!tpu.dma_semaphore, #tpu.memory_space<semaphore_mem>>)
        tpu.wait_dma2 semaphore(%run_scoped3A : memref<!tpu.dma_semaphore, #tpu.memory_space<semaphore_mem>>) src(%arg14 : memref<16xf32, #tpu.memory_space<vmem>>) dst(%arg3 : memref<16xf32, #tpu.memory_space<hbm>>)
        tpu.yield
      }) : () -> ()
    } else {
    }
    return
  }
}

module attributes {stable_mosaic.version = 14 : i64} {
  func.func @_ce_body(%arg0: i32, %arg1: i32, %arg2: memref<1x19x256x512xf32, #tpu.memory_space<vmem>>, %arg3: memref<1x256x512xi32, #tpu.memory_space<vmem>>, %arg4: memref<256x512xf32, #tpu.memory_space<vmem>>) attributes {dimension_semantics = [#tpu.dimension_semantics<arbitrary>, #tpu.dimension_semantics<arbitrary>], iteration_bounds = array<i64: 8, 2>, scalar_prefetch = 0 : i64, scratch_operands = 0 : i64, tpu.core_type = #tpu.core_type<tc>, window_params = [{transform_indices = @transform_0, window_bounds = array<i64: 1, 19, 256, 512>}, {transform_indices = @transform_1, window_bounds = array<i64: 1, 256, 512>}, {transform_indices = @transform_2, window_bounds = array<i64: 256, 512>}]} {
    %get3A = arith.constant 0 : index
    %get3A_0 = arith.constant 0 : index
    %get3A_1 = arith.constant 0 : index
    %get3A_2 = vector.load %arg3[%get3A, %get3A_0, %get3A_1] : memref<1x256x512xi32, #tpu.memory_space<vmem>>, vector<1x256x512xi32>
    %get3A_3 = vector.shape_cast %get3A_2 : vector<1x256x512xi32> to vector<256x512xi32>
    %get3A_4 = arith.constant 0 : index
    %get3A_5 = arith.constant 0 : index
    %get3A_6 = arith.constant 0 : index
    %get3A_7 = arith.constant 0 : index
    %get3A_8 = vector.load %arg2[%get3A_4, %get3A_5, %get3A_6, %get3A_7] : memref<1x19x256x512xf32, #tpu.memory_space<vmem>>, vector<1x1x256x512xf32>
    %get3A_9 = vector.shape_cast %get3A_8 : vector<1x1x256x512xf32> to vector<256x512xf32>
    %exp3A = math.exp %get3A_9 : vector<256x512xf32>
    %eq3A = arith.constant 0 : i32
    %eq3A_10 = vector.broadcast %eq3A : i32 to vector<256x512xi32>
    %eq3A_11 = arith.cmpi eq, %get3A_3, %eq3A_10 : vector<256x512xi32>
    %jit3A = arith.constant 0.000000e+00 : f32
    %broadcast_in_dim3A = vector.broadcast %jit3A : f32 to vector<256x512xf32>
    %select_n3A = arith.select %eq3A_11, %get3A_9, %broadcast_in_dim3A : vector<256x512xi1>, vector<256x512xf32>
    %get3A_12 = arith.constant 0 : index
    %get3A_13 = arith.constant 1 : index
    %get3A_14 = arith.constant 0 : index
    %get3A_15 = arith.constant 0 : index
    %get3A_16 = vector.load %arg2[%get3A_12, %get3A_13, %get3A_14, %get3A_15] : memref<1x19x256x512xf32, #tpu.memory_space<vmem>>, vector<1x1x256x512xf32>
    %get3A_17 = vector.shape_cast %get3A_16 : vector<1x1x256x512xf32> to vector<256x512xf32>
    %exp3A_18 = math.exp %get3A_17 : vector<256x512xf32>
    %add3A = arith.addf %exp3A, %exp3A_18 : vector<256x512xf32>
    %eq3A_19 = arith.constant 1 : i32
    %eq3A_20 = vector.broadcast %eq3A_19 : i32 to vector<256x512xi32>
    %eq3A_21 = arith.cmpi eq, %get3A_3, %eq3A_20 : vector<256x512xi32>
    %select_n3A_22 = arith.select %eq3A_21, %get3A_17, %select_n3A : vector<256x512xi1>, vector<256x512xf32>
    %get3A_23 = arith.constant 0 : index
    %get3A_24 = arith.constant 2 : index
    %get3A_25 = arith.constant 0 : index
    %get3A_26 = arith.constant 0 : index
    %get3A_27 = vector.load %arg2[%get3A_23, %get3A_24, %get3A_25, %get3A_26] : memref<1x19x256x512xf32, #tpu.memory_space<vmem>>, vector<1x1x256x512xf32>
    %get3A_28 = vector.shape_cast %get3A_27 : vector<1x1x256x512xf32> to vector<256x512xf32>
    %exp3A_29 = math.exp %get3A_28 : vector<256x512xf32>
    %add3A_30 = arith.addf %add3A, %exp3A_29 : vector<256x512xf32>
    %eq3A_31 = arith.constant 2 : i32
    %eq3A_32 = vector.broadcast %eq3A_31 : i32 to vector<256x512xi32>
    %eq3A_33 = arith.cmpi eq, %get3A_3, %eq3A_32 : vector<256x512xi32>
    %select_n3A_34 = arith.select %eq3A_33, %get3A_28, %select_n3A_22 : vector<256x512xi1>, vector<256x512xf32>
    %get3A_35 = arith.constant 0 : index
    %get3A_36 = arith.constant 3 : index
    %get3A_37 = arith.constant 0 : index
    %get3A_38 = arith.constant 0 : index
    %get3A_39 = vector.load %arg2[%get3A_35, %get3A_36, %get3A_37, %get3A_38] : memref<1x19x256x512xf32, #tpu.memory_space<vmem>>, vector<1x1x256x512xf32>
    %get3A_40 = vector.shape_cast %get3A_39 : vector<1x1x256x512xf32> to vector<256x512xf32>
    %exp3A_41 = math.exp %get3A_40 : vector<256x512xf32>
    %add3A_42 = arith.addf %add3A_30, %exp3A_41 : vector<256x512xf32>
    %eq3A_43 = arith.constant 3 : i32
    %eq3A_44 = vector.broadcast %eq3A_43 : i32 to vector<256x512xi32>
    %eq3A_45 = arith.cmpi eq, %get3A_3, %eq3A_44 : vector<256x512xi32>
    %select_n3A_46 = arith.select %eq3A_45, %get3A_40, %select_n3A_34 : vector<256x512xi1>, vector<256x512xf32>
    %get3A_47 = arith.constant 0 : index
    %get3A_48 = arith.constant 4 : index
    %get3A_49 = arith.constant 0 : index
    %get3A_50 = arith.constant 0 : index
    %get3A_51 = vector.load %arg2[%get3A_47, %get3A_48, %get3A_49, %get3A_50] : memref<1x19x256x512xf32, #tpu.memory_space<vmem>>, vector<1x1x256x512xf32>
    %get3A_52 = vector.shape_cast %get3A_51 : vector<1x1x256x512xf32> to vector<256x512xf32>
    %exp3A_53 = math.exp %get3A_52 : vector<256x512xf32>
    %add3A_54 = arith.addf %add3A_42, %exp3A_53 : vector<256x512xf32>
    %eq3A_55 = arith.constant 4 : i32
    %eq3A_56 = vector.broadcast %eq3A_55 : i32 to vector<256x512xi32>
    %eq3A_57 = arith.cmpi eq, %get3A_3, %eq3A_56 : vector<256x512xi32>
    %select_n3A_58 = arith.select %eq3A_57, %get3A_52, %select_n3A_46 : vector<256x512xi1>, vector<256x512xf32>
    %get3A_59 = arith.constant 0 : index
    %get3A_60 = arith.constant 5 : index
    %get3A_61 = arith.constant 0 : index
    %get3A_62 = arith.constant 0 : index
    %get3A_63 = vector.load %arg2[%get3A_59, %get3A_60, %get3A_61, %get3A_62] : memref<1x19x256x512xf32, #tpu.memory_space<vmem>>, vector<1x1x256x512xf32>
    %get3A_64 = vector.shape_cast %get3A_63 : vector<1x1x256x512xf32> to vector<256x512xf32>
    %exp3A_65 = math.exp %get3A_64 : vector<256x512xf32>
    %add3A_66 = arith.addf %add3A_54, %exp3A_65 : vector<256x512xf32>
    %eq3A_67 = arith.constant 5 : i32
    %eq3A_68 = vector.broadcast %eq3A_67 : i32 to vector<256x512xi32>
    %eq3A_69 = arith.cmpi eq, %get3A_3, %eq3A_68 : vector<256x512xi32>
    %select_n3A_70 = arith.select %eq3A_69, %get3A_64, %select_n3A_58 : vector<256x512xi1>, vector<256x512xf32>
    %get3A_71 = arith.constant 0 : index
    %get3A_72 = arith.constant 6 : index
    %get3A_73 = arith.constant 0 : index
    %get3A_74 = arith.constant 0 : index
    %get3A_75 = vector.load %arg2[%get3A_71, %get3A_72, %get3A_73, %get3A_74] : memref<1x19x256x512xf32, #tpu.memory_space<vmem>>, vector<1x1x256x512xf32>
    %get3A_76 = vector.shape_cast %get3A_75 : vector<1x1x256x512xf32> to vector<256x512xf32>
    %exp3A_77 = math.exp %get3A_76 : vector<256x512xf32>
    %add3A_78 = arith.addf %add3A_66, %exp3A_77 : vector<256x512xf32>
    %eq3A_79 = arith.constant 6 : i32
    %eq3A_80 = vector.broadcast %eq3A_79 : i32 to vector<256x512xi32>
    %eq3A_81 = arith.cmpi eq, %get3A_3, %eq3A_80 : vector<256x512xi32>
    %select_n3A_82 = arith.select %eq3A_81, %get3A_76, %select_n3A_70 : vector<256x512xi1>, vector<256x512xf32>
    %get3A_83 = arith.constant 0 : index
    %get3A_84 = arith.constant 7 : index
    %get3A_85 = arith.constant 0 : index
    %get3A_86 = arith.constant 0 : index
    %get3A_87 = vector.load %arg2[%get3A_83, %get3A_84, %get3A_85, %get3A_86] : memref<1x19x256x512xf32, #tpu.memory_space<vmem>>, vector<1x1x256x512xf32>
    %get3A_88 = vector.shape_cast %get3A_87 : vector<1x1x256x512xf32> to vector<256x512xf32>
    %exp3A_89 = math.exp %get3A_88 : vector<256x512xf32>
    %add3A_90 = arith.addf %add3A_78, %exp3A_89 : vector<256x512xf32>
    %eq3A_91 = arith.constant 7 : i32
    %eq3A_92 = vector.broadcast %eq3A_91 : i32 to vector<256x512xi32>
    %eq3A_93 = arith.cmpi eq, %get3A_3, %eq3A_92 : vector<256x512xi32>
    %select_n3A_94 = arith.select %eq3A_93, %get3A_88, %select_n3A_82 : vector<256x512xi1>, vector<256x512xf32>
    %get3A_95 = arith.constant 0 : index
    %get3A_96 = arith.constant 8 : index
    %get3A_97 = arith.constant 0 : index
    %get3A_98 = arith.constant 0 : index
    %get3A_99 = vector.load %arg2[%get3A_95, %get3A_96, %get3A_97, %get3A_98] : memref<1x19x256x512xf32, #tpu.memory_space<vmem>>, vector<1x1x256x512xf32>
    %get3A_100 = vector.shape_cast %get3A_99 : vector<1x1x256x512xf32> to vector<256x512xf32>
    %exp3A_101 = math.exp %get3A_100 : vector<256x512xf32>
    %add3A_102 = arith.addf %add3A_90, %exp3A_101 : vector<256x512xf32>
    %eq3A_103 = arith.constant 8 : i32
    %eq3A_104 = vector.broadcast %eq3A_103 : i32 to vector<256x512xi32>
    %eq3A_105 = arith.cmpi eq, %get3A_3, %eq3A_104 : vector<256x512xi32>
    %select_n3A_106 = arith.select %eq3A_105, %get3A_100, %select_n3A_94 : vector<256x512xi1>, vector<256x512xf32>
    %get3A_107 = arith.constant 0 : index
    %get3A_108 = arith.constant 9 : index
    %get3A_109 = arith.constant 0 : index
    %get3A_110 = arith.constant 0 : index
    %get3A_111 = vector.load %arg2[%get3A_107, %get3A_108, %get3A_109, %get3A_110] : memref<1x19x256x512xf32, #tpu.memory_space<vmem>>, vector<1x1x256x512xf32>
    %get3A_112 = vector.shape_cast %get3A_111 : vector<1x1x256x512xf32> to vector<256x512xf32>
    %exp3A_113 = math.exp %get3A_112 : vector<256x512xf32>
    %add3A_114 = arith.addf %add3A_102, %exp3A_113 : vector<256x512xf32>
    %eq3A_115 = arith.constant 9 : i32
    %eq3A_116 = vector.broadcast %eq3A_115 : i32 to vector<256x512xi32>
    %eq3A_117 = arith.cmpi eq, %get3A_3, %eq3A_116 : vector<256x512xi32>
    %select_n3A_118 = arith.select %eq3A_117, %get3A_112, %select_n3A_106 : vector<256x512xi1>, vector<256x512xf32>
    %get3A_119 = arith.constant 0 : index
    %get3A_120 = arith.constant 10 : index
    %get3A_121 = arith.constant 0 : index
    %get3A_122 = arith.constant 0 : index
    %get3A_123 = vector.load %arg2[%get3A_119, %get3A_120, %get3A_121, %get3A_122] : memref<1x19x256x512xf32, #tpu.memory_space<vmem>>, vector<1x1x256x512xf32>
    %get3A_124 = vector.shape_cast %get3A_123 : vector<1x1x256x512xf32> to vector<256x512xf32>
    %exp3A_125 = math.exp %get3A_124 : vector<256x512xf32>
    %add3A_126 = arith.addf %add3A_114, %exp3A_125 : vector<256x512xf32>
    %eq3A_127 = arith.constant 10 : i32
    %eq3A_128 = vector.broadcast %eq3A_127 : i32 to vector<256x512xi32>
    %eq3A_129 = arith.cmpi eq, %get3A_3, %eq3A_128 : vector<256x512xi32>
    %select_n3A_130 = arith.select %eq3A_129, %get3A_124, %select_n3A_118 : vector<256x512xi1>, vector<256x512xf32>
    %get3A_131 = arith.constant 0 : index
    %get3A_132 = arith.constant 11 : index
    %get3A_133 = arith.constant 0 : index
    %get3A_134 = arith.constant 0 : index
    %get3A_135 = vector.load %arg2[%get3A_131, %get3A_132, %get3A_133, %get3A_134] : memref<1x19x256x512xf32, #tpu.memory_space<vmem>>, vector<1x1x256x512xf32>
    %get3A_136 = vector.shape_cast %get3A_135 : vector<1x1x256x512xf32> to vector<256x512xf32>
    %exp3A_137 = math.exp %get3A_136 : vector<256x512xf32>
    %add3A_138 = arith.addf %add3A_126, %exp3A_137 : vector<256x512xf32>
    %eq3A_139 = arith.constant 11 : i32
    %eq3A_140 = vector.broadcast %eq3A_139 : i32 to vector<256x512xi32>
    %eq3A_141 = arith.cmpi eq, %get3A_3, %eq3A_140 : vector<256x512xi32>
    %select_n3A_142 = arith.select %eq3A_141, %get3A_136, %select_n3A_130 : vector<256x512xi1>, vector<256x512xf32>
    %get3A_143 = arith.constant 0 : index
    %get3A_144 = arith.constant 12 : index
    %get3A_145 = arith.constant 0 : index
    %get3A_146 = arith.constant 0 : index
    %get3A_147 = vector.load %arg2[%get3A_143, %get3A_144, %get3A_145, %get3A_146] : memref<1x19x256x512xf32, #tpu.memory_space<vmem>>, vector<1x1x256x512xf32>
    %get3A_148 = vector.shape_cast %get3A_147 : vector<1x1x256x512xf32> to vector<256x512xf32>
    %exp3A_149 = math.exp %get3A_148 : vector<256x512xf32>
    %add3A_150 = arith.addf %add3A_138, %exp3A_149 : vector<256x512xf32>
    %eq3A_151 = arith.constant 12 : i32
    %eq3A_152 = vector.broadcast %eq3A_151 : i32 to vector<256x512xi32>
    %eq3A_153 = arith.cmpi eq, %get3A_3, %eq3A_152 : vector<256x512xi32>
    %select_n3A_154 = arith.select %eq3A_153, %get3A_148, %select_n3A_142 : vector<256x512xi1>, vector<256x512xf32>
    %get3A_155 = arith.constant 0 : index
    %get3A_156 = arith.constant 13 : index
    %get3A_157 = arith.constant 0 : index
    %get3A_158 = arith.constant 0 : index
    %get3A_159 = vector.load %arg2[%get3A_155, %get3A_156, %get3A_157, %get3A_158] : memref<1x19x256x512xf32, #tpu.memory_space<vmem>>, vector<1x1x256x512xf32>
    %get3A_160 = vector.shape_cast %get3A_159 : vector<1x1x256x512xf32> to vector<256x512xf32>
    %exp3A_161 = math.exp %get3A_160 : vector<256x512xf32>
    %add3A_162 = arith.addf %add3A_150, %exp3A_161 : vector<256x512xf32>
    %eq3A_163 = arith.constant 13 : i32
    %eq3A_164 = vector.broadcast %eq3A_163 : i32 to vector<256x512xi32>
    %eq3A_165 = arith.cmpi eq, %get3A_3, %eq3A_164 : vector<256x512xi32>
    %select_n3A_166 = arith.select %eq3A_165, %get3A_160, %select_n3A_154 : vector<256x512xi1>, vector<256x512xf32>
    %get3A_167 = arith.constant 0 : index
    %get3A_168 = arith.constant 14 : index
    %get3A_169 = arith.constant 0 : index
    %get3A_170 = arith.constant 0 : index
    %get3A_171 = vector.load %arg2[%get3A_167, %get3A_168, %get3A_169, %get3A_170] : memref<1x19x256x512xf32, #tpu.memory_space<vmem>>, vector<1x1x256x512xf32>
    %get3A_172 = vector.shape_cast %get3A_171 : vector<1x1x256x512xf32> to vector<256x512xf32>
    %exp3A_173 = math.exp %get3A_172 : vector<256x512xf32>
    %add3A_174 = arith.addf %add3A_162, %exp3A_173 : vector<256x512xf32>
    %eq3A_175 = arith.constant 14 : i32
    %eq3A_176 = vector.broadcast %eq3A_175 : i32 to vector<256x512xi32>
    %eq3A_177 = arith.cmpi eq, %get3A_3, %eq3A_176 : vector<256x512xi32>
    %select_n3A_178 = arith.select %eq3A_177, %get3A_172, %select_n3A_166 : vector<256x512xi1>, vector<256x512xf32>
    %get3A_179 = arith.constant 0 : index
    %get3A_180 = arith.constant 15 : index
    %get3A_181 = arith.constant 0 : index
    %get3A_182 = arith.constant 0 : index
    %get3A_183 = vector.load %arg2[%get3A_179, %get3A_180, %get3A_181, %get3A_182] : memref<1x19x256x512xf32, #tpu.memory_space<vmem>>, vector<1x1x256x512xf32>
    %get3A_184 = vector.shape_cast %get3A_183 : vector<1x1x256x512xf32> to vector<256x512xf32>
    %exp3A_185 = math.exp %get3A_184 : vector<256x512xf32>
    %add3A_186 = arith.addf %add3A_174, %exp3A_185 : vector<256x512xf32>
    %eq3A_187 = arith.constant 15 : i32
    %eq3A_188 = vector.broadcast %eq3A_187 : i32 to vector<256x512xi32>
    %eq3A_189 = arith.cmpi eq, %get3A_3, %eq3A_188 : vector<256x512xi32>
    %select_n3A_190 = arith.select %eq3A_189, %get3A_184, %select_n3A_178 : vector<256x512xi1>, vector<256x512xf32>
    %get3A_191 = arith.constant 0 : index
    %get3A_192 = arith.constant 16 : index
    %get3A_193 = arith.constant 0 : index
    %get3A_194 = arith.constant 0 : index
    %get3A_195 = vector.load %arg2[%get3A_191, %get3A_192, %get3A_193, %get3A_194] : memref<1x19x256x512xf32, #tpu.memory_space<vmem>>, vector<1x1x256x512xf32>
    %get3A_196 = vector.shape_cast %get3A_195 : vector<1x1x256x512xf32> to vector<256x512xf32>
    %exp3A_197 = math.exp %get3A_196 : vector<256x512xf32>
    %add3A_198 = arith.addf %add3A_186, %exp3A_197 : vector<256x512xf32>
    %eq3A_199 = arith.constant 16 : i32
    %eq3A_200 = vector.broadcast %eq3A_199 : i32 to vector<256x512xi32>
    %eq3A_201 = arith.cmpi eq, %get3A_3, %eq3A_200 : vector<256x512xi32>
    %select_n3A_202 = arith.select %eq3A_201, %get3A_196, %select_n3A_190 : vector<256x512xi1>, vector<256x512xf32>
    %get3A_203 = arith.constant 0 : index
    %get3A_204 = arith.constant 17 : index
    %get3A_205 = arith.constant 0 : index
    %get3A_206 = arith.constant 0 : index
    %get3A_207 = vector.load %arg2[%get3A_203, %get3A_204, %get3A_205, %get3A_206] : memref<1x19x256x512xf32, #tpu.memory_space<vmem>>, vector<1x1x256x512xf32>
    %get3A_208 = vector.shape_cast %get3A_207 : vector<1x1x256x512xf32> to vector<256x512xf32>
    %exp3A_209 = math.exp %get3A_208 : vector<256x512xf32>
    %add3A_210 = arith.addf %add3A_198, %exp3A_209 : vector<256x512xf32>
    %eq3A_211 = arith.constant 17 : i32
    %eq3A_212 = vector.broadcast %eq3A_211 : i32 to vector<256x512xi32>
    %eq3A_213 = arith.cmpi eq, %get3A_3, %eq3A_212 : vector<256x512xi32>
    %select_n3A_214 = arith.select %eq3A_213, %get3A_208, %select_n3A_202 : vector<256x512xi1>, vector<256x512xf32>
    %get3A_215 = arith.constant 0 : index
    %get3A_216 = arith.constant 18 : index
    %get3A_217 = arith.constant 0 : index
    %get3A_218 = arith.constant 0 : index
    %get3A_219 = vector.load %arg2[%get3A_215, %get3A_216, %get3A_217, %get3A_218] : memref<1x19x256x512xf32, #tpu.memory_space<vmem>>, vector<1x1x256x512xf32>
    %get3A_220 = vector.shape_cast %get3A_219 : vector<1x1x256x512xf32> to vector<256x512xf32>
    %exp3A_221 = math.exp %get3A_220 : vector<256x512xf32>
    %add3A_222 = arith.addf %add3A_210, %exp3A_221 : vector<256x512xf32>
    %eq3A_223 = arith.constant 18 : i32
    %eq3A_224 = vector.broadcast %eq3A_223 : i32 to vector<256x512xi32>
    %eq3A_225 = arith.cmpi eq, %get3A_3, %eq3A_224 : vector<256x512xi32>
    %select_n3A_226 = arith.select %eq3A_225, %get3A_220, %select_n3A_214 : vector<256x512xi1>, vector<256x512xf32>
    %log3A = math.log %add3A_222 : vector<256x512xf32>
    %sub3A = arith.subf %log3A, %select_n3A_226 : vector<256x512xf32>
    %eq3A_227 = arith.constant 255 : i32
    %eq3A_228 = vector.broadcast %eq3A_227 : i32 to vector<256x512xi32>
    %eq3A_229 = arith.cmpi eq, %get3A_3, %eq3A_228 : vector<256x512xi32>
    %jit3A_230 = arith.constant 0.000000e+00 : f32
    %broadcast_in_dim3A_231 = vector.broadcast %jit3A_230 : f32 to vector<256x512xf32>
    %select_n3A_232 = arith.select %eq3A_229, %broadcast_in_dim3A_231, %sub3A : vector<256x512xi1>, vector<256x512xf32>
    %max3A = arith.constant 0.000000e+00 : f32
    %max3A_233 = vector.broadcast %max3A : f32 to vector<256x512xf32>
    %max3A_234 = arith.maximumf %select_n3A_232, %max3A_233 : vector<256x512xf32>
    %swap3A = arith.constant 0 : index
    %swap3A_235 = arith.constant 0 : index
    %swap3A_236 = vector.load %arg4[%swap3A, %swap3A_235] : memref<256x512xf32, #tpu.memory_space<vmem>>, vector<256x512xf32>
    tpu.vector_store %arg4[%swap3A, %swap3A_235], %max3A_234 {strides = array<i32>} : memref<256x512xf32, #tpu.memory_space<vmem>>, vector<256x512xf32>,
    return
  }
  func.func @transform_0(%arg0: i32, %arg1: i32) -> (i32, i32, i32, i32) {
    %c0_i32 = arith.constant 0 : i32
    %c0_i32_0 = arith.constant 0 : i32
    %c0_i32_1 = arith.constant 0 : i32
    return %arg0, %c0_i32, %arg1, %c0_i32_0 : i32, i32, i32, i32
  }
  func.func @transform_1(%arg0: i32, %arg1: i32) -> (i32, i32, i32) {
    %c0_i32 = arith.constant 0 : i32
    %c0_i32_0 = arith.constant 0 : i32
    return %arg0, %arg1, %c0_i32 : i32, i32, i32
  }
  func.func @transform_2(%arg0: i32, %arg1: i32) -> (i32, i32) {
    %mul3A = arith.constant 2 : i32
    %mul3A_0 = arith.muli %arg0, %mul3A : i32
    %add3A = arith.addi %mul3A_0, %arg1 : i32
    %c0_i32 = arith.constant 0 : i32
    %c0_i32_1 = arith.constant 0 : i32
    return %add3A, %c0_i32 : i32, i32
  }
}

</mosaic_0001>

<sc_bundles>
// kernel: kernel.4.cloned.1.call-start
scs
__scs_entry_jumppad:
0x0: {  	(pc) =	sbr.rel $0x88, $3  }
0x1: {  	(tag) =	ssettag $0x0;
	lr =	simm.s32 $0x1  }
0x2: {  	[smem:$0x3F9F] =	sst lr;
	_ =	strace $0xD0000000  }
0x3: {  	_ = 	snop  }
0x4: {  	_ = 	snop  }
0x5: {  	_ = 	snop  }
0x6: {  	_ = 	snop  }
0x7: {  	_ = 	snop  }
__scs_overlays_trampoline_lowered:
0x8: {  	[smem:$0x3FAE] =	sst s0  }
0x9: {  	[smem:$0x3FAF] =	sst s1  }
0xa: {  	[smem:$0x3FB0] =	sst s2  }
0xb: {  	[smem:$0x3FB1] =	sst s3  }
0xc: {  	[smem:$0x3FB2] =	sst s4  }
0xd: {  	[smem:$0x3FB3] =	sst s5  }
0xe: {  	[smem:$0x3FB4] =	sst s6  }
0xf: {  	[smem:$0x3FB5] =	sst s7  }
0x10: {  	[smem:$0x3FB6] =	sst s8  }
0x11: {  	[smem:$0x3FB7] =	sst s9;
	s0 =	simm.s32 @!p0 $0x0  }
0x12: {  	s1 =	sld [smem:$0x3F9D];
	s0 =	simm.s32 @p0 $0x1  }
0x13: {  	[smem:$0x3FB8] =	sst s0;
	s0 =	simm.s32 @!p1 $0x0  }
0x14: {  	s2 =	sld [smem:$0x3F9C];
	s0 =	simm.s32 @p1 $0x1  }
0x15: {  	[smem:$0x3FB9] =	sst s0;
	s0 =	simm.s32 @!p2 $0x0  }
0x16: {  	s3 =	sld [smem:$0x3FDB];
	s0 =	simm.s32 @p2 $0x1  }
0x17: {  	s4 =	simm.s32 $0x1BF5;
	[smem:$0x3FBB] =	sst s0  }
0x18: {  	s0 =	sld [smem:$0x3F9E];
	_ =	swait.ge [sflag:s4], $0x0  }
0x19: {  	s7 =	sld [smem:$0x3F9F]  }
0x1a: {  	s8 =	sadd.s32 $0xFFFFE003, lr  }
0x1b: {  	s9 =	sadd.s32 $0xFFFFFEF7, lr;
	s5 =	simm.s32 $0xFFFFFFFF;
	p2 =	slt.u32 s8, $0xFFFFF086  }
0x1c: {  	p1 =	slt.u32 s9, $0xF7A;
	s5 =	simm.s32 @!p2 $0x0  }
0x1d: {  	s5 =	simm.s32 @p1 $0x1;
	p0 =	seq.s32 s7, s2  }
0x1e: {  	s7 =	smul.u32 @!p0 $0xF7A, s2;
	p2 =	seq.s32 @!p0 s5, $0x0  }
0x1f: {  	s9 =	smul.u32 $0xF7A, s1;
	s8 =	simm.s32 @!p0 $0x1BF5;
	p2 =	por !p2, p0  }
0x20: {  	[sflag:s8] =	ssyncset.s32 @!p0 $0xFFFFF086;
	s6 =	sadd.s32 @!p0 s3, s7;
	s7 =	simm.s32 @!p0 $0x108  }
0x21: {  	s3 =	sadd.s32 s3, s9;
	s6 =	sadd.s32 @!p0 $0x88, s6;
	s7 =	simm.s32 @p2 $0x1082  }
0x22: {  	[simem:s7], [sflag:s8] =	dma.local @!p0 [hbm:s6], $0xF7A  }
0x23: {  	s9 =	sor.u32 $0xD0000000, s2;
	s6 =	simm.s32 $0x108;
	_ =	swait.ge @!p0 [sflag:s8], $0x0  }
0x24: {  	s3 =	sadd.s32 $0x88, s3;
	s6 =	simm.s32 @!p1 $0x1082;
	[sflag:s4] =	ssyncset.s32 $0xFFFFF086  }
0x25: {  	[simem:s6], [sflag:s4] =	dma.local [hbm:s3], $0xF7A  }
0x26: {  	[smem:$0x3F9F] =	sst s1;
	(tag) =	ssettag s2;
	_ =	strace s9  }
0x27: {  	s1 =	sld [smem:$0x3FAF]  }
0x28: {  	s2 =	sld [smem:$0x3FB0]  }
0x29: {  	s4 =	sld [smem:$0x3FB2]  }
0x2a: {  	p0 =	seq.s32 s5, $0x0;
	s5 =	sld [smem:$0x3FB3]  }
0x2b: {  	s6 =	sld [smem:$0x3FB4]  }
0x2c: {  	s7 =	sld [smem:$0x3FB5]  }
0x2d: {  	s3 =	simm.s32 $0x108;
	s8 =	sld [smem:$0x3FB6]  }
0x2e: {  	s3 =	simm.s32 @!p0 $0x1082;
	s9 =	sld [smem:$0x3FB7]  }
0x2f: {  	lr =	sadd.s32 s0, s3;
	s0 =	sld [smem:$0x3FAE]  }
0x30: {  	s3 =	sld [smem:$0x3FB1]  }
0x31: {  	[smem:$0x3FBA] =	sst s10  }
0x32: {  	s10 =	sld [smem:$0x3FB8];
	_ =	sdelay $0x3  }
0x33: {  	p0 =	seq.s32 s10, $0x1;
	s10 =	sld [smem:$0x3FBA];
	_ =	sdelay $0x3  }
0x34: {  	[smem:$0x3FBA] =	sst s10  }
0x35: {  	s10 =	sld [smem:$0x3FB9];
	_ =	sdelay $0x3  }
0x36: {  	p1 =	seq.s32 s10, $0x1;
	s10 =	sld [smem:$0x3FBA];
	_ =	sdelay $0x3  }
0x37: {  	[smem:$0x3FBA] =	sst s10  }
0x38: {  	s10 =	sld [smem:$0x3FBB]  }
0x39: {  	_ = 	snop;
	(pc) =	sbr.ind lr, $3  }
0x3a: {  	_ = 	snop  }
0x3b: {  	_ = 	snop  }
0x3c: {  	p2 =	seq.s32 s10, $0x1;
	s10 =	sld [smem:$0x3FBA]  }
0x3d: {  	_ =	shalt  }
0x3e: {  	_ =	shalt  }
0x3f: {  	_ =	shalt  }
0x40: {  	_ =	shalt  }
0x41: {  	_ =	shalt  }
0x42: {  	_ =	shalt  }
0x43: {  	_ =	shalt  }
0x44: {  	_ =	shalt  }
0x45: {  	_ =	shalt  }
0x46: {  	_ =	shalt  }
0x47: {  	_ =	shalt  }
0x48: {  	_ =	shalt  }
0x49: {  	_ =	shalt  }
0x4a: {  	_ =	shalt  }
0x4b: {  	_ =	shalt  }
0x4c: {  	_ =	shalt  }
0x4d: {  	_ =	shalt  }
0x4e: {  	_ =	shalt  }
0x4f: {  	_ =	shalt  }
0x50: {  	_ =	shalt  }
0x51: {  	_ =	shalt  }
0x52: {  	_ =	shalt  }
0x53: {  	_ =	shalt  }
0x54: {  	_ =	shalt  }
0x55: {  	_ =	shalt  }
0x56: {  	_ =	shalt  }
0x57: {  	_ =	shalt  }
0x58: {  	_ =	shalt  }
0x59: {  	_ =	shalt  }
0x5a: {  	_ =	shalt  }
0x5b: {  	_ =	shalt  }
0x5c: {  	_ =	shalt  }
0x5d: {  	_ =	shalt  }
0x5e: {  	_ =	shalt  }
0x5f: {  	_ =	shalt  }
0x60: {  	_ =	shalt  }
0x61: {  	_ =	shalt  }
0x62: {  	_ =	shalt  }
0x63: {  	_ =	shalt  }
0x64: {  	_ =	shalt  }
0x65: {  	_ =	shalt  }
0x66: {  	_ =	shalt  }
0x67: {  	_ =	shalt  }
0x68: {  	_ =	shalt  }
0x69: {  	_ =	shalt  }
0x6a: {  	_ =	shalt  }
0x6b: {  	_ =	shalt  }
0x6c: {  	_ =	shalt  }
0x6d: {  	_ =	shalt  }
0x6e: {  	_ =	shalt  }
0x6f: {  	_ =	shalt  }
0x70: {  	_ =	shalt  }
0x71: {  	_ =	shalt  }
0x72: {  	_ =	shalt  }
0x73: {  	_ =	shalt  }
0x74: {  	_ =	shalt  }
0x75: {  	_ =	shalt  }
0x76: {  	_ =	shalt  }
0x77: {  	_ =	shalt  }
0x78: {  	_ =	shalt  }
0x79: {  	_ =	shalt  }
0x7a: {  	_ =	shalt  }
0x7b: {  	_ =	shalt  }
0x7c: {  	_ =	shalt  }
0x7d: {  	_ =	shalt  }
0x7e: {  	_ =	shalt  }
0x7f: {  	_ =	shalt  }
0x80: {  	_ =	shalt  }
0x81: {  	_ =	shalt  }
0x82: {  	_ =	shalt  }
0x83: {  	_ =	shalt  }
0x84: {  	_ =	shalt  }
0x85: {  	_ =	shalt  }
0x86: {  	_ =	shalt  }
0x87: {  	_ =	shalt  }
.Lfunc_end0:
.L_simem_size_0:
called_computation_lowered:
.L_overlay_start_0:
0x88: {  	s0 =	sld [smem:$0x3FD9]  }
0x89: {  	s1 =	sld [smem:$0x3FFE];
	_ =	sdelay $0x3  }
0x8a: {  	s0 =	sadd.s32 s1, s0  }
0x8b: {  	[smem:$0x3FC6] =	sst s0  }
0x8c: {  	_ = 	snop  }
0x8d: {  	s0 =	sld [smem:$0x3FD0];
	(tm) =	ssettm $0x1  }
0x8e: {  	s16 =	sld [smem:$0x3FFB];
	_ =	sdelay $0x3  }
0x8f: {  	_ =	strace s16  }
0x90: {  	s1 =	sld [smem:$0x3FFC];
	_ =	sdelay $0x3  }
0x91: {  	_ =	strace s1  }
0x92: {  	s1 =	sld [smem:$0x3FFD];
	_ =	sdelay $0x3  }
0x93: {  	_ =	strace s1  }
0x94: {  	_ =	strace $0x8FFFFFFF  }
0x95: {  	s17 =	sld [smem:$0x3FDB];
	_ =	sdelay $0x1  }
0x96: {  	s2 =	simm.s32 $_scs_section_size  }
0x97: {  	s3 =	simm.s32 $_size__tile_overlayer_lowered;
	s4 =	simm.s32 $_tile_overlayer_lowered  }
0x98: {  	s20 =	simm.s32 $0x1BFF;
	s19 =	sshll.u32 s4, $0x1;
	s1 =	sadd.s32 s2, s17  }
0x99: {  	s5 =	simm.s32 $0x0;
	s18 =	sshll.u32 s3, $0x1;
	s3 =	sadd.s32 s19, s1  }
0x9a: {  	[timem:s5], [sflag:s20] =	dma.local [hbm:s3], s18  }
0x9b: {  	_ =	swait.ge [sflag:s20], s18  }
0x9c: {  	s2 =	ssub.s32 $0x0, s18;
	[sflag:s20] =	ssyncset.done $0x0  }
0x9d: {  	[sflag:s20] =	ssyncadd.s32 s2;
	_ =	sdelay $0x1  }
0x9e: {  	s21 =	simm.s32 $0x1B8B  }
0x9f: {  	_ =	swait.ge [sflag:s21], $0x1  }
0xa0: {  	[sflag:s21] =	ssyncset.done $0x0  }
0xa1: {  	s23 =	simm.s32 $0x1B8E;
	s22 =	sld [smem:$0x3FFE];
	[sflag:s21] =	ssyncadd.s32 $0xFFFFFFFF  }
0xa2: {  	s24 =	simm.s32 $execute0_lowered;
	[smem:$0x3FD2] =	sst s23  }
0xa3: {  	s3 =	sshll.u32 s24, $0x1;
	_ =	strace $0x80000046;
	[dreg:$0x1] =	wrdreg $0xFFFFFFFF  }
0xa4: {  	s25 =	simm.s32 $_size_execute0_lowered;
	s1 =	sadd.s32 s1, s3;
	[dreg:$0x0] =	wrdreg $0x0  }
0xa5: {  	s3 =	sshll.u32 s25, $0x1;
	[dreg:$0x2] =	wrdreg s1  }
0xa6: {  	[dreg:$0x3] =	wrdreg s3  }
0xa7: {  	[dreg:$0x4] =	wrdreg $0xC0  }
0xa8: {  	_ =	task [dreg:s5], $0x5FFFF  }
0xa9: {  	[dreg:$0x1] =	wrdreg $0xFFFFFFFF  }
0xaa: {  	[dreg:$0x0] =	wrdreg $0x60  }
0xab: {  	[dreg:$0x2] =	wrdreg s22  }
0xac: {  	[dreg:$0x3] =	wrdreg s0  }
0xad: {  	[dreg:$0x4] =	wrdreg $0xA2800  }
0xae: {  	[dreg:$0x5] =	wrdreg $0xB2800  }
0xaf: {  	[dreg:$0x6] =	wrdreg $0xAA800  }
0xb0: {  	[dreg:$0x7] =	wrdreg $0xB3000  }
0xb1: {  	[dreg:$0x8] =	wrdreg $0x9  }
0xb2: {  	_ =	task.clear_ibuf [dreg:s5], $0x9FFFF;
	_ =	strace $0x90000046  }
0xb3: {  	s26 =	simm.s32 $0x9;
	_ =	strace $0x80000048  }
0xb4: {  	_ =	swait.ge [sflag:s26], $0x1  }
0xb5: {  	[sflag:s26] =	ssyncadd.s32 $0xFFFFFFFF  }
0xb6: {  	_ =	strace $0x90000048  }
0xb7: {  	_ =	sfence  }
0xb8: {  	s28 =	sld [smem:$0x0];
	_ =	sdelay $0x1  }
0xb9: {  	s29 =	srdreg.scid  }
0xba: {  	s30 =	sshll.u32 s29, $0xD;
	s31 =	sshrl.u32 s29, $0x2  }
0xbb: {  	s2 =	sand.u32 $0x4000, s30;
	s1 =	sand.u32 $0x1, s29;
	s0 =	sadd.s32 s31, s28  }
0xbc: {  	s1 =	sor.u32 s2, s1;
	s0 =	sshll.u32 s0, $0x11  }
0xbd: {  	s0 =	sor.u32 s0, s1  }
0xbe: {  	s0 =	sadd.s32 $0x8F2B, s0  }
0xbf: {  	[sflag:s0] =	ssyncadd.remote.s32 $0x1  }
0xc0: {  	_ =	sfence.sel $0xFFFF  }
0xc1: {  	[dreg:$0x0] =	wrdreg $0xFFFFFFFF;
	(pc) =	sbr.abs _section_cstart, $3  }
0xc2: {  	[dreg:$0x1] =	wrdreg $0xFFFFFFFF  }
0xc3: {  	_ =	task.clear_ibuf [dreg:s5], $0x2FFFF;
	_ =	strace $0x9FFFFFFF  }
0xc4: {  	(tm) =	ssettm $0x7FFFFFFF  }
0xc5: {  	_ =	shalt  }
tec
execute0_lowered:
.L_overlay_start_1:
0x0: {  	(tag) =	ssettag $0x1  }
0x1: {  	s0 =	rddreg [dreg:$0x0]  }
0x2: {  	s4 =	rddreg [dreg:$0x2]  }
0x3: {  	s22 =	rddreg [dreg:$0x3]  }
0x4: {  	s21 =	rddreg [dreg:$0x4]  }
0x5: {  	s20 =	rddreg [dreg:$0x5];
	s3 =	stileid.u32  }
0x6: {  	s1 =	simm.s32 $0x0;
	s7 =	sadd.s32 $0x800, s0;
	s8 =	sshll.u32 s3, $0xE  }
0x7: {  	[smem:$0x7FF] =	sst s1;
	s0 =	simm.s32 $0x0;
	s16 =	sadd.s32 s7, s8  }
0x8: {  	v0 =	vimm.s32 $0x0;
	s1 =	simm.s32 $0x200;
	_ =	strace $0x80000047;
	s12 =	sadd.s32 $0x800, s16  }
.LBB2_1:
0x9: {  	p0 =	sne.s32 s1, $0x1E00;
	[tilespmem:s0+$0x8070] =	vst v0  }
0xa: {  	[tilespmem:s0+$0x8000] =	vst v0  }
0xb: {  	[tilespmem:s0+$0x8010] =	vst v0  }
.Ltmp0:
0xc: {  	[tilespmem:s0+$0x8020] =	vst v0;
	(pc) =	sbr.rel @p0 .LBB2_1-.Ltmp0, $4  }
0xd: {  	[tilespmem:s0+$0x8030] =	vst v0  }
0xe: {  	[tilespmem:s0+$0x8040] =	vst v0  }
0xf: {  	[tilespmem:s0+$0x8050] =	vst v0  }
0x10: {  	[tilespmem:s0+$0x8060] =	vst v0;
	s0 =	sshra.s32 s1, $0x2;
	s1 =	sadd.s32 $0x200, s1  }
0x11: {  	[tilespmem:s0+$0x8070] =	vst v0  }
0x12: {  	[tilespmem:s0+$0x8000] =	vst v0  }
0x13: {  	[tilespmem:s0+$0x8010] =	vst v0  }
0x14: {  	[tilespmem:s0+$0x8020] =	vst v0  }
0x15: {  	[tilespmem:s0+$0x8030] =	vst v0  }
0x16: {  	[tilespmem:s0+$0x8040] =	vst v0  }
0x17: {  	[tilespmem:s0+$0x8050] =	vst v0  }
0x18: {  	[tilespmem:s0+$0x8060] =	vst v0;
	v0 =	vimm.f32 $0.0e+00;
	s0 =	simm.s32 $0x0;
	s1 =	simm.s32 $0x200  }
.LBB2_3:
0x19: {  	p0 =	sne.s32 s1, $0x1E00;
	[tilespmem:s0+$0x8870] =	vst v0  }
0x1a: {  	[tilespmem:s0+$0x8800] =	vst v0  }
0x1b: {  	[tilespmem:s0+$0x8810] =	vst v0  }
.Ltmp1:
0x1c: {  	[tilespmem:s0+$0x8820] =	vst v0;
	(pc) =	sbr.rel @p0 .LBB2_3-.Ltmp1, $4  }
0x1d: {  	[tilespmem:s0+$0x8830] =	vst v0  }
0x1e: {  	[tilespmem:s0+$0x8840] =	vst v0  }
0x1f: {  	[tilespmem:s0+$0x8850] =	vst v0  }
0x20: {  	[tilespmem:s0+$0x8860] =	vst v0;
	s0 =	sshra.s32 s1, $0x2;
	s1 =	sadd.s32 $0x200, s1  }
0x21: {  	[tilespmem:s0+$0x8870] =	vst v0  }
0x22: {  	[tilespmem:s0+$0x8800] =	vst v0  }
0x23: {  	[tilespmem:s0+$0x8810] =	vst v0  }
0x24: {  	[tilespmem:s0+$0x8820] =	vst v0  }
0x25: {  	[tilespmem:s0+$0x8830] =	vst v0  }
0x26: {  	[tilespmem:s0+$0x8840] =	vst v0  }
0x27: {  	[tilespmem:s0+$0x8850] =	vst v0  }
0x28: {  	[tilespmem:s0+$0x8860] =	vst v0;
	s9 =	simm.s32 $0x0  }
0x29: {  	[tilespmem:s9], [sflag:$0x1] =	stream.linear.gather [hbm4b:s16+s9], $0x4000, $0x38;
	[tilespmem:$0xB380] =	vst v63  }
0x2a: {  	s30 =	simm.s32 $0x4000;
	s31 =	simm.s32 $0x1  }
0x2b: {  	[tilespmem:s30], [sflag:$0x2] =	stream.linear.gather [hbm4b:s12+s9], $0x4000, $0x38;
	[tilespmem:$0xB380] =	vst v63  }
0x2c: {  	_ =	swait.ge [sflag:s31], $0x4000  }
0x2d: {  	s10 =	simm.s32 $0x8000;
	s11 =	simm.s32 $0x8800;
	[sflag:s31] =	ssyncset.done $0x0  }
0x2e: {  	v0 =	vimm.s32 $0x1;
	s13 =	simm.s32 $0x0;
	s14 =	simm.s32 $0x0;
	[sflag:s31] =	ssyncadd.s32 $0xFFFFC000  }
.LBB2_5:
0x2f: {  	s0 =	sshll.u32 s13, $0x2;
	s1 =	sand.u32 $0x7, s9  }
0x30: {  	s0 =	sand.u32 $0xFFFFC000, s0;
	s1 =	sshll.u32 s1, $0x9  }
0x31: {  	s0 =	sor.u32 s1, s0  }
0x32: {  	s0 =	sshrl.u32 s0, $0x2  }
0x33: {  	s31 =	sor.u32 $0x40, s0  }
0x34: {  	v3 =	vld [tilespmem:s31+$0x30]  }
0x35: {  	v5 =	vld [tilespmem:s31+$0xFFFFFFE0];
	_ =	sdelay $0x1  }
0x36: {  	v4 =	vld [tilespmem:s31+$0xFFFFFFD0];
	_ =	sdelay $0x1  }
0x37: {  	v6 =	vld [tilespmem:s31+$0xFFFFFFF0];
	vm0 =	vgt.s32 v3, $0x0  }
0x38: {  	vm11 =	vgt.s32 v5, $0x0;
	v1 =	vnsel vm0, $0x0, v3  }
0x39: {  	v11 =	vnsel vm11, $0x0, v5;
	v8 =	vshrl.u32 v1, $0x14  }
0x3a: {  	v7 =	vld [tilespmem:s31+$0xFFFFFFC0];
	vm10 =	vgt.s32 v4, $0x0;
	v11 =	vshrl.u32 v11, $0x14  }
0x3b: {  	v9 =	vld [tilespmem:s31+$0x0];
	v1 =	vnsel vm10, $0x0, v4  }
0x3c: {  	v2 =	vld [tilespmem:s31+$0x10];
	vm12 =	vgt.s32 v6, $0x0;
	v10 =	vshrl.u32 v1, $0x14  }
0x3d: {  	v12 =	vnsel vm12, $0x0, v6;
	v1 =	vld [tilespmem:s31+$0x20]  }
0x3e: {  	v12 =	vshrl.u32 v12, $0x14;
	[tilespmem:v8+s10+$0x0] =	vst.idx.add.s32.msk $0xffff, v0  }
0x3f: {  	vm13 =	vgt.s32 v7, $0x0;
	[tilespmem:v11+s10+$0x0] =	vst.idx.add.s32.msk $0xffff, v0  }
0x40: {  	v13 =	vnsel vm13, $0x0, v7;
	[tilespmem:v8+s11+$0x0] =	vst.idx.add.f32.msk $0xffff, v3  }
0x41: {  	vm14 =	vgt.s32 v9, $0x0;
	v3 =	vshrl.u32 v13, $0x14;
	[tilespmem:v10+s10+$0x0] =	vst.idx.add.s32.msk $0xffff, v0  }
0x42: {  	[tilespmem:v10+s11+$0x0] =	vst.idx.add.f32.msk $0xffff, v4;
	v4 =	vnsel vm14, $0x0, v9  }
0x43: {  	[tilespmem:v12+s10+$0x0] =	vst.idx.add.s32.msk $0xffff, v0;
	v63 =	vshrl.u32 v4, $0x14  }
0x44: {  	[tilespmem:v11+s11+$0x0] =	vst.idx.add.f32.msk $0xffff, v5  }
0x45: {  	[tilespmem:v12+s11+$0x0] =	vst.idx.add.f32.msk $0xffff, v6  }
0x46: {  	[tilespmem:v3+s10+$0x0] =	vst.idx.add.s32.msk $0xffff, v0  }
0x47: {  	vm15 =	vgt.s32 v2, $0x0;
	vm1 =	vgt.s32 v1, $0x0;
	[tilespmem:v3+s11+$0x0] =	vst.idx.add.f32.msk $0xffff, v7  }
0x48: {  	v5 =	vnsel vm1, $0x0, v1;
	v3 =	vnsel vm15, $0x0, v2;
	[tilespmem:v63+s10+$0x0] =	vst.idx.add.s32.msk $0xffff, v0  }
0x49: {  	s0 =	simm.s32 $0x0;
	s1 =	sadd.s32 $0x400, s31;
	v4 =	vshrl.u32 v3, $0x14;
	v3 =	vshrl.u32 v5, $0x14;
	[tilespmem:v63+s11+$0x0] =	vst.idx.add.f32.msk $0xffff, v9  }
.LBB2_6:
0x4a: {  	v5 =	vld [tilespmem:s1+$0x30]  }
0x4b: {  	s0 =	sadd.s32 $0x8, s0;
	v6 =	vld [tilespmem:s1+$0xFFFFFFD0]  }
0x4c: {  	p0 =	slt.u32 s0, $0x18;
	v7 =	vld [tilespmem:s1+$0xFFFFFFE0]  }
0x4d: {  	v8 =	vld [tilespmem:s1+$0xFFFFFFF0]  }
0x4e: {  	v9 =	vld [tilespmem:s1+$0x0]  }
0x4f: {  	v10 =	vld [tilespmem:s1+$0x10];
	vm0 =	vgt.s32 v5, $0x0  }
0x50: {  	vm1 =	vgt.s32 v6, $0x0;
	v11 =	vld [tilespmem:s1+$0x20];
	v12 =	vnsel vm0, $0x0, v5  }
0x51: {  	v13 =	vld [tilespmem:s1+$0xFFFFFFC0];
	v14 =	vnsel vm1, $0x0, v6;
	vm0 =	vgt.s32 v7, $0x0;
	v12 =	vshrl.u32 v12, $0x14  }
0x52: {  	v14 =	vshrl.u32 v14, $0x14;
	v15 =	vnsel vm0, $0x0, v7;
	vm0 =	vgt.s32 v8, $0x0;
	[tilespmem:v4+s10+$0x0] =	vst.idx.add.s32.msk $0xffff, v0  }
0x53: {  	v15 =	vshrl.u32 v15, $0x14;
	v16 =	vnsel vm0, $0x0, v8;
	vm0 =	vgt.s32 v9, $0x0;
	[tilespmem:v4+s11+$0x0] =	vst.idx.add.f32.msk $0xffff, v2  }
0x54: {  	v16 =	vshrl.u32 v16, $0x14;
	v4 =	vnsel vm0, $0x0, v9;
	vm0 =	vgt.s32 v10, $0x0;
	[tilespmem:v3+s10+$0x0] =	vst.idx.add.s32.msk $0xffff, v0;
	v2 =	vmovc v10  }
0x55: {  	v10 =	vshrl.u32 v4, $0x14;
	v4 =	vnsel vm0, $0x0, v2;
	vm0 =	vgt.s32 v11, $0x0;
	[tilespmem:v3+s11+$0x0] =	vst.idx.add.f32.msk $0xffff, v1;
	v1 =	vmovc v11  }
0x56: {  	vm1 =	vgt.s32 v13, $0x0;
	v4 =	vshrl.u32 v4, $0x14;
	v3 =	vnsel vm0, $0x0, v1;
	[tilespmem:v12+s10+$0x0] =	vst.idx.add.s32.msk $0xffff, v0  }
0x57: {  	v11 =	vnsel vm1, $0x0, v13;
	v3 =	vshrl.u32 v3, $0x14;
	[tilespmem:v12+s11+$0x0] =	vst.idx.add.f32.msk $0xffff, v5  }
0x58: {  	v5 =	vshrl.u32 v11, $0x14;
	[tilespmem:v14+s10+$0x0] =	vst.idx.add.s32.msk $0xffff, v0  }
0x59: {  	[tilespmem:v14+s11+$0x0] =	vst.idx.add.f32.msk $0xffff, v6  }
0x5a: {  	[tilespmem:v15+s10+$0x0] =	vst.idx.add.s32.msk $0xffff, v0  }
0x5b: {  	[tilespmem:v15+s11+$0x0] =	vst.idx.add.f32.msk $0xffff, v7  }
0x5c: {  	[tilespmem:v16+s10+$0x0] =	vst.idx.add.s32.msk $0xffff, v0  }
.Ltmp2:
0x5d: {  	[tilespmem:v5+s10+$0x0] =	vst.idx.add.s32.msk $0xffff, v0;
	(pc) =	sbr.rel @p0 .LBB2_6-.Ltmp2, $4  }
0x5e: {  	[tilespmem:v5+s11+$0x0] =	vst.idx.add.f32.msk $0xffff, v13  }
0x5f: {  	[tilespmem:v16+s11+$0x0] =	vst.idx.add.f32.msk $0xffff, v8  }
0x60: {  	[tilespmem:v10+s10+$0x0] =	vst.idx.add.s32.msk $0xffff, v0  }
0x61: {  	s1 =	sadd.s32 $0x400, s1;
	[tilespmem:v10+s11+$0x0] =	vst.idx.add.f32.msk $0xffff, v9  }
0x62: {  	_ = 	snop  }
0x63: {  	s14 =	sadd.s32 $0x1, s14  }
0x64: {  	p0 =	sne.s32 s14, $0x20  }
.Ltmp3:
0x65: {  	_ = 	snop;
	(pc) =	sbr.rel @p0 .LBB2_5-.Ltmp3, $4  }
0x66: {  	[tilespmem:v4+s10+$0x0] =	vst.idx.add.s32.msk $0xffff, v0  }
0x67: {  	[tilespmem:v3+s10+$0x0] =	vst.idx.add.s32.msk $0xffff, v0  }
0x68: {  	[tilespmem:v4+s11+$0x0] =	vst.idx.add.f32.msk $0xffff, v2  }
0x69: {  	s13 =	sadd.s32 $0x200, s13;
	s9 =	sadd.s32 $0x1, s9;
	[tilespmem:v3+s11+$0x0] =	vst.idx.add.f32.msk $0xffff, v1  }
0x6a: {  	s7 =	sadd.s32 s8, s7  }
0x6b: {  	s8 =	simm.s32 $0x0;
	s0 =	simm.s32 $0x2;
	s17 =	sadd.s32 $0x1000, s7  }
0x6c: {  	[tilespmem:s8], [sflag:$0x1] =	stream.linear.gather [hbm4b:s17+s8], $0x4000, $0x38;
	[tilespmem:$0xB380] =	vst v63  }
0x6d: {  	_ =	swait.ge [sflag:s0], $0x4000  }
0x6e: {  	s9 =	simm.s32 $0x8000;
	s10 =	simm.s32 $0x8800;
	[sflag:s0] =	ssyncset.done $0x0  }
0x6f: {  	v0 =	vimm.s32 $0x1;
	s11 =	simm.s32 $0x0;
	s13 =	simm.s32 $0x0;
	[sflag:s0] =	ssyncadd.s32 $0xFFFFC000  }
.LBB2_9:
0x70: {  	s0 =	sshll.u32 s11, $0x2;
	s1 =	sand.u32 $0x7, s8  }
0x71: {  	s0 =	sand.u32 $0xFFFFC000, s0;
	s1 =	sshll.u32 s1, $0x9  }
0x72: {  	s0 =	sor.u32 s1, s0  }
0x73: {  	s0 =	sshrl.u32 s0, $0x2  }
0x74: {  	s31 =	sadd.s32 $0x4040, s0  }
0x75: {  	v3 =	vld [tilespmem:s31+$0x30]  }
0x76: {  	v5 =	vld [tilespmem:s31+$0xFFFFFFE0];
	_ =	sdelay $0x1  }
0x77: {  	v4 =	vld [tilespmem:s31+$0xFFFFFFD0];
	_ =	sdelay $0x1  }
0x78: {  	v6 =	vld [tilespmem:s31+$0xFFFFFFF0];
	vm0 =	vgt.s32 v3, $0x0  }
0x79: {  	vm11 =	vgt.s32 v5, $0x0;
	v1 =	vnsel vm0, $0x0, v3  }
0x7a: {  	v11 =	vnsel vm11, $0x0, v5;
	v8 =	vshrl.u32 v1, $0x14  }
0x7b: {  	v7 =	vld [tilespmem:s31+$0xFFFFFFC0];
	vm10 =	vgt.s32 v4, $0x0;
	v11 =	vshrl.u32 v11, $0x14  }
0x7c: {  	v9 =	vld [tilespmem:s31+$0x0];
	v1 =	vnsel vm10, $0x0, v4  }
0x7d: {  	v2 =	vld [tilespmem:s31+$0x10];
	vm12 =	vgt.s32 v6, $0x0;
	v10 =	vshrl.u32 v1, $0x14  }
0x7e: {  	v12 =	vnsel vm12, $0x0, v6;
	v1 =	vld [tilespmem:s31+$0x20]  }
0x7f: {  	v12 =	vshrl.u32 v12, $0x14;
	[tilespmem:v8+s9+$0x0] =	vst.idx.add.s32.msk $0xffff, v0  }
0x80: {  	vm13 =	vgt.s32 v7, $0x0;
	[tilespmem:v11+s9+$0x0] =	vst.idx.add.s32.msk $0xffff, v0  }
0x81: {  	v13 =	vnsel vm13, $0x0, v7;
	[tilespmem:v8+s10+$0x0] =	vst.idx.add.f32.msk $0xffff, v3  }
0x82: {  	vm14 =	vgt.s32 v9, $0x0;
	v3 =	vshrl.u32 v13, $0x14;
	[tilespmem:v10+s9+$0x0] =	vst.idx.add.s32.msk $0xffff, v0  }
0x83: {  	[tilespmem:v10+s10+$0x0] =	vst.idx.add.f32.msk $0xffff, v4;
	v4 =	vnsel vm14, $0x0, v9  }
0x84: {  	[tilespmem:v12+s9+$0x0] =	vst.idx.add.s32.msk $0xffff, v0;
	v63 =	vshrl.u32 v4, $0x14  }
0x85: {  	[tilespmem:v11+s10+$0x0] =	vst.idx.add.f32.msk $0xffff, v5  }
0x86: {  	[tilespmem:v12+s10+$0x0] =	vst.idx.add.f32.msk $0xffff, v6  }
0x87: {  	[tilespmem:v3+s9+$0x0] =	vst.idx.add.s32.msk $0xffff, v0  }
0x88: {  	vm15 =	vgt.s32 v2, $0x0;
	vm1 =	vgt.s32 v1, $0x0;
	[tilespmem:v3+s10+$0x0] =	vst.idx.add.f32.msk $0xffff, v7  }
0x89: {  	v5 =	vnsel vm1, $0x0, v1;
	v3 =	vnsel vm15, $0x0, v2;
	[tilespmem:v63+s9+$0x0] =	vst.idx.add.s32.msk $0xffff, v0  }
0x8a: {  	s0 =	simm.s32 $0x0;
	s1 =	sadd.s32 $0x400, s31;
	v4 =	vshrl.u32 v3, $0x14;
	v3 =	vshrl.u32 v5, $0x14;
	[tilespmem:v63+s10+$0x0] =	vst.idx.add.f32.msk $0xffff, v9  }
.LBB2_10:
0x8b: {  	v5 =	vld [tilespmem:s1+$0x30]  }
0x8c: {  	s0 =	sadd.s32 $0x8, s0;
	v6 =	vld [tilespmem:s1+$0xFFFFFFD0]  }
0x8d: {  	p0 =	slt.u32 s0, $0x18;
	v7 =	vld [tilespmem:s1+$0xFFFFFFE0]  }
0x8e: {  	v8 =	vld [tilespmem:s1+$0xFFFFFFF0]  }
0x8f: {  	v9 =	vld [tilespmem:s1+$0x0]  }
0x90: {  	v10 =	vld [tilespmem:s1+$0x10];
	vm0 =	vgt.s32 v5, $0x0  }
0x91: {  	vm1 =	vgt.s32 v6, $0x0;
	v11 =	vld [tilespmem:s1+$0x20];
	v12 =	vnsel vm0, $0x0, v5  }
0x92: {  	v13 =	vld [tilespmem:s1+$0xFFFFFFC0];
	v14 =	vnsel vm1, $0x0, v6;
	vm0 =	vgt.s32 v7, $0x0;
	v12 =	vshrl.u32 v12, $0x14  }
0x93: {  	v14 =	vshrl.u32 v14, $0x14;
	v15 =	vnsel vm0, $0x0, v7;
	vm0 =	vgt.s32 v8, $0x0;
	[tilespmem:v4+s9+$0x0] =	vst.idx.add.s32.msk $0xffff, v0  }
0x94: {  	v15 =	vshrl.u32 v15, $0x14;
	v16 =	vnsel vm0, $0x0, v8;
	vm0 =	vgt.s32 v9, $0x0;
	[tilespmem:v4+s10+$0x0] =	vst.idx.add.f32.msk $0xffff, v2  }
0x95: {  	v16 =	vshrl.u32 v16, $0x14;
	v4 =	vnsel vm0, $0x0, v9;
	vm0 =	vgt.s32 v10, $0x0;
	[tilespmem:v3+s9+$0x0] =	vst.idx.add.s32.msk $0xffff, v0;
	v2 =	vmovc v10  }
0x96: {  	v10 =	vshrl.u32 v4, $0x14;
	v4 =	vnsel vm0, $0x0, v2;
	vm0 =	vgt.s32 v11, $0x0;
	[tilespmem:v3+s10+$0x0] =	vst.idx.add.f32.msk $0xffff, v1;
	v1 =	vmovc v11  }
0x97: {  	vm1 =	vgt.s32 v13, $0x0;
	v4 =	vshrl.u32 v4, $0x14;
	v3 =	vnsel vm0, $0x0, v1;
	[tilespmem:v12+s9+$0x0] =	vst.idx.add.s32.msk $0xffff, v0  }
0x98: {  	v11 =	vnsel vm1, $0x0, v13;
	v3 =	vshrl.u32 v3, $0x14;
	[tilespmem:v12+s10+$0x0] =	vst.idx.add.f32.msk $0xffff, v5  }
0x99: {  	v5 =	vshrl.u32 v11, $0x14;
	[tilespmem:v14+s9+$0x0] =	vst.idx.add.s32.msk $0xffff, v0  }
0x9a: {  	[tilespmem:v14+s10+$0x0] =	vst.idx.add.f32.msk $0xffff, v6  }
0x9b: {  	[tilespmem:v15+s9+$0x0] =	vst.idx.add.s32.msk $0xffff, v0  }
0x9c: {  	[tilespmem:v15+s10+$0x0] =	vst.idx.add.f32.msk $0xffff, v7  }
0x9d: {  	[tilespmem:v16+s9+$0x0] =	vst.idx.add.s32.msk $0xffff, v0  }
.Ltmp4:
0x9e: {  	[tilespmem:v5+s9+$0x0] =	vst.idx.add.s32.msk $0xffff, v0;
	(pc) =	sbr.rel @p0 .LBB2_10-.Ltmp4, $4  }
0x9f: {  	[tilespmem:v5+s10+$0x0] =	vst.idx.add.f32.msk $0xffff, v13  }
0xa0: {  	[tilespmem:v16+s10+$0x0] =	vst.idx.add.f32.msk $0xffff, v8  }
0xa1: {  	[tilespmem:v10+s9+$0x0] =	vst.idx.add.s32.msk $0xffff, v0  }
0xa2: {  	s1 =	sadd.s32 $0x400, s1;
	[tilespmem:v10+s10+$0x0] =	vst.idx.add.f32.msk $0xffff, v9  }
0xa3: {  	_ = 	snop  }
0xa4: {  	s13 =	sadd.s32 $0x1, s13  }
0xa5: {  	p0 =	sne.s32 s13, $0x20  }
.Ltmp5:
0xa6: {  	_ = 	snop;
	(pc) =	sbr.rel @p0 .LBB2_9-.Ltmp5, $4  }
0xa7: {  	[tilespmem:v4+s9+$0x0] =	vst.idx.add.s32.msk $0xffff, v0  }
0xa8: {  	[tilespmem:v3+s9+$0x0] =	vst.idx.add.s32.msk $0xffff, v0  }
0xa9: {  	[tilespmem:v4+s10+$0x0] =	vst.idx.add.f32.msk $0xffff, v2  }
0xaa: {  	s11 =	sadd.s32 $0x200, s11;
	s8 =	sadd.s32 $0x1, s8;
	[tilespmem:v3+s10+$0x0] =	vst.idx.add.f32.msk $0xffff, v1  }
0xab: {  	s1 =	sadd.s32 $0x1800, s7;
	s8 =	simm.s32 $0x0  }
0xac: {  	s0 =	simm.s32 $0x4000;
	s31 =	simm.s32 $0x1;
	[dreg:$0xd] =	wrdreg s1  }
0xad: {  	[tilespmem:s0], [sflag:$0x2] =	stream.linear.gather [hbm4b:s1+s8], $0x4000, $0x38;
	[tilespmem:$0xB380] =	vst v63  }
0xae: {  	_ =	swait.ge [sflag:s31], $0x4000  }
0xaf: {  	s9 =	simm.s32 $0x8000;
	s10 =	simm.s32 $0x8800;
	[sflag:s31] =	ssyncset.done $0x0  }
0xb0: {  	v0 =	vimm.s32 $0x1;
	s11 =	simm.s32 $0x0;
	s13 =	simm.s32 $0x0;
	[sflag:s31] =	ssyncadd.s32 $0xFFFFC000  }
.LBB2_13:
0xb1: {  	s0 =	sshll.u32 s11, $0x2;
	s1 =	sand.u32 $0x7, s8  }
0xb2: {  	s0 =	sand.u32 $0xFFFFC000, s0;
	s1 =	sshll.u32 s1, $0x9  }
0xb3: {  	s0 =	sor.u32 s1, s0  }
0xb4: {  	s0 =	sshrl.u32 s0, $0x2  }
0xb5: {  	s31 =	sor.u32 $0x40, s0  }
0xb6: {  	v3 =	vld [tilespmem:s31+$0x30]  }
0xb7: {  	v5 =	vld [tilespmem:s31+$0xFFFFFFE0];
	_ =	sdelay $0x1  }
0xb8: {  	v4 =	vld [tilespmem:s31+$0xFFFFFFD0];
	_ =	sdelay $0x1  }
0xb9: {  	v6 =	vld [tilespmem:s31+$0xFFFFFFF0];
	vm0 =	vgt.s32 v3, $0x0  }
0xba: {  	vm11 =	vgt.s32 v5, $0x0;
	v1 =	vnsel vm0, $0x0, v3  }
0xbb: {  	v11 =	vnsel vm11, $0x0, v5;
	v8 =	vshrl.u32 v1, $0x14  }
0xbc: {  	v7 =	vld [tilespmem:s31+$0xFFFFFFC0];
	vm10 =	vgt.s32 v4, $0x0;
	v11 =	vshrl.u32 v11, $0x14  }
0xbd: {  	v9 =	vld [tilespmem:s31+$0x0];
	v1 =	vnsel vm10, $0x0, v4  }
0xbe: {  	v2 =	vld [tilespmem:s31+$0x10];
	vm12 =	vgt.s32 v6, $0x0;
	v10 =	vshrl.u32 v1, $0x14  }
0xbf: {  	v12 =	vnsel vm12, $0x0, v6;
	v1 =	vld [tilespmem:s31+$0x20]  }
0xc0: {  	v12 =	vshrl.u32 v12, $0x14;
	[tilespmem:v8+s9+$0x0] =	vst.idx.add.s32.msk $0xffff, v0  }
0xc1: {  	vm13 =	vgt.s32 v7, $0x0;
	[tilespmem:v11+s9+$0x0] =	vst.idx.add.s32.msk $0xffff, v0  }
0xc2: {  	v13 =	vnsel vm13, $0x0, v7;
	[tilespmem:v8+s10+$0x0] =	vst.idx.add.f32.msk $0xffff, v3  }
0xc3: {  	vm14 =	vgt.s32 v9, $0x0;
	v3 =	vshrl.u32 v13, $0x14;
	[tilespmem:v10+s9+$0x0] =	vst.idx.add.s32.msk $0xffff, v0  }
0xc4: {  	[tilespmem:v10+s10+$0x0] =	vst.idx.add.f32.msk $0xffff, v4;
	v4 =	vnsel vm14, $0x0, v9  }
0xc5: {  	[tilespmem:v12+s9+$0x0] =	vst.idx.add.s32.msk $0xffff, v0;
	v63 =	vshrl.u32 v4, $0x14  }
0xc6: {  	[tilespmem:v11+s10+$0x0] =	vst.idx.add.f32.msk $0xffff, v5  }
0xc7: {  	[tilespmem:v12+s10+$0x0] =	vst.idx.add.f32.msk $0xffff, v6  }
0xc8: {  	[tilespmem:v3+s9+$0x0] =	vst.idx.add.s32.msk $0xffff, v0  }
0xc9: {  	vm15 =	vgt.s32 v2, $0x0;
	vm1 =	vgt.s32 v1, $0x0;
	[tilespmem:v3+s10+$0x0] =	vst.idx.add.f32.msk $0xffff, v7  }
0xca: {  	v5 =	vnsel vm1, $0x0, v1;
	v3 =	vnsel vm15, $0x0, v2;
	[tilespmem:v63+s9+$0x0] =	vst.idx.add.s32.msk $0xffff, v0  }
0xcb: {  	s0 =	simm.s32 $0x0;
	s1 =	sadd.s32 $0x400, s31;
	v4 =	vshrl.u32 v3, $0x14;
	v3 =	vshrl.u32 v5, $0x14;
	[tilespmem:v63+s10+$0x0] =	vst.idx.add.f32.msk $0xffff, v9  }
.LBB2_14:
0xcc: {  	v5 =	vld [tilespmem:s1+$0x30]  }
0xcd: {  	s0 =	sadd.s32 $0x8, s0;
	v6 =	vld [tilespmem:s1+$0xFFFFFFD0]  }
0xce: {  	p0 =	slt.u32 s0, $0x18;
	v7 =	vld [tilespmem:s1+$0xFFFFFFE0]  }
0xcf: {  	v8 =	vld [tilespmem:s1+$0xFFFFFFF0]  }
0xd0: {  	v9 =	vld [tilespmem:s1+$0x0]  }
0xd1: {  	v10 =	vld [tilespmem:s1+$0x10];
	vm0 =	vgt.s32 v5, $0x0  }
0xd2: {  	vm1 =	vgt.s32 v6, $0x0;
	v11 =	vld [tilespmem:s1+$0x20];
	v12 =	vnsel vm0, $0x0, v5  }
0xd3: {  	v13 =	vld [tilespmem:s1+$0xFFFFFFC0];
	v14 =	vnsel vm1, $0x0, v6;
	vm0 =	vgt.s32 v7, $0x0;
	v12 =	vshrl.u32 v12, $0x14  }
0xd4: {  	v14 =	vshrl.u32 v14, $0x14;
	v15 =	vnsel vm0, $0x0, v7;
	vm0 =	vgt.s32 v8, $0x0;
	[tilespmem:v4+s9+$0x0] =	vst.idx.add.s32.msk $0xffff, v0  }
0xd5: {  	v15 =	vshrl.u32 v15, $0x14;
	v16 =	vnsel vm0, $0x0, v8;
	vm0 =	vgt.s32 v9, $0x0;
	[tilespmem:v4+s10+$0x0] =	vst.idx.add.f32.msk $0xffff, v2  }
0xd6: {  	v16 =	vshrl.u32 v16, $0x14;
	v4 =	vnsel vm0, $0x0, v9;
	vm0 =	vgt.s32 v10, $0x0;
	[tilespmem:v3+s9+$0x0] =	vst.idx.add.s32.msk $0xffff, v0;
	v2 =	vmovc v10  }
0xd7: {  	v10 =	vshrl.u32 v4, $0x14;
	v4 =	vnsel vm0, $0x0, v2;
	vm0 =	vgt.s32 v11, $0x0;
	[tilespmem:v3+s10+$0x0] =	vst.idx.add.f32.msk $0xffff, v1;
	v1 =	vmovc v11  }
0xd8: {  	vm1 =	vgt.s32 v13, $0x0;
	v4 =	vshrl.u32 v4, $0x14;
	v3 =	vnsel vm0, $0x0, v1;
	[tilespmem:v12+s9+$0x0] =	vst.idx.add.s32.msk $0xffff, v0  }
0xd9: {  	v11 =	vnsel vm1, $0x0, v13;
	v3 =	vshrl.u32 v3, $0x14;
	[tilespmem:v12+s10+$0x0] =	vst.idx.add.f32.msk $0xffff, v5  }
0xda: {  	v5 =	vshrl.u32 v11, $0x14;
	[tilespmem:v14+s9+$0x0] =	vst.idx.add.s32.msk $0xffff, v0  }
0xdb: {  	[tilespmem:v14+s10+$0x0] =	vst.idx.add.f32.msk $0xffff, v6  }
0xdc: {  	[tilespmem:v15+s9+$0x0] =	vst.idx.add.s32.msk $0xffff, v0  }
0xdd: {  	[tilespmem:v15+s10+$0x0] =	vst.idx.add.f32.msk $0xffff, v7  }
0xde: {  	[tilespmem:v16+s9+$0x0] =	vst.idx.add.s32.msk $0xffff, v0  }
.Ltmp6:
0xdf: {  	[tilespmem:v5+s9+$0x0] =	vst.idx.add.s32.msk $0xffff, v0;
	(pc) =	sbr.rel @p0 .LBB2_14-.Ltmp6, $4  }
0xe0: {  	[tilespmem:v5+s10+$0x0] =	vst.idx.add.f32.msk $0xffff, v13  }
0xe1: {  	[tilespmem:v16+s10+$0x0] =	vst.idx.add.f32.msk $0xffff, v8  }
0xe2: {  	[tilespmem:v10+s9+$0x0] =	vst.idx.add.s32.msk $0xffff, v0  }
0xe3: {  	s1 =	sadd.s32 $0x400, s1;
	[tilespmem:v10+s10+$0x0] =	vst.idx.add.f32.msk $0xffff, v9  }
0xe4: {  	_ = 	snop  }
0xe5: {  	s13 =	sadd.s32 $0x1, s13  }
0xe6: {  	p0 =	sne.s32 s13, $0x20  }
.Ltmp7:
0xe7: {  	_ = 	snop;
	(pc) =	sbr.rel @p0 .LBB2_13-.Ltmp7, $4  }
0xe8: {  	[tilespmem:v4+s9+$0x0] =	vst.idx.add.s32.msk $0xffff, v0  }
0xe9: {  	[tilespmem:v3+s9+$0x0] =	vst.idx.add.s32.msk $0xffff, v0  }
0xea: {  	[tilespmem:v4+s10+$0x0] =	vst.idx.add.f32.msk $0xffff, v2  }
0xeb: {  	s11 =	sadd.s32 $0x200, s11;
	s8 =	sadd.s32 $0x1, s8;
	[tilespmem:v3+s10+$0x0] =	vst.idx.add.f32.msk $0xffff, v1  }
0xec: {  	s0 =	sadd.s32 $0x2000, s7  }
0xed: {  	s8 =	simm.s32 $0x0;
	s31 =	simm.s32 $0x2;
	[dreg:$0xc] =	wrdreg s0  }
0xee: {  	[tilespmem:s8], [sflag:$0x1] =	stream.linear.gather [hbm4b:s0+s8], $0x4000, $0x38;
	[tilespmem:$0xB380] =	vst v63  }
0xef: {  	_ =	swait.ge [sflag:s31], $0x4000  }
0xf0: {  	s9 =	simm.s32 $0x8000;
	s10 =	simm.s32 $0x8800;
	[sflag:s31] =	ssyncset.done $0x0  }
0xf1: {  	v0 =	vimm.s32 $0x1;
	s11 =	simm.s32 $0x0;
	s13 =	simm.s32 $0x0;
	[sflag:s31] =	ssyncadd.s32 $0xFFFFC000  }
.LBB2_17:
0xf2: {  	s0 =	sshll.u32 s11, $0x2;
	s1 =	sand.u32 $0x7, s8  }
0xf3: {  	s0 =	sand.u32 $0xFFFFC000, s0;
	s1 =	sshll.u32 s1, $0x9  }
0xf4: {  	s0 =	sor.u32 s1, s0  }
0xf5: {  	s0 =	sshrl.u32 s0, $0x2  }
0xf6: {  	s31 =	sadd.s32 $0x4040, s0  }
0xf7: {  	v3 =	vld [tilespmem:s31+$0x30]  }
0xf8: {  	v5 =	vld [tilespmem:s31+$0xFFFFFFE0];
	_ =	sdelay $0x1  }
0xf9: {  	v4 =	vld [tilespmem:s31+$0xFFFFFFD0];
	_ =	sdelay $0x1  }
0xfa: {  	v6 =	vld [tilespmem:s31+$0xFFFFFFF0];
	vm0 =	vgt.s32 v3, $0x0  }
0xfb: {  	vm11 =	vgt.s32 v5, $0x0;
	v1 =	vnsel vm0, $0x0, v3  }
0xfc: {  	v11 =	vnsel vm11, $0x0, v5;
	v8 =	vshrl.u32 v1, $0x14  }
0xfd: {  	v7 =	vld [tilespmem:s31+$0xFFFFFFC0];
	vm10 =	vgt.s32 v4, $0x0;
	v11 =	vshrl.u32 v11, $0x14  }
0xfe: {  	v9 =	vld [tilespmem:s31+$0x0];
	v1 =	vnsel vm10, $0x0, v4  }
0xff: {  	v2 =	vld [tilespmem:s31+$0x10];
	vm12 =	vgt.s32 v6, $0x0;
	v10 =	vshrl.u32 v1, $0x14  }
0x100: {  	v12 =	vnsel vm12, $0x0, v6;
	v1 =	vld [tilespmem:s31+$0x20]  }
0x101: {  	v12 =	vshrl.u32 v12, $0x14;
	[tilespmem:v8+s9+$0x0] =	vst.idx.add.s32.msk $0xffff, v0  }
0x102: {  	vm13 =	vgt.s32 v7, $0x0;
	[tilespmem:v11+s9+$0x0] =	vst.idx.add.s32.msk $0xffff, v0  }
0x103: {  	v13 =	vnsel vm13, $0x0, v7;
	[tilespmem:v8+s10+$0x0] =	vst.idx.add.f32.msk $0xffff, v3  }
0x104: {  	vm14 =	vgt.s32 v9, $0x0;
	v3 =	vshrl.u32 v13, $0x14;
	[tilespmem:v10+s9+$0x0] =	vst.idx.add.s32.msk $0xffff, v0  }
0x105: {  	[tilespmem:v10+s10+$0x0] =	vst.idx.add.f32.msk $0xffff, v4;
	v4 =	vnsel vm14, $0x0, v9  }
0x106: {  	[tilespmem:v12+s9+$0x0] =	vst.idx.add.s32.msk $0xffff, v0;
	v63 =	vshrl.u32 v4, $0x14  }
0x107: {  	[tilespmem:v11+s10+$0x0] =	vst.idx.add.f32.msk $0xffff, v5  }
0x108: {  	[tilespmem:v12+s10+$0x0] =	vst.idx.add.f32.msk $0xffff, v6  }
0x109: {  	[tilespmem:v3+s9+$0x0] =	vst.idx.add.s32.msk $0xffff, v0  }
0x10a: {  	vm15 =	vgt.s32 v2, $0x0;
	vm1 =	vgt.s32 v1, $0x0;
	[tilespmem:v3+s10+$0x0] =	vst.idx.add.f32.msk $0xffff, v7  }
0x10b: {  	v5 =	vnsel vm1, $0x0, v1;
	v3 =	vnsel vm15, $0x0, v2;
	[tilespmem:v63+s9+$0x0] =	vst.idx.add.s32.msk $0xffff, v0  }
0x10c: {  	s0 =	simm.s32 $0x0;
	s1 =	sadd.s32 $0x400, s31;
	v4 =	vshrl.u32 v3, $0x14;
	v3 =	vshrl.u32 v5, $0x14;
	[tilespmem:v63+s10+$0x0] =	vst.idx.add.f32.msk $0xffff, v9  }
.LBB2_18:
0x10d: {  	v5 =	vld [tilespmem:s1+$0x30]  }
0x10e: {  	s0 =	sadd.s32 $0x8, s0;
	v6 =	vld [tilespmem:s1+$0xFFFFFFD0]  }
0x10f: {  	p0 =	slt.u32 s0, $0x18;
	v7 =	vld [tilespmem:s1+$0xFFFFFFE0]  }
0x110: {  	v8 =	vld [tilespmem:s1+$0xFFFFFFF0]  }
0x111: {  	v9 =	vld [tilespmem:s1+$0x0]  }
0x112: {  	v10 =	vld [tilespmem:s1+$0x10];
	vm0 =	vgt.s32 v5, $0x0  }
0x113: {  	vm1 =	vgt.s32 v6, $0x0;
	v11 =	vld [tilespmem:s1+$0x20];
	v12 =	vnsel vm0, $0x0, v5  }
0x114: {  	v13 =	vld [tilespmem:s1+$0xFFFFFFC0];
	v14 =	vnsel vm1, $0x0, v6;
	vm0 =	vgt.s32 v7, $0x0;
	v12 =	vshrl.u32 v12, $0x14  }
0x115: {  	v14 =	vshrl.u32 v14, $0x14;
	v15 =	vnsel vm0, $0x0, v7;
	vm0 =	vgt.s32 v8, $0x0;
	[tilespmem:v4+s9+$0x0] =	vst.idx.add.s32.msk $0xffff, v0  }
0x116: {  	v15 =	vshrl.u32 v15, $0x14;
	v16 =	vnsel vm0, $0x0, v8;
	vm0 =	vgt.s32 v9, $0x0;
	[tilespmem:v4+s10+$0x0] =	vst.idx.add.f32.msk $0xffff, v2  }
0x117: {  	v16 =	vshrl.u32 v16, $0x14;
	v4 =	vnsel vm0, $0x0, v9;
	vm0 =	vgt.s32 v10, $0x0;
	[tilespmem:v3+s9+$0x0] =	vst.idx.add.s32.msk $0xffff, v0;
	v2 =	vmovc v10  }
0x118: {  	v10 =	vshrl.u32 v4, $0x14;
	v4 =	vnsel vm0, $0x0, v2;
	vm0 =	vgt.s32 v11, $0x0;
	[tilespmem:v3+s10+$0x0] =	vst.idx.add.f32.msk $0xffff, v1;
	v1 =	vmovc v11  }
0x119: {  	vm1 =	vgt.s32 v13, $0x0;
	v4 =	vshrl.u32 v4, $0x14;
	v3 =	vnsel vm0, $0x0, v1;
	[tilespmem:v12+s9+$0x0] =	vst.idx.add.s32.msk $0xffff, v0  }
0x11a: {  	v11 =	vnsel vm1, $0x0, v13;
	v3 =	vshrl.u32 v3, $0x14;
	[tilespmem:v12+s10+$0x0] =	vst.idx.add.f32.msk $0xffff, v5  }
0x11b: {  	v5 =	vshrl.u32 v11, $0x14;
	[tilespmem:v14+s9+$0x0] =	vst.idx.add.s32.msk $0xffff, v0  }
0x11c: {  	[tilespmem:v14+s10+$0x0] =	vst.idx.add.f32.msk $0xffff, v6  }
0x11d: {  	[tilespmem:v15+s9+$0x0] =	vst.idx.add.s32.msk $0xffff, v0  }
0x11e: {  	[tilespmem:v15+s10+$0x0] =	vst.idx.add.f32.msk $0xffff, v7  }
0x11f: {  	[tilespmem:v16+s9+$0x0] =	vst.idx.add.s32.msk $0xffff, v0  }
.Ltmp8:
0x120: {  	[tilespmem:v5+s9+$0x0] =	vst.idx.add.s32.msk $0xffff, v0;
	(pc) =	sbr.rel @p0 .LBB2_18-.Ltmp8, $4  }
0x121: {  	[tilespmem:v5+s10+$0x0] =	vst.idx.add.f32.msk $0xffff, v13  }
0x122: {  	[tilespmem:v16+s10+$0x0] =	vst.idx.add.f32.msk $0xffff, v8  }
0x123: {  	[tilespmem:v10+s9+$0x0] =	vst.idx.add.s32.msk $0xffff, v0  }
0x124: {  	s1 =	sadd.s32 $0x400, s1;
	[tilespmem:v10+s10+$0x0] =	vst.idx.add.f32.msk $0xffff, v9  }
0x125: {  	_ = 	snop  }
0x126: {  	s13 =	sadd.s32 $0x1, s13  }
0x127: {  	p0 =	sne.s32 s13, $0x20  }
.Ltmp9:
0x128: {  	_ = 	snop;
	(pc) =	sbr.rel @p0 .LBB2_17-.Ltmp9, $4  }
0x129: {  	[tilespmem:v4+s9+$0x0] =	vst.idx.add.s32.msk $0xffff, v0  }
0x12a: {  	[tilespmem:v3+s9+$0x0] =	vst.idx.add.s32.msk $0xffff, v0  }
0x12b: {  	[tilespmem:v4+s10+$0x0] =	vst.idx.add.f32.msk $0xffff, v2  }
0x12c: {  	s11 =	sadd.s32 $0x200, s11;
	s8 =	sadd.s32 $0x1, s8;
	[tilespmem:v3+s10+$0x0] =	vst.idx.add.f32.msk $0xffff, v1  }
0x12d: {  	s1 =	sadd.s32 $0x2800, s7;
	s8 =	simm.s32 $0x0  }
0x12e: {  	s0 =	simm.s32 $0x4000;
	s31 =	simm.s32 $0x1;
	[dreg:$0xb] =	wrdreg s1  }
0x12f: {  	[tilespmem:s0], [sflag:$0x2] =	stream.linear.gather [hbm4b:s1+s8], $0x4000, $0x38;
	[tilespmem:$0xB380] =	vst v63  }
0x130: {  	_ =	swait.ge [sflag:s31], $0x4000  }
0x131: {  	s9 =	simm.s32 $0x8000;
	s10 =	simm.s32 $0x8800;
	[sflag:s31] =	ssyncset.done $0x0  }
0x132: {  	v0 =	vimm.s32 $0x1;
	s11 =	simm.s32 $0x0;
	s18 =	simm.s32 $0x0;
	[sflag:s31] =	ssyncadd.s32 $0xFFFFC000  }
.LBB2_21:
0x133: {  	s0 =	sshll.u32 s11, $0x2;
	s1 =	sand.u32 $0x7, s8  }
0x134: {  	s0 =	sand.u32 $0xFFFFC000, s0;
	s1 =	sshll.u32 s1, $0x9  }
0x135: {  	s0 =	sor.u32 s1, s0  }
0x136: {  	s0 =	sshrl.u32 s0, $0x2  }
0x137: {  	s31 =	sor.u32 $0x40, s0  }
0x138: {  	v3 =	vld [tilespmem:s31+$0x30]  }
0x139: {  	v5 =	vld [tilespmem:s31+$0xFFFFFFE0];
	_ =	sdelay $0x1  }
0x13a: {  	v4 =	vld [tilespmem:s31+$0xFFFFFFD0];
	_ =	sdelay $0x1  }
0x13b: {  	v6 =	vld [tilespmem:s31+$0xFFFFFFF0];
	vm0 =	vgt.s32 v3, $0x0  }
0x13c: {  	vm11 =	vgt.s32 v5, $0x0;
	v1 =	vnsel vm0, $0x0, v3  }
0x13d: {  	v11 =	vnsel vm11, $0x0, v5;
	v8 =	vshrl.u32 v1, $0x14  }
0x13e: {  	v7 =	vld [tilespmem:s31+$0xFFFFFFC0];
	vm10 =	vgt.s32 v4, $0x0;
	v11 =	vshrl.u32 v11, $0x14  }
0x13f: {  	v9 =	vld [tilespmem:s31+$0x0];
	v1 =	vnsel vm10, $0x0, v4  }
0x140: {  	v2 =	vld [tilespmem:s31+$0x10];
	vm12 =	vgt.s32 v6, $0x0;
	v10 =	vshrl.u32 v1, $0x14  }
0x141: {  	v12 =	vnsel vm12, $0x0, v6;
	v1 =	vld [tilespmem:s31+$0x20]  }
0x142: {  	v12 =	vshrl.u32 v12, $0x14;
	[tilespmem:v8+s9+$0x0] =	vst.idx.add.s32.msk $0xffff, v0  }
0x143: {  	vm13 =	vgt.s32 v7, $0x0;
	[tilespmem:v11+s9+$0x0] =	vst.idx.add.s32.msk $0xffff, v0  }
0x144: {  	v13 =	vnsel vm13, $0x0, v7;
	[tilespmem:v8+s10+$0x0] =	vst.idx.add.f32.msk $0xffff, v3  }
0x145: {  	vm14 =	vgt.s32 v9, $0x0;
	v3 =	vshrl.u32 v13, $0x14;
	[tilespmem:v10+s9+$0x0] =	vst.idx.add.s32.msk $0xffff, v0  }
0x146: {  	[tilespmem:v10+s10+$0x0] =	vst.idx.add.f32.msk $0xffff, v4;
	v4 =	vnsel vm14, $0x0, v9  }
0x147: {  	[tilespmem:v12+s9+$0x0] =	vst.idx.add.s32.msk $0xffff, v0;
	v63 =	vshrl.u32 v4, $0x14  }
0x148: {  	[tilespmem:v11+s10+$0x0] =	vst.idx.add.f32.msk $0xffff, v5  }
0x149: {  	[tilespmem:v12+s10+$0x0] =	vst.idx.add.f32.msk $0xffff, v6  }
0x14a: {  	[tilespmem:v3+s9+$0x0] =	vst.idx.add.s32.msk $0xffff, v0  }
0x14b: {  	vm15 =	vgt.s32 v2, $0x0;
	vm1 =	vgt.s32 v1, $0x0;
	[tilespmem:v3+s10+$0x0] =	vst.idx.add.f32.msk $0xffff, v7  }
0x14c: {  	v5 =	vnsel vm1, $0x0, v1;
	v3 =	vnsel vm15, $0x0, v2;
	[tilespmem:v63+s9+$0x0] =	vst.idx.add.s32.msk $0xffff, v0  }
0x14d: {  	s0 =	simm.s32 $0x0;
	s1 =	sadd.s32 $0x400, s31;
	v4 =	vshrl.u32 v3, $0x14;
	v3 =	vshrl.u32 v5, $0x14;
	[tilespmem:v63+s10+$0x0] =	vst.idx.add.f32.msk $0xffff, v9  }
.LBB2_22:
0x14e: {  	v5 =	vld [tilespmem:s1+$0x30]  }
0x14f: {  	s0 =	sadd.s32 $0x8, s0;
	v6 =	vld [tilespmem:s1+$0xFFFFFFD0]  }
0x150: {  	p0 =	slt.u32 s0, $0x18;
	v7 =	vld [tilespmem:s1+$0xFFFFFFE0]  }
0x151: {  	v8 =	vld [tilespmem:s1+$0xFFFFFFF0]  }
0x152: {  	v9 =	vld [tilespmem:s1+$0x0]  }
0x153: {  	v10 =	vld [tilespmem:s1+$0x10];
	vm0 =	vgt.s32 v5, $0x0  }
0x154: {  	vm1 =	vgt.s32 v6, $0x0;
	v11 =	vld [tilespmem:s1+$0x20];
	v12 =	vnsel vm0, $0x0, v5  }
0x155: {  	v13 =	vld [tilespmem:s1+$0xFFFFFFC0];
	v14 =	vnsel vm1, $0x0, v6;
	vm0 =	vgt.s32 v7, $0x0;
	v12 =	vshrl.u32 v12, $0x14  }
0x156: {  	v14 =	vshrl.u32 v14, $0x14;
	v15 =	vnsel vm0, $0x0, v7;
	vm0 =	vgt.s32 v8, $0x0;
	[tilespmem:v4+s9+$0x0] =	vst.idx.add.s32.msk $0xffff, v0  }
0x157: {  	v15 =	vshrl.u32 v15, $0x14;
	v16 =	vnsel vm0, $0x0, v8;
	vm0 =	vgt.s32 v9, $0x0;
	[tilespmem:v4+s10+$0x0] =	vst.idx.add.f32.msk $0xffff, v2  }
0x158: {  	v16 =	vshrl.u32 v16, $0x14;
	v4 =	vnsel vm0, $0x0, v9;
	vm0 =	vgt.s32 v10, $0x0;
	[tilespmem:v3+s9+$0x0] =	vst.idx.add.s32.msk $0xffff, v0;
	v2 =	vmovc v10  }
0x159: {  	v10 =	vshrl.u32 v4, $0x14;
	v4 =	vnsel vm0, $0x0, v2;
	vm0 =	vgt.s32 v11, $0x0;
	[tilespmem:v3+s10+$0x0] =	vst.idx.add.f32.msk $0xffff, v1;
	v1 =	vmovc v11  }
0x15a: {  	vm1 =	vgt.s32 v13, $0x0;
	v4 =	vshrl.u32 v4, $0x14;
	v3 =	vnsel vm0, $0x0, v1;
	[tilespmem:v12+s9+$0x0] =	vst.idx.add.s32.msk $0xffff, v0  }
0x15b: {  	v11 =	vnsel vm1, $0x0, v13;
	v3 =	vshrl.u32 v3, $0x14;
	[tilespmem:v12+s10+$0x0] =	vst.idx.add.f32.msk $0xffff, v5  }
0x15c: {  	v5 =	vshrl.u32 v11, $0x14;
	[tilespmem:v14+s9+$0x0] =	vst.idx.add.s32.msk $0xffff, v0  }
0x15d: {  	[tilespmem:v14+s10+$0x0] =	vst.idx.add.f32.msk $0xffff, v6  }
0x15e: {  	[tilespmem:v15+s9+$0x0] =	vst.idx.add.s32.msk $0xffff, v0  }
0x15f: {  	[tilespmem:v15+s10+$0x0] =	vst.idx.add.f32.msk $0xffff, v7  }
0x160: {  	[tilespmem:v16+s9+$0x0] =	vst.idx.add.s32.msk $0xffff, v0  }
.Ltmp10:
0x161: {  	[tilespmem:v5+s9+$0x0] =	vst.idx.add.s32.msk $0xffff, v0;
	(pc) =	sbr.rel @p0 .LBB2_22-.Ltmp10, $4  }
0x162: {  	[tilespmem:v5+s10+$0x0] =	vst.idx.add.f32.msk $0xffff, v13  }
0x163: {  	[tilespmem:v16+s10+$0x0] =	vst.idx.add.f32.msk $0xffff, v8  }
0x164: {  	[tilespmem:v10+s9+$0x0] =	vst.idx.add.s32.msk $0xffff, v0  }
0x165: {  	s1 =	sadd.s32 $0x400, s1;
	[tilespmem:v10+s10+$0x0] =	vst.idx.add.f32.msk $0xffff, v9  }
0x166: {  	_ = 	snop  }
0x167: {  	s18 =	sadd.s32 $0x1, s18  }
0x168: {  	p0 =	sne.s32 s18, $0x20  }
.Ltmp11:
0x169: {  	_ = 	snop;
	(pc) =	sbr.rel @p0 .LBB2_21-.Ltmp11, $4  }
0x16a: {  	[tilespmem:v4+s9+$0x0] =	vst.idx.add.s32.msk $0xffff, v0  }
0x16b: {  	[tilespmem:v3+s9+$0x0] =	vst.idx.add.s32.msk $0xffff, v0  }
0x16c: {  	[tilespmem:v4+s10+$0x0] =	vst.idx.add.f32.msk $0xffff, v2  }
0x16d: {  	s11 =	sadd.s32 $0x200, s11;
	s8 =	sadd.s32 $0x1, s8;
	[tilespmem:v3+s10+$0x0] =	vst.idx.add.f32.msk $0xffff, v1  }
0x16e: {  	s0 =	sadd.s32 $0x3000, s7  }
0x16f: {  	s8 =	simm.s32 $0x0;
	s31 =	simm.s32 $0x2;
	[dreg:$0xa] =	wrdreg s0  }
0x170: {  	[tilespmem:s8], [sflag:$0x1] =	stream.linear.gather [hbm4b:s0+s8], $0x4000, $0x38;
	[tilespmem:$0xB380] =	vst v63  }
0x171: {  	_ =	swait.ge [sflag:s31], $0x4000  }
0x172: {  	s9 =	simm.s32 $0x8000;
	s10 =	simm.s32 $0x8800;
	[sflag:s31] =	ssyncset.done $0x0  }
0x173: {  	v0 =	vimm.s32 $0x1;
	s18 =	simm.s32 $0x0;
	s19 =	simm.s32 $0x0;
	[sflag:s31] =	ssyncadd.s32 $0xFFFFC000  }
.LBB2_25:
0x174: {  	s0 =	sshll.u32 s18, $0x2;
	s1 =	sand.u32 $0x7, s8  }
0x175: {  	s0 =	sand.u32 $0xFFFFC000, s0;
	s1 =	sshll.u32 s1, $0x9  }
0x176: {  	s0 =	sor.u32 s1, s0  }
0x177: {  	s0 =	sshrl.u32 s0, $0x2  }
0x178: {  	s31 =	sadd.s32 $0x4040, s0  }
0x179: {  	v3 =	vld [tilespmem:s31+$0x30]  }
0x17a: {  	v5 =	vld [tilespmem:s31+$0xFFFFFFE0];
	_ =	sdelay $0x1  }
0x17b: {  	v4 =	vld [tilespmem:s31+$0xFFFFFFD0];
	_ =	sdelay $0x1  }
0x17c: {  	v6 =	vld [tilespmem:s31+$0xFFFFFFF0];
	vm0 =	vgt.s32 v3, $0x0  }
0x17d: {  	vm11 =	vgt.s32 v5, $0x0;
	v1 =	vnsel vm0, $0x0, v3  }
0x17e: {  	v11 =	vnsel vm11, $0x0, v5;
	v8 =	vshrl.u32 v1, $0x14  }
0x17f: {  	v7 =	vld [tilespmem:s31+$0xFFFFFFC0];
	vm10 =	vgt.s32 v4, $0x0;
	v11 =	vshrl.u32 v11, $0x14  }
0x180: {  	v9 =	vld [tilespmem:s31+$0x0];
	v1 =	vnsel vm10, $0x0, v4  }
0x181: {  	v2 =	vld [tilespmem:s31+$0x10];
	vm12 =	vgt.s32 v6, $0x0;
	v10 =	vshrl.u32 v1, $0x14  }
0x182: {  	v12 =	vnsel vm12, $0x0, v6;
	v1 =	vld [tilespmem:s31+$0x20]  }
0x183: {  	v12 =	vshrl.u32 v12, $0x14;
	[tilespmem:v8+s9+$0x0] =	vst.idx.add.s32.msk $0xffff, v0  }
0x184: {  	vm13 =	vgt.s32 v7, $0x0;
	[tilespmem:v11+s9+$0x0] =	vst.idx.add.s32.msk $0xffff, v0  }
0x185: {  	v13 =	vnsel vm13, $0x0, v7;
	[tilespmem:v8+s10+$0x0] =	vst.idx.add.f32.msk $0xffff, v3  }
0x186: {  	vm14 =	vgt.s32 v9, $0x0;
	v3 =	vshrl.u32 v13, $0x14;
	[tilespmem:v10+s9+$0x0] =	vst.idx.add.s32.msk $0xffff, v0  }
0x187: {  	[tilespmem:v10+s10+$0x0] =	vst.idx.add.f32.msk $0xffff, v4;
	v4 =	vnsel vm14, $0x0, v9  }
0x188: {  	[tilespmem:v12+s9+$0x0] =	vst.idx.add.s32.msk $0xffff, v0;
	v63 =	vshrl.u32 v4, $0x14  }
0x189: {  	[tilespmem:v11+s10+$0x0] =	vst.idx.add.f32.msk $0xffff, v5  }
0x18a: {  	[tilespmem:v12+s10+$0x0] =	vst.idx.add.f32.msk $0xffff, v6  }
0x18b: {  	[tilespmem:v3+s9+$0x0] =	vst.idx.add.s32.msk $0xffff, v0  }
0x18c: {  	vm15 =	vgt.s32 v2, $0x0;
	vm1 =	vgt.s32 v1, $0x0;
	[tilespmem:v3+s10+$0x0] =	vst.idx.add.f32.msk $0xffff, v7  }
0x18d: {  	v5 =	vnsel vm1, $0x0, v1;
	v3 =	vnsel vm15, $0x0, v2;
	[tilespmem:v63+s9+$0x0] =	vst.idx.add.s32.msk $0xffff, v0  }
0x18e: {  	s0 =	simm.s32 $0x0;
	s1 =	sadd.s32 $0x400, s31;
	v4 =	vshrl.u32 v3, $0x14;
	v3 =	vshrl.u32 v5, $0x14;
	[tilespmem:v63+s10+$0x0] =	vst.idx.add.f32.msk $0xffff, v9  }
.LBB2_26:
0x18f: {  	v5 =	vld [tilespmem:s1+$0x30]  }
0x190: {  	s0 =	sadd.s32 $0x8, s0;
	v6 =	vld [tilespmem:s1+$0xFFFFFFD0]  }
0x191: {  	p0 =	slt.u32 s0, $0x18;
	v7 =	vld [tilespmem:s1+$0xFFFFFFE0]  }
0x192: {  	v8 =	vld [tilespmem:s1+$0xFFFFFFF0]  }
0x193: {  	v9 =	vld [tilespmem:s1+$0x0]  }
0x194: {  	v10 =	vld [tilespmem:s1+$0x10];
	vm0 =	vgt.s32 v5, $0x0  }
0x195: {  	vm1 =	vgt.s32 v6, $0x0;
	v11 =	vld [tilespmem:s1+$0x20];
	v12 =	vnsel vm0, $0x0, v5  }
0x196: {  	v13 =	vld [tilespmem:s1+$0xFFFFFFC0];
	v14 =	vnsel vm1, $0x0, v6;
	vm0 =	vgt.s32 v7, $0x0;
	v12 =	vshrl.u32 v12, $0x14  }
0x197: {  	v14 =	vshrl.u32 v14, $0x14;
	v15 =	vnsel vm0, $0x0, v7;
	vm0 =	vgt.s32 v8, $0x0;
	[tilespmem:v4+s9+$0x0] =	vst.idx.add.s32.msk $0xffff, v0  }
0x198: {  	v15 =	vshrl.u32 v15, $0x14;
	v16 =	vnsel vm0, $0x0, v8;
	vm0 =	vgt.s32 v9, $0x0;
	[tilespmem:v4+s10+$0x0] =	vst.idx.add.f32.msk $0xffff, v2  }
0x199: {  	v16 =	vshrl.u32 v16, $0x14;
	v4 =	vnsel vm0, $0x0, v9;
	vm0 =	vgt.s32 v10, $0x0;
	[tilespmem:v3+s9+$0x0] =	vst.idx.add.s32.msk $0xffff, v0;
	v2 =	vmovc v10  }
0x19a: {  	v10 =	vshrl.u32 v4, $0x14;
	v4 =	vnsel vm0, $0x0, v2;
	vm0 =	vgt.s32 v11, $0x0;
	[tilespmem:v3+s10+$0x0] =	vst.idx.add.f32.msk $0xffff, v1;
	v1 =	vmovc v11  }
0x19b: {  	vm1 =	vgt.s32 v13, $0x0;
	v4 =	vshrl.u32 v4, $0x14;
	v3 =	vnsel vm0, $0x0, v1;
	[tilespmem:v12+s9+$0x0] =	vst.idx.add.s32.msk $0xffff, v0  }
0x19c: {  	v11 =	vnsel vm1, $0x0, v13;
	v3 =	vshrl.u32 v3, $0x14;
	[tilespmem:v12+s10+$0x0] =	vst.idx.add.f32.msk $0xffff, v5  }
0x19d: {  	v5 =	vshrl.u32 v11, $0x14;
	[tilespmem:v14+s9+$0x0] =	vst.idx.add.s32.msk $0xffff, v0  }
0x19e: {  	[tilespmem:v14+s10+$0x0] =	vst.idx.add.f32.msk $0xffff, v6  }
0x19f: {  	[tilespmem:v15+s9+$0x0] =	vst.idx.add.s32.msk $0xffff, v0  }
0x1a0: {  	[tilespmem:v15+s10+$0x0] =	vst.idx.add.f32.msk $0xffff, v7  }
0x1a1: {  	[tilespmem:v16+s9+$0x0] =	vst.idx.add.s32.msk $0xffff, v0  }
.Ltmp12:
0x1a2: {  	[tilespmem:v5+s9+$0x0] =	vst.idx.add.s32.msk $0xffff, v0;
	(pc) =	sbr.rel @p0 .LBB2_26-.Ltmp12, $4  }
0x1a3: {  	[tilespmem:v5+s10+$0x0] =	vst.idx.add.f32.msk $0xffff, v13  }
0x1a4: {  	[tilespmem:v16+s10+$0x0] =	vst.idx.add.f32.msk $0xffff, v8  }
0x1a5: {  	[tilespmem:v10+s9+$0x0] =	vst.idx.add.s32.msk $0xffff, v0  }
0x1a6: {  	s1 =	sadd.s32 $0x400, s1;
	[tilespmem:v10+s10+$0x0] =	vst.idx.add.f32.msk $0xffff, v9  }
0x1a7: {  	_ = 	snop  }
0x1a8: {  	s19 =	sadd.s32 $0x1, s19  }
0x1a9: {  	p0 =	sne.s32 s19, $0x20  }
.Ltmp13:
0x1aa: {  	_ = 	snop;
	(pc) =	sbr.rel @p0 .LBB2_25-.Ltmp13, $4  }
0x1ab: {  	[tilespmem:v4+s9+$0x0] =	vst.idx.add.s32.msk $0xffff, v0  }
0x1ac: {  	[tilespmem:v3+s9+$0x0] =	vst.idx.add.s32.msk $0xffff, v0  }
0x1ad: {  	[tilespmem:v4+s10+$0x0] =	vst.idx.add.f32.msk $0xffff, v2  }
0x1ae: {  	s18 =	sadd.s32 $0x200, s18;
	s8 =	sadd.s32 $0x1, s8;
	[tilespmem:v3+s10+$0x0] =	vst.idx.add.f32.msk $0xffff, v1  }
0x1af: {  	s1 =	sadd.s32 $0x3800, s7;
	s7 =	simm.s32 $0x0  }
0x1b0: {  	s0 =	simm.s32 $0x4000;
	s31 =	simm.s32 $0x1;
	[dreg:$0x9] =	wrdreg s1  }
0x1b1: {  	[tilespmem:s0], [sflag:$0x2] =	stream.linear.gather [hbm4b:s1+s7], $0x4000, $0x38;
	[tilespmem:$0xB380] =	vst v63  }
0x1b2: {  	_ =	swait.ge [sflag:s31], $0x4000  }
0x1b3: {  	s8 =	simm.s32 $0x8000;
	s9 =	simm.s32 $0x8800;
	[sflag:s31] =	ssyncset.done $0x0  }
0x1b4: {  	v0 =	vimm.s32 $0x1;
	s18 =	simm.s32 $0x0;
	s19 =	simm.s32 $0x0;
	[sflag:s31] =	ssyncadd.s32 $0xFFFFC000  }
.LBB2_29:
0x1b5: {  	s0 =	sshll.u32 s18, $0x2;
	s1 =	sand.u32 $0x7, s7  }
0x1b6: {  	s0 =	sand.u32 $0xFFFFC000, s0;
	s1 =	sshll.u32 s1, $0x9  }
0x1b7: {  	s0 =	sor.u32 s1, s0  }
0x1b8: {  	s0 =	sshrl.u32 s0, $0x2  }
0x1b9: {  	s31 =	sor.u32 $0x40, s0  }
0x1ba: {  	v3 =	vld [tilespmem:s31+$0x30]  }
0x1bb: {  	v5 =	vld [tilespmem:s31+$0xFFFFFFE0];
	_ =	sdelay $0x1  }
0x1bc: {  	v4 =	vld [tilespmem:s31+$0xFFFFFFD0];
	_ =	sdelay $0x1  }
0x1bd: {  	v6 =	vld [tilespmem:s31+$0xFFFFFFF0];
	vm0 =	vgt.s32 v3, $0x0  }
0x1be: {  	vm11 =	vgt.s32 v5, $0x0;
	v1 =	vnsel vm0, $0x0, v3  }
0x1bf: {  	v11 =	vnsel vm11, $0x0, v5;
	v8 =	vshrl.u32 v1, $0x14  }
0x1c0: {  	v7 =	vld [tilespmem:s31+$0xFFFFFFC0];
	vm10 =	vgt.s32 v4, $0x0;
	v11 =	vshrl.u32 v11, $0x14  }
0x1c1: {  	v9 =	vld [tilespmem:s31+$0x0];
	v1 =	vnsel vm10, $0x0, v4  }
0x1c2: {  	v2 =	vld [tilespmem:s31+$0x10];
	vm12 =	vgt.s32 v6, $0x0;
	v10 =	vshrl.u32 v1, $0x14  }
0x1c3: {  	v12 =	vnsel vm12, $0x0, v6;
	v1 =	vld [tilespmem:s31+$0x20]  }
0x1c4: {  	v12 =	vshrl.u32 v12, $0x14;
	[tilespmem:v8+s8+$0x0] =	vst.idx.add.s32.msk $0xffff, v0  }
0x1c5: {  	vm13 =	vgt.s32 v7, $0x0;
	[tilespmem:v11+s8+$0x0] =	vst.idx.add.s32.msk $0xffff, v0  }
0x1c6: {  	v13 =	vnsel vm13, $0x0, v7;
	[tilespmem:v8+s9+$0x0] =	vst.idx.add.f32.msk $0xffff, v3  }
0x1c7: {  	vm14 =	vgt.s32 v9, $0x0;
	v3 =	vshrl.u32 v13, $0x14;
	[tilespmem:v10+s8+$0x0] =	vst.idx.add.s32.msk $0xffff, v0  }
0x1c8: {  	[tilespmem:v10+s9+$0x0] =	vst.idx.add.f32.msk $0xffff, v4;
	v4 =	vnsel vm14, $0x0, v9  }
0x1c9: {  	[tilespmem:v12+s8+$0x0] =	vst.idx.add.s32.msk $0xffff, v0;
	v63 =	vshrl.u32 v4, $0x14  }
0x1ca: {  	[tilespmem:v11+s9+$0x0] =	vst.idx.add.f32.msk $0xffff, v5  }
0x1cb: {  	[tilespmem:v12+s9+$0x0] =	vst.idx.add.f32.msk $0xffff, v6  }
0x1cc: {  	[tilespmem:v3+s8+$0x0] =	vst.idx.add.s32.msk $0xffff, v0  }
0x1cd: {  	vm15 =	vgt.s32 v2, $0x0;
	vm1 =	vgt.s32 v1, $0x0;
	[tilespmem:v3+s9+$0x0] =	vst.idx.add.f32.msk $0xffff, v7  }
0x1ce: {  	v5 =	vnsel vm1, $0x0, v1;
	v3 =	vnsel vm15, $0x0, v2;
	[tilespmem:v63+s8+$0x0] =	vst.idx.add.s32.msk $0xffff, v0  }
0x1cf: {  	s0 =	simm.s32 $0x0;
	s1 =	sadd.s32 $0x400, s31;
	v4 =	vshrl.u32 v3, $0x14;
	v3 =	vshrl.u32 v5, $0x14;
	[tilespmem:v63+s9+$0x0] =	vst.idx.add.f32.msk $0xffff, v9  }
.LBB2_30:
0x1d0: {  	v5 =	vld [tilespmem:s1+$0x30]  }
0x1d1: {  	s0 =	sadd.s32 $0x8, s0;
	v6 =	vld [tilespmem:s1+$0xFFFFFFD0]  }
0x1d2: {  	p0 =	slt.u32 s0, $0x18;
	v7 =	vld [tilespmem:s1+$0xFFFFFFE0]  }
0x1d3: {  	v8 =	vld [tilespmem:s1+$0xFFFFFFF0]  }
0x1d4: {  	v9 =	vld [tilespmem:s1+$0x0]  }
0x1d5: {  	v10 =	vld [tilespmem:s1+$0x10];
	vm0 =	vgt.s32 v5, $0x0  }
0x1d6: {  	vm1 =	vgt.s32 v6, $0x0;
	v11 =	vld [tilespmem:s1+$0x20];
	v12 =	vnsel vm0, $0x0, v5  }
0x1d7: {  	v13 =	vld [tilespmem:s1+$0xFFFFFFC0];
	v14 =	vnsel vm1, $0x0, v6;
	vm0 =	vgt.s32 v7, $0x0;
	v12 =	vshrl.u32 v12, $0x14  }
0x1d8: {  	v14 =	vshrl.u32 v14, $0x14;
	v15 =	vnsel vm0, $0x0, v7;
	vm0 =	vgt.s32 v8, $0x0;
	[tilespmem:v4+s8+$0x0] =	vst.idx.add.s32.msk $0xffff, v0  }
0x1d9: {  	v15 =	vshrl.u32 v15, $0x14;
	v16 =	vnsel vm0, $0x0, v8;
	vm0 =	vgt.s32 v9, $0x0;
	[tilespmem:v4+s9+$0x0] =	vst.idx.add.f32.msk $0xffff, v2  }
0x1da: {  	v16 =	vshrl.u32 v16, $0x14;
	v4 =	vnsel vm0, $0x0, v9;
	vm0 =	vgt.s32 v10, $0x0;
	[tilespmem:v3+s8+$0x0] =	vst.idx.add.s32.msk $0xffff, v0;
	v2 =	vmovc v10  }
0x1db: {  	v10 =	vshrl.u32 v4, $0x14;
	v4 =	vnsel vm0, $0x0, v2;
	vm0 =	vgt.s32 v11, $0x0;
	[tilespmem:v3+s9+$0x0] =	vst.idx.add.f32.msk $0xffff, v1;
	v1 =	vmovc v11  }
0x1dc: {  	vm1 =	vgt.s32 v13, $0x0;
	v4 =	vshrl.u32 v4, $0x14;
	v3 =	vnsel vm0, $0x0, v1;
	[tilespmem:v12+s8+$0x0] =	vst.idx.add.s32.msk $0xffff, v0  }
0x1dd: {  	v11 =	vnsel vm1, $0x0, v13;
	v3 =	vshrl.u32 v3, $0x14;
	[tilespmem:v12+s9+$0x0] =	vst.idx.add.f32.msk $0xffff, v5  }
0x1de: {  	v5 =	vshrl.u32 v11, $0x14;
	[tilespmem:v14+s8+$0x0] =	vst.idx.add.s32.msk $0xffff, v0  }
0x1df: {  	[tilespmem:v14+s9+$0x0] =	vst.idx.add.f32.msk $0xffff, v6  }
0x1e0: {  	[tilespmem:v15+s8+$0x0] =	vst.idx.add.s32.msk $0xffff, v0  }
0x1e1: {  	[tilespmem:v15+s9+$0x0] =	vst.idx.add.f32.msk $0xffff, v7  }
0x1e2: {  	[tilespmem:v16+s8+$0x0] =	vst.idx.add.s32.msk $0xffff, v0  }
.Ltmp14:
0x1e3: {  	[tilespmem:v5+s8+$0x0] =	vst.idx.add.s32.msk $0xffff, v0;
	(pc) =	sbr.rel @p0 .LBB2_30-.Ltmp14, $4  }
0x1e4: {  	[tilespmem:v5+s9+$0x0] =	vst.idx.add.f32.msk $0xffff, v13  }
0x1e5: {  	[tilespmem:v16+s9+$0x0] =	vst.idx.add.f32.msk $0xffff, v8  }
0x1e6: {  	[tilespmem:v10+s8+$0x0] =	vst.idx.add.s32.msk $0xffff, v0  }
0x1e7: {  	s1 =	sadd.s32 $0x400, s1;
	[tilespmem:v10+s9+$0x0] =	vst.idx.add.f32.msk $0xffff, v9  }
0x1e8: {  	_ = 	snop  }
0x1e9: {  	s19 =	sadd.s32 $0x1, s19  }
0x1ea: {  	p0 =	sne.s32 s19, $0x20  }
.Ltmp15:
0x1eb: {  	_ = 	snop;
	(pc) =	sbr.rel @p0 .LBB2_29-.Ltmp15, $4  }
0x1ec: {  	[tilespmem:v4+s8+$0x0] =	vst.idx.add.s32.msk $0xffff, v0  }
0x1ed: {  	[tilespmem:v3+s8+$0x0] =	vst.idx.add.s32.msk $0xffff, v0  }
0x1ee: {  	[tilespmem:v4+s9+$0x0] =	vst.idx.add.f32.msk $0xffff, v2  }
0x1ef: {  	s18 =	sadd.s32 $0x200, s18;
	s7 =	sadd.s32 $0x1, s7;
	[tilespmem:v3+s9+$0x0] =	vst.idx.add.f32.msk $0xffff, v1  }
0x1f0: {  	s0 =	simm.s32 $0x2  }
0x1f1: {  	s7 =	simm.s32 $0x0;
	_ =	swait.ge [sflag:s0], $0x4000  }
0x1f2: {  	s8 =	simm.s32 $0x8000;
	s9 =	simm.s32 $0x8800;
	[sflag:s0] =	ssyncset.done $0x0  }
0x1f3: {  	v0 =	vimm.s32 $0x1;
	s18 =	simm.s32 $0x0;
	s19 =	simm.s32 $0x0;
	[sflag:s0] =	ssyncadd.s32 $0xFFFFC000  }
.LBB2_33:
0x1f4: {  	s0 =	sshll.u32 s18, $0x2;
	s1 =	sand.u32 $0x7, s7  }
0x1f5: {  	s0 =	sand.u32 $0xFFFFC000, s0;
	s1 =	sshll.u32 s1, $0x9  }
0x1f6: {  	s0 =	sor.u32 s1, s0  }
0x1f7: {  	s0 =	sshrl.u32 s0, $0x2  }
0x1f8: {  	s31 =	sadd.s32 $0x4040, s0  }
0x1f9: {  	v3 =	vld [tilespmem:s31+$0x30]  }
0x1fa: {  	v5 =	vld [tilespmem:s31+$0xFFFFFFE0];
	_ =	sdelay $0x1  }
0x1fb: {  	v4 =	vld [tilespmem:s31+$0xFFFFFFD0];
	_ =	sdelay $0x1  }
0x1fc: {  	v6 =	vld [tilespmem:s31+$0xFFFFFFF0];
	vm0 =	vgt.s32 v3, $0x0  }
0x1fd: {  	vm11 =	vgt.s32 v5, $0x0;
	v1 =	vnsel vm0, $0x0, v3  }
0x1fe: {  	v11 =	vnsel vm11, $0x0, v5;
	v8 =	vshrl.u32 v1, $0x14  }
0x1ff: {  	v7 =	vld [tilespmem:s31+$0xFFFFFFC0];
	vm10 =	vgt.s32 v4, $0x0;
	v11 =	vshrl.u32 v11, $0x14  }
0x200: {  	v9 =	vld [tilespmem:s31+$0x0];
	v1 =	vnsel vm10, $0x0, v4  }
0x201: {  	v2 =	vld [tilespmem:s31+$0x10];
	vm12 =	vgt.s32 v6, $0x0;
	v10 =	vshrl.u32 v1, $0x14  }
0x202: {  	v12 =	vnsel vm12, $0x0, v6;
	v1 =	vld [tilespmem:s31+$0x20]  }
0x203: {  	v12 =	vshrl.u32 v12, $0x14;
	[tilespmem:v8+s8+$0x0] =	vst.idx.add.s32.msk $0xffff, v0  }
0x204: {  	vm13 =	vgt.s32 v7, $0x0;
	[tilespmem:v11+s8+$0x0] =	vst.idx.add.s32.msk $0xffff, v0  }
0x205: {  	v13 =	vnsel vm13, $0x0, v7;
	[tilespmem:v8+s9+$0x0] =	vst.idx.add.f32.msk $0xffff, v3  }
0x206: {  	vm14 =	vgt.s32 v9, $0x0;
	v3 =	vshrl.u32 v13, $0x14;
	[tilespmem:v10+s8+$0x0] =	vst.idx.add.s32.msk $0xffff, v0  }
0x207: {  	[tilespmem:v10+s9+$0x0] =	vst.idx.add.f32.msk $0xffff, v4;
	v4 =	vnsel vm14, $0x0, v9  }
0x208: {  	[tilespmem:v12+s8+$0x0] =	vst.idx.add.s32.msk $0xffff, v0;
	v63 =	vshrl.u32 v4, $0x14  }
0x209: {  	[tilespmem:v11+s9+$0x0] =	vst.idx.add.f32.msk $0xffff, v5  }
0x20a: {  	[tilespmem:v12+s9+$0x0] =	vst.idx.add.f32.msk $0xffff, v6  }
0x20b: {  	[tilespmem:v3+s8+$0x0] =	vst.idx.add.s32.msk $0xffff, v0  }
0x20c: {  	vm15 =	vgt.s32 v2, $0x0;
	vm1 =	vgt.s32 v1, $0x0;
	[tilespmem:v3+s9+$0x0] =	vst.idx.add.f32.msk $0xffff, v7  }
0x20d: {  	v5 =	vnsel vm1, $0x0, v1;
	v3 =	vnsel vm15, $0x0, v2;
	[tilespmem:v63+s8+$0x0] =	vst.idx.add.s32.msk $0xffff, v0  }
0x20e: {  	s0 =	simm.s32 $0x0;
	s1 =	sadd.s32 $0x400, s31;
	v4 =	vshrl.u32 v3, $0x14;
	v3 =	vshrl.u32 v5, $0x14;
	[tilespmem:v63+s9+$0x0] =	vst.idx.add.f32.msk $0xffff, v9  }
.LBB2_34:
0x20f: {  	v5 =	vld [tilespmem:s1+$0x30]  }
0x210: {  	s0 =	sadd.s32 $0x8, s0;
	v6 =	vld [tilespmem:s1+$0xFFFFFFD0]  }
0x211: {  	p0 =	slt.u32 s0, $0x18;
	v7 =	vld [tilespmem:s1+$0xFFFFFFE0]  }
0x212: {  	v8 =	vld [tilespmem:s1+$0xFFFFFFF0]  }
0x213: {  	v9 =	vld [tilespmem:s1+$0x0]  }
0x214: {  	v10 =	vld [tilespmem:s1+$0x10];
	vm0 =	vgt.s32 v5, $0x0  }
0x215: {  	vm1 =	vgt.s32 v6, $0x0;
	v11 =	vld [tilespmem:s1+$0x20];
	v12 =	vnsel vm0, $0x0, v5  }
0x216: {  	v13 =	vld [tilespmem:s1+$0xFFFFFFC0];
	v14 =	vnsel vm1, $0x0, v6;
	vm0 =	vgt.s32 v7, $0x0;
	v12 =	vshrl.u32 v12, $0x14  }
0x217: {  	v14 =	vshrl.u32 v14, $0x14;
	v15 =	vnsel vm0, $0x0, v7;
	vm0 =	vgt.s32 v8, $0x0;
	[tilespmem:v4+s8+$0x0] =	vst.idx.add.s32.msk $0xffff, v0  }
0x218: {  	v15 =	vshrl.u32 v15, $0x14;
	v16 =	vnsel vm0, $0x0, v8;
	vm0 =	vgt.s32 v9, $0x0;
	[tilespmem:v4+s9+$0x0] =	vst.idx.add.f32.msk $0xffff, v2  }
0x219: {  	v16 =	vshrl.u32 v16, $0x14;
	v4 =	vnsel vm0, $0x0, v9;
	vm0 =	vgt.s32 v10, $0x0;
	[tilespmem:v3+s8+$0x0] =	vst.idx.add.s32.msk $0xffff, v0;
	v2 =	vmovc v10  }
0x21a: {  	v10 =	vshrl.u32 v4, $0x14;
	v4 =	vnsel vm0, $0x0, v2;
	vm0 =	vgt.s32 v11, $0x0;
	[tilespmem:v3+s9+$0x0] =	vst.idx.add.f32.msk $0xffff, v1;
	v1 =	vmovc v11  }
0x21b: {  	vm1 =	vgt.s32 v13, $0x0;
	v4 =	vshrl.u32 v4, $0x14;
	v3 =	vnsel vm0, $0x0, v1;
	[tilespmem:v12+s8+$0x0] =	vst.idx.add.s32.msk $0xffff, v0  }
0x21c: {  	v11 =	vnsel vm1, $0x0, v13;
	v3 =	vshrl.u32 v3, $0x14;
	[tilespmem:v12+s9+$0x0] =	vst.idx.add.f32.msk $0xffff, v5  }
0x21d: {  	v5 =	vshrl.u32 v11, $0x14;
	[tilespmem:v14+s8+$0x0] =	vst.idx.add.s32.msk $0xffff, v0  }
0x21e: {  	[tilespmem:v14+s9+$0x0] =	vst.idx.add.f32.msk $0xffff, v6  }
0x21f: {  	[tilespmem:v15+s8+$0x0] =	vst.idx.add.s32.msk $0xffff, v0  }
0x220: {  	[tilespmem:v15+s9+$0x0] =	vst.idx.add.f32.msk $0xffff, v7  }
0x221: {  	[tilespmem:v16+s8+$0x0] =	vst.idx.add.s32.msk $0xffff, v0  }
.Ltmp16:
0x222: {  	[tilespmem:v5+s8+$0x0] =	vst.idx.add.s32.msk $0xffff, v0;
	(pc) =	sbr.rel @p0 .LBB2_34-.Ltmp16, $4  }
0x223: {  	[tilespmem:v5+s9+$0x0] =	vst.idx.add.f32.msk $0xffff, v13  }
0x224: {  	[tilespmem:v16+s9+$0x0] =	vst.idx.add.f32.msk $0xffff, v8  }
0x225: {  	[tilespmem:v10+s8+$0x0] =	vst.idx.add.s32.msk $0xffff, v0  }
0x226: {  	s1 =	sadd.s32 $0x400, s1;
	[tilespmem:v10+s9+$0x0] =	vst.idx.add.f32.msk $0xffff, v9  }
0x227: {  	_ = 	snop  }
0x228: {  	s19 =	sadd.s32 $0x1, s19  }
0x229: {  	p0 =	sne.s32 s19, $0x20  }
.Ltmp17:
0x22a: {  	_ = 	snop;
	(pc) =	sbr.rel @p0 .LBB2_33-.Ltmp17, $4  }
0x22b: {  	[tilespmem:v4+s8+$0x0] =	vst.idx.add.s32.msk $0xffff, v0  }
0x22c: {  	[tilespmem:v3+s8+$0x0] =	vst.idx.add.s32.msk $0xffff, v0  }
0x22d: {  	[tilespmem:v4+s9+$0x0] =	vst.idx.add.f32.msk $0xffff, v2  }
0x22e: {  	s18 =	sadd.s32 $0x200, s18;
	s7 =	sadd.s32 $0x1, s7;
	[tilespmem:v3+s9+$0x0] =	vst.idx.add.f32.msk $0xffff, v1  }
0x22f: {  	s0 =	sshll.u32 s3, $0xB;
	s9 =	sshll.u32 s3, $0x7  }
0x230: {  	s0 =	sor.u32 s9, s0  }
0x231: {  	s8 =	sand.u32 $0x4380, s0  }
0x232: {  	s28 =	simm.s32 $0x80;
	s1 =	simm.s32 $0x400;
	s5 =	sadd.s32 s8, s4  }
0x233: {  	s2 =	simm.s32 $0x8000;
	s0 =	simm.s32 $0x3;
	[dreg:$0x7] =	wrdreg s5  }
0x234: {  	[spmem:s5] =	stream.strided.scatter [tilespmem:s2], [sflag:$0x3], $0x800, s1, s28, $0x38;
	[tilespmem:$0xB380] =	vst v63  }
0x235: {  	_ =	swait.ge [sflag:s0], $0x800  }
0x236: {  	[sflag:s0] =	ssyncset.done $0x0  }
0x237: {  	[sflag:s0] =	ssyncadd.s32 $0xFFFFF800  }
0x238: {  	v0 =	vimm.s32 $0x0;
	[bflag:$0x0] =	sbarrier.arrive $0xFFFF  }
0x239: {  	[tilespmem:$0x9100] =	vst v0  }
0x23a: {  	[tilespmem:$0x9110] =	vst v0  }
0x23b: {  	[tilespmem:$0x9120] =	vst v0  }
0x23c: {  	s29 =	sshll.u32 s3, $0xC;
	[tilespmem:$0x9130] =	vst v0  }
0x23d: {  	s18 =	sshrl.u32 s29, $0x2;
	s1 =	simm.s32 $0x0;
	[tilespmem:$0x9140] =	vst v0  }
0x23e: {  	s3 =	sadd.s32 s18, s4;
	s30 =	sand.u32 $0x4000, s1;
	[tilespmem:$0x9150] =	vst v0  }
0x23f: {  	s31 =	sand.u32 $0x380, s1;
	s2 =	sadd.s32 s30, s3;
	[tilespmem:$0x9160] =	vst v0  }
0x240: {  	s15 =	smov.u32 s4;
	s4 =	simm.s32 $0x9000;
	s2 =	sadd.s32 s31, s2;
	[tilespmem:$0x9170] =	vst v0  }
0x241: {  	[tilespmem:s4], [sflag:$0x3] =	stream.linear.gather [spmem:s2], $0x80, $0x38;
	[tilespmem:$0xB380] =	vst v63  }
0x242: {  	_ =	swait.ge [sflag:s0], $0x80  }
0x243: {  	[sflag:s0] =	ssyncset.done $0x0  }
0x244: {  	[sflag:s0] =	ssyncadd.s32 $0xFFFFFF80  }
0x245: {  	v0 =	vld [tilespmem:$0x9070]  }
0x246: {  	v2 =	vld [tilespmem:$0x9040]  }
0x247: {  	s5 =	simm.s32 $0x800;
	v1 =	vld [tilespmem:$0x9060]  }
.LBB2_37:
0x248: {  	p0 =	sne.s32 s5, $0x7800  }
0x249: {  	v3 =	vld [tilespmem:$0x9010];
	s1 =	sadd.s32 $0x80, s1;
	s2 =	smov.u32 s5;
	s5 =	sadd.s32 $0x800, s5  }
0x24a: {  	v4 =	vld [tilespmem:$0x9050]  }
0x24b: {  	v5 =	vld [tilespmem:$0x9030]  }
0x24c: {  	v6 =	vld [tilespmem:$0x9020]  }
0x24d: {  	v7 =	vld [tilespmem:$0x9140]  }
0x24e: {  	v8 =	vld [tilespmem:$0x9130]  }
0x24f: {  	v9 =	vld [tilespmem:$0x9100]  }
0x250: {  	v10 =	vld [tilespmem:$0x9120]  }
0x251: {  	v11 =	vld [tilespmem:$0x9110]  }
0x252: {  	v12 =	vld [tilespmem:$0x9150]  }
0x253: {  	v2 =	vadd.s32 v7, v2;
	v5 =	vadd.s32 v8, v5;
	v7 =	vld [tilespmem:$0x9170]  }
0x254: {  	[tilespmem:$0x9140] =	vst v2;
	v2 =	vld [tilespmem:$0x9160]  }
0x255: {  	v8 =	vld [tilespmem:$0x9000];
	v6 =	vadd.s32 v10, v6;
	[tilespmem:$0x9130] =	vst v5  }
0x256: {  	s2 =	sand.u32 $0x4000, s2;
	v3 =	vadd.s32 v11, v3;
	[tilespmem:$0x9120] =	vst v6  }
0x257: {  	s6 =	sand.u32 $0x380, s1;
	s2 =	sadd.s32 s2, s3;
	[tilespmem:$0x9110] =	vst v3;
	v3 =	vadd.s32 v12, v4  }
0x258: {  	s2 =	sadd.s32 s6, s2;
	[tilespmem:$0x9150] =	vst v3;
	v0 =	vadd.s32 v7, v0  }
0x259: {  	v1 =	vadd.s32 v2, v1;
	[tilespmem:$0x9170] =	vst v0  }
0x25a: {  	v0 =	vadd.s32 v9, v8;
	[tilespmem:$0x9160] =	vst v1  }
0x25b: {  	[tilespmem:$0x9100] =	vst v0  }
0x25c: {  	[tilespmem:s4], [sflag:$0x3] =	stream.linear.gather [spmem:s2], $0x80, $0x38;
	[tilespmem:$0xB380] =	vst v63  }
0x25d: {  	_ =	swait.ge [sflag:s0], $0x80  }
.Ltmp18:
0x25e: {  	[sflag:s0] =	ssyncset.done $0x0;
	(pc) =	sbr.rel @p0 .LBB2_37-.Ltmp18, $4  }
0x25f: {  	[sflag:s0] =	ssyncadd.s32 $0xFFFFFF80  }
0x260: {  	v0 =	vld [tilespmem:$0x9070]  }
0x261: {  	v2 =	vld [tilespmem:$0x9040]  }
0x262: {  	v1 =	vld [tilespmem:$0x9060]  }
0x263: {  	v3 =	vld [tilespmem:$0x9010]  }
0x264: {  	v4 =	vld [tilespmem:$0x9050]  }
0x265: {  	v5 =	vld [tilespmem:$0x9030]  }
0x266: {  	v6 =	vld [tilespmem:$0x9020]  }
0x267: {  	v7 =	vld [tilespmem:$0x9140]  }
0x268: {  	v8 =	vld [tilespmem:$0x9130]  }
0x269: {  	v9 =	vld [tilespmem:$0x9100]  }
0x26a: {  	v10 =	vld [tilespmem:$0x9120]  }
0x26b: {  	v11 =	vld [tilespmem:$0x9110]  }
0x26c: {  	v12 =	vld [tilespmem:$0x9150]  }
0x26d: {  	v2 =	vadd.s32 v7, v2;
	v7 =	vld [tilespmem:$0x9170]  }
0x26e: {  	v5 =	vadd.s32 v8, v5;
	[tilespmem:$0x9140] =	vst v2;
	v2 =	vld [tilespmem:$0x9160]  }
0x26f: {  	v63 =	vld [tilespmem:$0x9000];
	v6 =	vadd.s32 v10, v6;
	[tilespmem:$0x9130] =	vst v5  }
0x270: {  	v3 =	vadd.s32 v11, v3;
	[tilespmem:$0x9120] =	vst v6  }
0x271: {  	[tilespmem:$0x9110] =	vst v3;
	v3 =	vadd.s32 v12, v4  }
0x272: {  	[tilespmem:$0x9150] =	vst v3;
	v0 =	vadd.s32 v7, v0  }
0x273: {  	v1 =	vadd.s32 v2, v1;
	[tilespmem:$0x9170] =	vst v0  }
0x274: {  	v0 =	vadd.s32 v9, v63;
	[tilespmem:$0x9160] =	vst v1  }
0x275: {  	s0 =	sadd.s32 s9, s22;
	s1 =	simm.s32 $0x9100;
	[tilespmem:$0x9100] =	vst v0  }
0x276: {  	[spmem:s0] =	stream.linear.scatter [tilespmem:s1], [sflag:$0x3], $0x80, $0x38;
	[tilespmem:$0xB380] =	vst v63  }
0x277: {  	s0 =	simm.s32 $0x3  }
0x278: {  	_ =	swait.ge [sflag:s0], $0x80  }
0x279: {  	[sflag:s0] =	ssyncset.done $0x0  }
0x27a: {  	[sflag:s0] =	ssyncadd.s32 $0xFFFFFF80  }
0x27b: {  	s28 =	simm.s32 $0x9200;
	[bflag:$0x0] =	sbarrier.arrive $0xFFFF  }
0x27c: {  	[tilespmem:s28], [sflag:$0x3] =	stream.linear.gather [spmem:s22], $0x800, $0x38;
	[tilespmem:$0xB380] =	vst v63  }
0x27d: {  	s4 =	sadd.s32 s8, s21;
	_ =	swait.ge [sflag:s0], $0x800  }
0x27e: {  	s29 =	simm.s32 $0x80;
	s2 =	simm.s32 $0x400;
	[sflag:s0] =	ssyncset.done $0x0  }
0x27f: {  	s3 =	simm.s32 $0x8800;
	[dreg:$0x8] =	wrdreg s4;
	[sflag:s0] =	ssyncadd.s32 $0xFFFFF800  }
0x280: {  	[spmem:s4] =	stream.strided.scatter [tilespmem:s3], [sflag:$0x3], $0x800, s2, s29, $0x38;
	[tilespmem:$0xB380] =	vst v63  }
0x281: {  	_ =	swait.ge [sflag:s0], $0x800  }
0x282: {  	[sflag:s0] =	ssyncset.done $0x0  }
0x283: {  	[sflag:s0] =	ssyncadd.s32 $0xFFFFF800  }
0x284: {  	v0 =	vimm.f32 $0.0e+00;
	[bflag:$0x0] =	sbarrier.arrive $0xFFFF  }
0x285: {  	[tilespmem:$0x9180] =	vst v0  }
0x286: {  	[tilespmem:$0x9190] =	vst v0  }
0x287: {  	[tilespmem:$0x91A0] =	vst v0  }
0x288: {  	[tilespmem:$0x91B0] =	vst v0  }
0x289: {  	s19 =	simm.s32 $0x0;
	[tilespmem:$0x91C0] =	vst v0  }
0x28a: {  	s30 =	sand.u32 $0x4000, s19;
	s1 =	sadd.s32 s18, s21;
	[tilespmem:$0x91D0] =	vst v0  }
0x28b: {  	s31 =	sand.u32 $0x380, s19;
	s2 =	sadd.s32 s30, s1;
	[tilespmem:$0x91E0] =	vst v0  }
0x28c: {  	s3 =	simm.s32 $0x9080;
	s2 =	sadd.s32 s31, s2;
	[tilespmem:$0x91F0] =	vst v0  }
0x28d: {  	[tilespmem:s3], [sflag:$0x3] =	stream.linear.gather [spmem:s2], $0x80, $0x38;
	[tilespmem:$0xB380] =	vst v63  }
0x28e: {  	_ =	swait.ge [sflag:s0], $0x80  }
0x28f: {  	[sflag:s0] =	ssyncset.done $0x0  }
0x290: {  	[sflag:s0] =	ssyncadd.s32 $0xFFFFFF80  }
0x291: {  	v0 =	vld [tilespmem:$0x90F0]  }
0x292: {  	v2 =	vld [tilespmem:$0x90E0]  }
0x293: {  	v3 =	vld [tilespmem:$0x90D0]  }
0x294: {  	v4 =	vld [tilespmem:$0x90C0]  }
0x295: {  	v1 =	vld [tilespmem:$0x9090]  }
0x296: {  	s4 =	simm.s32 $0x800;
	v5 =	vld [tilespmem:$0x90B0]  }
.LBB2_39:
0x297: {  	p0 =	sne.s32 s4, $0x7800  }
0x298: {  	v6 =	vld [tilespmem:$0x90A0];
	s19 =	sadd.s32 $0x80, s19;
	s2 =	smov.u32 s4;
	s4 =	sadd.s32 $0x800, s4  }
0x299: {  	v7 =	vld [tilespmem:$0x91C0]  }
0x29a: {  	v8 =	vld [tilespmem:$0x91B0]  }
0x29b: {  	v9 =	vld [tilespmem:$0x91D0]  }
0x29c: {  	v10 =	vld [tilespmem:$0x91E0]  }
0x29d: {  	v11 =	vld [tilespmem:$0x9180]  }
0x29e: {  	v4 =	vadd.f32 v4, v7;
	v7 =	vld [tilespmem:$0x91F0]  }
0x29f: {  	v12 =	vld [tilespmem:$0x91A0];
	v5 =	vadd.f32 v5, v8  }
0x2a0: {  	v8 =	vld [tilespmem:$0x9190];
	[tilespmem:$0x91C0] =	vst v4;
	v3 =	vadd.f32 v3, v9  }
0x2a1: {  	v4 =	vld [tilespmem:$0x9080];
	[tilespmem:$0x91B0] =	vst v5;
	v2 =	vadd.f32 v2, v10;
	_ =	sdelay $0x1  }
0x2a2: {  	[tilespmem:$0x91E0] =	vst v2;
	v0 =	vadd.f32 v0, v7  }
0x2a3: {  	v2 =	vadd.f32 v6, v12;
	[tilespmem:$0x91D0] =	vst v3  }
0x2a4: {  	s2 =	sand.u32 $0x4000, s2;
	v1 =	vadd.f32 v1, v8;
	[tilespmem:$0x91F0] =	vst v0  }
0x2a5: {  	s5 =	sand.u32 $0x380, s19;
	s2 =	sadd.s32 s2, s1;
	v0 =	vadd.f32 v4, v11;
	[tilespmem:$0x91A0] =	vst v2  }
0x2a6: {  	s2 =	sadd.s32 s5, s2;
	[tilespmem:$0x9190] =	vst v1  }
0x2a7: {  	[tilespmem:$0x9180] =	vst v0  }
0x2a8: {  	[tilespmem:s3], [sflag:$0x3] =	stream.linear.gather [spmem:s2], $0x80, $0x38;
	[tilespmem:$0xB380] =	vst v63  }
0x2a9: {  	_ =	swait.ge [sflag:s0], $0x80  }
0x2aa: {  	[sflag:s0] =	ssyncset.done $0x0  }
0x2ab: {  	[sflag:s0] =	ssyncadd.s32 $0xFFFFFF80  }
0x2ac: {  	v0 =	vld [tilespmem:$0x90F0]  }
.Ltmp19:
0x2ad: {  	v2 =	vld [tilespmem:$0x90E0];
	(pc) =	sbr.rel @p0 .LBB2_39-.Ltmp19, $4  }
0x2ae: {  	v3 =	vld [tilespmem:$0x90D0]  }
0x2af: {  	v4 =	vld [tilespmem:$0x90C0]  }
0x2b0: {  	v1 =	vld [tilespmem:$0x9090]  }
0x2b1: {  	v5 =	vld [tilespmem:$0x90B0]  }
0x2b2: {  	v6 =	vld [tilespmem:$0x90A0]  }
0x2b3: {  	v7 =	vld [tilespmem:$0x91C0]  }
0x2b4: {  	v8 =	vld [tilespmem:$0x91B0]  }
0x2b5: {  	v9 =	vld [tilespmem:$0x91D0]  }
0x2b6: {  	v10 =	vld [tilespmem:$0x91E0]  }
0x2b7: {  	v11 =	vld [tilespmem:$0x9180]  }
0x2b8: {  	v12 =	vld [tilespmem:$0x91F0]  }
0x2b9: {  	v4 =	vadd.f32 v4, v7;
	v7 =	vld [tilespmem:$0x91A0]  }
0x2ba: {  	v5 =	vadd.f32 v5, v8;
	v8 =	vld [tilespmem:$0x9190]  }
0x2bb: {  	v2 =	vadd.f32 v2, v10;
	[tilespmem:$0x91C0] =	vst v4;
	v4 =	vld [tilespmem:$0x9080]  }
0x2bc: {  	v3 =	vadd.f32 v3, v9;
	[tilespmem:$0x91B0] =	vst v5  }
0x2bd: {  	v0 =	vadd.f32 v0, v12;
	[tilespmem:$0x91E0] =	vst v2  }
0x2be: {  	[tilespmem:$0x91D0] =	vst v3;
	v2 =	vadd.f32 v6, v7  }
0x2bf: {  	[tilespmem:$0x91F0] =	vst v0;
	v1 =	vadd.f32 v1, v8  }
0x2c0: {  	v0 =	vadd.f32 v4, v11;
	[tilespmem:$0x91A0] =	vst v2  }
0x2c1: {  	[tilespmem:$0x9190] =	vst v1  }
0x2c2: {  	s0 =	sadd.s32 s9, s20;
	s1 =	simm.s32 $0x9180;
	s18 =	simm.s32 $0x3;
	[tilespmem:$0x9180] =	vst v0  }
0x2c3: {  	[spmem:s0] =	stream.linear.scatter [tilespmem:s1], [sflag:$0x3], $0x80, $0x38;
	[tilespmem:$0xB380] =	vst v63  }
0x2c4: {  	_ =	swait.ge [sflag:s18], $0x80  }
0x2c5: {  	[sflag:s18] =	ssyncset.done $0x0  }
0x2c6: {  	[sflag:s18] =	ssyncadd.s32 $0xFFFFFF80  }
0x2c7: {  	s19 =	simm.s32 $0x9A00;
	[bflag:$0x0] =	sbarrier.arrive $0xFFFF  }
0x2c8: {  	[tilespmem:s19], [sflag:$0x3] =	stream.linear.gather [spmem:s20], $0x800, $0x38;
	[tilespmem:$0xB380] =	vst v63  }
0x2c9: {  	_ =	swait.ge [sflag:s18], $0x800  }
0x2ca: {  	[sflag:s18] =	ssyncset.done $0x0  }
0x2cb: {  	s21 =	simm.s32 $0x99F0;
	[sflag:s18] =	ssyncadd.s32 $0xFFFFF800  }
0x2cc: {  	v5 =	vld [tilespmem:s21+$0x0];
	_ =	sdelay $0x2  }
0x2cd: {  	v0 =	vlaneseq.u32  }
0x2ce: {  	v1 =	vmul.u32 $0xFFFFFFFF, v0  }
0x2cf: {  	(xrf0) =	vadd.scan.msk.s32 $0xffff, v5  }
0x2d0: {  	v2 =	vadd.s32 $0xF, v1  }
0x2d1: {  	s22 =	simm.s32 $0x99E0;
	v3 =	vperm.xlane v5, v2  }
0x2d2: {  	v6 =	vld [tilespmem:s22+$0x0];
	_ =	sdelay $0x2  }
0x2d3: {  	(xrf0) =	vadd.scan.msk.s32 $0xffff, v3;
	v3, _, _ =	vpop (xrf0)  }
0x2d4: {  	(v2sf) =	vpush v3, $0xF  }
0x2d5: {  	(xrf0) =	vadd.scan.msk.s32 $0xffff, v6;
	_ =	sdelay $0x3  }
0x2d6: {  	s23 =	simm.s32 $0x99D0  }
0x2d7: {  	v7 =	vld [tilespmem:s23+$0x0];
	v4 =	vperm.xlane v6, v2;
	v3, _, _ =	vpop (xrf0)  }
0x2d8: {  	v3 =	vperm.xlane v3, v2;
	v8, _, _ =	vpop (xrf0)  }
0x2d9: {  	s9 =	simm.s32 $0x0;
	(xrf0) =	vadd.scan.msk.s32 $0xffff, v4;
	(v2sf) =	vpush v8, $0xF  }
0x2da: {  	v8 =	vadd.s32 s9, v3  }
0x2db: {  	v1 =	vimm.s32 $0x0;
	vm0 =	vgt.s32 v8, $0x166665  }
0x2dc: {  	(xrf0) =	vadd.scan.msk.s32 $0xffff, v7;
	v3 =	vsel vm0, $0x1, v1  }
0x2dd: {  	(xrf0) =	vadd.scan.msk.s32 $0xffff, v3;
	_ =	sdelay $0x1  }
0x2de: {  	v4 =	vperm.xlane v7, v2;
	v3, _, _ =	vpop (xrf0)  }
0x2df: {  	s24 =	simm.s32 $0x99C0;
	v3 =	vperm.xlane v3, v2;
	s25 =	spop (v2sf)  }
0x2e0: {  	v10 =	vld [tilespmem:s24+$0x0];
	(xrf0) =	vadd.scan.msk.s32 $0xffff, v4;
	s0 =	sadd.s32 $0x0, s25  }
0x2e1: {  	v9, _, _ =	vpop (xrf0);
	v11 =	vadd.s32 s0, v3  }
0x2e2: {  	(v2sf) =	vpush v9, $0xF;
	v4, _, _ =	vpop (xrf0);
	vm6 =	vgt.s32 v11, $0x166665  }
0x2e3: {  	(v2sf) =	vpush v4, $0xF;
	v3 =	vsel vm6, $0x1, v1;
	_ =	sdelay $0x1  }
0x2e4: {  	(xrf0) =	vadd.scan.msk.s32 $0xffff, v10  }
0x2e5: {  	s26 =	simm.s32 $0x99B0;
	v9 =	vperm.xlane v10, v2;
	(xrf0) =	vadd.scan.msk.s32 $0xffff, v3;
	v3, _, _ =	vpop (xrf0)  }
0x2e6: {  	v4 =	vld [tilespmem:s26+$0x0];
	s2 =	spop (v2sf);
	v3 =	vperm.xlane v3, v2  }
0x2e7: {  	s0 =	sadd.s32 s0, s2;
	(xrf0) =	vadd.scan.msk.s32 $0xffff, v9  }
0x2e8: {  	v47 =	vadd.s32 s0, v3  }
0x2e9: {  	vm7 =	vgt.s32 v47, $0x166665  }
0x2ea: {  	v9 =	vsel vm7, $0x1, v1  }
0x2eb: {  	(xrf0) =	vadd.scan.msk.s32 $0xffff, v4;
	v3, _, _ =	vpop (xrf0)  }
0x2ec: {  	(v2sf) =	vpush v3, $0xF;
	v3, _, _ =	vpop (xrf0);
	(xrf0) =	vadd.scan.msk.s32 $0xffff, v9  }
0x2ed: {  	(v2sf) =	vpush v3, $0xF;
	v9, _, _ =	vpop (xrf0)  }
0x2ee: {  	v9 =	vperm.xlane v9, v2  }
0x2ef: {  	s3 =	simm.s32 $0x99A0  }
0x2f0: {  	v13 =	vperm.xlane v4, v2;
	s4 =	spop (v2sf);
	v3 =	vld [tilespmem:s3+$0x0]  }
0x2f1: {  	s0 =	sadd.s32 s0, s4;
	s21 =	spop (v2sf);
	v14, _, _ =	vpop (xrf0)  }
0x2f2: {  	(xrf0) =	vadd.scan.msk.s32 $0xffff, v13;
	s5 =	sadd.s32 $0xFFFFFFFF, s21;
	(v2sf) =	vpush v14, $0xF;
	v15 =	vadd.s32 s0, v9;
	v9, _, _ =	vpop (xrf0)  }
0x2f3: {  	(v2sf) =	vpush v9, $0xF;
	v9 =	vmov s5  }
0x2f4: {  	vm8 =	vgt.s32 v15, $0x166665;
	vm9 =	veq.s32 v9, v0  }
0x2f5: {  	(xrf0) =	vadd.scan.msk.s32 $0xffff, v3;
	v48 =	vsel vm8, $0x1, v1;
	v8 =	vnsel vm9, $0x0, v8  }
0x2f6: {  	(xrf0) =	vadd.scan.msk.s32 $0xffff, v48;
	v5 =	vnsel vm9, $0x0, v5  }
0x2f7: {  	(xrf0) =	vadd.scan.msk.s32 $0xffff, v5  }
0x2f8: {  	v9 =	vperm.xlane v3, v2;
	(xrf0) =	vadd.scan.msk.s32 $0xffff, v8;
	v8, _, _ =	vpop (xrf0)  }
0x2f9: {  	s6 =	simm.s32 $0x9990;
	v8 =	vperm.xlane v8, v2  }
0x2fa: {  	v5 =	vld [tilespmem:s6+$0x0]  }
0x2fb: {  	(xrf0) =	vadd.scan.msk.s32 $0xffff, v9;
	v49, _, _ =	vpop (xrf0);
	s7 =	spop (v2sf)  }
0x2fc: {  	(v2sf) =	vpush v49, $0xF;
	v9, _, _ =	vpop (xrf0);
	s0 =	sadd.s32 s0, s7;
	s25 =	spop (v2sf)  }
0x2fd: {  	(v2sf) =	vpush v9, $0xF;
	v9 =	vadd.s32 s0, v8;
	s8 =	sadd.s32 $0xFFFFFFFF, s25;
	v8, _, _ =	vpop (xrf0)  }
0x2fe: {  	vm10 =	vgt.s32 v9, $0x166665;
	v50 =	vmov s8;
	(v2sf) =	vpush v8, $0xF  }
0x2ff: {  	(xrf0) =	vadd.scan.msk.s32 $0xffff, v5;
	v8, _, _ =	vpop (xrf0);
	v51 =	vsel vm10, $0x1, v1;
	vm11 =	veq.s32 v50, v0  }
0x300: {  	s10 =	simm.s32 $0x9980;
	(v2sf) =	vpush v8, $0xF;
	(xrf0) =	vadd.scan.msk.s32 $0xffff, v51;
	v6 =	vnsel vm11, $0x0, v6  }
0x301: {  	v8 =	vnsel vm11, $0x0, v11;
	v11, _, _ =	vpop (xrf0);
	(xrf0) =	vadd.scan.msk.s32 $0xffff, v6;
	v6 =	vld [tilespmem:s10+$0x0]  }
0x302: {  	s11 =	spop (v2sf);
	(xrf0) =	vadd.scan.msk.s32 $0xffff, v8;
	v8 =	vperm.xlane v11, v2  }
0x303: {  	v52 =	vperm.xlane v5, v2;
	s0 =	sadd.s32 s0, s11;
	s24 =	spop (v2sf)  }
0x304: {  	v8 =	vadd.s32 s0, v8;
	s13 =	sadd.s32 $0xFFFFFFFF, s24  }
0x305: {  	(xrf0) =	vadd.scan.msk.s32 $0xffff, v52;
	v11, _, _ =	vpop (xrf0);
	vm12 =	vgt.s32 v8, $0x166665;
	v53 =	vmov s13  }
0x306: {  	v54 =	vsel vm12, $0x1, v1;
	vm13 =	veq.s32 v53, v0;
	v55, _, _ =	vpop (xrf0);
	(xrf0) =	vadd.scan.msk.s32 $0xffff, v6  }
0x307: {  	(xrf0) =	vadd.scan.msk.s32 $0xffff, v54;
	v7 =	vnsel vm13, $0x0, v7  }
0x308: {  	v12 =	vnsel vm13, $0x0, v47;
	(xrf0) =	vadd.scan.msk.s32 $0xffff, v7  }
0x309: {  	(v2sf) =	vpush v11, $0xF;
	v56, _, _ =	vpop (xrf0);
	(xrf0) =	vadd.scan.msk.s32 $0xffff, v12  }
0x30a: {  	(v2sf) =	vpush v55, $0xF;
	v16, _, _ =	vpop (xrf0)  }
0x30b: {  	(v2sf) =	vpush v56, $0xF;
	v11, _, _ =	vpop (xrf0);
	s2 =	spop (v2sf)  }
0x30c: {  	s31 =	simm.s32 $0x9970;
	(v2sf) =	vpush v16, $0xF;
	s26 =	spop (v2sf);
	v58, _, _ =	vpop (xrf0)  }
0x30d: {  	p0 =	por $0x0, $0x0;
	v7 =	vld [tilespmem:s31+$0x0];
	v59, _, _ =	vpop (xrf0);
	s3 =	spop (v2sf);
	(v2sf) =	vpush v58, $0xF  }
0x30e: {  	p2 =	por !p0, !p0;
	s20 =	simm.s32 $0x79F;
	s1 =	sadd.s32 $0x7EF, s21;
	v11 =	vperm.xlane v11, v2;
	v61, _, _ =	vpop (xrf0);
	(v2sf) =	vpush v59, $0xF  }
0x30f: {  	p1 =	sgt.s32 s21, $0x0;
	v57 =	vperm.xlane v6, v2;
	s0 =	sadd.s32 s0, s2;
	s21 =	spop (v2sf);
	v63, _, _ =	vpop (xrf0);
	(v2sf) =	vpush v61, $0xF  }
0x310: {  	s19 =	simm.s32 $0x76F;
	s18 =	simm.s32 $0x78F;
	v11 =	vadd.s32 s0, v11;
	s14 =	sadd.s32 $0xFFFFFFFF, s26;
	(v2sf) =	vpush v63, $0xF  }
0x311: {  	s23 =	simm.s32 $0x7AF;
	s22 =	simm.s32 $0x77F;
	p2 =	por !p1, !p2;
	(xrf0) =	vadd.scan.msk.s32 $0xffff, v57;
	vm14 =	vgt.s32 v11, $0x166665;
	v60 =	vmov s14  }
0x312: {  	p2 =	por !p2, !p2;
	s29 =	sadd.s32 $0x7DF, s25;
	s30 =	sadd.s32 $0x7CF, s24;
	(xrf0) =	vadd.scan.msk.s32 $0xffff, v7;
	v62 =	vsel vm14, $0x1, v1;
	vm15 =	veq.s32 v60, v0  }
0x313: {  	s28 =	sadd.s32 $0x7BF, s26;
	(xrf0) =	vadd.scan.msk.s32 $0xffff, v62;
	v13 =	vnsel vm15, $0x0, v10;
	s2 =	ssub.s32 s21, s3;
	s21 =	simm.s32 $0x0  }
0x314: {  	v10 =	vnsel vm15, $0x0, v15;
	(xrf0) =	vadd.scan.msk.s32 $0xffff, v13;
	s21 =	smov.u32 @p2 s1;
	s9 =	smov.u32 @p2 s2;
	s1 =	simm.s32 $0x75F  }
.LBB2_41:
0x315: {  	p2 =	seq.s32 s1, $0xFFFFFFFF;
	s31 =	sadd.s32 $0xFFFFFFF0, s31  }
0x316: {  	s2 =	smov.u32 s23;
	s23 =	smov.u32 s20;
	s20 =	smov.u32 s18  }
0x317: {  	(xrf0) =	vadd.scan.msk.s32 $0xffff, v10;
	v10 =	vmov v9;
	v9 =	vmov v8;
	v8 =	vmov v11;
	s18 =	smov.u32 s22;
	s22 =	smov.u32 s19;
	s19 =	smov.u32 s1  }
0x318: {  	p0 =	por p0, p1;
	p1 =	sgt.s32 s25, $0x0;
	v12 =	vld [tilespmem:s31+$0x0];
	v11, _, _ =	vpop (xrf0);
	s3 =	spop (v2sf)  }
0x319: {  	v15 =	vperm.xlane v7, v2;
	p3 =	por !p0, !p0;
	v11 =	vperm.xlane v11, v2;
	s0 =	sadd.s32 s0, s3;
	s3 =	spop (v2sf)  }
0x31a: {  	p3 =	por !p1, !p3;
	v14, _, _ =	vpop (xrf0);
	s4 =	spop (v2sf)  }
.Ltmp20:
0x31b: {  	s5 =	sadd.s32 $0xFFFFFFFF, s3;
	(xrf0) =	vadd.scan.msk.s32 $0xffff, v15;
	(v2sf) =	vpush v14, $0xF;
	v11 =	vadd.s32 s0, v11;
	v13, _, _ =	vpop (xrf0);
	s6 =	spop (v2sf);
	(pc) =	sbr.rel @!p2 .LBB2_41-.Ltmp20, $4  }
0x31c: {  	s2 =	sadd.s32 s2, s3;
	p3 =	por !p3, !p3;
	v16 =	vmov s5;
	vm0 =	vgt.s32 v11, $0x166665;
	(v2sf) =	vpush v13, $0xF;
	v14, _, _ =	vpop (xrf0);
	s4 =	ssub.s32 s6, s4  }
0x31d: {  	s25 =	smov.u32 s24;
	s21 =	smov.u32 @p3 s29;
	(xrf0) =	vadd.scan.msk.s32 $0xffff, v12;
	v15 =	vsel vm0, $0x1, v1;
	vm0 =	veq.s32 v16, v0;
	(v2sf) =	vpush v14, $0xF;
	v13, _, _ =	vpop (xrf0);
	s9 =	smov.u32 @p3 s4  }
0x31e: {  	s24 =	smov.u32 s26;
	s26 =	smov.u32 s3;
	s29 =	smov.u32 s30;
	(xrf0) =	vadd.scan.msk.s32 $0xffff, v15;
	v14 =	vnsel vm0, $0x0, v4;
	(v2sf) =	vpush v13, $0xF;
	v4 =	vmovc v3;
	v3 =	vmov v5  }
0x31f: {  	s1 =	sadd.s32 $0xFFFFFFF0, s1;
	s30 =	smov.u32 s28;
	s28 =	smov.u32 s2;
	v10 =	vnsel vm0, $0x0, v10;
	v5 =	vmovc v6;
	v6 =	vmov v7;
	v7 =	vmov v12;
	(xrf0) =	vadd.scan.msk.s32 $0xffff, v14  }
0x320: {  	_ = 	snop  }
0x321: {  	v12 =	vperm.xlane v7, v2  }
0x322: {  	(xrf0) =	vadd.scan.msk.s32 $0xffff, v10  }
0x323: {  	(xrf0) =	vadd.scan.msk.s32 $0xffff, v12  }
0x324: {  	v50, _, _ =	vpop (xrf0)  }
0x325: {  	v51, _, _ =	vpop (xrf0)  }
0x326: {  	s1 =	spop (v2sf);
	v13, _, _ =	vpop (xrf0)  }
0x327: {  	s31 =	spop (v2sf);
	v10 =	vperm.xlane v50, v2;
	v14, _, _ =	vpop (xrf0)  }
0x328: {  	s0 =	sadd.s32 s0, s1;
	s3 =	spop (v2sf);
	v15, _, _ =	vpop (xrf0)  }
0x329: {  	s13 =	sadd.s32 $0xFFFFFFFF, s31;
	s5 =	spop (v2sf);
	v10 =	vadd.s32 s0, v10;
	v16, _, _ =	vpop (xrf0)  }
0x32a: {  	v52 =	vmov s13;
	vm0 =	vgt.s32 v10, $0x166665;
	v2 =	vperm.xlane v16, v2;
	s14 =	spop (v2sf)  }
0x32b: {  	vm5 =	veq.s32 v52, v0;
	v17 =	vsel vm0, $0x1, v1;
	s0 =	sadd.s32 s0, s14  }
0x32c: {  	v4 =	vnsel vm5, $0x0, v4;
	(xrf0) =	vadd.scan.msk.s32 $0xffff, v17;
	v2 =	vadd.s32 s0, v2  }
0x32d: {  	(v2sf) =	vpush v51, $0xF;
	v53 =	vnsel vm5, $0x0, v9;
	(xrf0) =	vadd.scan.msk.s32 $0xffff, v4;
	vm6 =	vgt.s32 v2, $0x166665  }
0x32e: {  	(v2sf) =	vpush v13, $0xF;
	(xrf0) =	vadd.scan.msk.s32 $0xffff, v53;
	v1 =	vsel vm6, $0x1, v1  }
0x32f: {  	(xrf0) =	vadd.scan.msk.s32 $0xffff, v1;
	_ =	sdelay $0x1  }
0x330: {  	(v2sf) =	vpush v14, $0xF  }
0x331: {  	(v2sf) =	vpush v15, $0xF;
	v1, _, _ =	vpop (xrf0)  }
0x332: {  	(v2sf) =	vpush v1, $0xF;
	v1, _, _ =	vpop (xrf0)  }
0x333: {  	(v2sf) =	vpush v1, $0xF;
	v1, _, _ =	vpop (xrf0)  }
0x334: {  	(v2sf) =	vpush v1, $0xF;
	v1, _, _ =	vpop (xrf0)  }
0x335: {  	(v2sf) =	vpush v1, $0xF;
	_ =	sdelay $0x2  }
0x336: {  	s4 =	spop (v2sf)  }
0x337: {  	s10 =	spop (v2sf)  }
0x338: {  	s1 =	sadd.s32 $0xFFFFFFFF, s4;
	s11 =	spop (v2sf)  }
0x339: {  	s2 =	spop (v2sf);
	v1 =	vmov s1  }
0x33a: {  	s0 =	spop (v2sf);
	vm7 =	veq.s32 v1, v0  }
0x33b: {  	s6 =	sadd.s32 $0xFFFFFFFF, s0;
	v1 =	vnsel vm7, $0x0, v3  }
0x33c: {  	(xrf0) =	vadd.scan.msk.s32 $0xffff, v1;
	v1 =	vmov s6  }
0x33d: {  	s2 =	spop (v2sf);
	v3 =	vnsel vm7, $0x0, v8;
	vm8 =	veq.s32 v1, v0  }
0x33e: {  	s8 =	spop (v2sf);
	(xrf0) =	vadd.scan.msk.s32 $0xffff, v3;
	v1 =	vnsel vm8, $0x0, v5  }
0x33f: {  	v3 =	vnsel vm8, $0x0, v11;
	(xrf0) =	vadd.scan.msk.s32 $0xffff, v1;
	s1 =	spop (v2sf)  }
0x340: {  	(xrf0) =	vadd.scan.msk.s32 $0xffff, v3;
	s7 =	spop (v2sf);
	s6 =	sadd.s32 $0xFFFFFFFF, s1  }
0x341: {  	s13 =	spop (v2sf);
	v1 =	vmov s6  }
0x342: {  	s6 =	spop (v2sf)  }
0x343: {  	v3, _, _ =	vpop (xrf0);
	s14 =	sadd.s32 $0xFFFFFFFF, s6  }
0x344: {  	p2 =	sgt.s32 s25, $0x0;
	p0 =	por p0, p1;
	(v2sf) =	vpush v3, $0xF;
	vm9 =	veq.s32 v1, v0;
	v1, _, _ =	vpop (xrf0);
	v54 =	vmov s14  }
0x345: {  	p5 =	sgt.s32 s24, $0x0;
	p3 =	por !p0, !p0;
	p0 =	por p0, p2;
	(v2sf) =	vpush v1, $0xF;
	vm10 =	veq.s32 v54, v0;
	v0, _, _ =	vpop (xrf0)  }
0x346: {  	p4 =	sgt.s32 s26, $0x0;
	p2 =	por !p2, !p3;
	p6 =	por !p0, !p0;
	(v2sf) =	vpush v0, $0xF;
	v0, _, _ =	vpop (xrf0)  }
0x347: {  	p0 =	por p0, p5;
	p2 =	por !p2, !p2;
	p3 =	por !p5, !p6;
	(v2sf) =	vpush v0, $0xF  }
0x348: {  	p1 =	por !p0, !p0;
	p0 =	por p0, p4;
	p5 =	sgt.s32 s31, $0x0  }
0x349: {  	s3 =	ssub.s32 s5, s3;
	s21 =	smov.u32 @p2 s29;
	p3 =	por !p3, !p3  }
0x34a: {  	p1 =	por !p4, !p1;
	p6 =	por !p0, !p0;
	p0 =	por p0, p5  }
0x34b: {  	s9 =	smov.u32 @p2 s3;
	s21 =	smov.u32 @p3 s30;
	p1 =	por !p1, !p1  }
0x34c: {  	s21 =	smov.u32 @p1 s28;
	p4 =	sgt.s32 s4, $0x0;
	s3 =	ssub.s32 s11, s10  }
0x34d: {  	s4 =	sadd.s32 s20, s4;
	s9 =	smov.u32 @p3 s3;
	s3 =	sadd.s32 s23, s31  }
0x34e: {  	p3 =	por !p5, !p6;
	p5 =	por !p0, !p0;
	p0 =	por p0, p4  }
0x34f: {  	p6 =	por !p4, !p5;
	p2 =	por !p0, !p0;
	s2 =	ssub.s32 s8, s2  }
0x350: {  	s9 =	smov.u32 @p1 s2;
	p1 =	por !p3, !p3;
	p3 =	sgt.s32 s0, $0x0  }
0x351: {  	s0 =	sadd.s32 s18, s0;
	s21 =	smov.u32 @p1 s3;
	p0 =	por p0, p3;
	v3 =	vnsel vm9, $0x0, v6  }
0x352: {  	p2 =	por !p3, !p2;
	p5 =	por !p0, !p0;
	p4 =	sgt.s32 s1, $0x0;
	(xrf0) =	vadd.scan.msk.s32 $0xffff, v3;
	v1 =	vnsel vm9, $0x0, v10  }
0x353: {  	p0 =	por p0, p4;
	s2 =	ssub.s32 s13, s7;
	(xrf0) =	vadd.scan.msk.s32 $0xffff, v1;
	v1 =	vnsel vm10, $0x0, v7;
	s7 =	spop (v2sf)  }
0x354: {  	p2 =	por !p2, !p2;
	p0 =	por !p0, !p0;
	v2 =	vnsel vm10, $0x0, v2;
	(xrf0) =	vadd.scan.msk.s32 $0xffff, v1;
	s8 =	spop (v2sf)  }
0x355: {  	s9 =	smov.u32 @p1 s2;
	p1 =	por !p6, !p6;
	(xrf0) =	vadd.scan.msk.s32 $0xffff, v2;
	s10 =	spop (v2sf)  }
0x356: {  	s21 =	smov.u32 @p1 s4;
	s2 =	ssub.s32 s8, s7;
	s11 =	spop (v2sf)  }
0x357: {  	p6 =	sgt.s32 s6, $0x0;
	s9 =	smov.u32 @p1 s2;
	s2 =	ssub.s32 s11, s10  }
0x358: {  	s21 =	smov.u32 @p2 s0;
	v0, _, _ =	vpop (xrf0);
	s9 =	smov.u32 @p2 s2;
	p2 =	por !p4, !p5  }
0x359: {  	s4 =	sadd.s32 s22, s1;
	p0 =	por !p6, !p0;
	(v2sf) =	vpush v0, $0xF;
	v0, _, _ =	vpop (xrf0);
	p2 =	por !p2, !p2  }
0x35a: {  	s1 =	sadd.s32 s19, s6;
	p0 =	por !p0, !p0;
	(v2sf) =	vpush v0, $0xF;
	v0, _, _ =	vpop (xrf0);
	s21 =	smov.u32 @p2 s4  }
0x35b: {  	(v2sf) =	vpush v0, $0xF;
	v0, _, _ =	vpop (xrf0);
	s21 =	smov.u32 @p0 s1  }
0x35c: {  	(v2sf) =	vpush v0, $0xF;
	v0 =	vmov s21;
	s21 =	simm.s32 $0x9A00  }
0x35d: {  	v2 =	vld [tilespmem:s21+$0x0]  }
0x35e: {  	s22 =	simm.s32 $0x9A10  }
0x35f: {  	s20 =	simm.s32 $0x0;
	s23 =	simm.s32 $0x9A20;
	v3 =	vld [tilespmem:s22+$0x0];
	v1 =	vlaneseq.u32  }
0x360: {  	v55 =	vld [tilespmem:s23+$0x0];
	v56 =	vor.u32 s20, v1  }
0x361: {  	s24 =	simm.s32 $0x10;
	vm11 =	vgt.s32 v56, v0  }
0x362: {  	s25 =	simm.s32 $0x20;
	v57 =	vor.u32 s24, v1;
	v2 =	vnsel vm11, $0x0, v2  }
0x363: {  	v58 =	vor.u32 s25, v1;
	vm12 =	vgt.s32 v57, v0;
	(xrf2) =	vadd.scan.msk.f32 $0xffff, v2  }
0x364: {  	vm13 =	vgt.s32 v58, v0;
	v2 =	vnsel vm12, $0x0, v3  }
0x365: {  	(xrf2) =	vadd.scan.msk.f32 $0xffff, v2;
	v2 =	vnsel vm13, $0x0, v55  }
0x366: {  	(xrf2) =	vadd.scan.msk.f32 $0xffff, v2;
	_ =	sdelay $0x6  }
0x367: {  	v59, _, _ =	vpop (xrf2)  }
0x368: {  	s26 =	simm.s32 $0x9A30;
	(v2sf) =	vpush v59, $0xF  }
0x369: {  	v2 =	vld [tilespmem:s26+$0x0];
	v61, _, _ =	vpop (xrf2)  }
0x36a: {  	(v2sf) =	vpush v61, $0xF;
	v63, _, _ =	vpop (xrf2)  }
0x36b: {  	s29 =	simm.s32 $0x30;
	(v2sf) =	vpush v63, $0xF  }
0x36c: {  	v60 =	vor.u32 s29, v1  }
0x36d: {  	vm14 =	vgt.s32 v60, v0  }
0x36e: {  	s28 =	simm.s32 $0x9A40;
	v2 =	vnsel vm14, $0x0, v2  }
0x36f: {  	s13 =	spop (v2sf);
	v3 =	vld [tilespmem:s28+$0x0];
	(xrf2) =	vadd.scan.msk.f32 $0xffff, v2  }
0x370: {  	s14 =	spop (v2sf)  }
0x371: {  	s30 =	simm.s32 $0x40;
	s31 =	stileid.u32;
	s18 =	spop (v2sf)  }
0x372: {  	v62 =	vor.u32 s30, v1;
	s4 =	smov.u32 s15;
	s0 =	ssub.s32 s14, s13;
	s19 =	spop (v2sf)  }
0x373: {  	s1 =	simm.s32 $0x9A50;
	s9 =	smov.u32 @p2 s0;
	vm15 =	vgt.s32 v62, v0;
	s0 =	ssub.s32 s19, s18  }
0x374: {  	s18 =	simm.f32 $0.0e+00;
	s9 =	smov.u32 @p0 s0;
	s0 =	simm.s32 $0x50;
	v2 =	vnsel vm15, $0x0, v3  }
.LBB2_43:
0x375: {  	v3 =	vld [tilespmem:s1+$0x0];
	p0 =	sne.s32 s0, $0x7F0;
	(xrf2) =	vadd.scan.msk.f32 $0xffff, v2;
	s2 =	smov.u32 s0;
	s0 =	sadd.s32 $0x10, s0  }
.Ltmp21:
0x376: {  	(pc) =	sbr.rel @p0 .LBB2_43-.Ltmp21, $4  }
0x377: {  	s3 =	spop (v2sf)  }
0x378: {  	v2 =	vor.u32 s2, v1;
	s18 =	sadd.f32 s3, s18  }
0x379: {  	vm0 =	vgt.s32 v2, v0;
	v4, _, _ =	vpop (xrf2)  }
0x37a: {  	s1 =	sadd.s32 $0x10, s1;
	v2 =	vnsel vm0, $0x0, v3;
	(v2sf) =	vpush v4, $0xF  }
0x37b: {  	(xrf2) =	vadd.scan.msk.f32 $0xffff, v2;
	_ =	sdelay $0x8  }
0x37c: {  	v1, _, _ =	vpop (xrf2)  }
0x37d: {  	(v2sf) =	vpush v1, $0xF;
	v1, _, _ =	vpop (xrf2)  }
0x37e: {  	(v2sf) =	vpush v1, $0xF;
	_ =	sdelay $0xa  }
0x37f: {  	s23 =	spop (v2sf)  }
0x380: {  	s22 =	spop (v2sf)  }
0x381: {  	s21 =	spop (v2sf)  }
0x382: {  	s20 =	spop (v2sf)  }
0x383: {  	s19 =	spop (v2sf)  }
0x384: {  	v1 =	vimm.s32 $0x0;
	[bflag:$0x0] =	sbarrier.arrive $0xFFFF  }
0x385: {  	[tilespmem:$0x8000] =	vst v1  }
0x386: {  	[tilespmem:$0x8010] =	vst v1  }
0x387: {  	[tilespmem:$0x8020] =	vst v1  }
0x388: {  	[tilespmem:$0x8030] =	vst v1  }
0x389: {  	[tilespmem:$0x8040] =	vst v1  }
0x38a: {  	[tilespmem:$0x8050] =	vst v1  }
0x38b: {  	[tilespmem:$0x8060] =	vst v1  }
0x38c: {  	[tilespmem:$0x8070] =	vst v1  }
0x38d: {  	[tilespmem:$0x8080] =	vst v1  }
0x38e: {  	[tilespmem:$0x8090] =	vst v1  }
0x38f: {  	[tilespmem:$0x80A0] =	vst v1  }
0x390: {  	[tilespmem:$0x80B0] =	vst v1  }
0x391: {  	[tilespmem:$0x80C0] =	vst v1  }
0x392: {  	[tilespmem:$0x80D0] =	vst v1  }
0x393: {  	[tilespmem:$0x80E0] =	vst v1  }
0x394: {  	[tilespmem:$0x80F0] =	vst v1  }
0x395: {  	[tilespmem:$0x8100] =	vst v1  }
0x396: {  	[tilespmem:$0x8110] =	vst v1  }
0x397: {  	[tilespmem:$0x8120] =	vst v1  }
0x398: {  	[tilespmem:$0x8130] =	vst v1  }
0x399: {  	[tilespmem:$0x8140] =	vst v1  }
0x39a: {  	[tilespmem:$0x8150] =	vst v1  }
0x39b: {  	[tilespmem:$0x8160] =	vst v1  }
0x39c: {  	[tilespmem:$0x8170] =	vst v1  }
0x39d: {  	[tilespmem:$0x8180] =	vst v1  }
0x39e: {  	[tilespmem:$0x8190] =	vst v1  }
0x39f: {  	[tilespmem:$0x81A0] =	vst v1  }
0x3a0: {  	[tilespmem:$0x81B0] =	vst v1  }
0x3a1: {  	[tilespmem:$0x81C0] =	vst v1  }
0x3a2: {  	[tilespmem:$0x81D0] =	vst v1  }
0x3a3: {  	[tilespmem:$0x81E0] =	vst v1  }
0x3a4: {  	[tilespmem:$0x81F0] =	vst v1  }
0x3a5: {  	[tilespmem:$0x8200] =	vst v1  }
0x3a6: {  	[tilespmem:$0x8210] =	vst v1  }
0x3a7: {  	[tilespmem:$0x8220] =	vst v1  }
0x3a8: {  	[tilespmem:$0x8230] =	vst v1  }
0x3a9: {  	[tilespmem:$0x8240] =	vst v1  }
0x3aa: {  	[tilespmem:$0x8250] =	vst v1  }
0x3ab: {  	[tilespmem:$0x8260] =	vst v1  }
0x3ac: {  	[tilespmem:$0x8270] =	vst v1  }
0x3ad: {  	[tilespmem:$0x8280] =	vst v1  }
0x3ae: {  	[tilespmem:$0x8290] =	vst v1  }
0x3af: {  	[tilespmem:$0x82A0] =	vst v1  }
0x3b0: {  	[tilespmem:$0x82B0] =	vst v1  }
0x3b1: {  	[tilespmem:$0x82C0] =	vst v1  }
0x3b2: {  	[tilespmem:$0x82D0] =	vst v1  }
0x3b3: {  	[tilespmem:$0x82E0] =	vst v1  }
0x3b4: {  	[tilespmem:$0x82F0] =	vst v1  }
0x3b5: {  	[tilespmem:$0x8300] =	vst v1  }
0x3b6: {  	[tilespmem:$0x8310] =	vst v1  }
0x3b7: {  	[tilespmem:$0x8320] =	vst v1  }
0x3b8: {  	[tilespmem:$0x8330] =	vst v1  }
0x3b9: {  	[tilespmem:$0x8340] =	vst v1  }
0x3ba: {  	[tilespmem:$0x8350] =	vst v1  }
0x3bb: {  	[tilespmem:$0x8360] =	vst v1  }
0x3bc: {  	[tilespmem:$0x8370] =	vst v1  }
0x3bd: {  	[tilespmem:$0x8380] =	vst v1  }
0x3be: {  	[tilespmem:$0x8390] =	vst v1  }
0x3bf: {  	[tilespmem:$0x83A0] =	vst v1  }
0x3c0: {  	[tilespmem:$0x83B0] =	vst v1  }
0x3c1: {  	[tilespmem:$0x83C0] =	vst v1  }
0x3c2: {  	[tilespmem:$0x83D0] =	vst v1  }
0x3c3: {  	[tilespmem:$0x83E0] =	vst v1  }
0x3c4: {  	[tilespmem:$0x83F0] =	vst v1;
	v1 =	vimm.f32 $0.0e+00  }
0x3c5: {  	[tilespmem:$0x8800] =	vst v1  }
0x3c6: {  	[tilespmem:$0x8810] =	vst v1  }
0x3c7: {  	[tilespmem:$0x8820] =	vst v1  }
0x3c8: {  	[tilespmem:$0x8830] =	vst v1  }
0x3c9: {  	[tilespmem:$0x8840] =	vst v1  }
0x3ca: {  	[tilespmem:$0x8850] =	vst v1  }
0x3cb: {  	[tilespmem:$0x8860] =	vst v1  }
0x3cc: {  	[tilespmem:$0x8870] =	vst v1  }
0x3cd: {  	[tilespmem:$0x8880] =	vst v1  }
0x3ce: {  	[tilespmem:$0x8890] =	vst v1  }
0x3cf: {  	[tilespmem:$0x88A0] =	vst v1  }
0x3d0: {  	[tilespmem:$0x88B0] =	vst v1  }
0x3d1: {  	[tilespmem:$0x88C0] =	vst v1  }
0x3d2: {  	[tilespmem:$0x88D0] =	vst v1  }
0x3d3: {  	[tilespmem:$0x88E0] =	vst v1  }
0x3d4: {  	[tilespmem:$0x88F0] =	vst v1  }
0x3d5: {  	[tilespmem:$0x8900] =	vst v1  }
0x3d6: {  	[tilespmem:$0x8910] =	vst v1  }
0x3d7: {  	[tilespmem:$0x8920] =	vst v1  }
0x3d8: {  	[tilespmem:$0x8930] =	vst v1  }
0x3d9: {  	[tilespmem:$0x8940] =	vst v1  }
0x3da: {  	[tilespmem:$0x8950] =	vst v1  }
0x3db: {  	[tilespmem:$0x8960] =	vst v1  }
0x3dc: {  	[tilespmem:$0x8970] =	vst v1  }
0x3dd: {  	[tilespmem:$0x8980] =	vst v1  }
0x3de: {  	[tilespmem:$0x8990] =	vst v1  }
0x3df: {  	[tilespmem:$0x89A0] =	vst v1  }
0x3e0: {  	[tilespmem:$0x89B0] =	vst v1  }
0x3e1: {  	[tilespmem:$0x89C0] =	vst v1  }
0x3e2: {  	[tilespmem:$0x89D0] =	vst v1  }
0x3e3: {  	[tilespmem:$0x89E0] =	vst v1  }
0x3e4: {  	[tilespmem:$0x89F0] =	vst v1  }
0x3e5: {  	[tilespmem:$0x8A00] =	vst v1  }
0x3e6: {  	[tilespmem:$0x8A10] =	vst v1  }
0x3e7: {  	[tilespmem:$0x8A20] =	vst v1  }
0x3e8: {  	[tilespmem:$0x8A30] =	vst v1  }
0x3e9: {  	[tilespmem:$0x8A40] =	vst v1  }
0x3ea: {  	[tilespmem:$0x8A50] =	vst v1  }
0x3eb: {  	[tilespmem:$0x8A60] =	vst v1  }
0x3ec: {  	[tilespmem:$0x8A70] =	vst v1  }
0x3ed: {  	[tilespmem:$0x8A80] =	vst v1  }
0x3ee: {  	[tilespmem:$0x8A90] =	vst v1  }
0x3ef: {  	[tilespmem:$0x8AA0] =	vst v1  }
0x3f0: {  	[tilespmem:$0x8AB0] =	vst v1  }
0x3f1: {  	[tilespmem:$0x8AC0] =	vst v1  }
0x3f2: {  	[tilespmem:$0x8AD0] =	vst v1  }
0x3f3: {  	[tilespmem:$0x8AE0] =	vst v1  }
0x3f4: {  	[tilespmem:$0x8AF0] =	vst v1  }
0x3f5: {  	[tilespmem:$0x8B00] =	vst v1  }
0x3f6: {  	[tilespmem:$0x8B10] =	vst v1  }
0x3f7: {  	[tilespmem:$0x8B20] =	vst v1  }
0x3f8: {  	[tilespmem:$0x8B30] =	vst v1  }
0x3f9: {  	[tilespmem:$0x8B40] =	vst v1  }
0x3fa: {  	[tilespmem:$0x8B50] =	vst v1  }
0x3fb: {  	[tilespmem:$0x8B60] =	vst v1  }
0x3fc: {  	[tilespmem:$0x8B70] =	vst v1  }
0x3fd: {  	[tilespmem:$0x8B80] =	vst v1  }
0x3fe: {  	[tilespmem:$0x8B90] =	vst v1  }
0x3ff: {  	[tilespmem:$0x8BA0] =	vst v1  }
0x400: {  	[tilespmem:$0x8BB0] =	vst v1  }
0x401: {  	[tilespmem:$0x8BC0] =	vst v1  }
0x402: {  	s0 =	sadd.f32 s23, s18;
	[tilespmem:$0x8BD0] =	vst v1  }
0x403: {  	[tilespmem:$0x8BE0] =	vst v1  }
0x404: {  	s18 =	simm.s32 $0x0;
	s0 =	sadd.f32 s22, s0;
	[tilespmem:$0x8BF0] =	vst v1  }
0x405: {  	[tilespmem:s18], [sflag:$0x1] =	stream.linear.gather [hbm4b:s16+s18], $0x4000, $0x38;
	[tilespmem:$0xB380] =	vst v63  }
0x406: {  	s1 =	simm.s32 $0x4000;
	s30 =	simm.s32 $0x1;
	s0 =	sadd.f32 s21, s0  }
0x407: {  	[tilespmem:s1], [sflag:$0x2] =	stream.linear.gather [hbm4b:s12+s18], $0x4000, $0x38;
	[tilespmem:$0xB380] =	vst v63  }
0x408: {  	s21 =	simm.s32 $0x0;
	s0 =	sadd.f32 s20, s0;
	_ =	swait.ge [sflag:s30], $0x4000  }
0x409: {  	s20 =	simm.s32 $0x0;
	s16 =	simm.s32 $0x8000;
	[sflag:s30] =	ssyncset.done $0x0  }
0x40a: {  	v1 =	vimm.s32 $0x1;
	s12 =	sadd.f32 s19, s0;
	s19 =	simm.s32 $0x8800;
	[sflag:s30] =	ssyncadd.s32 $0xFFFFC000  }
.LBB2_45:
0x40b: {  	s0 =	sshll.u32 s20, $0x2;
	s1 =	sand.u32 $0x7, s18  }
0x40c: {  	s0 =	sand.u32 $0xFFFFC000, s0;
	s1 =	sshll.u32 s1, $0x9  }
0x40d: {  	s0 =	sor.u32 s1, s0  }
0x40e: {  	s0 =	sshrl.u32 s0, $0x2  }
0x40f: {  	s30 =	sor.u32 $0x40, s0  }
0x410: {  	v6 =	vld [tilespmem:s30+$0xFFFFFFC0]  }
0x411: {  	v11 =	vld [tilespmem:s30+$0x10]  }
0x412: {  	v7 =	vld [tilespmem:s30+$0x30];
	_ =	sdelay $0x2  }
0x413: {  	vm0 =	vgt.s32 v6, $0x0  }
0x414: {  	vm2 =	vgt.s32 v11, $0x0;
	v3 =	vnsel vm0, $0x0, v6  }
0x415: {  	v4 =	vld [tilespmem:s30+$0xFFFFFFE0];
	vm0 =	vgt.s32 v7, $0x0;
	v9 =	vnsel vm2, $0x0, v11;
	v5 =	vshrl.u32 v3, $0x14  }
0x416: {  	v2 =	vld [tilespmem:s30+$0xFFFFFFF0];
	v8 =	vshrl.u32 v3, $0xA;
	v13 =	vshrl.u32 v9, $0x14;
	vm1 =	veq.s32 v5, v0  }
0x417: {  	v3 =	vld [tilespmem:s30+$0xFFFFFFD0];
	v9 =	vshrl.u32 v9, $0xA;
	v8 =	vand.u32 $0x3FF, v8;
	vm4 =	veq.s32 v13, v0  }
0x418: {  	v5 =	vnsel vm0, $0x0, v7;
	v14 =	vand.u32 $0x3FF, v9  }
0x419: {  	v10 =	vshrl.u32 v5, $0x14  }
0x41a: {  	v12 =	vshrl.u32 v5, $0xA;
	v5 =	vld [tilespmem:s30+$0x0];
	vm3 =	veq.s32 v10, v0  }
0x41b: {  	vm2 =	vgt.s32 v2, $0x0;
	vm0 =	vgt.s32 v4, $0x0;
	v10 =	vand.u32 $0x3FF, v12  }
0x41c: {  	v61 =	vnsel vm2, $0x0, v2;
	v60 =	vnsel vm0, $0x0, v4;
	vm0 =	vgt.s32 v3, $0x0;
	[tilespmem:v8+s16+$0x0] =	vst.idx.add.s32.msk vm1, v1  }
0x41d: {  	v16 =	vshrl.u32 v61, $0x14;
	v12 =	vshrl.u32 v60, $0x14;
	v15 =	vnsel vm0, $0x0, v3;
	[tilespmem:v14+s16+$0x0] =	vst.idx.add.s32.msk vm4, v1  }
0x41e: {  	v9 =	vshrl.u32 v60, $0xA;
	vm2 =	veq.s32 v12, v0;
	v62 =	vshrl.u32 v15, $0x14;
	[tilespmem:v8+s19+$0x0] =	vst.idx.add.f32.msk vm1, v6  }
0x41f: {  	vm5 =	vgt.s32 v5, $0x0;
	v8 =	vand.u32 $0x3FF, v9;
	v6 =	vld [tilespmem:s30+$0x20];
	vm1 =	veq.s32 v16, v0  }
0x420: {  	v9 =	vshrl.u32 v61, $0xA;
	vm0 =	veq.s32 v62, v0;
	v63 =	vnsel vm5, $0x0, v5;
	[tilespmem:v10+s16+$0x0] =	vst.idx.add.s32.msk vm3, v1  }
0x421: {  	v12 =	vshrl.u32 v63, $0xA;
	[tilespmem:v10+s19+$0x0] =	vst.idx.add.f32.msk vm3, v7;
	v7 =	vshrl.u32 v15, $0xA;
	v10 =	vshrl.u32 v63, $0x14  }
0x422: {  	s0 =	simm.s32 $0x0;
	s22 =	sadd.s32 $0x400, s30;
	[tilespmem:v14+s19+$0x0] =	vst.idx.add.f32.msk vm4, v11;
	v7 =	vand.u32 $0x3FF, v7;
	vm3 =	veq.s32 v10, v0;
	v10 =	vand.u32 $0x3FF, v12  }
.LBB2_46:
0x423: {  	v11 =	vld [tilespmem:s22+$0x10];
	s0 =	sadd.s32 $0x8, s0  }
0x424: {  	v12 =	vld [tilespmem:s22+$0xFFFFFFD0];
	p0 =	slt.u32 s0, $0x18  }
0x425: {  	vm4 =	vgt.s32 v6, $0x0;
	v13 =	vld [tilespmem:s22+$0xFFFFFFC0]  }
0x426: {  	v14 =	vnsel vm4, $0x0, v6;
	[tilespmem:v8+s16+$0x0] =	vst.idx.add.s32.msk vm2, v1  }
0x427: {  	v16 =	vshrl.u32 v14, $0x14;
	v14 =	vshrl.u32 v14, $0xA;
	v15 =	vld [tilespmem:s22+$0x30]  }
0x428: {  	vm4 =	veq.s32 v16, v0;
	v14 =	vand.u32 $0x3FF, v14;
	v17 =	vld [tilespmem:s22+$0xFFFFFFE0]  }
0x429: {  	v9 =	vand.u32 $0x3FF, v9;
	[tilespmem:v10+s16+$0x0] =	vst.idx.add.s32.msk vm3, v1  }
0x42a: {  	vm5 =	vgt.s32 v13, $0x0;
	v16 =	vld [tilespmem:s22+$0xFFFFFFF0]  }
0x42b: {  	v18 =	vnsel vm5, $0x0, v13;
	[tilespmem:v8+s19+$0x0] =	vst.idx.add.f32.msk vm2, v4  }
0x42c: {  	v20 =	vshrl.u32 v18, $0x14;
	v8 =	vshrl.u32 v18, $0xA;
	v18 =	vld [tilespmem:s22+$0x0];
	vm2 =	vgt.s32 v15, $0x0  }
0x42d: {  	vm6 =	vgt.s32 v11, $0x0;
	vm5 =	veq.s32 v20, v0;
	v19 =	vnsel vm2, $0x0, v15;
	[tilespmem:v10+s19+$0x0] =	vst.idx.add.f32.msk vm3, v5;
	v4 =	vmovc v17  }
0x42e: {  	v10 =	vand.u32 $0x3FF, v8;
	v5 =	vnsel vm6, $0x0, v11;
	v8 =	vshrl.u32 v19, $0xA;
	[tilespmem:v9+s16+$0x0] =	vst.idx.add.s32.msk vm1, v1  }
0x42f: {  	v17 =	vshrl.u32 v5, $0x14;
	v20 =	vshrl.u32 v5, $0xA;
	v5 =	vshrl.u32 v19, $0x14;
	[tilespmem:v7+s16+$0x0] =	vst.idx.add.s32.msk vm0, v1  }
0x430: {  	vm2 =	vgt.s32 v4, $0x0;
	vm3 =	vgt.s32 v16, $0x0;
	v19 =	vand.u32 $0x3FF, v8;
	[tilespmem:v14+s16+$0x0] =	vst.idx.add.s32.msk vm4, v1  }
0x431: {  	v8 =	vnsel vm2, $0x0, v4;
	v21 =	vnsel vm3, $0x0, v16;
	vm3 =	veq.s32 v5, v0;
	[tilespmem:v9+s19+$0x0] =	vst.idx.add.f32.msk vm1, v2;
	v2 =	vmovc v16  }
0x432: {  	vm6 =	veq.s32 v17, v0;
	vm1 =	vgt.s32 v12, $0x0;
	v9 =	vshrl.u32 v8, $0xA;
	v5 =	vmovc v18;
	[tilespmem:v14+s19+$0x0] =	vst.idx.add.f32.msk vm4, v6  }
0x433: {  	v8 =	vshrl.u32 v8, $0x14;
	v6 =	vnsel vm1, $0x0, v12;
	v14 =	vshrl.u32 v21, $0x14;
	[tilespmem:v7+s19+$0x0] =	vst.idx.add.f32.msk vm0, v3;
	v3 =	vmovc v12  }
0x434: {  	vm2 =	veq.s32 v8, v0;
	v8 =	vand.u32 $0x3FF, v9;
	v12 =	vand.u32 $0x3FF, v20;
	[tilespmem:v10+s16+$0x0] =	vst.idx.add.s32.msk vm5, v1  }
0x435: {  	v9 =	vshrl.u32 v21, $0xA;
	v7 =	vshrl.u32 v6, $0x14;
	vm1 =	veq.s32 v14, v0;
	[tilespmem:v10+s19+$0x0] =	vst.idx.add.f32.msk vm5, v13  }
.Ltmp22:
0x436: {  	vm0 =	veq.s32 v7, v0;
	v7 =	vshrl.u32 v6, $0xA;
	v6 =	vld [tilespmem:s22+$0x20];
	(pc) =	sbr.rel @p0 .LBB2_46-.Ltmp22, $4  }
0x437: {  	vm4 =	vgt.s32 v5, $0x0;
	v7 =	vand.u32 $0x3FF, v7;
	[tilespmem:v19+s16+$0x0] =	vst.idx.add.s32.msk vm3, v1  }
0x438: {  	v10 =	vnsel vm4, $0x0, v5;
	[tilespmem:v19+s19+$0x0] =	vst.idx.add.f32.msk vm3, v15  }
0x439: {  	v13 =	vshrl.u32 v10, $0x14;
	v10 =	vshrl.u32 v10, $0xA;
	[tilespmem:v12+s16+$0x0] =	vst.idx.add.s32.msk vm6, v1  }
0x43a: {  	s22 =	sadd.s32 $0x400, s22;
	v10 =	vand.u32 $0x3FF, v10;
	vm3 =	veq.s32 v13, v0;
	[tilespmem:v12+s19+$0x0] =	vst.idx.add.f32.msk vm6, v11  }
0x43b: {  	_ =	sdelay $0x3  }
0x43c: {  	vm4 =	vgt.s32 v6, $0x0  }
0x43d: {  	[tilespmem:v8+s16+$0x0] =	vst.idx.add.s32.msk vm2, v1;
	v11 =	vnsel vm4, $0x0, v6  }
0x43e: {  	v9 =	vand.u32 $0x3FF, v9;
	[tilespmem:v10+s16+$0x0] =	vst.idx.add.s32.msk vm3, v1;
	v12 =	vshrl.u32 v11, $0x14  }
0x43f: {  	[tilespmem:v7+s16+$0x0] =	vst.idx.add.s32.msk vm0, v1;
	v11 =	vshrl.u32 v11, $0xA;
	vm15 =	veq.s32 v12, v0  }
0x440: {  	s21 =	sadd.s32 $0x1, s21;
	[tilespmem:v8+s19+$0x0] =	vst.idx.add.f32.msk vm2, v4;
	v11 =	vand.u32 $0x3FF, v11  }
0x441: {  	[tilespmem:v10+s19+$0x0] =	vst.idx.add.f32.msk vm3, v5;
	p0 =	sne.s32 s21, $0x20  }
.Ltmp23:
0x442: {  	[tilespmem:v7+s19+$0x0] =	vst.idx.add.f32.msk vm0, v3;
	(pc) =	sbr.rel @p0 .LBB2_45-.Ltmp23, $4  }
0x443: {  	[tilespmem:v9+s16+$0x0] =	vst.idx.add.s32.msk vm1, v1  }
0x444: {  	[tilespmem:v9+s19+$0x0] =	vst.idx.add.f32.msk vm1, v2  }
0x445: {  	[tilespmem:v11+s16+$0x0] =	vst.idx.add.s32.msk vm15, v1  }
0x446: {  	s20 =	sadd.s32 $0x200, s20;
	s18 =	sadd.s32 $0x1, s18;
	[tilespmem:v11+s19+$0x0] =	vst.idx.add.f32.msk vm15, v6  }
0x447: {  	s16 =	simm.s32 $0x0;
	s0 =	simm.s32 $0x2  }
0x448: {  	[tilespmem:s16], [sflag:$0x1] =	stream.linear.gather [hbm4b:s17+s16], $0x4000, $0x38;
	[tilespmem:$0xB380] =	vst v63  }
0x449: {  	_ =	swait.ge [sflag:s0], $0x4000  }
0x44a: {  	[sflag:s0] =	ssyncset.done $0x0  }
0x44b: {  	s18 =	simm.s32 $0x8800;
	s19 =	simm.s32 $0x0;
	[sflag:s0] =	ssyncadd.s32 $0xFFFFC000  }
0x44c: {  	v1 =	vimm.s32 $0x1;
	s20 =	simm.s32 $0x0;
	s17 =	simm.s32 $0x8000;
	s22 =	rddreg [dreg:$0x3]  }
.LBB2_49:
0x44d: {  	s0 =	sshll.u32 s19, $0x2;
	s1 =	sand.u32 $0x7, s16  }
0x44e: {  	s0 =	sand.u32 $0xFFFFC000, s0;
	s1 =	sshll.u32 s1, $0x9  }
0x44f: {  	s0 =	sor.u32 s1, s0  }
0x450: {  	s0 =	sshrl.u32 s0, $0x2  }
0x451: {  	s30 =	sadd.s32 $0x4040, s0  }
0x452: {  	v6 =	vld [tilespmem:s30+$0xFFFFFFC0]  }
0x453: {  	v11 =	vld [tilespmem:s30+$0x10]  }
0x454: {  	v7 =	vld [tilespmem:s30+$0x30];
	_ =	sdelay $0x2  }
0x455: {  	vm0 =	vgt.s32 v6, $0x0  }
0x456: {  	vm2 =	vgt.s32 v11, $0x0;
	v3 =	vnsel vm0, $0x0, v6  }
0x457: {  	v4 =	vld [tilespmem:s30+$0xFFFFFFE0];
	vm0 =	vgt.s32 v7, $0x0;
	v9 =	vnsel vm2, $0x0, v11;
	v5 =	vshrl.u32 v3, $0x14  }
0x458: {  	v2 =	vld [tilespmem:s30+$0xFFFFFFF0];
	v8 =	vshrl.u32 v3, $0xA;
	v13 =	vshrl.u32 v9, $0x14;
	vm1 =	veq.s32 v5, v0  }
0x459: {  	v3 =	vld [tilespmem:s30+$0xFFFFFFD0];
	v9 =	vshrl.u32 v9, $0xA;
	v8 =	vand.u32 $0x3FF, v8;
	vm4 =	veq.s32 v13, v0  }
0x45a: {  	v5 =	vnsel vm0, $0x0, v7;
	v14 =	vand.u32 $0x3FF, v9  }
0x45b: {  	v10 =	vshrl.u32 v5, $0x14  }
0x45c: {  	v12 =	vshrl.u32 v5, $0xA;
	v5 =	vld [tilespmem:s30+$0x0];
	vm3 =	veq.s32 v10, v0  }
0x45d: {  	vm2 =	vgt.s32 v2, $0x0;
	vm0 =	vgt.s32 v4, $0x0;
	v10 =	vand.u32 $0x3FF, v12  }
0x45e: {  	v61 =	vnsel vm2, $0x0, v2;
	v60 =	vnsel vm0, $0x0, v4;
	vm0 =	vgt.s32 v3, $0x0;
	[tilespmem:v8+s17+$0x0] =	vst.idx.add.s32.msk vm1, v1  }
0x45f: {  	v16 =	vshrl.u32 v61, $0x14;
	v12 =	vshrl.u32 v60, $0x14;
	v15 =	vnsel vm0, $0x0, v3;
	[tilespmem:v14+s17+$0x0] =	vst.idx.add.s32.msk vm4, v1  }
0x460: {  	v9 =	vshrl.u32 v60, $0xA;
	vm2 =	veq.s32 v12, v0;
	v62 =	vshrl.u32 v15, $0x14;
	[tilespmem:v8+s18+$0x0] =	vst.idx.add.f32.msk vm1, v6  }
0x461: {  	vm5 =	vgt.s32 v5, $0x0;
	v8 =	vand.u32 $0x3FF, v9;
	v6 =	vld [tilespmem:s30+$0x20];
	vm1 =	veq.s32 v16, v0  }
0x462: {  	v9 =	vshrl.u32 v61, $0xA;
	vm0 =	veq.s32 v62, v0;
	v63 =	vnsel vm5, $0x0, v5;
	[tilespmem:v10+s17+$0x0] =	vst.idx.add.s32.msk vm3, v1  }
0x463: {  	v12 =	vshrl.u32 v63, $0xA;
	[tilespmem:v10+s18+$0x0] =	vst.idx.add.f32.msk vm3, v7;
	v7 =	vshrl.u32 v15, $0xA;
	v10 =	vshrl.u32 v63, $0x14  }
0x464: {  	s0 =	simm.s32 $0x0;
	s21 =	sadd.s32 $0x400, s30;
	[tilespmem:v14+s18+$0x0] =	vst.idx.add.f32.msk vm4, v11;
	v7 =	vand.u32 $0x3FF, v7;
	vm3 =	veq.s32 v10, v0;
	v10 =	vand.u32 $0x3FF, v12  }
.LBB2_50:
0x465: {  	v11 =	vld [tilespmem:s21+$0x10];
	s0 =	sadd.s32 $0x8, s0  }
0x466: {  	v12 =	vld [tilespmem:s21+$0xFFFFFFD0];
	p0 =	slt.u32 s0, $0x18  }
0x467: {  	vm4 =	vgt.s32 v6, $0x0;
	v13 =	vld [tilespmem:s21+$0xFFFFFFC0]  }
0x468: {  	v14 =	vnsel vm4, $0x0, v6;
	[tilespmem:v8+s17+$0x0] =	vst.idx.add.s32.msk vm2, v1  }
0x469: {  	v16 =	vshrl.u32 v14, $0x14;
	v14 =	vshrl.u32 v14, $0xA;
	v15 =	vld [tilespmem:s21+$0x30]  }
0x46a: {  	vm4 =	veq.s32 v16, v0;
	v14 =	vand.u32 $0x3FF, v14;
	v17 =	vld [tilespmem:s21+$0xFFFFFFE0]  }
0x46b: {  	v9 =	vand.u32 $0x3FF, v9;
	[tilespmem:v10+s17+$0x0] =	vst.idx.add.s32.msk vm3, v1  }
0x46c: {  	vm5 =	vgt.s32 v13, $0x0;
	v16 =	vld [tilespmem:s21+$0xFFFFFFF0]  }
0x46d: {  	v18 =	vnsel vm5, $0x0, v13;
	[tilespmem:v8+s18+$0x0] =	vst.idx.add.f32.msk vm2, v4  }
0x46e: {  	v20 =	vshrl.u32 v18, $0x14;
	v8 =	vshrl.u32 v18, $0xA;
	v18 =	vld [tilespmem:s21+$0x0];
	vm2 =	vgt.s32 v15, $0x0  }
0x46f: {  	vm6 =	vgt.s32 v11, $0x0;
	vm5 =	veq.s32 v20, v0;
	v19 =	vnsel vm2, $0x0, v15;
	[tilespmem:v10+s18+$0x0] =	vst.idx.add.f32.msk vm3, v5;
	v4 =	vmovc v17  }
0x470: {  	v10 =	vand.u32 $0x3FF, v8;
	v5 =	vnsel vm6, $0x0, v11;
	v8 =	vshrl.u32 v19, $0xA;
	[tilespmem:v9+s17+$0x0] =	vst.idx.add.s32.msk vm1, v1  }
0x471: {  	v17 =	vshrl.u32 v5, $0x14;
	v20 =	vshrl.u32 v5, $0xA;
	v5 =	vshrl.u32 v19, $0x14;
	[tilespmem:v7+s17+$0x0] =	vst.idx.add.s32.msk vm0, v1  }
0x472: {  	vm2 =	vgt.s32 v4, $0x0;
	vm3 =	vgt.s32 v16, $0x0;
	v19 =	vand.u32 $0x3FF, v8;
	[tilespmem:v14+s17+$0x0] =	vst.idx.add.s32.msk vm4, v1  }
0x473: {  	v8 =	vnsel vm2, $0x0, v4;
	v21 =	vnsel vm3, $0x0, v16;
	vm3 =	veq.s32 v5, v0;
	[tilespmem:v9+s18+$0x0] =	vst.idx.add.f32.msk vm1, v2;
	v2 =	vmovc v16  }
0x474: {  	vm6 =	veq.s32 v17, v0;
	vm1 =	vgt.s32 v12, $0x0;
	v9 =	vshrl.u32 v8, $0xA;
	v5 =	vmovc v18;
	[tilespmem:v14+s18+$0x0] =	vst.idx.add.f32.msk vm4, v6  }
0x475: {  	v8 =	vshrl.u32 v8, $0x14;
	v6 =	vnsel vm1, $0x0, v12;
	v14 =	vshrl.u32 v21, $0x14;
	[tilespmem:v7+s18+$0x0] =	vst.idx.add.f32.msk vm0, v3;
	v3 =	vmovc v12  }
0x476: {  	vm2 =	veq.s32 v8, v0;
	v8 =	vand.u32 $0x3FF, v9;
	v12 =	vand.u32 $0x3FF, v20;
	[tilespmem:v10+s17+$0x0] =	vst.idx.add.s32.msk vm5, v1  }
0x477: {  	v9 =	vshrl.u32 v21, $0xA;
	v7 =	vshrl.u32 v6, $0x14;
	vm1 =	veq.s32 v14, v0;
	[tilespmem:v10+s18+$0x0] =	vst.idx.add.f32.msk vm5, v13  }
.Ltmp24:
0x478: {  	vm0 =	veq.s32 v7, v0;
	v7 =	vshrl.u32 v6, $0xA;
	v6 =	vld [tilespmem:s21+$0x20];
	(pc) =	sbr.rel @p0 .LBB2_50-.Ltmp24, $4  }
0x479: {  	vm4 =	vgt.s32 v5, $0x0;
	v7 =	vand.u32 $0x3FF, v7;
	[tilespmem:v19+s17+$0x0] =	vst.idx.add.s32.msk vm3, v1  }
0x47a: {  	v10 =	vnsel vm4, $0x0, v5;
	[tilespmem:v19+s18+$0x0] =	vst.idx.add.f32.msk vm3, v15  }
0x47b: {  	v13 =	vshrl.u32 v10, $0x14;
	v10 =	vshrl.u32 v10, $0xA;
	[tilespmem:v12+s17+$0x0] =	vst.idx.add.s32.msk vm6, v1  }
0x47c: {  	s21 =	sadd.s32 $0x400, s21;
	v10 =	vand.u32 $0x3FF, v10;
	vm3 =	veq.s32 v13, v0;
	[tilespmem:v12+s18+$0x0] =	vst.idx.add.f32.msk vm6, v11  }
0x47d: {  	_ =	sdelay $0x3  }
0x47e: {  	vm4 =	vgt.s32 v6, $0x0  }
0x47f: {  	[tilespmem:v8+s17+$0x0] =	vst.idx.add.s32.msk vm2, v1;
	v11 =	vnsel vm4, $0x0, v6  }
0x480: {  	v9 =	vand.u32 $0x3FF, v9;
	[tilespmem:v10+s17+$0x0] =	vst.idx.add.s32.msk vm3, v1;
	v12 =	vshrl.u32 v11, $0x14  }
0x481: {  	[tilespmem:v7+s17+$0x0] =	vst.idx.add.s32.msk vm0, v1;
	v11 =	vshrl.u32 v11, $0xA;
	vm15 =	veq.s32 v12, v0  }
0x482: {  	s20 =	sadd.s32 $0x1, s20;
	[tilespmem:v8+s18+$0x0] =	vst.idx.add.f32.msk vm2, v4;
	v11 =	vand.u32 $0x3FF, v11  }
0x483: {  	[tilespmem:v10+s18+$0x0] =	vst.idx.add.f32.msk vm3, v5;
	p0 =	sne.s32 s20, $0x20  }
.Ltmp25:
0x484: {  	[tilespmem:v7+s18+$0x0] =	vst.idx.add.f32.msk vm0, v3;
	(pc) =	sbr.rel @p0 .LBB2_49-.Ltmp25, $4  }
0x485: {  	[tilespmem:v9+s17+$0x0] =	vst.idx.add.s32.msk vm1, v1  }
0x486: {  	[tilespmem:v9+s18+$0x0] =	vst.idx.add.f32.msk vm1, v2  }
0x487: {  	[tilespmem:v11+s17+$0x0] =	vst.idx.add.s32.msk vm15, v1  }
0x488: {  	s19 =	sadd.s32 $0x200, s19;
	s16 =	sadd.s32 $0x1, s16;
	[tilespmem:v11+s18+$0x0] =	vst.idx.add.f32.msk vm15, v6  }
0x489: {  	s16 =	simm.s32 $0x0  }
0x48a: {  	s0 =	simm.s32 $0x4000;
	s1 =	rddreg [dreg:$0xd];
	s30 =	simm.s32 $0x1  }
0x48b: {  	[tilespmem:s0], [sflag:$0x2] =	stream.linear.gather [hbm4b:s1+s16], $0x4000, $0x38;
	[tilespmem:$0xB380] =	vst v63  }
0x48c: {  	_ =	swait.ge [sflag:s30], $0x4000  }
0x48d: {  	[sflag:s30] =	ssyncset.done $0x0  }
0x48e: {  	s15 =	simm.s32 $0x8000;
	s17 =	simm.s32 $0x8800;
	[sflag:s30] =	ssyncadd.s32 $0xFFFFC000  }
0x48f: {  	v1 =	vimm.s32 $0x1;
	s18 =	simm.s32 $0x0;
	s19 =	simm.s32 $0x0;
	s21 =	rddreg [dreg:$0x4]  }
.LBB2_53:
0x490: {  	s0 =	sshll.u32 s18, $0x2;
	s1 =	sand.u32 $0x7, s16  }
0x491: {  	s0 =	sand.u32 $0xFFFFC000, s0;
	s1 =	sshll.u32 s1, $0x9  }
0x492: {  	s0 =	sor.u32 s1, s0  }
0x493: {  	s0 =	sshrl.u32 s0, $0x2  }
0x494: {  	s30 =	sor.u32 $0x40, s0  }
0x495: {  	v6 =	vld [tilespmem:s30+$0xFFFFFFC0]  }
0x496: {  	v11 =	vld [tilespmem:s30+$0x10]  }
0x497: {  	v7 =	vld [tilespmem:s30+$0x30];
	_ =	sdelay $0x2  }
0x498: {  	vm0 =	vgt.s32 v6, $0x0  }
0x499: {  	vm2 =	vgt.s32 v11, $0x0;
	v3 =	vnsel vm0, $0x0, v6  }
0x49a: {  	v4 =	vld [tilespmem:s30+$0xFFFFFFE0];
	vm0 =	vgt.s32 v7, $0x0;
	v9 =	vnsel vm2, $0x0, v11;
	v5 =	vshrl.u32 v3, $0x14  }
0x49b: {  	v2 =	vld [tilespmem:s30+$0xFFFFFFF0];
	v8 =	vshrl.u32 v3, $0xA;
	v13 =	vshrl.u32 v9, $0x14;
	vm1 =	veq.s32 v5, v0  }
0x49c: {  	v3 =	vld [tilespmem:s30+$0xFFFFFFD0];
	v9 =	vshrl.u32 v9, $0xA;
	v8 =	vand.u32 $0x3FF, v8;
	vm4 =	veq.s32 v13, v0  }
0x49d: {  	v5 =	vnsel vm0, $0x0, v7;
	v14 =	vand.u32 $0x3FF, v9  }
0x49e: {  	v10 =	vshrl.u32 v5, $0x14  }
0x49f: {  	v12 =	vshrl.u32 v5, $0xA;
	v5 =	vld [tilespmem:s30+$0x0];
	vm3 =	veq.s32 v10, v0  }
0x4a0: {  	vm2 =	vgt.s32 v2, $0x0;
	vm0 =	vgt.s32 v4, $0x0;
	v10 =	vand.u32 $0x3FF, v12  }
0x4a1: {  	v61 =	vnsel vm2, $0x0, v2;
	v60 =	vnsel vm0, $0x0, v4;
	vm0 =	vgt.s32 v3, $0x0;
	[tilespmem:v8+s15+$0x0] =	vst.idx.add.s32.msk vm1, v1  }
0x4a2: {  	v16 =	vshrl.u32 v61, $0x14;
	v12 =	vshrl.u32 v60, $0x14;
	v15 =	vnsel vm0, $0x0, v3;
	[tilespmem:v14+s15+$0x0] =	vst.idx.add.s32.msk vm4, v1  }
0x4a3: {  	v9 =	vshrl.u32 v60, $0xA;
	vm2 =	veq.s32 v12, v0;
	v62 =	vshrl.u32 v15, $0x14;
	[tilespmem:v8+s17+$0x0] =	vst.idx.add.f32.msk vm1, v6  }
0x4a4: {  	vm5 =	vgt.s32 v5, $0x0;
	v8 =	vand.u32 $0x3FF, v9;
	v6 =	vld [tilespmem:s30+$0x20];
	vm1 =	veq.s32 v16, v0  }
0x4a5: {  	v9 =	vshrl.u32 v61, $0xA;
	vm0 =	veq.s32 v62, v0;
	v63 =	vnsel vm5, $0x0, v5;
	[tilespmem:v10+s15+$0x0] =	vst.idx.add.s32.msk vm3, v1  }
0x4a6: {  	v12 =	vshrl.u32 v63, $0xA;
	[tilespmem:v10+s17+$0x0] =	vst.idx.add.f32.msk vm3, v7;
	v7 =	vshrl.u32 v15, $0xA;
	v10 =	vshrl.u32 v63, $0x14  }
0x4a7: {  	s0 =	simm.s32 $0x0;
	s20 =	sadd.s32 $0x400, s30;
	[tilespmem:v14+s17+$0x0] =	vst.idx.add.f32.msk vm4, v11;
	v7 =	vand.u32 $0x3FF, v7;
	vm3 =	veq.s32 v10, v0;
	v10 =	vand.u32 $0x3FF, v12  }
.LBB2_54:
0x4a8: {  	v11 =	vld [tilespmem:s20+$0x10];
	s0 =	sadd.s32 $0x8, s0  }
0x4a9: {  	v12 =	vld [tilespmem:s20+$0xFFFFFFD0];
	p0 =	slt.u32 s0, $0x18  }
0x4aa: {  	vm4 =	vgt.s32 v6, $0x0;
	v13 =	vld [tilespmem:s20+$0xFFFFFFC0]  }
0x4ab: {  	v14 =	vnsel vm4, $0x0, v6;
	[tilespmem:v8+s15+$0x0] =	vst.idx.add.s32.msk vm2, v1  }
0x4ac: {  	v16 =	vshrl.u32 v14, $0x14;
	v14 =	vshrl.u32 v14, $0xA;
	v15 =	vld [tilespmem:s20+$0x30]  }
0x4ad: {  	vm4 =	veq.s32 v16, v0;
	v14 =	vand.u32 $0x3FF, v14;
	v17 =	vld [tilespmem:s20+$0xFFFFFFE0]  }
0x4ae: {  	v9 =	vand.u32 $0x3FF, v9;
	[tilespmem:v10+s15+$0x0] =	vst.idx.add.s32.msk vm3, v1  }
0x4af: {  	vm5 =	vgt.s32 v13, $0x0;
	v16 =	vld [tilespmem:s20+$0xFFFFFFF0]  }
0x4b0: {  	v18 =	vnsel vm5, $0x0, v13;
	[tilespmem:v8+s17+$0x0] =	vst.idx.add.f32.msk vm2, v4  }
0x4b1: {  	v20 =	vshrl.u32 v18, $0x14;
	v8 =	vshrl.u32 v18, $0xA;
	v18 =	vld [tilespmem:s20+$0x0];
	vm2 =	vgt.s32 v15, $0x0  }
0x4b2: {  	vm6 =	vgt.s32 v11, $0x0;
	vm5 =	veq.s32 v20, v0;
	v19 =	vnsel vm2, $0x0, v15;
	[tilespmem:v10+s17+$0x0] =	vst.idx.add.f32.msk vm3, v5;
	v4 =	vmovc v17  }
0x4b3: {  	v10 =	vand.u32 $0x3FF, v8;
	v5 =	vnsel vm6, $0x0, v11;
	v8 =	vshrl.u32 v19, $0xA;
	[tilespmem:v9+s15+$0x0] =	vst.idx.add.s32.msk vm1, v1  }
0x4b4: {  	v17 =	vshrl.u32 v5, $0x14;
	v20 =	vshrl.u32 v5, $0xA;
	v5 =	vshrl.u32 v19, $0x14;
	[tilespmem:v7+s15+$0x0] =	vst.idx.add.s32.msk vm0, v1  }
0x4b5: {  	vm2 =	vgt.s32 v4, $0x0;
	vm3 =	vgt.s32 v16, $0x0;
	v19 =	vand.u32 $0x3FF, v8;
	[tilespmem:v14+s15+$0x0] =	vst.idx.add.s32.msk vm4, v1  }
0x4b6: {  	v8 =	vnsel vm2, $0x0, v4;
	v21 =	vnsel vm3, $0x0, v16;
	vm3 =	veq.s32 v5, v0;
	[tilespmem:v9+s17+$0x0] =	vst.idx.add.f32.msk vm1, v2;
	v2 =	vmovc v16  }
0x4b7: {  	vm6 =	veq.s32 v17, v0;
	vm1 =	vgt.s32 v12, $0x0;
	v9 =	vshrl.u32 v8, $0xA;
	v5 =	vmovc v18;
	[tilespmem:v14+s17+$0x0] =	vst.idx.add.f32.msk vm4, v6  }
0x4b8: {  	v8 =	vshrl.u32 v8, $0x14;
	v6 =	vnsel vm1, $0x0, v12;
	v14 =	vshrl.u32 v21, $0x14;
	[tilespmem:v7+s17+$0x0] =	vst.idx.add.f32.msk vm0, v3;
	v3 =	vmovc v12  }
0x4b9: {  	vm2 =	veq.s32 v8, v0;
	v8 =	vand.u32 $0x3FF, v9;
	v12 =	vand.u32 $0x3FF, v20;
	[tilespmem:v10+s15+$0x0] =	vst.idx.add.s32.msk vm5, v1  }
0x4ba: {  	v9 =	vshrl.u32 v21, $0xA;
	v7 =	vshrl.u32 v6, $0x14;
	vm1 =	veq.s32 v14, v0;
	[tilespmem:v10+s17+$0x0] =	vst.idx.add.f32.msk vm5, v13  }
.Ltmp26:
0x4bb: {  	vm0 =	veq.s32 v7, v0;
	v7 =	vshrl.u32 v6, $0xA;
	v6 =	vld [tilespmem:s20+$0x20];
	(pc) =	sbr.rel @p0 .LBB2_54-.Ltmp26, $4  }
0x4bc: {  	vm4 =	vgt.s32 v5, $0x0;
	v7 =	vand.u32 $0x3FF, v7;
	[tilespmem:v19+s15+$0x0] =	vst.idx.add.s32.msk vm3, v1  }
0x4bd: {  	v10 =	vnsel vm4, $0x0, v5;
	[tilespmem:v19+s17+$0x0] =	vst.idx.add.f32.msk vm3, v15  }
0x4be: {  	v13 =	vshrl.u32 v10, $0x14;
	v10 =	vshrl.u32 v10, $0xA;
	[tilespmem:v12+s15+$0x0] =	vst.idx.add.s32.msk vm6, v1  }
0x4bf: {  	s20 =	sadd.s32 $0x400, s20;
	v10 =	vand.u32 $0x3FF, v10;
	vm3 =	veq.s32 v13, v0;
	[tilespmem:v12+s17+$0x0] =	vst.idx.add.f32.msk vm6, v11  }
0x4c0: {  	_ =	sdelay $0x3  }
0x4c1: {  	vm4 =	vgt.s32 v6, $0x0  }
0x4c2: {  	[tilespmem:v8+s15+$0x0] =	vst.idx.add.s32.msk vm2, v1;
	v11 =	vnsel vm4, $0x0, v6  }
0x4c3: {  	v9 =	vand.u32 $0x3FF, v9;
	[tilespmem:v10+s15+$0x0] =	vst.idx.add.s32.msk vm3, v1;
	v12 =	vshrl.u32 v11, $0x14  }
0x4c4: {  	[tilespmem:v7+s15+$0x0] =	vst.idx.add.s32.msk vm0, v1;
	v11 =	vshrl.u32 v11, $0xA;
	vm15 =	veq.s32 v12, v0  }
0x4c5: {  	s19 =	sadd.s32 $0x1, s19;
	[tilespmem:v8+s17+$0x0] =	vst.idx.add.f32.msk vm2, v4;
	v11 =	vand.u32 $0x3FF, v11  }
0x4c6: {  	[tilespmem:v10+s17+$0x0] =	vst.idx.add.f32.msk vm3, v5;
	p0 =	sne.s32 s19, $0x20  }
.Ltmp27:
0x4c7: {  	[tilespmem:v7+s17+$0x0] =	vst.idx.add.f32.msk vm0, v3;
	(pc) =	sbr.rel @p0 .LBB2_53-.Ltmp27, $4  }
0x4c8: {  	[tilespmem:v9+s15+$0x0] =	vst.idx.add.s32.msk vm1, v1  }
0x4c9: {  	[tilespmem:v9+s17+$0x0] =	vst.idx.add.f32.msk vm1, v2  }
0x4ca: {  	[tilespmem:v11+s15+$0x0] =	vst.idx.add.s32.msk vm15, v1  }
0x4cb: {  	s18 =	sadd.s32 $0x200, s18;
	s16 =	sadd.s32 $0x1, s16;
	[tilespmem:v11+s17+$0x0] =	vst.idx.add.f32.msk vm15, v6  }
0x4cc: {  	s15 =	simm.s32 $0x0;
	s0 =	rddreg [dreg:$0xc];
	s30 =	simm.s32 $0x2  }
0x4cd: {  	[tilespmem:s15], [sflag:$0x1] =	stream.linear.gather [hbm4b:s0+s15], $0x4000, $0x38;
	[tilespmem:$0xB380] =	vst v63  }
0x4ce: {  	_ =	swait.ge [sflag:s30], $0x4000  }
0x4cf: {  	[sflag:s30] =	ssyncset.done $0x0  }
0x4d0: {  	s14 =	simm.s32 $0x8000;
	s16 =	simm.s32 $0x8800;
	[sflag:s30] =	ssyncadd.s32 $0xFFFFC000  }
0x4d1: {  	v1 =	vimm.s32 $0x1;
	s17 =	simm.s32 $0x0;
	s18 =	simm.s32 $0x0;
	s20 =	rddreg [dreg:$0x5]  }
.LBB2_57:
0x4d2: {  	s0 =	sshll.u32 s17, $0x2;
	s1 =	sand.u32 $0x7, s15  }
0x4d3: {  	s0 =	sand.u32 $0xFFFFC000, s0;
	s1 =	sshll.u32 s1, $0x9  }
0x4d4: {  	s0 =	sor.u32 s1, s0  }
0x4d5: {  	s0 =	sshrl.u32 s0, $0x2  }
0x4d6: {  	s30 =	sadd.s32 $0x4040, s0  }
0x4d7: {  	v6 =	vld [tilespmem:s30+$0xFFFFFFC0]  }
0x4d8: {  	v11 =	vld [tilespmem:s30+$0x10]  }
0x4d9: {  	v7 =	vld [tilespmem:s30+$0x30];
	_ =	sdelay $0x2  }
0x4da: {  	vm0 =	vgt.s32 v6, $0x0  }
0x4db: {  	vm2 =	vgt.s32 v11, $0x0;
	v3 =	vnsel vm0, $0x0, v6  }
0x4dc: {  	v4 =	vld [tilespmem:s30+$0xFFFFFFE0];
	vm0 =	vgt.s32 v7, $0x0;
	v9 =	vnsel vm2, $0x0, v11;
	v5 =	vshrl.u32 v3, $0x14  }
0x4dd: {  	v2 =	vld [tilespmem:s30+$0xFFFFFFF0];
	v8 =	vshrl.u32 v3, $0xA;
	v13 =	vshrl.u32 v9, $0x14;
	vm1 =	veq.s32 v5, v0  }
0x4de: {  	v3 =	vld [tilespmem:s30+$0xFFFFFFD0];
	v9 =	vshrl.u32 v9, $0xA;
	v8 =	vand.u32 $0x3FF, v8;
	vm4 =	veq.s32 v13, v0  }
0x4df: {  	v5 =	vnsel vm0, $0x0, v7;
	v14 =	vand.u32 $0x3FF, v9  }
0x4e0: {  	v10 =	vshrl.u32 v5, $0x14  }
0x4e1: {  	v12 =	vshrl.u32 v5, $0xA;
	v5 =	vld [tilespmem:s30+$0x0];
	vm3 =	veq.s32 v10, v0  }
0x4e2: {  	vm2 =	vgt.s32 v2, $0x0;
	vm0 =	vgt.s32 v4, $0x0;
	v10 =	vand.u32 $0x3FF, v12  }
0x4e3: {  	v61 =	vnsel vm2, $0x0, v2;
	v60 =	vnsel vm0, $0x0, v4;
	vm0 =	vgt.s32 v3, $0x0;
	[tilespmem:v8+s14+$0x0] =	vst.idx.add.s32.msk vm1, v1  }
0x4e4: {  	v16 =	vshrl.u32 v61, $0x14;
	v12 =	vshrl.u32 v60, $0x14;
	v15 =	vnsel vm0, $0x0, v3;
	[tilespmem:v14+s14+$0x0] =	vst.idx.add.s32.msk vm4, v1  }
0x4e5: {  	v9 =	vshrl.u32 v60, $0xA;
	vm2 =	veq.s32 v12, v0;
	v62 =	vshrl.u32 v15, $0x14;
	[tilespmem:v8+s16+$0x0] =	vst.idx.add.f32.msk vm1, v6  }
0x4e6: {  	vm5 =	vgt.s32 v5, $0x0;
	v8 =	vand.u32 $0x3FF, v9;
	v6 =	vld [tilespmem:s30+$0x20];
	vm1 =	veq.s32 v16, v0  }
0x4e7: {  	v9 =	vshrl.u32 v61, $0xA;
	vm0 =	veq.s32 v62, v0;
	v63 =	vnsel vm5, $0x0, v5;
	[tilespmem:v10+s14+$0x0] =	vst.idx.add.s32.msk vm3, v1  }
0x4e8: {  	v12 =	vshrl.u32 v63, $0xA;
	[tilespmem:v10+s16+$0x0] =	vst.idx.add.f32.msk vm3, v7;
	v7 =	vshrl.u32 v15, $0xA;
	v10 =	vshrl.u32 v63, $0x14  }
0x4e9: {  	s0 =	simm.s32 $0x0;
	s19 =	sadd.s32 $0x400, s30;
	[tilespmem:v14+s16+$0x0] =	vst.idx.add.f32.msk vm4, v11;
	v7 =	vand.u32 $0x3FF, v7;
	vm3 =	veq.s32 v10, v0;
	v10 =	vand.u32 $0x3FF, v12  }
.LBB2_58:
0x4ea: {  	v11 =	vld [tilespmem:s19+$0x10];
	s0 =	sadd.s32 $0x8, s0  }
0x4eb: {  	v12 =	vld [tilespmem:s19+$0xFFFFFFD0];
	p0 =	slt.u32 s0, $0x18  }
0x4ec: {  	vm4 =	vgt.s32 v6, $0x0;
	v13 =	vld [tilespmem:s19+$0xFFFFFFC0]  }
0x4ed: {  	v14 =	vnsel vm4, $0x0, v6;
	[tilespmem:v8+s14+$0x0] =	vst.idx.add.s32.msk vm2, v1  }
0x4ee: {  	v16 =	vshrl.u32 v14, $0x14;
	v14 =	vshrl.u32 v14, $0xA;
	v15 =	vld [tilespmem:s19+$0x30]  }
0x4ef: {  	vm4 =	veq.s32 v16, v0;
	v14 =	vand.u32 $0x3FF, v14;
	v17 =	vld [tilespmem:s19+$0xFFFFFFE0]  }
0x4f0: {  	v9 =	vand.u32 $0x3FF, v9;
	[tilespmem:v10+s14+$0x0] =	vst.idx.add.s32.msk vm3, v1  }
0x4f1: {  	vm5 =	vgt.s32 v13, $0x0;
	v16 =	vld [tilespmem:s19+$0xFFFFFFF0]  }
0x4f2: {  	v18 =	vnsel vm5, $0x0, v13;
	[tilespmem:v8+s16+$0x0] =	vst.idx.add.f32.msk vm2, v4  }
0x4f3: {  	v20 =	vshrl.u32 v18, $0x14;
	v8 =	vshrl.u32 v18, $0xA;
	v18 =	vld [tilespmem:s19+$0x0];
	vm2 =	vgt.s32 v15, $0x0  }
0x4f4: {  	vm6 =	vgt.s32 v11, $0x0;
	vm5 =	veq.s32 v20, v0;
	v19 =	vnsel vm2, $0x0, v15;
	[tilespmem:v10+s16+$0x0] =	vst.idx.add.f32.msk vm3, v5;
	v4 =	vmovc v17  }
0x4f5: {  	v10 =	vand.u32 $0x3FF, v8;
	v5 =	vnsel vm6, $0x0, v11;
	v8 =	vshrl.u32 v19, $0xA;
	[tilespmem:v9+s14+$0x0] =	vst.idx.add.s32.msk vm1, v1  }
0x4f6: {  	v17 =	vshrl.u32 v5, $0x14;
	v20 =	vshrl.u32 v5, $0xA;
	v5 =	vshrl.u32 v19, $0x14;
	[tilespmem:v7+s14+$0x0] =	vst.idx.add.s32.msk vm0, v1  }
0x4f7: {  	vm2 =	vgt.s32 v4, $0x0;
	vm3 =	vgt.s32 v16, $0x0;
	v19 =	vand.u32 $0x3FF, v8;
	[tilespmem:v14+s14+$0x0] =	vst.idx.add.s32.msk vm4, v1  }
0x4f8: {  	v8 =	vnsel vm2, $0x0, v4;
	v21 =	vnsel vm3, $0x0, v16;
	vm3 =	veq.s32 v5, v0;
	[tilespmem:v9+s16+$0x0] =	vst.idx.add.f32.msk vm1, v2;
	v2 =	vmovc v16  }
0x4f9: {  	vm6 =	veq.s32 v17, v0;
	vm1 =	vgt.s32 v12, $0x0;
	v9 =	vshrl.u32 v8, $0xA;
	v5 =	vmovc v18;
	[tilespmem:v14+s16+$0x0] =	vst.idx.add.f32.msk vm4, v6  }
0x4fa: {  	v8 =	vshrl.u32 v8, $0x14;
	v6 =	vnsel vm1, $0x0, v12;
	v14 =	vshrl.u32 v21, $0x14;
	[tilespmem:v7+s16+$0x0] =	vst.idx.add.f32.msk vm0, v3;
	v3 =	vmovc v12  }
0x4fb: {  	vm2 =	veq.s32 v8, v0;
	v8 =	vand.u32 $0x3FF, v9;
	v12 =	vand.u32 $0x3FF, v20;
	[tilespmem:v10+s14+$0x0] =	vst.idx.add.s32.msk vm5, v1  }
0x4fc: {  	v9 =	vshrl.u32 v21, $0xA;
	v7 =	vshrl.u32 v6, $0x14;
	vm1 =	veq.s32 v14, v0;
	[tilespmem:v10+s16+$0x0] =	vst.idx.add.f32.msk vm5, v13  }
.Ltmp28:
0x4fd: {  	vm0 =	veq.s32 v7, v0;
	v7 =	vshrl.u32 v6, $0xA;
	v6 =	vld [tilespmem:s19+$0x20];
	(pc) =	sbr.rel @p0 .LBB2_58-.Ltmp28, $4  }
0x4fe: {  	vm4 =	vgt.s32 v5, $0x0;
	v7 =	vand.u32 $0x3FF, v7;
	[tilespmem:v19+s14+$0x0] =	vst.idx.add.s32.msk vm3, v1  }
0x4ff: {  	v10 =	vnsel vm4, $0x0, v5;
	[tilespmem:v19+s16+$0x0] =	vst.idx.add.f32.msk vm3, v15  }
0x500: {  	v13 =	vshrl.u32 v10, $0x14;
	v10 =	vshrl.u32 v10, $0xA;
	[tilespmem:v12+s14+$0x0] =	vst.idx.add.s32.msk vm6, v1  }
0x501: {  	s19 =	sadd.s32 $0x400, s19;
	v10 =	vand.u32 $0x3FF, v10;
	vm3 =	veq.s32 v13, v0;
	[tilespmem:v12+s16+$0x0] =	vst.idx.add.f32.msk vm6, v11  }
0x502: {  	_ =	sdelay $0x3  }
0x503: {  	vm4 =	vgt.s32 v6, $0x0  }
0x504: {  	[tilespmem:v8+s14+$0x0] =	vst.idx.add.s32.msk vm2, v1;
	v11 =	vnsel vm4, $0x0, v6  }
0x505: {  	v9 =	vand.u32 $0x3FF, v9;
	[tilespmem:v10+s14+$0x0] =	vst.idx.add.s32.msk vm3, v1;
	v12 =	vshrl.u32 v11, $0x14  }
0x506: {  	[tilespmem:v7+s14+$0x0] =	vst.idx.add.s32.msk vm0, v1;
	v11 =	vshrl.u32 v11, $0xA;
	vm15 =	veq.s32 v12, v0  }
0x507: {  	s18 =	sadd.s32 $0x1, s18;
	[tilespmem:v8+s16+$0x0] =	vst.idx.add.f32.msk vm2, v4;
	v11 =	vand.u32 $0x3FF, v11  }
0x508: {  	[tilespmem:v10+s16+$0x0] =	vst.idx.add.f32.msk vm3, v5;
	p0 =	sne.s32 s18, $0x20  }
.Ltmp29:
0x509: {  	[tilespmem:v7+s16+$0x0] =	vst.idx.add.f32.msk vm0, v3;
	(pc) =	sbr.rel @p0 .LBB2_57-.Ltmp29, $4  }
0x50a: {  	[tilespmem:v9+s14+$0x0] =	vst.idx.add.s32.msk vm1, v1  }
0x50b: {  	[tilespmem:v9+s16+$0x0] =	vst.idx.add.f32.msk vm1, v2  }
0x50c: {  	[tilespmem:v11+s14+$0x0] =	vst.idx.add.s32.msk vm15, v1  }
0x50d: {  	s17 =	sadd.s32 $0x200, s17;
	s15 =	sadd.s32 $0x1, s15;
	[tilespmem:v11+s16+$0x0] =	vst.idx.add.f32.msk vm15, v6  }
0x50e: {  	s14 =	simm.s32 $0x0  }
0x50f: {  	s0 =	simm.s32 $0x4000;
	s1 =	rddreg [dreg:$0xb];
	s30 =	simm.s32 $0x1  }
0x510: {  	[tilespmem:s0], [sflag:$0x2] =	stream.linear.gather [hbm4b:s1+s14], $0x4000, $0x38;
	[tilespmem:$0xB380] =	vst v63  }
0x511: {  	_ =	swait.ge [sflag:s30], $0x4000  }
0x512: {  	s13 =	simm.s32 $0x8000;
	s15 =	simm.s32 $0x8800;
	[sflag:s30] =	ssyncset.done $0x0  }
0x513: {  	v1 =	vimm.s32 $0x1;
	s16 =	simm.s32 $0x0;
	s17 =	simm.s32 $0x0;
	[sflag:s30] =	ssyncadd.s32 $0xFFFFC000  }
.LBB2_61:
0x514: {  	s0 =	sshll.u32 s16, $0x2;
	s1 =	sand.u32 $0x7, s14  }
0x515: {  	s0 =	sand.u32 $0xFFFFC000, s0;
	s1 =	sshll.u32 s1, $0x9  }
0x516: {  	s0 =	sor.u32 s1, s0  }
0x517: {  	s0 =	sshrl.u32 s0, $0x2  }
0x518: {  	s30 =	sor.u32 $0x40, s0  }
0x519: {  	v6 =	vld [tilespmem:s30+$0xFFFFFFC0]  }
0x51a: {  	v11 =	vld [tilespmem:s30+$0x10]  }
0x51b: {  	v7 =	vld [tilespmem:s30+$0x30];
	_ =	sdelay $0x2  }
0x51c: {  	vm0 =	vgt.s32 v6, $0x0  }
0x51d: {  	vm2 =	vgt.s32 v11, $0x0;
	v3 =	vnsel vm0, $0x0, v6  }
0x51e: {  	v4 =	vld [tilespmem:s30+$0xFFFFFFE0];
	vm0 =	vgt.s32 v7, $0x0;
	v9 =	vnsel vm2, $0x0, v11;
	v5 =	vshrl.u32 v3, $0x14  }
0x51f: {  	v2 =	vld [tilespmem:s30+$0xFFFFFFF0];
	v8 =	vshrl.u32 v3, $0xA;
	v13 =	vshrl.u32 v9, $0x14;
	vm1 =	veq.s32 v5, v0  }
0x520: {  	v3 =	vld [tilespmem:s30+$0xFFFFFFD0];
	v9 =	vshrl.u32 v9, $0xA;
	v8 =	vand.u32 $0x3FF, v8;
	vm4 =	veq.s32 v13, v0  }
0x521: {  	v5 =	vnsel vm0, $0x0, v7;
	v14 =	vand.u32 $0x3FF, v9  }
0x522: {  	v10 =	vshrl.u32 v5, $0x14  }
0x523: {  	v12 =	vshrl.u32 v5, $0xA;
	v5 =	vld [tilespmem:s30+$0x0];
	vm3 =	veq.s32 v10, v0  }
0x524: {  	vm2 =	vgt.s32 v2, $0x0;
	vm0 =	vgt.s32 v4, $0x0;
	v10 =	vand.u32 $0x3FF, v12  }
0x525: {  	v61 =	vnsel vm2, $0x0, v2;
	v60 =	vnsel vm0, $0x0, v4;
	vm0 =	vgt.s32 v3, $0x0;
	[tilespmem:v8+s13+$0x0] =	vst.idx.add.s32.msk vm1, v1  }
0x526: {  	v16 =	vshrl.u32 v61, $0x14;
	v12 =	vshrl.u32 v60, $0x14;
	v15 =	vnsel vm0, $0x0, v3;
	[tilespmem:v14+s13+$0x0] =	vst.idx.add.s32.msk vm4, v1  }
0x527: {  	v9 =	vshrl.u32 v60, $0xA;
	vm2 =	veq.s32 v12, v0;
	v62 =	vshrl.u32 v15, $0x14;
	[tilespmem:v8+s15+$0x0] =	vst.idx.add.f32.msk vm1, v6  }
0x528: {  	vm5 =	vgt.s32 v5, $0x0;
	v8 =	vand.u32 $0x3FF, v9;
	v6 =	vld [tilespmem:s30+$0x20];
	vm1 =	veq.s32 v16, v0  }
0x529: {  	v9 =	vshrl.u32 v61, $0xA;
	vm0 =	veq.s32 v62, v0;
	v63 =	vnsel vm5, $0x0, v5;
	[tilespmem:v10+s13+$0x0] =	vst.idx.add.s32.msk vm3, v1  }
0x52a: {  	v12 =	vshrl.u32 v63, $0xA;
	[tilespmem:v10+s15+$0x0] =	vst.idx.add.f32.msk vm3, v7;
	v7 =	vshrl.u32 v15, $0xA;
	v10 =	vshrl.u32 v63, $0x14  }
0x52b: {  	s0 =	simm.s32 $0x0;
	s18 =	sadd.s32 $0x400, s30;
	[tilespmem:v14+s15+$0x0] =	vst.idx.add.f32.msk vm4, v11;
	v7 =	vand.u32 $0x3FF, v7;
	vm3 =	veq.s32 v10, v0;
	v10 =	vand.u32 $0x3FF, v12  }
.LBB2_62:
0x52c: {  	v11 =	vld [tilespmem:s18+$0x10];
	s0 =	sadd.s32 $0x8, s0  }
0x52d: {  	v12 =	vld [tilespmem:s18+$0xFFFFFFD0];
	p0 =	slt.u32 s0, $0x18  }
0x52e: {  	vm4 =	vgt.s32 v6, $0x0;
	v13 =	vld [tilespmem:s18+$0xFFFFFFC0]  }
0x52f: {  	v14 =	vnsel vm4, $0x0, v6;
	[tilespmem:v8+s13+$0x0] =	vst.idx.add.s32.msk vm2, v1  }
0x530: {  	v16 =	vshrl.u32 v14, $0x14;
	v14 =	vshrl.u32 v14, $0xA;
	v15 =	vld [tilespmem:s18+$0x30]  }
0x531: {  	vm4 =	veq.s32 v16, v0;
	v14 =	vand.u32 $0x3FF, v14;
	v17 =	vld [tilespmem:s18+$0xFFFFFFE0]  }
0x532: {  	v9 =	vand.u32 $0x3FF, v9;
	[tilespmem:v10+s13+$0x0] =	vst.idx.add.s32.msk vm3, v1  }
0x533: {  	vm5 =	vgt.s32 v13, $0x0;
	v16 =	vld [tilespmem:s18+$0xFFFFFFF0]  }
0x534: {  	v18 =	vnsel vm5, $0x0, v13;
	[tilespmem:v8+s15+$0x0] =	vst.idx.add.f32.msk vm2, v4  }
0x535: {  	v20 =	vshrl.u32 v18, $0x14;
	v8 =	vshrl.u32 v18, $0xA;
	v18 =	vld [tilespmem:s18+$0x0];
	vm2 =	vgt.s32 v15, $0x0  }
0x536: {  	vm6 =	vgt.s32 v11, $0x0;
	vm5 =	veq.s32 v20, v0;
	v19 =	vnsel vm2, $0x0, v15;
	[tilespmem:v10+s15+$0x0] =	vst.idx.add.f32.msk vm3, v5;
	v4 =	vmovc v17  }
0x537: {  	v10 =	vand.u32 $0x3FF, v8;
	v5 =	vnsel vm6, $0x0, v11;
	v8 =	vshrl.u32 v19, $0xA;
	[tilespmem:v9+s13+$0x0] =	vst.idx.add.s32.msk vm1, v1  }
0x538: {  	v17 =	vshrl.u32 v5, $0x14;
	v20 =	vshrl.u32 v5, $0xA;
	v5 =	vshrl.u32 v19, $0x14;
	[tilespmem:v7+s13+$0x0] =	vst.idx.add.s32.msk vm0, v1  }
0x539: {  	vm2 =	vgt.s32 v4, $0x0;
	vm3 =	vgt.s32 v16, $0x0;
	v19 =	vand.u32 $0x3FF, v8;
	[tilespmem:v14+s13+$0x0] =	vst.idx.add.s32.msk vm4, v1  }
0x53a: {  	v8 =	vnsel vm2, $0x0, v4;
	v21 =	vnsel vm3, $0x0, v16;
	vm3 =	veq.s32 v5, v0;
	[tilespmem:v9+s15+$0x0] =	vst.idx.add.f32.msk vm1, v2;
	v2 =	vmovc v16  }
0x53b: {  	vm6 =	veq.s32 v17, v0;
	vm1 =	vgt.s32 v12, $0x0;
	v9 =	vshrl.u32 v8, $0xA;
	v5 =	vmovc v18;
	[tilespmem:v14+s15+$0x0] =	vst.idx.add.f32.msk vm4, v6  }
0x53c: {  	v8 =	vshrl.u32 v8, $0x14;
	v6 =	vnsel vm1, $0x0, v12;
	v14 =	vshrl.u32 v21, $0x14;
	[tilespmem:v7+s15+$0x0] =	vst.idx.add.f32.msk vm0, v3;
	v3 =	vmovc v12  }
0x53d: {  	vm2 =	veq.s32 v8, v0;
	v8 =	vand.u32 $0x3FF, v9;
	v12 =	vand.u32 $0x3FF, v20;
	[tilespmem:v10+s13+$0x0] =	vst.idx.add.s32.msk vm5, v1  }
0x53e: {  	v9 =	vshrl.u32 v21, $0xA;
	v7 =	vshrl.u32 v6, $0x14;
	vm1 =	veq.s32 v14, v0;
	[tilespmem:v10+s15+$0x0] =	vst.idx.add.f32.msk vm5, v13  }
.Ltmp30:
0x53f: {  	vm0 =	veq.s32 v7, v0;
	v7 =	vshrl.u32 v6, $0xA;
	v6 =	vld [tilespmem:s18+$0x20];
	(pc) =	sbr.rel @p0 .LBB2_62-.Ltmp30, $4  }
0x540: {  	vm4 =	vgt.s32 v5, $0x0;
	v7 =	vand.u32 $0x3FF, v7;
	[tilespmem:v19+s13+$0x0] =	vst.idx.add.s32.msk vm3, v1  }
0x541: {  	v10 =	vnsel vm4, $0x0, v5;
	[tilespmem:v19+s15+$0x0] =	vst.idx.add.f32.msk vm3, v15  }
0x542: {  	v13 =	vshrl.u32 v10, $0x14;
	v10 =	vshrl.u32 v10, $0xA;
	[tilespmem:v12+s13+$0x0] =	vst.idx.add.s32.msk vm6, v1  }
0x543: {  	s18 =	sadd.s32 $0x400, s18;
	v10 =	vand.u32 $0x3FF, v10;
	vm3 =	veq.s32 v13, v0;
	[tilespmem:v12+s15+$0x0] =	vst.idx.add.f32.msk vm6, v11  }
0x544: {  	_ =	sdelay $0x3  }
0x545: {  	vm4 =	vgt.s32 v6, $0x0  }
0x546: {  	[tilespmem:v8+s13+$0x0] =	vst.idx.add.s32.msk vm2, v1;
	v11 =	vnsel vm4, $0x0, v6  }
0x547: {  	v9 =	vand.u32 $0x3FF, v9;
	[tilespmem:v10+s13+$0x0] =	vst.idx.add.s32.msk vm3, v1;
	v12 =	vshrl.u32 v11, $0x14  }
0x548: {  	[tilespmem:v7+s13+$0x0] =	vst.idx.add.s32.msk vm0, v1;
	v11 =	vshrl.u32 v11, $0xA;
	vm15 =	veq.s32 v12, v0  }
0x549: {  	s17 =	sadd.s32 $0x1, s17;
	[tilespmem:v8+s15+$0x0] =	vst.idx.add.f32.msk vm2, v4;
	v11 =	vand.u32 $0x3FF, v11  }
0x54a: {  	[tilespmem:v10+s15+$0x0] =	vst.idx.add.f32.msk vm3, v5;
	p0 =	sne.s32 s17, $0x20  }
.Ltmp31:
0x54b: {  	[tilespmem:v7+s15+$0x0] =	vst.idx.add.f32.msk vm0, v3;
	(pc) =	sbr.rel @p0 .LBB2_61-.Ltmp31, $4  }
0x54c: {  	[tilespmem:v9+s13+$0x0] =	vst.idx.add.s32.msk vm1, v1  }
0x54d: {  	[tilespmem:v9+s15+$0x0] =	vst.idx.add.f32.msk vm1, v2  }
0x54e: {  	[tilespmem:v11+s13+$0x0] =	vst.idx.add.s32.msk vm15, v1  }
0x54f: {  	s16 =	sadd.s32 $0x200, s16;
	s14 =	sadd.s32 $0x1, s14;
	[tilespmem:v11+s15+$0x0] =	vst.idx.add.f32.msk vm15, v6  }
0x550: {  	s13 =	simm.s32 $0x0;
	s0 =	rddreg [dreg:$0xa];
	s30 =	simm.s32 $0x2  }
0x551: {  	[tilespmem:s13], [sflag:$0x1] =	stream.linear.gather [hbm4b:s0+s13], $0x4000, $0x38;
	[tilespmem:$0xB380] =	vst v63  }
0x552: {  	_ =	swait.ge [sflag:s30], $0x4000  }
0x553: {  	s11 =	simm.s32 $0x8000;
	s14 =	simm.s32 $0x8800;
	[sflag:s30] =	ssyncset.done $0x0  }
0x554: {  	v1 =	vimm.s32 $0x1;
	s15 =	simm.s32 $0x0;
	s16 =	simm.s32 $0x0;
	[sflag:s30] =	ssyncadd.s32 $0xFFFFC000  }
.LBB2_65:
0x555: {  	s0 =	sshll.u32 s15, $0x2;
	s1 =	sand.u32 $0x7, s13  }
0x556: {  	s0 =	sand.u32 $0xFFFFC000, s0;
	s1 =	sshll.u32 s1, $0x9  }
0x557: {  	s0 =	sor.u32 s1, s0  }
0x558: {  	s0 =	sshrl.u32 s0, $0x2  }
0x559: {  	s30 =	sadd.s32 $0x4040, s0  }
0x55a: {  	v6 =	vld [tilespmem:s30+$0xFFFFFFC0]  }
0x55b: {  	v11 =	vld [tilespmem:s30+$0x10]  }
0x55c: {  	v7 =	vld [tilespmem:s30+$0x30];
	_ =	sdelay $0x2  }
0x55d: {  	vm0 =	vgt.s32 v6, $0x0  }
0x55e: {  	vm2 =	vgt.s32 v11, $0x0;
	v3 =	vnsel vm0, $0x0, v6  }
0x55f: {  	v4 =	vld [tilespmem:s30+$0xFFFFFFE0];
	vm0 =	vgt.s32 v7, $0x0;
	v9 =	vnsel vm2, $0x0, v11;
	v5 =	vshrl.u32 v3, $0x14  }
0x560: {  	v2 =	vld [tilespmem:s30+$0xFFFFFFF0];
	v8 =	vshrl.u32 v3, $0xA;
	v13 =	vshrl.u32 v9, $0x14;
	vm1 =	veq.s32 v5, v0  }
0x561: {  	v3 =	vld [tilespmem:s30+$0xFFFFFFD0];
	v9 =	vshrl.u32 v9, $0xA;
	v8 =	vand.u32 $0x3FF, v8;
	vm4 =	veq.s32 v13, v0  }
0x562: {  	v5 =	vnsel vm0, $0x0, v7;
	v14 =	vand.u32 $0x3FF, v9  }
0x563: {  	v10 =	vshrl.u32 v5, $0x14  }
0x564: {  	v12 =	vshrl.u32 v5, $0xA;
	v5 =	vld [tilespmem:s30+$0x0];
	vm3 =	veq.s32 v10, v0  }
0x565: {  	vm2 =	vgt.s32 v2, $0x0;
	vm0 =	vgt.s32 v4, $0x0;
	v10 =	vand.u32 $0x3FF, v12  }
0x566: {  	v61 =	vnsel vm2, $0x0, v2;
	v60 =	vnsel vm0, $0x0, v4;
	vm0 =	vgt.s32 v3, $0x0;
	[tilespmem:v8+s11+$0x0] =	vst.idx.add.s32.msk vm1, v1  }
0x567: {  	v16 =	vshrl.u32 v61, $0x14;
	v12 =	vshrl.u32 v60, $0x14;
	v15 =	vnsel vm0, $0x0, v3;
	[tilespmem:v14+s11+$0x0] =	vst.idx.add.s32.msk vm4, v1  }
0x568: {  	v9 =	vshrl.u32 v60, $0xA;
	vm2 =	veq.s32 v12, v0;
	v62 =	vshrl.u32 v15, $0x14;
	[tilespmem:v8+s14+$0x0] =	vst.idx.add.f32.msk vm1, v6  }
0x569: {  	vm5 =	vgt.s32 v5, $0x0;
	v8 =	vand.u32 $0x3FF, v9;
	v6 =	vld [tilespmem:s30+$0x20];
	vm1 =	veq.s32 v16, v0  }
0x56a: {  	v9 =	vshrl.u32 v61, $0xA;
	vm0 =	veq.s32 v62, v0;
	v63 =	vnsel vm5, $0x0, v5;
	[tilespmem:v10+s11+$0x0] =	vst.idx.add.s32.msk vm3, v1  }
0x56b: {  	v12 =	vshrl.u32 v63, $0xA;
	[tilespmem:v10+s14+$0x0] =	vst.idx.add.f32.msk vm3, v7;
	v7 =	vshrl.u32 v15, $0xA;
	v10 =	vshrl.u32 v63, $0x14  }
0x56c: {  	s0 =	simm.s32 $0x0;
	s17 =	sadd.s32 $0x400, s30;
	[tilespmem:v14+s14+$0x0] =	vst.idx.add.f32.msk vm4, v11;
	v7 =	vand.u32 $0x3FF, v7;
	vm3 =	veq.s32 v10, v0;
	v10 =	vand.u32 $0x3FF, v12  }
.LBB2_66:
0x56d: {  	v11 =	vld [tilespmem:s17+$0x10];
	s0 =	sadd.s32 $0x8, s0  }
0x56e: {  	v12 =	vld [tilespmem:s17+$0xFFFFFFD0];
	p0 =	slt.u32 s0, $0x18  }
0x56f: {  	vm4 =	vgt.s32 v6, $0x0;
	v13 =	vld [tilespmem:s17+$0xFFFFFFC0]  }
0x570: {  	v14 =	vnsel vm4, $0x0, v6;
	[tilespmem:v8+s11+$0x0] =	vst.idx.add.s32.msk vm2, v1  }
0x571: {  	v16 =	vshrl.u32 v14, $0x14;
	v14 =	vshrl.u32 v14, $0xA;
	v15 =	vld [tilespmem:s17+$0x30]  }
0x572: {  	vm4 =	veq.s32 v16, v0;
	v14 =	vand.u32 $0x3FF, v14;
	v17 =	vld [tilespmem:s17+$0xFFFFFFE0]  }
0x573: {  	v9 =	vand.u32 $0x3FF, v9;
	[tilespmem:v10+s11+$0x0] =	vst.idx.add.s32.msk vm3, v1  }
0x574: {  	vm5 =	vgt.s32 v13, $0x0;
	v16 =	vld [tilespmem:s17+$0xFFFFFFF0]  }
0x575: {  	v18 =	vnsel vm5, $0x0, v13;
	[tilespmem:v8+s14+$0x0] =	vst.idx.add.f32.msk vm2, v4  }
0x576: {  	v20 =	vshrl.u32 v18, $0x14;
	v8 =	vshrl.u32 v18, $0xA;
	v18 =	vld [tilespmem:s17+$0x0];
	vm2 =	vgt.s32 v15, $0x0  }
0x577: {  	vm6 =	vgt.s32 v11, $0x0;
	vm5 =	veq.s32 v20, v0;
	v19 =	vnsel vm2, $0x0, v15;
	[tilespmem:v10+s14+$0x0] =	vst.idx.add.f32.msk vm3, v5;
	v4 =	vmovc v17  }
0x578: {  	v10 =	vand.u32 $0x3FF, v8;
	v5 =	vnsel vm6, $0x0, v11;
	v8 =	vshrl.u32 v19, $0xA;
	[tilespmem:v9+s11+$0x0] =	vst.idx.add.s32.msk vm1, v1  }
0x579: {  	v17 =	vshrl.u32 v5, $0x14;
	v20 =	vshrl.u32 v5, $0xA;
	v5 =	vshrl.u32 v19, $0x14;
	[tilespmem:v7+s11+$0x0] =	vst.idx.add.s32.msk vm0, v1  }
0x57a: {  	vm2 =	vgt.s32 v4, $0x0;
	vm3 =	vgt.s32 v16, $0x0;
	v19 =	vand.u32 $0x3FF, v8;
	[tilespmem:v14+s11+$0x0] =	vst.idx.add.s32.msk vm4, v1  }
0x57b: {  	v8 =	vnsel vm2, $0x0, v4;
	v21 =	vnsel vm3, $0x0, v16;
	vm3 =	veq.s32 v5, v0;
	[tilespmem:v9+s14+$0x0] =	vst.idx.add.f32.msk vm1, v2;
	v2 =	vmovc v16  }
0x57c: {  	vm6 =	veq.s32 v17, v0;
	vm1 =	vgt.s32 v12, $0x0;
	v9 =	vshrl.u32 v8, $0xA;
	v5 =	vmovc v18;
	[tilespmem:v14+s14+$0x0] =	vst.idx.add.f32.msk vm4, v6  }
0x57d: {  	v8 =	vshrl.u32 v8, $0x14;
	v6 =	vnsel vm1, $0x0, v12;
	v14 =	vshrl.u32 v21, $0x14;
	[tilespmem:v7+s14+$0x0] =	vst.idx.add.f32.msk vm0, v3;
	v3 =	vmovc v12  }
0x57e: {  	vm2 =	veq.s32 v8, v0;
	v8 =	vand.u32 $0x3FF, v9;
	v12 =	vand.u32 $0x3FF, v20;
	[tilespmem:v10+s11+$0x0] =	vst.idx.add.s32.msk vm5, v1  }
0x57f: {  	v9 =	vshrl.u32 v21, $0xA;
	v7 =	vshrl.u32 v6, $0x14;
	vm1 =	veq.s32 v14, v0;
	[tilespmem:v10+s14+$0x0] =	vst.idx.add.f32.msk vm5, v13  }
.Ltmp32:
0x580: {  	vm0 =	veq.s32 v7, v0;
	v7 =	vshrl.u32 v6, $0xA;
	v6 =	vld [tilespmem:s17+$0x20];
	(pc) =	sbr.rel @p0 .LBB2_66-.Ltmp32, $4  }
0x581: {  	vm4 =	vgt.s32 v5, $0x0;
	v7 =	vand.u32 $0x3FF, v7;
	[tilespmem:v19+s11+$0x0] =	vst.idx.add.s32.msk vm3, v1  }
0x582: {  	v10 =	vnsel vm4, $0x0, v5;
	[tilespmem:v19+s14+$0x0] =	vst.idx.add.f32.msk vm3, v15  }
0x583: {  	v13 =	vshrl.u32 v10, $0x14;
	v10 =	vshrl.u32 v10, $0xA;
	[tilespmem:v12+s11+$0x0] =	vst.idx.add.s32.msk vm6, v1  }
0x584: {  	s17 =	sadd.s32 $0x400, s17;
	v10 =	vand.u32 $0x3FF, v10;
	vm3 =	veq.s32 v13, v0;
	[tilespmem:v12+s14+$0x0] =	vst.idx.add.f32.msk vm6, v11  }
0x585: {  	_ =	sdelay $0x3  }
0x586: {  	vm4 =	vgt.s32 v6, $0x0  }
0x587: {  	[tilespmem:v8+s11+$0x0] =	vst.idx.add.s32.msk vm2, v1;
	v11 =	vnsel vm4, $0x0, v6  }
0x588: {  	v9 =	vand.u32 $0x3FF, v9;
	[tilespmem:v10+s11+$0x0] =	vst.idx.add.s32.msk vm3, v1;
	v12 =	vshrl.u32 v11, $0x14  }
0x589: {  	[tilespmem:v7+s11+$0x0] =	vst.idx.add.s32.msk vm0, v1;
	v11 =	vshrl.u32 v11, $0xA;
	vm15 =	veq.s32 v12, v0  }
0x58a: {  	s16 =	sadd.s32 $0x1, s16;
	[tilespmem:v8+s14+$0x0] =	vst.idx.add.f32.msk vm2, v4;
	v11 =	vand.u32 $0x3FF, v11  }
0x58b: {  	[tilespmem:v10+s14+$0x0] =	vst.idx.add.f32.msk vm3, v5;
	p0 =	sne.s32 s16, $0x20  }
.Ltmp33:
0x58c: {  	[tilespmem:v7+s14+$0x0] =	vst.idx.add.f32.msk vm0, v3;
	(pc) =	sbr.rel @p0 .LBB2_65-.Ltmp33, $4  }
0x58d: {  	[tilespmem:v9+s11+$0x0] =	vst.idx.add.s32.msk vm1, v1  }
0x58e: {  	[tilespmem:v9+s14+$0x0] =	vst.idx.add.f32.msk vm1, v2  }
0x58f: {  	[tilespmem:v11+s11+$0x0] =	vst.idx.add.s32.msk vm15, v1  }
0x590: {  	s15 =	sadd.s32 $0x200, s15;
	s13 =	sadd.s32 $0x1, s13;
	[tilespmem:v11+s14+$0x0] =	vst.idx.add.f32.msk vm15, v6  }
0x591: {  	s11 =	simm.s32 $0x0  }
0x592: {  	s0 =	simm.s32 $0x4000;
	s1 =	rddreg [dreg:$0x9];
	s30 =	simm.s32 $0x1  }
0x593: {  	[tilespmem:s0], [sflag:$0x2] =	stream.linear.gather [hbm4b:s1+s11], $0x4000, $0x38;
	[tilespmem:$0xB380] =	vst v63  }
0x594: {  	_ =	swait.ge [sflag:s30], $0x4000  }
0x595: {  	s10 =	simm.s32 $0x8000;
	s13 =	simm.s32 $0x8800;
	[sflag:s30] =	ssyncset.done $0x0  }
0x596: {  	v1 =	vimm.s32 $0x1;
	s14 =	simm.s32 $0x0;
	s15 =	simm.s32 $0x0;
	[sflag:s30] =	ssyncadd.s32 $0xFFFFC000  }
.LBB2_69:
0x597: {  	s0 =	sshll.u32 s14, $0x2;
	s1 =	sand.u32 $0x7, s11  }
0x598: {  	s0 =	sand.u32 $0xFFFFC000, s0;
	s1 =	sshll.u32 s1, $0x9  }
0x599: {  	s0 =	sor.u32 s1, s0  }
0x59a: {  	s0 =	sshrl.u32 s0, $0x2  }
0x59b: {  	s30 =	sor.u32 $0x40, s0  }
0x59c: {  	v6 =	vld [tilespmem:s30+$0xFFFFFFC0]  }
0x59d: {  	v11 =	vld [tilespmem:s30+$0x10]  }
0x59e: {  	v7 =	vld [tilespmem:s30+$0x30];
	_ =	sdelay $0x2  }
0x59f: {  	vm0 =	vgt.s32 v6, $0x0  }
0x5a0: {  	vm2 =	vgt.s32 v11, $0x0;
	v3 =	vnsel vm0, $0x0, v6  }
0x5a1: {  	v4 =	vld [tilespmem:s30+$0xFFFFFFE0];
	vm0 =	vgt.s32 v7, $0x0;
	v9 =	vnsel vm2, $0x0, v11;
	v5 =	vshrl.u32 v3, $0x14  }
0x5a2: {  	v2 =	vld [tilespmem:s30+$0xFFFFFFF0];
	v8 =	vshrl.u32 v3, $0xA;
	v13 =	vshrl.u32 v9, $0x14;
	vm1 =	veq.s32 v5, v0  }
0x5a3: {  	v3 =	vld [tilespmem:s30+$0xFFFFFFD0];
	v9 =	vshrl.u32 v9, $0xA;
	v8 =	vand.u32 $0x3FF, v8;
	vm4 =	veq.s32 v13, v0  }
0x5a4: {  	v5 =	vnsel vm0, $0x0, v7;
	v14 =	vand.u32 $0x3FF, v9  }
0x5a5: {  	v10 =	vshrl.u32 v5, $0x14  }
0x5a6: {  	v12 =	vshrl.u32 v5, $0xA;
	v5 =	vld [tilespmem:s30+$0x0];
	vm3 =	veq.s32 v10, v0  }
0x5a7: {  	vm2 =	vgt.s32 v2, $0x0;
	vm0 =	vgt.s32 v4, $0x0;
	v10 =	vand.u32 $0x3FF, v12  }
0x5a8: {  	v61 =	vnsel vm2, $0x0, v2;
	v60 =	vnsel vm0, $0x0, v4;
	vm0 =	vgt.s32 v3, $0x0;
	[tilespmem:v8+s10+$0x0] =	vst.idx.add.s32.msk vm1, v1  }
0x5a9: {  	v16 =	vshrl.u32 v61, $0x14;
	v12 =	vshrl.u32 v60, $0x14;
	v15 =	vnsel vm0, $0x0, v3;
	[tilespmem:v14+s10+$0x0] =	vst.idx.add.s32.msk vm4, v1  }
0x5aa: {  	v9 =	vshrl.u32 v60, $0xA;
	vm2 =	veq.s32 v12, v0;
	v62 =	vshrl.u32 v15, $0x14;
	[tilespmem:v8+s13+$0x0] =	vst.idx.add.f32.msk vm1, v6  }
0x5ab: {  	vm5 =	vgt.s32 v5, $0x0;
	v8 =	vand.u32 $0x3FF, v9;
	v6 =	vld [tilespmem:s30+$0x20];
	vm1 =	veq.s32 v16, v0  }
0x5ac: {  	v9 =	vshrl.u32 v61, $0xA;
	vm0 =	veq.s32 v62, v0;
	v63 =	vnsel vm5, $0x0, v5;
	[tilespmem:v10+s10+$0x0] =	vst.idx.add.s32.msk vm3, v1  }
0x5ad: {  	v12 =	vshrl.u32 v63, $0xA;
	[tilespmem:v10+s13+$0x0] =	vst.idx.add.f32.msk vm3, v7;
	v7 =	vshrl.u32 v15, $0xA;
	v10 =	vshrl.u32 v63, $0x14  }
0x5ae: {  	s0 =	simm.s32 $0x0;
	s16 =	sadd.s32 $0x400, s30;
	[tilespmem:v14+s13+$0x0] =	vst.idx.add.f32.msk vm4, v11;
	v7 =	vand.u32 $0x3FF, v7;
	vm3 =	veq.s32 v10, v0;
	v10 =	vand.u32 $0x3FF, v12  }
.LBB2_70:
0x5af: {  	v11 =	vld [tilespmem:s16+$0x10];
	s0 =	sadd.s32 $0x8, s0  }
0x5b0: {  	v12 =	vld [tilespmem:s16+$0xFFFFFFD0];
	p0 =	slt.u32 s0, $0x18  }
0x5b1: {  	vm4 =	vgt.s32 v6, $0x0;
	v13 =	vld [tilespmem:s16+$0xFFFFFFC0]  }
0x5b2: {  	v14 =	vnsel vm4, $0x0, v6;
	[tilespmem:v8+s10+$0x0] =	vst.idx.add.s32.msk vm2, v1  }
0x5b3: {  	v16 =	vshrl.u32 v14, $0x14;
	v14 =	vshrl.u32 v14, $0xA;
	v15 =	vld [tilespmem:s16+$0x30]  }
0x5b4: {  	vm4 =	veq.s32 v16, v0;
	v14 =	vand.u32 $0x3FF, v14;
	v17 =	vld [tilespmem:s16+$0xFFFFFFE0]  }
0x5b5: {  	v9 =	vand.u32 $0x3FF, v9;
	[tilespmem:v10+s10+$0x0] =	vst.idx.add.s32.msk vm3, v1  }
0x5b6: {  	vm5 =	vgt.s32 v13, $0x0;
	v16 =	vld [tilespmem:s16+$0xFFFFFFF0]  }
0x5b7: {  	v18 =	vnsel vm5, $0x0, v13;
	[tilespmem:v8+s13+$0x0] =	vst.idx.add.f32.msk vm2, v4  }
0x5b8: {  	v20 =	vshrl.u32 v18, $0x14;
	v8 =	vshrl.u32 v18, $0xA;
	v18 =	vld [tilespmem:s16+$0x0];
	vm2 =	vgt.s32 v15, $0x0  }
0x5b9: {  	vm6 =	vgt.s32 v11, $0x0;
	vm5 =	veq.s32 v20, v0;
	v19 =	vnsel vm2, $0x0, v15;
	[tilespmem:v10+s13+$0x0] =	vst.idx.add.f32.msk vm3, v5;
	v4 =	vmovc v17  }
0x5ba: {  	v10 =	vand.u32 $0x3FF, v8;
	v5 =	vnsel vm6, $0x0, v11;
	v8 =	vshrl.u32 v19, $0xA;
	[tilespmem:v9+s10+$0x0] =	vst.idx.add.s32.msk vm1, v1  }
0x5bb: {  	v17 =	vshrl.u32 v5, $0x14;
	v20 =	vshrl.u32 v5, $0xA;
	v5 =	vshrl.u32 v19, $0x14;
	[tilespmem:v7+s10+$0x0] =	vst.idx.add.s32.msk vm0, v1  }
0x5bc: {  	vm2 =	vgt.s32 v4, $0x0;
	vm3 =	vgt.s32 v16, $0x0;
	v19 =	vand.u32 $0x3FF, v8;
	[tilespmem:v14+s10+$0x0] =	vst.idx.add.s32.msk vm4, v1  }
0x5bd: {  	v8 =	vnsel vm2, $0x0, v4;
	v21 =	vnsel vm3, $0x0, v16;
	vm3 =	veq.s32 v5, v0;
	[tilespmem:v9+s13+$0x0] =	vst.idx.add.f32.msk vm1, v2;
	v2 =	vmovc v16  }
0x5be: {  	vm6 =	veq.s32 v17, v0;
	vm1 =	vgt.s32 v12, $0x0;
	v9 =	vshrl.u32 v8, $0xA;
	v5 =	vmovc v18;
	[tilespmem:v14+s13+$0x0] =	vst.idx.add.f32.msk vm4, v6  }
0x5bf: {  	v8 =	vshrl.u32 v8, $0x14;
	v6 =	vnsel vm1, $0x0, v12;
	v14 =	vshrl.u32 v21, $0x14;
	[tilespmem:v7+s13+$0x0] =	vst.idx.add.f32.msk vm0, v3;
	v3 =	vmovc v12  }
0x5c0: {  	vm2 =	veq.s32 v8, v0;
	v8 =	vand.u32 $0x3FF, v9;
	v12 =	vand.u32 $0x3FF, v20;
	[tilespmem:v10+s10+$0x0] =	vst.idx.add.s32.msk vm5, v1  }
0x5c1: {  	v9 =	vshrl.u32 v21, $0xA;
	v7 =	vshrl.u32 v6, $0x14;
	vm1 =	veq.s32 v14, v0;
	[tilespmem:v10+s13+$0x0] =	vst.idx.add.f32.msk vm5, v13  }
.Ltmp34:
0x5c2: {  	vm0 =	veq.s32 v7, v0;
	v7 =	vshrl.u32 v6, $0xA;
	v6 =	vld [tilespmem:s16+$0x20];
	(pc) =	sbr.rel @p0 .LBB2_70-.Ltmp34, $4  }
0x5c3: {  	vm4 =	vgt.s32 v5, $0x0;
	v7 =	vand.u32 $0x3FF, v7;
	[tilespmem:v19+s10+$0x0] =	vst.idx.add.s32.msk vm3, v1  }
0x5c4: {  	v10 =	vnsel vm4, $0x0, v5;
	[tilespmem:v19+s13+$0x0] =	vst.idx.add.f32.msk vm3, v15  }
0x5c5: {  	v13 =	vshrl.u32 v10, $0x14;
	v10 =	vshrl.u32 v10, $0xA;
	[tilespmem:v12+s10+$0x0] =	vst.idx.add.s32.msk vm6, v1  }
0x5c6: {  	s16 =	sadd.s32 $0x400, s16;
	v10 =	vand.u32 $0x3FF, v10;
	vm3 =	veq.s32 v13, v0;
	[tilespmem:v12+s13+$0x0] =	vst.idx.add.f32.msk vm6, v11  }
0x5c7: {  	_ =	sdelay $0x3  }
0x5c8: {  	vm4 =	vgt.s32 v6, $0x0  }
0x5c9: {  	[tilespmem:v8+s10+$0x0] =	vst.idx.add.s32.msk vm2, v1;
	v11 =	vnsel vm4, $0x0, v6  }
0x5ca: {  	v9 =	vand.u32 $0x3FF, v9;
	[tilespmem:v10+s10+$0x0] =	vst.idx.add.s32.msk vm3, v1;
	v12 =	vshrl.u32 v11, $0x14  }
0x5cb: {  	[tilespmem:v7+s10+$0x0] =	vst.idx.add.s32.msk vm0, v1;
	v11 =	vshrl.u32 v11, $0xA;
	vm15 =	veq.s32 v12, v0  }
0x5cc: {  	s15 =	sadd.s32 $0x1, s15;
	[tilespmem:v8+s13+$0x0] =	vst.idx.add.f32.msk vm2, v4;
	v11 =	vand.u32 $0x3FF, v11  }
0x5cd: {  	[tilespmem:v10+s13+$0x0] =	vst.idx.add.f32.msk vm3, v5;
	p0 =	sne.s32 s15, $0x20  }
.Ltmp35:
0x5ce: {  	[tilespmem:v7+s13+$0x0] =	vst.idx.add.f32.msk vm0, v3;
	(pc) =	sbr.rel @p0 .LBB2_69-.Ltmp35, $4  }
0x5cf: {  	[tilespmem:v9+s10+$0x0] =	vst.idx.add.s32.msk vm1, v1  }
0x5d0: {  	[tilespmem:v9+s13+$0x0] =	vst.idx.add.f32.msk vm1, v2  }
0x5d1: {  	[tilespmem:v11+s10+$0x0] =	vst.idx.add.s32.msk vm15, v1  }
0x5d2: {  	s14 =	sadd.s32 $0x200, s14;
	s11 =	sadd.s32 $0x1, s11;
	[tilespmem:v11+s13+$0x0] =	vst.idx.add.f32.msk vm15, v6  }
0x5d3: {  	s0 =	simm.s32 $0x2  }
0x5d4: {  	s10 =	simm.s32 $0x0;
	_ =	swait.ge [sflag:s0], $0x4000  }
0x5d5: {  	s11 =	simm.s32 $0x8000;
	s13 =	simm.s32 $0x8800;
	[sflag:s0] =	ssyncset.done $0x0  }
0x5d6: {  	v1 =	vimm.s32 $0x1;
	s14 =	simm.s32 $0x0;
	s15 =	simm.s32 $0x0;
	[sflag:s0] =	ssyncadd.s32 $0xFFFFC000  }
.LBB2_73:
0x5d7: {  	s0 =	sshll.u32 s14, $0x2;
	s1 =	sand.u32 $0x7, s10  }
0x5d8: {  	s0 =	sand.u32 $0xFFFFC000, s0;
	s1 =	sshll.u32 s1, $0x9  }
0x5d9: {  	s0 =	sor.u32 s1, s0  }
0x5da: {  	s0 =	sshrl.u32 s0, $0x2  }
0x5db: {  	s30 =	sadd.s32 $0x4040, s0  }
0x5dc: {  	v6 =	vld [tilespmem:s30+$0xFFFFFFC0]  }
0x5dd: {  	v11 =	vld [tilespmem:s30+$0x10]  }
0x5de: {  	v7 =	vld [tilespmem:s30+$0x30];
	_ =	sdelay $0x2  }
0x5df: {  	vm0 =	vgt.s32 v6, $0x0  }
0x5e0: {  	vm2 =	vgt.s32 v11, $0x0;
	v3 =	vnsel vm0, $0x0, v6  }
0x5e1: {  	v4 =	vld [tilespmem:s30+$0xFFFFFFE0];
	vm0 =	vgt.s32 v7, $0x0;
	v9 =	vnsel vm2, $0x0, v11;
	v5 =	vshrl.u32 v3, $0x14  }
0x5e2: {  	v2 =	vld [tilespmem:s30+$0xFFFFFFF0];
	v8 =	vshrl.u32 v3, $0xA;
	v13 =	vshrl.u32 v9, $0x14;
	vm1 =	veq.s32 v5, v0  }
0x5e3: {  	v3 =	vld [tilespmem:s30+$0xFFFFFFD0];
	v9 =	vshrl.u32 v9, $0xA;
	v8 =	vand.u32 $0x3FF, v8;
	vm4 =	veq.s32 v13, v0  }
0x5e4: {  	v5 =	vnsel vm0, $0x0, v7;
	v14 =	vand.u32 $0x3FF, v9  }
0x5e5: {  	v10 =	vshrl.u32 v5, $0x14  }
0x5e6: {  	v12 =	vshrl.u32 v5, $0xA;
	v5 =	vld [tilespmem:s30+$0x0];
	vm3 =	veq.s32 v10, v0  }
0x5e7: {  	vm2 =	vgt.s32 v2, $0x0;
	vm0 =	vgt.s32 v4, $0x0;
	v10 =	vand.u32 $0x3FF, v12  }
0x5e8: {  	v61 =	vnsel vm2, $0x0, v2;
	v60 =	vnsel vm0, $0x0, v4;
	vm0 =	vgt.s32 v3, $0x0;
	[tilespmem:v8+s11+$0x0] =	vst.idx.add.s32.msk vm1, v1  }
0x5e9: {  	v16 =	vshrl.u32 v61, $0x14;
	v12 =	vshrl.u32 v60, $0x14;
	v15 =	vnsel vm0, $0x0, v3;
	[tilespmem:v14+s11+$0x0] =	vst.idx.add.s32.msk vm4, v1  }
0x5ea: {  	v9 =	vshrl.u32 v60, $0xA;
	vm2 =	veq.s32 v12, v0;
	v62 =	vshrl.u32 v15, $0x14;
	[tilespmem:v8+s13+$0x0] =	vst.idx.add.f32.msk vm1, v6  }
0x5eb: {  	vm5 =	vgt.s32 v5, $0x0;
	v8 =	vand.u32 $0x3FF, v9;
	v6 =	vld [tilespmem:s30+$0x20];
	vm1 =	veq.s32 v16, v0  }
0x5ec: {  	v9 =	vshrl.u32 v61, $0xA;
	vm0 =	veq.s32 v62, v0;
	v63 =	vnsel vm5, $0x0, v5;
	[tilespmem:v10+s11+$0x0] =	vst.idx.add.s32.msk vm3, v1  }
0x5ed: {  	v12 =	vshrl.u32 v63, $0xA;
	[tilespmem:v10+s13+$0x0] =	vst.idx.add.f32.msk vm3, v7;
	v7 =	vshrl.u32 v15, $0xA;
	v10 =	vshrl.u32 v63, $0x14  }
0x5ee: {  	s0 =	simm.s32 $0x0;
	s16 =	sadd.s32 $0x400, s30;
	[tilespmem:v14+s13+$0x0] =	vst.idx.add.f32.msk vm4, v11;
	v7 =	vand.u32 $0x3FF, v7;
	vm3 =	veq.s32 v10, v0;
	v10 =	vand.u32 $0x3FF, v12  }
.LBB2_74:
0x5ef: {  	v11 =	vld [tilespmem:s16+$0x10];
	s0 =	sadd.s32 $0x8, s0  }
0x5f0: {  	v12 =	vld [tilespmem:s16+$0xFFFFFFD0];
	p0 =	slt.u32 s0, $0x18  }
0x5f1: {  	vm4 =	vgt.s32 v6, $0x0;
	v13 =	vld [tilespmem:s16+$0xFFFFFFC0]  }
0x5f2: {  	v14 =	vnsel vm4, $0x0, v6;
	[tilespmem:v8+s11+$0x0] =	vst.idx.add.s32.msk vm2, v1  }
0x5f3: {  	v16 =	vshrl.u32 v14, $0x14;
	v14 =	vshrl.u32 v14, $0xA;
	v15 =	vld [tilespmem:s16+$0x30]  }
0x5f4: {  	vm4 =	veq.s32 v16, v0;
	v14 =	vand.u32 $0x3FF, v14;
	v17 =	vld [tilespmem:s16+$0xFFFFFFE0]  }
0x5f5: {  	v9 =	vand.u32 $0x3FF, v9;
	[tilespmem:v10+s11+$0x0] =	vst.idx.add.s32.msk vm3, v1  }
0x5f6: {  	vm5 =	vgt.s32 v13, $0x0;
	v16 =	vld [tilespmem:s16+$0xFFFFFFF0]  }
0x5f7: {  	v18 =	vnsel vm5, $0x0, v13;
	[tilespmem:v8+s13+$0x0] =	vst.idx.add.f32.msk vm2, v4  }
0x5f8: {  	v20 =	vshrl.u32 v18, $0x14;
	v8 =	vshrl.u32 v18, $0xA;
	v18 =	vld [tilespmem:s16+$0x0];
	vm2 =	vgt.s32 v15, $0x0  }
0x5f9: {  	vm6 =	vgt.s32 v11, $0x0;
	vm5 =	veq.s32 v20, v0;
	v19 =	vnsel vm2, $0x0, v15;
	[tilespmem:v10+s13+$0x0] =	vst.idx.add.f32.msk vm3, v5;
	v4 =	vmovc v17  }
0x5fa: {  	v10 =	vand.u32 $0x3FF, v8;
	v5 =	vnsel vm6, $0x0, v11;
	v8 =	vshrl.u32 v19, $0xA;
	[tilespmem:v9+s11+$0x0] =	vst.idx.add.s32.msk vm1, v1  }
0x5fb: {  	v17 =	vshrl.u32 v5, $0x14;
	v20 =	vshrl.u32 v5, $0xA;
	v5 =	vshrl.u32 v19, $0x14;
	[tilespmem:v7+s11+$0x0] =	vst.idx.add.s32.msk vm0, v1  }
0x5fc: {  	vm2 =	vgt.s32 v4, $0x0;
	vm3 =	vgt.s32 v16, $0x0;
	v19 =	vand.u32 $0x3FF, v8;
	[tilespmem:v14+s11+$0x0] =	vst.idx.add.s32.msk vm4, v1  }
0x5fd: {  	v8 =	vnsel vm2, $0x0, v4;
	v21 =	vnsel vm3, $0x0, v16;
	vm3 =	veq.s32 v5, v0;
	[tilespmem:v9+s13+$0x0] =	vst.idx.add.f32.msk vm1, v2;
	v2 =	vmovc v16  }
0x5fe: {  	vm6 =	veq.s32 v17, v0;
	vm1 =	vgt.s32 v12, $0x0;
	v9 =	vshrl.u32 v8, $0xA;
	v5 =	vmovc v18;
	[tilespmem:v14+s13+$0x0] =	vst.idx.add.f32.msk vm4, v6  }
0x5ff: {  	v8 =	vshrl.u32 v8, $0x14;
	v6 =	vnsel vm1, $0x0, v12;
	v14 =	vshrl.u32 v21, $0x14;
	[tilespmem:v7+s13+$0x0] =	vst.idx.add.f32.msk vm0, v3;
	v3 =	vmovc v12  }
0x600: {  	vm2 =	veq.s32 v8, v0;
	v8 =	vand.u32 $0x3FF, v9;
	v12 =	vand.u32 $0x3FF, v20;
	[tilespmem:v10+s11+$0x0] =	vst.idx.add.s32.msk vm5, v1  }
0x601: {  	v9 =	vshrl.u32 v21, $0xA;
	v7 =	vshrl.u32 v6, $0x14;
	vm1 =	veq.s32 v14, v0;
	[tilespmem:v10+s13+$0x0] =	vst.idx.add.f32.msk vm5, v13  }
.Ltmp36:
0x602: {  	vm0 =	veq.s32 v7, v0;
	v7 =	vshrl.u32 v6, $0xA;
	v6 =	vld [tilespmem:s16+$0x20];
	(pc) =	sbr.rel @p0 .LBB2_74-.Ltmp36, $4  }
0x603: {  	vm4 =	vgt.s32 v5, $0x0;
	v7 =	vand.u32 $0x3FF, v7;
	[tilespmem:v19+s11+$0x0] =	vst.idx.add.s32.msk vm3, v1  }
0x604: {  	v10 =	vnsel vm4, $0x0, v5;
	[tilespmem:v19+s13+$0x0] =	vst.idx.add.f32.msk vm3, v15  }
0x605: {  	v13 =	vshrl.u32 v10, $0x14;
	v10 =	vshrl.u32 v10, $0xA;
	[tilespmem:v12+s11+$0x0] =	vst.idx.add.s32.msk vm6, v1  }
0x606: {  	s16 =	sadd.s32 $0x400, s16;
	v10 =	vand.u32 $0x3FF, v10;
	vm3 =	veq.s32 v13, v0;
	[tilespmem:v12+s13+$0x0] =	vst.idx.add.f32.msk vm6, v11  }
0x607: {  	_ =	sdelay $0x3  }
0x608: {  	vm4 =	vgt.s32 v6, $0x0  }
0x609: {  	[tilespmem:v8+s11+$0x0] =	vst.idx.add.s32.msk vm2, v1;
	v11 =	vnsel vm4, $0x0, v6  }
0x60a: {  	v9 =	vand.u32 $0x3FF, v9;
	[tilespmem:v10+s11+$0x0] =	vst.idx.add.s32.msk vm3, v1;
	v12 =	vshrl.u32 v11, $0x14  }
0x60b: {  	[tilespmem:v7+s11+$0x0] =	vst.idx.add.s32.msk vm0, v1;
	v11 =	vshrl.u32 v11, $0xA;
	vm15 =	veq.s32 v12, v0  }
0x60c: {  	s15 =	sadd.s32 $0x1, s15;
	[tilespmem:v8+s13+$0x0] =	vst.idx.add.f32.msk vm2, v4;
	v11 =	vand.u32 $0x3FF, v11  }
0x60d: {  	[tilespmem:v10+s13+$0x0] =	vst.idx.add.f32.msk vm3, v5;
	p0 =	sne.s32 s15, $0x20  }
.Ltmp37:
0x60e: {  	[tilespmem:v7+s13+$0x0] =	vst.idx.add.f32.msk vm0, v3;
	(pc) =	sbr.rel @p0 .LBB2_73-.Ltmp37, $4  }
0x60f: {  	[tilespmem:v9+s11+$0x0] =	vst.idx.add.s32.msk vm1, v1  }
0x610: {  	[tilespmem:v9+s13+$0x0] =	vst.idx.add.f32.msk vm1, v2  }
0x611: {  	[tilespmem:v11+s11+$0x0] =	vst.idx.add.s32.msk vm15, v1  }
0x612: {  	s14 =	sadd.s32 $0x200, s14;
	s10 =	sadd.s32 $0x1, s10;
	[tilespmem:v11+s13+$0x0] =	vst.idx.add.f32.msk vm15, v6  }
0x613: {  	s0 =	simm.s32 $0x80  }
0x614: {  	s1 =	simm.s32 $0x400;
	s2 =	simm.s32 $0x8000;
	s3 =	rddreg [dreg:$0x7]  }
0x615: {  	[spmem:s3] =	stream.strided.scatter [tilespmem:s2], [sflag:$0x3], $0x400, s1, s0, $0x38;
	[tilespmem:$0xB380] =	vst v63  }
0x616: {  	s1 =	simm.s32 $0x3  }
0x617: {  	_ =	swait.ge [sflag:s1], $0x400  }
0x618: {  	[sflag:s1] =	ssyncset.done $0x0  }
0x619: {  	s29 =	sshll.u32 s31, $0x9;
	[sflag:s1] =	ssyncadd.s32 $0xFFFFFC00  }
0x61a: {  	v0 =	vimm.s32 $0x0;
	s0 =	sand.u32 $0x1C00, s29;
	s3 =	simm.s32 $0x0;
	[bflag:$0x0] =	sbarrier.arrive $0xFFFF  }
0x61b: {  	s4 =	sadd.s32 s0, s4;
	s30 =	sand.u32 $0x4000, s3;
	[tilespmem:$0x9100] =	vst v0  }
0x61c: {  	s6 =	sshll.u32 s31, $0x6;
	s5 =	sand.u32 $0x380, s3;
	s2 =	sadd.s32 s30, s4;
	[tilespmem:$0x9110] =	vst v0  }
0x61d: {  	s7 =	sand.u32 $0x40, s6;
	s5 =	sadd.s32 s5, s2;
	[tilespmem:$0x9120] =	vst v0  }
0x61e: {  	s2 =	simm.s32 $0x9000;
	s5 =	sadd.s32 s7, s5;
	[tilespmem:$0x9130] =	vst v0  }
0x61f: {  	[tilespmem:s2], [sflag:$0x3] =	stream.linear.gather [spmem:s5], $0x40, $0x38;
	[tilespmem:$0xB380] =	vst v63  }
0x620: {  	_ =	swait.ge [sflag:s1], $0x40  }
0x621: {  	[sflag:s1] =	ssyncset.done $0x0  }
0x622: {  	[sflag:s1] =	ssyncadd.s32 $0xFFFFFFC0  }
0x623: {  	v2 =	vld [tilespmem:$0x9030]  }
0x624: {  	v0 =	vld [tilespmem:$0x9020]  }
0x625: {  	v3 =	vld [tilespmem:$0x9010]  }
0x626: {  	v1 =	vld [tilespmem:$0x9100]  }
0x627: {  	v4 =	vld [tilespmem:$0x9130]  }
0x628: {  	s5 =	simm.s32 $0x800;
	v5 =	vld [tilespmem:$0x9110]  }
.LBB2_77:
0x629: {  	p0 =	sne.s32 s5, $0x7800  }
0x62a: {  	v6 =	vld [tilespmem:$0x9120];
	s3 =	sadd.s32 $0x80, s3;
	s8 =	smov.u32 s5;
	s5 =	sadd.s32 $0x800, s5  }
0x62b: {  	v7 =	vld [tilespmem:$0x9000];
	_ =	sdelay $0x1  }
0x62c: {  	v2 =	vadd.s32 v4, v2  }
0x62d: {  	s8 =	sand.u32 $0x4000, s8;
	v3 =	vadd.s32 v5, v3;
	[tilespmem:$0x9130] =	vst v2  }
0x62e: {  	s10 =	sand.u32 $0x380, s3;
	s8 =	sadd.s32 s8, s4;
	[tilespmem:$0x9110] =	vst v3;
	v0 =	vadd.s32 v6, v0  }
0x62f: {  	s8 =	sadd.s32 s10, s8;
	v1 =	vadd.s32 v1, v7;
	[tilespmem:$0x9120] =	vst v0  }
0x630: {  	s8 =	sadd.s32 s7, s8;
	[tilespmem:$0x9100] =	vst v1  }
0x631: {  	[tilespmem:s2], [sflag:$0x3] =	stream.linear.gather [spmem:s8], $0x40, $0x38;
	[tilespmem:$0xB380] =	vst v63  }
0x632: {  	_ =	swait.ge [sflag:s1], $0x40  }
0x633: {  	[sflag:s1] =	ssyncset.done $0x0  }
0x634: {  	[sflag:s1] =	ssyncadd.s32 $0xFFFFFFC0  }
0x635: {  	v2 =	vld [tilespmem:$0x9030]  }
.Ltmp38:
0x636: {  	v0 =	vld [tilespmem:$0x9020];
	(pc) =	sbr.rel @p0 .LBB2_77-.Ltmp38, $4  }
0x637: {  	v3 =	vld [tilespmem:$0x9010]  }
0x638: {  	v1 =	vld [tilespmem:$0x9100]  }
0x639: {  	v4 =	vld [tilespmem:$0x9130]  }
0x63a: {  	v5 =	vld [tilespmem:$0x9110]  }
0x63b: {  	v6 =	vld [tilespmem:$0x9120]  }
0x63c: {  	v7 =	vld [tilespmem:$0x9000];
	_ =	sdelay $0x1  }
0x63d: {  	v2 =	vadd.s32 v4, v2  }
0x63e: {  	v3 =	vadd.s32 v5, v3;
	[tilespmem:$0x9130] =	vst v2  }
0x63f: {  	[tilespmem:$0x9110] =	vst v3;
	v0 =	vadd.s32 v6, v0  }
0x640: {  	v1 =	vadd.s32 v1, v7;
	[tilespmem:$0x9120] =	vst v0  }
0x641: {  	s1 =	sadd.s32 s6, s22;
	s2 =	simm.s32 $0x9100;
	[tilespmem:$0x9100] =	vst v1  }
0x642: {  	[spmem:s1] =	stream.linear.scatter [tilespmem:s2], [sflag:$0x3], $0x40, $0x38;
	[tilespmem:$0xB380] =	vst v63  }
0x643: {  	s1 =	simm.s32 $0x3  }
0x644: {  	_ =	swait.ge [sflag:s1], $0x40  }
0x645: {  	[sflag:s1] =	ssyncset.done $0x0  }
0x646: {  	[sflag:s1] =	ssyncadd.s32 $0xFFFFFFC0  }
0x647: {  	s26 =	simm.s32 $0x9200;
	[bflag:$0x0] =	sbarrier.arrive $0xFFFF  }
0x648: {  	[tilespmem:s26], [sflag:$0x3] =	stream.linear.gather [spmem:s22], $0x400, $0x38;
	[tilespmem:$0xB380] =	vst v63  }
0x649: {  	_ =	swait.ge [sflag:s1], $0x400  }
0x64a: {  	s28 =	simm.s32 $0x80;
	s3 =	simm.s32 $0x400;
	[sflag:s1] =	ssyncset.done $0x0  }
0x64b: {  	s4 =	simm.s32 $0x8800;
	s5 =	rddreg [dreg:$0x8];
	[sflag:s1] =	ssyncadd.s32 $0xFFFFFC00  }
0x64c: {  	[spmem:s5] =	stream.strided.scatter [tilespmem:s4], [sflag:$0x3], $0x400, s3, s28, $0x38;
	[tilespmem:$0xB380] =	vst v63  }
0x64d: {  	_ =	swait.ge [sflag:s1], $0x400  }
0x64e: {  	[sflag:s1] =	ssyncset.done $0x0  }
0x64f: {  	[sflag:s1] =	ssyncadd.s32 $0xFFFFFC00  }
0x650: {  	v0 =	vimm.f32 $0.0e+00;
	s3 =	simm.s32 $0x0;
	[bflag:$0x0] =	sbarrier.arrive $0xFFFF  }
0x651: {  	s0 =	sadd.s32 s0, s21;
	s29 =	sand.u32 $0x4000, s3;
	[tilespmem:$0x9180] =	vst v0  }
0x652: {  	s30 =	sand.u32 $0x380, s3;
	s2 =	sadd.s32 s29, s0;
	[tilespmem:$0x9190] =	vst v0  }
0x653: {  	s4 =	sadd.s32 s30, s2;
	[tilespmem:$0x91A0] =	vst v0  }
0x654: {  	s2 =	simm.s32 $0x9080;
	s4 =	sadd.s32 s7, s4;
	[tilespmem:$0x91B0] =	vst v0  }
0x655: {  	[tilespmem:s2], [sflag:$0x3] =	stream.linear.gather [spmem:s4], $0x40, $0x38;
	[tilespmem:$0xB380] =	vst v63  }
0x656: {  	_ =	swait.ge [sflag:s1], $0x40  }
0x657: {  	[sflag:s1] =	ssyncset.done $0x0  }
0x658: {  	[sflag:s1] =	ssyncadd.s32 $0xFFFFFFC0  }
0x659: {  	v1 =	vld [tilespmem:$0x90B0]  }
0x65a: {  	v2 =	vld [tilespmem:$0x90A0]  }
0x65b: {  	v0 =	vld [tilespmem:$0x9090]  }
0x65c: {  	v4 =	vld [tilespmem:$0x91A0]  }
0x65d: {  	v3 =	vld [tilespmem:$0x9180]  }
0x65e: {  	v5 =	vld [tilespmem:$0x91B0]  }
0x65f: {  	s4 =	simm.s32 $0x800;
	v6 =	vld [tilespmem:$0x9080]  }
.LBB2_79:
0x660: {  	p0 =	sne.s32 s4, $0x7800  }
0x661: {  	v7 =	vld [tilespmem:$0x9190];
	s3 =	sadd.s32 $0x80, s3;
	s5 =	smov.u32 s4;
	s4 =	sadd.s32 $0x800, s4  }
0x662: {  	_ = 	snop  }
0x663: {  	v2 =	vadd.f32 v2, v4  }
0x664: {  	v1 =	vadd.f32 v1, v5  }
0x665: {  	s5 =	sand.u32 $0x4000, s5;
	v3 =	vadd.f32 v6, v3;
	[tilespmem:$0x91A0] =	vst v2  }
0x666: {  	s8 =	sand.u32 $0x380, s3;
	s5 =	sadd.s32 s5, s0;
	v0 =	vadd.f32 v0, v7;
	[tilespmem:$0x91B0] =	vst v1  }
0x667: {  	s5 =	sadd.s32 s8, s5;
	[tilespmem:$0x9180] =	vst v3  }
0x668: {  	s5 =	sadd.s32 s7, s5;
	[tilespmem:$0x9190] =	vst v0  }
0x669: {  	[tilespmem:s2], [sflag:$0x3] =	stream.linear.gather [spmem:s5], $0x40, $0x38;
	[tilespmem:$0xB380] =	vst v63  }
0x66a: {  	_ =	swait.ge [sflag:s1], $0x40  }
0x66b: {  	[sflag:s1] =	ssyncset.done $0x0  }
0x66c: {  	[sflag:s1] =	ssyncadd.s32 $0xFFFFFFC0  }
0x66d: {  	v1 =	vld [tilespmem:$0x90B0]  }
0x66e: {  	v2 =	vld [tilespmem:$0x90A0]  }
.Ltmp39:
0x66f: {  	v0 =	vld [tilespmem:$0x9090];
	(pc) =	sbr.rel @p0 .LBB2_79-.Ltmp39, $4  }
0x670: {  	v4 =	vld [tilespmem:$0x91A0]  }
0x671: {  	v3 =	vld [tilespmem:$0x9180]  }
0x672: {  	v5 =	vld [tilespmem:$0x91B0]  }
0x673: {  	v6 =	vld [tilespmem:$0x9080]  }
0x674: {  	v7 =	vld [tilespmem:$0x9190];
	_ =	sdelay $0x1  }
0x675: {  	v2 =	vadd.f32 v2, v4  }
0x676: {  	v1 =	vadd.f32 v1, v5  }
0x677: {  	[tilespmem:$0x91A0] =	vst v2;
	v3 =	vadd.f32 v6, v3  }
0x678: {  	v0 =	vadd.f32 v0, v7;
	[tilespmem:$0x91B0] =	vst v1  }
0x679: {  	[tilespmem:$0x9180] =	vst v3  }
0x67a: {  	s0 =	sadd.s32 s6, s20;
	s1 =	simm.s32 $0x9180;
	s13 =	simm.s32 $0x3;
	[tilespmem:$0x9190] =	vst v0  }
0x67b: {  	[spmem:s0] =	stream.linear.scatter [tilespmem:s1], [sflag:$0x3], $0x40, $0x38;
	[tilespmem:$0xB380] =	vst v63  }
0x67c: {  	_ =	swait.ge [sflag:s13], $0x40  }
0x67d: {  	[sflag:s13] =	ssyncset.done $0x0  }
0x67e: {  	[sflag:s13] =	ssyncadd.s32 $0xFFFFFFC0  }
0x67f: {  	s14 =	simm.s32 $0x9A00;
	[bflag:$0x0] =	sbarrier.arrive $0xFFFF  }
0x680: {  	[tilespmem:s14], [sflag:$0x3] =	stream.linear.gather [spmem:s20], $0x400, $0x38;
	[tilespmem:$0xB380] =	vst v63  }
0x681: {  	_ =	swait.ge [sflag:s13], $0x400  }
0x682: {  	[sflag:s13] =	ssyncset.done $0x0  }
0x683: {  	s15 =	simm.s32 $0x95F0;
	[sflag:s13] =	ssyncadd.s32 $0xFFFFFC00  }
0x684: {  	v6 =	vld [tilespmem:s15+$0x0]  }
0x685: {  	v0 =	vlaneseq.u32  }
0x686: {  	v2 =	vmul.u32 $0xFFFFFFFF, v0;
	_ =	sdelay $0x1  }
0x687: {  	v3 =	vadd.s32 $0xF, v2  }
0x688: {  	v4 =	vperm.xlane v6, v3  }
0x689: {  	(xrf0) =	vadd.scan.msk.s32 $0xffff, v6  }
0x68a: {  	(xrf0) =	vadd.scan.msk.s32 $0xffff, v4;
	_ =	sdelay $0x1  }
0x68b: {  	s16 =	simm.s32 $0x95E0  }
0x68c: {  	v9 =	vld [tilespmem:s16+$0x0];
	_ =	sdelay $0x1  }
0x68d: {  	v4, _, _ =	vpop (xrf0)  }
0x68e: {  	(v2sf) =	vpush v4, $0xF;
	v5, _, _ =	vpop (xrf0)  }
0x68f: {  	v4 =	vperm.xlane v5, v3  }
0x690: {  	s3 =	ssub.s32 $0x166666, s9;
	s5 =	simm.s32 $0x0;
	(xrf0) =	vadd.scan.msk.s32 $0xffff, v9  }
0x691: {  	v1 =	vmov s3;
	v5 =	vperm.xlane v9, v3;
	v7 =	vadd.s32 s5, v4  }
0x692: {  	s17 =	simm.s32 $0x95D0;
	v2 =	vimm.s32 $0x0;
	vm0 =	vge.s32 v7, v1  }
0x693: {  	v11 =	vld [tilespmem:s17+$0x0];
	(xrf0) =	vadd.scan.msk.s32 $0xffff, v5;
	v4 =	vsel vm0, $0x1, v2  }
0x694: {  	(xrf0) =	vadd.scan.msk.s32 $0xffff, v4;
	_ =	sdelay $0x1  }
0x695: {  	v4, _, _ =	vpop (xrf0)  }
0x696: {  	(v2sf) =	vpush v4, $0xF  }
0x697: {  	(xrf0) =	vadd.scan.msk.s32 $0xffff, v11  }
0x698: {  	v4, _, _ =	vpop (xrf0)  }
0x699: {  	v5, _, _ =	vpop (xrf0)  }
0x69a: {  	(v2sf) =	vpush v5, $0xF;
	v5 =	vperm.xlane v11, v3;
	_ =	sdelay $0x1  }
0x69b: {  	v4 =	vperm.xlane v4, v3;
	s18 =	spop (v2sf);
	(xrf0) =	vadd.scan.msk.s32 $0xffff, v5  }
0x69c: {  	v8, _, _ =	vpop (xrf0);
	s0 =	sadd.s32 $0x0, s18  }
0x69d: {  	s19 =	simm.s32 $0x95C0;
	(v2sf) =	vpush v8, $0xF;
	v12 =	vadd.s32 s0, v4  }
0x69e: {  	v5 =	vld [tilespmem:s19+$0x0];
	vm8 =	vge.s32 v12, v1  }
0x69f: {  	v4 =	vsel vm8, $0x1, v2  }
0x6a0: {  	(xrf0) =	vadd.scan.msk.s32 $0xffff, v4  }
0x6a1: {  	v8, _, _ =	vpop (xrf0)  }
0x6a2: {  	v8 =	vperm.xlane v8, v3  }
0x6a3: {  	v4 =	vperm.xlane v5, v3  }
0x6a4: {  	(xrf0) =	vadd.scan.msk.s32 $0xffff, v5;
	s20 =	spop (v2sf)  }
0x6a5: {  	(xrf0) =	vadd.scan.msk.s32 $0xffff, v4;
	s0 =	sadd.s32 s0, s20  }
0x6a6: {  	s2 =	simm.s32 $0x95B0;
	v13 =	vadd.s32 s0, v8;
	v8, _, _ =	vpop (xrf0)  }
0x6a7: {  	v4 =	vld [tilespmem:s2+$0x0];
	vm9 =	vge.s32 v13, v1;
	(v2sf) =	vpush v8, $0xF  }
0x6a8: {  	v8 =	vsel vm9, $0x1, v2;
	_ =	sdelay $0x1  }
0x6a9: {  	v10, _, _ =	vpop (xrf0);
	s21 =	spop (v2sf)  }
0x6aa: {  	(v2sf) =	vpush v10, $0xF;
	(xrf0) =	vadd.scan.msk.s32 $0xffff, v8;
	s22 =	sadd.s32 $0xFFFFFFFF, s21;
	v8, _, _ =	vpop (xrf0)  }
0x6ab: {  	v10 =	vperm.xlane v4, v3;
	s23 =	spop (v2sf);
	v14 =	vmov s22;
	v8 =	vperm.xlane v8, v3  }
0x6ac: {  	(xrf0) =	vadd.scan.msk.s32 $0xffff, v4;
	s0 =	sadd.s32 s0, s23;
	vm10 =	veq.s32 v14, v0  }
0x6ad: {  	(xrf0) =	vadd.scan.msk.s32 $0xffff, v10;
	v6 =	vnsel vm10, $0x0, v6;
	v8 =	vadd.s32 s0, v8  }
0x6ae: {  	v7 =	vnsel vm10, $0x0, v7;
	(xrf0) =	vadd.scan.msk.s32 $0xffff, v6;
	vm11 =	vge.s32 v8, v1  }
0x6af: {  	(xrf0) =	vadd.scan.msk.s32 $0xffff, v7;
	v7 =	vsel vm11, $0x1, v2  }
0x6b0: {  	v6, _, _ =	vpop (xrf0);
	(xrf0) =	vadd.scan.msk.s32 $0xffff, v7  }
0x6b1: {  	s24 =	simm.s32 $0x95A0;
	(v2sf) =	vpush v6, $0xF  }
0x6b2: {  	v6, _, _ =	vpop (xrf0);
	v7 =	vld [tilespmem:s24+$0x0]  }
0x6b3: {  	(v2sf) =	vpush v6, $0xF;
	v6, _, _ =	vpop (xrf0)  }
0x6b4: {  	v10, _, _ =	vpop (xrf0)  }
0x6b5: {  	(v2sf) =	vpush v10, $0xF;
	v10, _, _ =	vpop (xrf0);
	s11 =	spop (v2sf)  }
0x6b6: {  	(v2sf) =	vpush v10, $0xF;
	v10, _, _ =	vpop (xrf0);
	s25 =	sadd.s32 $0xFFFFFFFF, s11  }
0x6b7: {  	(v2sf) =	vpush v10, $0xF;
	v10 =	vperm.xlane v7, v3;
	v14 =	vmov s25  }
0x6b8: {  	(xrf0) =	vadd.scan.msk.s32 $0xffff, v7;
	vm12 =	veq.s32 v14, v0  }
0x6b9: {  	(xrf0) =	vadd.scan.msk.s32 $0xffff, v10;
	v9 =	vnsel vm12, $0x0, v9  }
0x6ba: {  	v12 =	vnsel vm12, $0x0, v12;
	(xrf0) =	vadd.scan.msk.s32 $0xffff, v9  }
0x6bb: {  	(xrf0) =	vadd.scan.msk.s32 $0xffff, v12  }
0x6bc: {  	s4 =	simm.s32 $0x9590;
	v15 =	vperm.xlane v6, v3;
	s26 =	spop (v2sf)  }
0x6bd: {  	v6 =	vld [tilespmem:s4+$0x0];
	s0 =	sadd.s32 s0, s26  }
0x6be: {  	v10 =	vadd.s32 s0, v15;
	v12, _, _ =	vpop (xrf0)  }
0x6bf: {  	vm13 =	vge.s32 v10, v1;
	v14, _, _ =	vpop (xrf0)  }
0x6c0: {  	v9 =	vsel vm13, $0x1, v2;
	s16 =	spop (v2sf);
	(v2sf) =	vpush v12, $0xF;
	v15, _, _ =	vpop (xrf0)  }
0x6c1: {  	(xrf0) =	vadd.scan.msk.s32 $0xffff, v9;
	(v2sf) =	vpush v15, $0xF;
	v12, _, _ =	vpop (xrf0)  }
0x6c2: {  	(xrf0) =	vadd.scan.msk.s32 $0xffff, v6;
	(v2sf) =	vpush v12, $0xF;
	_ =	sdelay $0x1  }
0x6c3: {  	v9 =	vperm.xlane v6, v3  }
0x6c4: {  	s28 =	sadd.s32 $0xFFFFFFFF, s16  }
0x6c5: {  	(xrf0) =	vadd.scan.msk.s32 $0xffff, v9;
	v9 =	vmov s28  }
0x6c6: {  	p0 =	por $0x0, $0x0;
	s10 =	simm.s32 $0x3AF;
	s29 =	spop (v2sf);
	v14 =	vperm.xlane v14, v3;
	vm14 =	veq.s32 v9, v0;
	v12, _, _ =	vpop (xrf0)  }
0x6c7: {  	s9 =	simm.s32 $0x39F;
	s8 =	simm.s32 $0x38F;
	s0 =	sadd.s32 s0, s29;
	v11 =	vnsel vm14, $0x0, v11;
	(v2sf) =	vpush v12, $0xF;
	v12, _, _ =	vpop (xrf0)  }
0x6c8: {  	s7 =	simm.s32 $0x37F;
	s20 =	simm.s32 $0x9580;
	v9 =	vadd.s32 s0, v14;
	s19 =	spop (v2sf);
	v13 =	vnsel vm14, $0x0, v13;
	(xrf0) =	vadd.scan.msk.s32 $0xffff, v11;
	(v2sf) =	vpush v12, $0xF  }
0x6c9: {  	s6 =	simm.s32 $0x0;
	p2 =	por !p0, !p0;
	p1 =	sgt.s32 s21, $0x0;
	vm15 =	vge.s32 v9, v1;
	v11 =	vld [tilespmem:s20+$0x0];
	(xrf0) =	vadd.scan.msk.s32 $0xffff, v13  }
0x6ca: {  	s1 =	simm.s32 $0x36F;
	s13 =	simm.s32 $0x3BF;
	p2 =	por !p1, !p2;
	v13 =	vsel vm15, $0x1, v2  }
0x6cb: {  	s17 =	sadd.s32 $0x3EF, s21;
	p2 =	por !p2, !p2;
	s30 =	spop (v2sf);
	(xrf0) =	vadd.scan.msk.s32 $0xffff, v13  }
0x6cc: {  	s4 =	simm.s32 $0x0;
	s15 =	sadd.s32 $0x3DF, s11;
	s2 =	ssub.s32 s30, s19  }
0x6cd: {  	s14 =	sadd.s32 $0x3CF, s16;
	v12, _, _ =	vpop (xrf0);
	s4 =	smov.u32 @p2 s2;
	s18 =	spop (v2sf)  }
.LBB2_81:
0x6ce: {  	p3 =	seq.s32 s1, $0xFFFFFFFF;
	(xrf0) =	vadd.scan.msk.s32 $0xffff, v11;
	s2 =	sadd.s32 $0xFFFFFFFF, s18;
	s13 =	sadd.s32 s13, s18;
	v13, _, _ =	vpop (xrf0);
	v14 =	vmov v11  }
0x6cf: {  	s5 =	smov.u32 @p2 s17;
	s6 =	smov.u32 @p2 s19;
	s17 =	smov.u32 s15;
	v16 =	vperm.xlane v14, v3;
	v15 =	vmov s2;
	(v2sf) =	vpush v13, $0xF;
	v13, _, _ =	vpop (xrf0)  }
0x6d0: {  	v12 =	vperm.xlane v12, v3;
	s15 =	smov.u32 s14;
	s14 =	smov.u32 s13;
	s2 =	spop (v2sf);
	vm0 =	veq.s32 v15, v0;
	(v2sf) =	vpush v13, $0xF  }
0x6d1: {  	s13 =	smov.u32 s10;
	s10 =	smov.u32 s9;
	(xrf0) =	vadd.scan.msk.s32 $0xffff, v16;
	s0 =	sadd.s32 s0, s2;
	v11, _, _ =	vpop (xrf0);
	v13 =	vnsel vm0, $0x0, v5;
	v5 =	vmov v4;
	v4 =	vmov v7  }
0x6d2: {  	s20 =	sadd.s32 $0xFFFFFFF0, s20;
	s9 =	smov.u32 s8;
	s8 =	smov.u32 s7;
	v16 =	vnsel vm0, $0x0, v8;
	v8 =	vmovc v10;
	v15 =	vadd.s32 s0, v12;
	(v2sf) =	vpush v11, $0xF;
	(xrf0) =	vadd.scan.msk.s32 $0xffff, v13  }
.Ltmp40:
0x6d3: {  	p0 =	por p0, p1;
	s7 =	smov.u32 s1;
	v10 =	vmovc v9;
	v7 =	vmov v6;
	v11 =	vld [tilespmem:s20+$0x0];
	vm0 =	vge.s32 v15, v1;
	(xrf0) =	vadd.scan.msk.s32 $0xffff, v16;
	v9 =	vmov v15;
	(pc) =	sbr.rel @!p3 .LBB2_81-.Ltmp40, $4  }
0x6d4: {  	p1 =	sgt.s32 s11, $0x0;
	p2 =	por !p0, !p0;
	v6 =	vmov v14;
	v12, _, _ =	vpop (xrf0);
	v13 =	vsel vm0, $0x1, v2;
	s19 =	spop (v2sf)  }
0x6d5: {  	s11 =	smov.u32 s16;
	p2 =	por !p1, !p2;
	(v2sf) =	vpush v12, $0xF;
	(xrf0) =	vadd.scan.msk.s32 $0xffff, v13;
	s2 =	spop (v2sf)  }
0x6d6: {  	s16 =	smov.u32 s18;
	p2 =	por !p2, !p2;
	s2 =	ssub.s32 s2, s19  }
0x6d7: {  	s1 =	sadd.s32 $0xFFFFFFF0, s1;
	v12, _, _ =	vpop (xrf0);
	s18 =	spop (v2sf);
	s4 =	smov.u32 @p2 s2  }
0x6d8: {  	_ =	sdelay $0x2  }
0x6d9: {  	v13 =	vperm.xlane v11, v3  }
0x6da: {  	(xrf0) =	vadd.scan.msk.s32 $0xffff, v11  }
0x6db: {  	(xrf0) =	vadd.scan.msk.s32 $0xffff, v13;
	_ =	sdelay $0x1  }
0x6dc: {  	v58, _, _ =	vpop (xrf0)  }
0x6dd: {  	s1 =	spop (v2sf);
	v14, _, _ =	vpop (xrf0)  }
0x6de: {  	s2 =	sadd.s32 $0xFFFFFFFF, s18;
	v16, _, _ =	vpop (xrf0);
	s20 =	spop (v2sf)  }
0x6df: {  	v12 =	vperm.xlane v12, v3;
	v15 =	vmov s2;
	v59, _, _ =	vpop (xrf0);
	s22 =	spop (v2sf)  }
0x6e0: {  	s1 =	sadd.s32 s0, s1;
	vm0 =	veq.s32 v15, v0;
	v17, _, _ =	vpop (xrf0);
	s0 =	spop (v2sf)  }
0x6e1: {  	v12 =	vadd.s32 s1, v12;
	v5 =	vnsel vm0, $0x0, v5;
	v3 =	vperm.xlane v17, v3;
	s29 =	spop (v2sf)  }
0x6e2: {  	v8 =	vnsel vm0, $0x0, v8;
	vm11 =	vge.s32 v12, v1;
	(xrf0) =	vadd.scan.msk.s32 $0xffff, v5;
	s28 =	sadd.s32 $0xFFFFFFFF, s0;
	s1 =	sadd.s32 s1, s29  }
0x6e3: {  	v60 =	vsel vm11, $0x1, v2;
	(xrf0) =	vadd.scan.msk.s32 $0xffff, v8;
	v5 =	vmov s28;
	v3 =	vadd.s32 s1, v3  }
0x6e4: {  	(xrf0) =	vadd.scan.msk.s32 $0xffff, v60;
	vm12 =	veq.s32 v5, v0;
	vm13 =	vge.s32 v3, v1  }
0x6e5: {  	(v2sf) =	vpush v58, $0xF;
	v4 =	vnsel vm12, $0x0, v4;
	v1 =	vsel vm13, $0x1, v2  }
0x6e6: {  	(v2sf) =	vpush v14, $0xF;
	v5 =	vnsel vm12, $0x0, v10;
	(xrf0) =	vadd.scan.msk.s32 $0xffff, v4  }
0x6e7: {  	(v2sf) =	vpush v16, $0xF;
	(xrf0) =	vadd.scan.msk.s32 $0xffff, v5  }
0x6e8: {  	(v2sf) =	vpush v59, $0xF;
	(xrf0) =	vadd.scan.msk.s32 $0xffff, v1;
	v1, _, _ =	vpop (xrf0)  }
0x6e9: {  	v2, _, _ =	vpop (xrf0);
	(v2sf) =	vpush v1, $0xF  }
0x6ea: {  	(v2sf) =	vpush v2, $0xF;
	v1, _, _ =	vpop (xrf0)  }
0x6eb: {  	(v2sf) =	vpush v1, $0xF;
	_ =	sdelay $0x1  }
0x6ec: {  	v1, _, _ =	vpop (xrf0)  }
0x6ed: {  	(v2sf) =	vpush v1, $0xF;
	v1, _, _ =	vpop (xrf0)  }
0x6ee: {  	(v2sf) =	vpush v1, $0xF;
	v1, _, _ =	vpop (xrf0)  }
0x6ef: {  	(v2sf) =	vpush v1, $0xF;
	_ =	sdelay $0x3  }
0x6f0: {  	s26 =	spop (v2sf)  }
0x6f1: {  	s2 =	spop (v2sf)  }
0x6f2: {  	s1 =	spop (v2sf)  }
0x6f3: {  	s21 =	sadd.s32 $0xFFFFFFFF, s1;
	s30 =	spop (v2sf)  }
0x6f4: {  	v1 =	vmov s21;
	s25 =	spop (v2sf)  }
0x6f5: {  	vm14 =	veq.s32 v1, v0;
	s28 =	spop (v2sf)  }
0x6f6: {  	v1 =	vnsel vm14, $0x0, v7;
	s23 =	spop (v2sf)  }
0x6f7: {  	v2 =	vnsel vm14, $0x0, v9;
	(xrf0) =	vadd.scan.msk.s32 $0xffff, v1;
	s21 =	sadd.s32 $0xFFFFFFFF, s23  }
0x6f8: {  	(xrf0) =	vadd.scan.msk.s32 $0xffff, v2;
	v1 =	vmov s21  }
0x6f9: {  	s24 =	spop (v2sf);
	vm15 =	veq.s32 v1, v0  }
0x6fa: {  	s29 =	spop (v2sf);
	v1 =	vnsel vm15, $0x0, v6  }
0x6fb: {  	s21 =	spop (v2sf)  }
0x6fc: {  	s30 =	sadd.s32 $0xFFFFFFFF, s21;
	v4 =	vnsel vm15, $0x0, v12;
	(xrf0) =	vadd.scan.msk.s32 $0xffff, v1  }
0x6fd: {  	v2 =	vmov s30;
	(xrf0) =	vadd.scan.msk.s32 $0xffff, v4;
	v1, _, _ =	vpop (xrf0)  }
0x6fe: {  	s5 =	smov.u32 @p2 s17;
	vm4 =	veq.s32 v2, v0;
	(v2sf) =	vpush v1, $0xF;
	v0, _, _ =	vpop (xrf0)  }
0x6ff: {  	p1 =	por p0, p1;
	s6 =	smov.u32 @p2 s19;
	p5 =	sgt.s32 s11, $0x0;
	(v2sf) =	vpush v0, $0xF;
	v0 =	vnsel vm4, $0x0, v3  }
0x700: {  	p6 =	sgt.s32 s16, $0x0;
	p3 =	por !p1, !p1;
	p1 =	por p1, p5;
	v1 =	vnsel vm4, $0x0, v11  }
0x701: {  	p3 =	por !p5, !p3;
	p4 =	por !p1, !p1;
	p0 =	por p1, p6;
	(xrf0) =	vadd.scan.msk.s32 $0xffff, v1  }
0x702: {  	p5 =	sgt.s32 s18, $0x0;
	p2 =	por !p3, !p3;
	p3 =	por !p6, !p4;
	(xrf0) =	vadd.scan.msk.s32 $0xffff, v0;
	v0, _, _ =	vpop (xrf0)  }
0x703: {  	p6 =	por !p0, !p0;
	p0 =	por p0, p5;
	s5 =	smov.u32 @p2 s15;
	(v2sf) =	vpush v0, $0xF;
	v0, _, _ =	vpop (xrf0)  }
0x704: {  	p4 =	por !p5, !p6;
	p6 =	por !p0, !p0;
	s11 =	ssub.s32 s22, s20;
	(v2sf) =	vpush v0, $0xF  }
0x705: {  	s6 =	smov.u32 @p2 s20;
	s4 =	smov.u32 @p2 s11;
	p2 =	por !p3, !p3  }
0x706: {  	s5 =	smov.u32 @p2 s14;
	s10 =	sadd.s32 s10, s0;
	p5 =	sgt.s32 s0, $0x0  }
0x707: {  	p0 =	por p0, p5;
	s6 =	smov.u32 @p2 s26;
	s2 =	ssub.s32 s2, s26  }
0x708: {  	s4 =	smov.u32 @p2 s2;
	s2 =	sadd.s32 s13, s18;
	p2 =	por !p4, !p4  }
0x709: {  	p4 =	por !p5, !p6;
	p5 =	sgt.s32 s1, $0x0;
	p6 =	por !p0, !p0  }
0x70a: {  	s1 =	sadd.s32 s9, s1;
	s18 =	simm.s32 $0x9A00;
	p3 =	por !p5, !p6  }
0x70b: {  	s5 =	smov.u32 @p2 s2;
	p0 =	por p0, p5;
	p3 =	por !p3, !p3  }
0x70c: {  	p5 =	por !p0, !p0;
	s6 =	smov.u32 @p2 s25;
	s11 =	ssub.s32 s28, s25  }
0x70d: {  	s4 =	smov.u32 @p2 s11;
	p2 =	por !p4, !p4;
	p4 =	sgt.s32 s23, $0x0  }
0x70e: {  	s5 =	smov.u32 @p2 s10;
	s6 =	smov.u32 @p2 s24;
	p0 =	por p0, p4  }
0x70f: {  	s0 =	ssub.s32 s29, s24;
	s5 =	smov.u32 @p3 s1;
	s2 =	spop (v2sf)  }
0x710: {  	s1 =	sadd.s32 s8, s23;
	p0 =	por !p0, !p0;
	s14 =	spop (v2sf)  }
0x711: {  	s4 =	smov.u32 @p2 s0;
	p2 =	por !p4, !p5;
	s0 =	ssub.s32 s14, s2  }
0x712: {  	p6 =	sgt.s32 s21, $0x0;
	s4 =	smov.u32 @p3 s0;
	s0 =	spop (v2sf)  }
0x713: {  	p2 =	por !p2, !p2;
	p0 =	por !p6, !p0;
	s15 =	spop (v2sf)  }
0x714: {  	s5 =	smov.u32 @p2 s1;
	v2 =	vld [tilespmem:s18+$0x0];
	s6 =	smov.u32 @p3 s2;
	s2 =	ssub.s32 s15, s0  }
0x715: {  	p0 =	por !p0, !p0;
	v0, _, _ =	vpop (xrf0);
	s4 =	smov.u32 @p2 s2;
	s2 =	sadd.s32 s7, s21  }
0x716: {  	s17 =	simm.s32 $0x0;
	v1 =	vlaneseq.u32;
	(v2sf) =	vpush v0, $0xF;
	v0, _, _ =	vpop (xrf0);
	s5 =	smov.u32 @p0 s2  }
0x717: {  	v3 =	vor.u32 s17, v1;
	(v2sf) =	vpush v0, $0xF;
	v0 =	vmov s5  }
0x718: {  	vm5 =	veq.s32 v3, v0  }
0x719: {  	vm1 =	vgt.s32 v3, v0;
	v3 =	vnsel vm5, $0x0, v2  }
0x71a: {  	v2 =	vnsel vm1, $0x0, v2;
	(xrf2) =	vadd.scan.msk.f32 $0xffff, v3  }
0x71b: {  	(xrf2) =	vadd.scan.msk.f32 $0xffff, v2  }
0x71c: {  	s19 =	simm.s32 $0x9A10  }
0x71d: {  	v2 =	vld [tilespmem:s19+$0x0];
	_ =	sdelay $0x1  }
0x71e: {  	s21 =	simm.s32 $0x10  }
0x71f: {  	v4 =	vor.u32 s21, v1  }
0x720: {  	s20 =	simm.s32 $0x9A20;
	vm6 =	veq.s32 v4, v0  }
0x721: {  	vm7 =	vgt.s32 v4, v0;
	v3 =	vld [tilespmem:s20+$0x0];
	v4 =	vnsel vm6, $0x0, v2;
	_ =	sdelay $0x1  }
0x722: {  	s22 =	simm.s32 $0x20;
	s23 =	simm.s32 $0x9A30;
	v2 =	vnsel vm7, $0x0, v2;
	v61, _, _ =	vpop (xrf2);
	(xrf2) =	vadd.scan.msk.f32 $0xffff, v4  }
0x723: {  	v62 =	vld [tilespmem:s23+$0x0];
	v5 =	vor.u32 s22, v1;
	v4, _, _ =	vpop (xrf2);
	(xrf2) =	vadd.scan.msk.f32 $0xffff, v2  }
0x724: {  	vm8 =	veq.s32 v5, v0  }
0x725: {  	s24 =	simm.s32 $0x30;
	s8 =	spop (v2sf);
	(v2sf) =	vpush v61, $0xF;
	v2 =	vnsel vm8, $0x0, v3  }
0x726: {  	vm9 =	vgt.s32 v5, v0;
	(xrf2) =	vadd.scan.msk.f32 $0xffff, v2;
	v2 =	vor.u32 s24, v1  }
0x727: {  	v3 =	vnsel vm9, $0x0, v3;
	vm10 =	veq.s32 v2, v0  }
0x728: {  	(xrf2) =	vadd.scan.msk.f32 $0xffff, v3;
	v3 =	vnsel vm10, $0x0, v62  }
0x729: {  	(xrf2) =	vadd.scan.msk.f32 $0xffff, v3  }
0x72a: {  	s25 =	simm.s32 $0x9A40  }
0x72b: {  	v3 =	vld [tilespmem:s25+$0x0]  }
0x72c: {  	s16 =	spop (v2sf);
	(v2sf) =	vpush v4, $0xF;
	v4, _, _ =	vpop (xrf2)  }
0x72d: {  	s28 =	simm.s32 $0x40;
	vm11 =	vgt.s32 v2, v0;
	(v2sf) =	vpush v4, $0xF;
	v2, _, _ =	vpop (xrf2)  }
0x72e: {  	(v2sf) =	vpush v2, $0xF;
	v2 =	vor.u32 s28, v1  }
0x72f: {  	v5 =	vnsel vm11, $0x0, v62;
	vm13 =	veq.s32 v2, v0  }
0x730: {  	(xrf2) =	vadd.scan.msk.f32 $0xffff, v5;
	v5 =	vnsel vm13, $0x0, v3  }
0x731: {  	v63, _, _ =	vpop (xrf2)  }
0x732: {  	vm12 =	vgt.s32 v2, v0;
	(v2sf) =	vpush v63, $0xF;
	v2, _, _ =	vpop (xrf2)  }
0x733: {  	(xrf2) =	vadd.scan.msk.f32 $0xffff, v5;
	(v2sf) =	vpush v2, $0xF;
	v5, _, _ =	vpop (xrf2)  }
0x734: {  	s30 =	spop (v2sf);
	(v2sf) =	vpush v5, $0xF  }
0x735: {  	s26 =	simm.s32 $0x9A50  }
0x736: {  	v4 =	vld [tilespmem:s26+$0x0];
	_ =	sdelay $0x1  }
0x737: {  	s29 =	simm.s32 $0x50;
	v3 =	vnsel vm12, $0x0, v3  }
0x738: {  	s6 =	smov.u32 @p2 s0;
	s7 =	simm.s32 $0x9A60;
	s1 =	ssub.s32 s16, s8;
	v2 =	vor.u32 s29, v1;
	(xrf2) =	vadd.scan.msk.f32 $0xffff, v3  }
0x739: {  	s6 =	smov.u32 @p0 s8;
	s5 =	simm.f32 $0.0e+00;
	s4 =	smov.u32 @p0 s1;
	vm14 =	vgt.s32 v2, v0;
	vm15 =	veq.s32 v2, v0  }
0x73a: {  	s1 =	simm.s32 $0x60;
	s0 =	sadd.f32 s30, s5;
	s2 =	spop (v2sf);
	v2 =	vnsel vm14, $0x0, v4;
	v3 =	vnsel vm15, $0x0, v4  }
.LBB2_83:
0x73b: {  	p0 =	sne.s32 s1, $0x3F0  }
0x73c: {  	v4 =	vld [tilespmem:s7+$0x0];
	(xrf2) =	vadd.scan.msk.f32 $0xffff, v3;
	s5 =	sadd.f32 s2, s5;
	s2 =	smov.u32 s1;
	s1 =	sadd.s32 $0x10, s1  }
.Ltmp41:
0x73d: {  	v3, _, _ =	vpop (xrf2);
	(pc) =	sbr.rel @p0 .LBB2_83-.Ltmp41, $4  }
0x73e: {  	(v2sf) =	vpush v3, $0xF;
	s8 =	spop (v2sf)  }
0x73f: {  	v3 =	vor.u32 s2, v1;
	(xrf2) =	vadd.scan.msk.f32 $0xffff, v2;
	s0 =	sadd.f32 s8, s0  }
0x740: {  	vm0 =	vgt.s32 v3, v0;
	vm1 =	veq.s32 v3, v0;
	v5, _, _ =	vpop (xrf2);
	_ =	sdelay $0x1  }
0x741: {  	s7 =	sadd.s32 $0x10, s7;
	v2 =	vnsel vm0, $0x0, v4;
	v3 =	vnsel vm1, $0x0, v4;
	(v2sf) =	vpush v5, $0xF;
	s2 =	spop (v2sf)  }
0x742: {  	(xrf2) =	vadd.scan.msk.f32 $0xffff, v3  }
0x743: {  	(xrf2) =	vadd.scan.msk.f32 $0xffff, v2;
	_ =	sdelay $0x5  }
0x744: {  	v0, _, _ =	vpop (xrf2)  }
0x745: {  	(v2sf) =	vpush v0, $0xF;
	v60, _, _ =	vpop (xrf2)  }
0x746: {  	(v2sf) =	vpush v60, $0xF;
	v61, _, _ =	vpop (xrf2)  }
0x747: {  	(v2sf) =	vpush v61, $0xF;
	v62, _, _ =	vpop (xrf2)  }
0x748: {  	(v2sf) =	vpush v62, $0xF;
	v63, _, _ =	vpop (xrf2)  }
0x749: {  	(v2sf) =	vpush v63, $0xF;
	_ =	sdelay $0x5  }
0x74a: {  	s1 =	spop (v2sf)  }
0x74b: {  	s7 =	spop (v2sf)  }
0x74c: {  	s8 =	spop (v2sf)  }
0x74d: {  	s9 =	spop (v2sf)  }
0x74e: {  	s10 =	spop (v2sf)  }
0x74f: {  	s11 =	spop (v2sf)  }
0x750: {  	s13 =	spop (v2sf)  }
0x751: {  	p0 =	sne.s32 s31, $0x0;
	s14 =	spop (v2sf)  }
0x752: {  	s6 =	scvt.s32.f32 @!p0 s6;
	s15 =	spop (v2sf)  }
0x753: {  	s16 =	spop (v2sf)  }
0x754: {  	v0 =	vmov @!p0 s6;
	_ =	sfence.sel @p0 $0x180000  }
0x755: {  	v0 =	vmax.f32 @!p0 v0, $1.000000000e+00;
	[bflag:$0x0] =	sbarrier.arrive @p0 $0xFFFF  }
0x756: {  	v0 =	vbroadcast @!p0 v0, $0x0;
	_ =	strace @p0 $0x90000047  }
0x757: {  	s2 =	sadd.f32 s2, s5;
	[bflag:$0x2] =	sbarrier.arrive @p0 $0xFFFF  }
0x758: {  	s0 =	sadd.f32 s1, s0;
	(erf) = vrcp.f32 @!p0 v0  }
0x759: {  	s31 =	sadd.f32 s7, s2  }
0x75a: {  	s0 =	sadd.f32 s8, s0  }
0x75b: {  	s1 =	sadd.f32 s9, s31  }
0x75c: {  	s0 =	sadd.f32 s10, s0  }
0x75d: {  	s1 =	sadd.f32 s11, s1  }
0x75e: {  	s0 =	sadd.f32 s13, s0  }
0x75f: {  	s1 =	sadd.f32 s14, s1  }
0x760: {  	s0 =	sadd.f32 s15, s0  }
0x761: {  	s2 =	ssub.s32 @!p0 s3, s4;
	v0 =	vpop @!p0 (erf)  }
0x762: {  	s2 =	scvt.s32.f32 @!p0 s2;
	s1 =	sadd.f32 s16, s1;
	v0 =	vmul.f32 @!p0 s0, v0  }
0x763: {  	_ = 	snop  }
0x764: {  	s0 =	sadd.f32 @!p0 s1, s12;
	v0 =	vmul.f32 @!p0 s2, v0;
	_ =	sdelay $0x1  }
0x765: {  	v0 =	vadd.f32 @!p0 s0, v0;
	_ =	sdelay $0x1  }
0x766: {  	v0 =	vmul.f32 @!p0 $6.811961270e-07, v0;
	_ =	sdelay $0x1  }
0x767: {  	s1 =	simm.s32 @!p0 $0xA200;
	s2 =	rddreg [dreg:$0x1];
	s0 =	simm.s32 @!p0 $0x0;
	[tilespmem:$0xA200] =	vst @!p0 v0  }
0x768: {  	[hbm4b:s2+s0] =	stream.linear.scatter @!p0 [tilespmem:s1], [sflag:$0x3], $0x80, $0x38;
	[tilespmem:$0xB380] =	vst v63  }
0x769: {  	s0 =	simm.s32 @!p0 $0x3  }
0x76a: {  	_ =	swait.ge @!p0 [sflag:s0], $0x80  }
0x76b: {  	[sflag:s0] =	ssyncset.done @!p0 $0x0  }
0x76c: {  	[sflag:s0] =	ssyncadd.s32 @!p0 $0xFFFFFF80  }
0x76d: {  	_ =	sfence.sel @!p0 $0x180000  }
0x76e: {  	[bflag:$0x0] =	sbarrier.arrive @!p0 $0xFFFF  }
0x76f: {  	_ =	strace @!p0 $0x90000047  }
0x770: {  	[bflag:$0x2] =	sbarrier.arrive @!p0 $0xFFFF  }
0x771: {  	s0 =	rddreg [dreg:$0x6]  }
0x772: {  	s0 =	sadd.s32 @!p0 $0x100000, s0  }
0x773: {  	[sflag:s0] =	ssyncadd.tile.s32 @!p0 $0x1;
	_ =	shalt  }
.Lfunc_end2:
_tile_overlayer_lowered:
.L_overlay_start_2:
0x774: {  	(tag) =	ssettag $0x2  }
0x775: {  	s0 =	rddreg [dreg:$0x0];
	s2 =	stileid.u32  }
0x776: {  	s1 =	rddreg [dreg:$0x1];
	p0 =	sne.s32 s2, $0x0  }
0x777: {  	s3 =	rddreg [dreg:$0x2];
	[bflag:$0x3] =	sbarrier.arrive $0xFFFF;
	s2 =	simm.s32 @!p0 $0x1C03  }
0x778: {  	[timem:s3], [sflag:s2] =	dma.local @!p0 [hbm:s0], s1  }
0x779: {  	s0 =	simm.s32 @!p0 $0x3  }
0x77a: {  	_ =	swait.ge @!p0 [sflag:s0], s1  }
0x77b: {  	s1 =	ssub.s32 @!p0 $0x0, s1;
	[sflag:s0] =	ssyncset.done @!p0 $0x0  }
0x77c: {  	[sflag:s0] =	ssyncadd.s32 @!p0 s1  }
0x77d: {  	[bflag:$0x3] =	sbarrier.arrive $0xFFFF  }
0x77e: {  	_ =	shalt  }

</sc_bundles>
